<compile_context>
chip_gen: v7x
topology: tpu7x:2x2x1
jax: 0.10.2.dev20260603
libtpu: 0.0.44.dev20260713+nightly
codegen_flags: <defaults>
</compile_context>

<pallas_src>
import functools

import jax
import jax.numpy as jnp
from jax import lax
from jax.experimental import pallas as pl
from jax.experimental.pallas import tpu as pltpu
from jax.experimental.pallas import tpu_sc as plsc

_MINI = 1e-06
_LANES = 128


def _extract16(vec16, lane):
    lane_iota = lax.broadcasted_iota(jnp.int32, (16,), 0)
    return jnp.sum(jnp.where(lane_iota == lane, vec16, 0))


def _sc_gather_t(exp_m_t, idx):
    K, D = exp_m_t.shape
    B = idx.shape[0]
    NW = 32
    b_per_w = B // NW
    gbases = [g * 16 for g in range(K // 16)] + ([K - 16] if K % 16 else [])
    mesh = plsc.VectorSubcoreMesh(core_axis_name="c", subcore_axis_name="s")

    @functools.partial(
        pl.kernel,
        out_type=jax.ShapeDtypeStruct((B, K), jnp.float32),
        mesh=mesh,
        compiler_params=pltpu.CompilerParams(needs_layout_passes=False),
        scratch_types=[
            pltpu.VMEM((B,), jnp.int32),
            pltpu.VMEM((K, _LANES), jnp.float32),
            pltpu.VMEM((1, K), jnp.float32),
        ],
    )
    def gather_k(exp_m_hbm, idx_hbm, out_hbm, idx_v, tile_v, row_v):
        wid = lax.axis_index("s") * 2 + lax.axis_index("c")
        pltpu.sync_copy(idx_hbm, idx_v)
        lane_iota = lax.broadcasted_iota(jnp.int32, (16,), 0)

        for j in range(b_per_w):
            b = wid * b_per_w + j
            grp = (b // 16) * 16
            iv = idx_v[pl.ds(grp, 16)]
            d = _extract16(iv, b - grp)
            toff = (d // _LANES) * _LANES
            dl = d - toff
            pltpu.sync_copy(exp_m_hbm.at[:, pl.ds(toff, _LANES)], tile_v)
            dl16 = jnp.zeros((16,), jnp.int32) + dl
            for base in gbases:
                vals = plsc.load_gather(tile_v, [lane_iota + base, dl16])
                row_v[0, pl.ds(base, 16)] = vals
            pltpu.sync_copy(row_v, out_hbm.at[pl.ds(b, 1)])

    return gather_k(exp_m_t, idx)


def _tc_dense(gm, en_t, be_t, alpha2, bow, idx_r, idx_c, scal):
    B, K = gm.shape
    V = en_t.shape[1]
    f32 = jnp.float32
    hi = lax.Precision.HIGHEST

    def body(gm_ref, en_ref, be_ref, al_ref, bow_ref, ir_ref, ic_ref, sc_ref,
             rows_ref, eno_ref, qz_ref):
        rho = sc_ref[0, 0]
        omr = sc_ref[0, 1]
        rho_scaled = sc_ref[0, 2]

        gm = gm_ref[...]
        c = be_ref[...] + en_ref[...]
        s = jnp.sum(c, axis=1)[None, :]
        w = (al_ref[...] + gm) / s
        bow = bow_ref[...].astype(f32)
        mask = (bow > 0.0).astype(f32)

        Z = lax.dot_general(w, c, (((1,), (0,)), ((), ())),
                            precision=hi, preferred_element_type=f32)
        Zm = Z + _MINI
        inv = 1.0 / Zm
        P = mask * inv
        Rw = bow * inv

        RC = lax.dot_general(Rw, c, (((1,), (1,)), ((), ())),
                             precision=hi, preferred_element_type=f32)
        temp_m = w * RC
        RWt = lax.dot_general(w, Rw, (((0,), (0,)), ((), ())),
                              precision=hi, preferred_element_type=f32)
        eno_ref[...] = omr * en_ref[...] + rho_scaled * (c * RWt)

        PC = lax.dot_general(P, c, (((1,), (1,)), ((), ())),
                             precision=hi, preferred_element_type=f32)
        PWt = lax.dot_general(w, P, (((0,), (0,)), ((), ())),
                              precision=hi, preferred_element_type=f32)
        t1 = jnp.sum(w * jnp.log(w) * PC)
        t2 = jnp.sum(c * jnp.log(c) * PWt)
        t3 = -jnp.sum(mask * (Z * inv) * jnp.log(Zm))
        qz_ref[0, 0] = t1 + t2 + t3

        new_rows = omr * gm + rho * temp_m
        eq = ir_ref[...] == ic_ref[...]
        bi = lax.broadcasted_iota(jnp.int32, (B, B), 1)
        last = jnp.max(jnp.where(eq, bi, -1), axis=1, keepdims=True)
        onehot = (bi == last).astype(f32)
        rows_ref[...] = lax.dot_general(onehot, new_rows,
                                        (((1,), (0,)), ((), ())),
                                        precision=hi, preferred_element_type=f32)

    vm = pl.BlockSpec(memory_space=pltpu.VMEM)
    return pl.pallas_call(
        body,
        in_specs=[vm, vm, vm, vm, vm, vm, vm,
                  pl.BlockSpec(memory_space=pltpu.SMEM)],
        out_specs=[vm, vm, pl.BlockSpec(memory_space=pltpu.SMEM)],
        out_shape=[
            jax.ShapeDtypeStruct((B, K), f32),
            jax.ShapeDtypeStruct((K, V), f32),
            jax.ShapeDtypeStruct((1, 1), f32),
        ],
    )(gm, en_t, be_t, alpha2, bow, idx_r, idx_c, scal)


def _sc_copy_scatter_t(exp_m_t, idx, rows):
    K, D = exp_m_t.shape
    B = idx.shape[0]
    NW = 32
    NJ = 2
    aligned_d = (D // _LANES) * _LANES
    tiles = aligned_d // _LANES
    CH = (tiles // (NW * NJ)) * _LANES
    NBIG = tiles - (NW * NJ) * (CH // _LANES)
    CHB = CH + _LANES
    big_span = NBIG * CHB
    gbases = [g * 16 for g in range(K // 16)] + ([K - 16] if K % 16 else [])
    mesh = plsc.VectorSubcoreMesh(core_axis_name="c", subcore_axis_name="s")

    @functools.partial(
        pl.kernel,
        out_type=jax.ShapeDtypeStruct((K, D), jnp.float32),
        mesh=mesh,
        compiler_params=pltpu.CompilerParams(needs_layout_passes=False),
        scratch_types=[
            pltpu.VMEM((B,), jnp.int32),
            pltpu.VMEM((B, K), jnp.float32),
            pltpu.VMEM((K, CHB), jnp.float32),
        ],
    )
    def copy_k(exp_m_hbm, idx_hbm, rows_hbm, out_hbm, idx_v, rows_v, buf):
        wid = lax.axis_index("s") * 2 + lax.axis_index("c")
        pltpu.sync_copy(idx_hbm, idx_v)
        pltpu.sync_copy(rows_hbm, rows_v)
        lane_iota = lax.broadcasted_iota(jnp.int32, (16,), 0)

        def fixup(off, size):
            for g in range(B // 16):
                iv = idx_v[pl.ds(g * 16, 16)]
                rel = iv - off
                hit = jnp.logical_and(rel >= 0, rel < size)
                any_hit = jnp.max(jnp.where(hit, 1, 0))

                @pl.when(any_hit > 0)
                def _():
                    def lbody(l, carry):
                        dl = _extract16(rel, l)

                        @pl.when(jnp.logical_and(dl >= 0, dl < size))
                        def _():
                            b = g * 16 + l
                            dl16 = jnp.zeros((16,), jnp.int32) + dl
                            for base in gbases:
                                vals = rows_v[b, pl.ds(base, 16)]
                                plsc.store_scatter(
                                    buf, [lane_iota + base, dl16], vals)

                        return carry

                    lax.fori_loop(0, 16, lbody, 0)

        def turn(off, size):
            pltpu.sync_copy(exp_m_hbm.at[:, pl.ds(off, size)],
                            buf.at[:, pl.ds(0, size)])
            fixup(off, size)
            pltpu.sync_copy(buf.at[:, pl.ds(0, size)],
                            out_hbm.at[:, pl.ds(off, size)])

        for j in range(NJ):
            c = wid + NW * j

            @pl.when(c < NBIG)
            def _():
                turn(c * CHB, CHB)

            @pl.when(c >= NBIG)
            def _():
                turn(big_span + (c - NBIG) * CH, CH)

    return copy_k(exp_m_t, idx, rows)


def _tc_tail(copied_t, exp_m_t, idx2, rows):
    K, D = copied_t.shape
    B = rows.shape[0]
    blk = D // _LANES
    off = blk * _LANES
    f32 = jnp.float32
    hi = lax.Precision.HIGHEST

    def body(cop_ref, tail_ref, idx_ref, rows_ref, out_ref):
        del cop_ref
        idxc = idx_ref[...]
        idxr = jnp.reshape(idxc, (B, 1))
        bi = lax.broadcasted_iota(jnp.int32, (B, B), 1)
        last = jnp.max(jnp.where(idxr == idxc, bi, -1), axis=1,
                       keepdims=True)
        is_last = (last == lax.broadcasted_iota(jnp.int32, (B, 1), 0))
        lane = off + lax.broadcasted_iota(jnp.int32, (1, _LANES), 1)
        sel = jnp.logical_and(idxr == lane, is_last).astype(f32)
        hit = jnp.max(sel, axis=0, keepdims=True)
        scattered = lax.dot_general(rows_ref[...], sel,
                                    (((0,), (0,)), ((), ())),
                                    precision=hi,
                                    preferred_element_type=f32)
        out_ref[...] = jnp.where(hit > 0, scattered, tail_ref[...])

    vm = pl.BlockSpec(memory_space=pltpu.VMEM)
    return pl.pallas_call(
        body,
        grid=(1,),
        in_specs=[pl.BlockSpec(memory_space=pl.ANY),
                  pl.BlockSpec((K, _LANES), lambda i: (0, blk)),
                  vm, vm],
        out_specs=pl.BlockSpec((K, _LANES), lambda i: (0, blk)),
        out_shape=jax.ShapeDtypeStruct((K, D), jnp.float32),
        input_output_aliases={0: 0},
    )(copied_t, exp_m_t, idx2, rows)


def kernel(exp_m, exp_n, alpha, beta, batch_BOW, batch_indices, iter_n):
    D, K = exp_m.shape
    B = batch_BOW.shape[0]
    rho64 = 1.0 / jnp.asarray(iter_n + 5, dtype=jnp.float64) ** 0.9
    rho = rho64.astype(jnp.float32)
    omr = (1.0 - rho64).astype(jnp.float32)
    scal = jnp.reshape(jnp.stack([rho, omr, rho * (float(D) / float(B))]), (1, 3))

    exp_m_t = exp_m.T
    g_m = _sc_gather_t(exp_m_t, batch_indices)
    rows, exp_n_new_t, qz = _tc_dense(
        g_m, exp_n.T, beta.T,
        jnp.reshape(alpha, (1, K)),
        batch_BOW,
        jnp.reshape(batch_indices, (B, 1)),
        jnp.reshape(batch_indices, (1, B)),
        scal,
    )
    out_t = _sc_copy_scatter_t(exp_m_t, batch_indices, rows)
    if D % _LANES:
        out_t = _tc_tail(out_t, exp_m_t,
                         jnp.reshape(batch_indices, (1, B)), rows)
    return out_t.T, exp_n_new_t.T, qz[0, 0]

# --- scband reference (transcript-rebuilt; emitter-appended) ---
"""Pipeline reference for scband-mix-ehr-5428838662489 (READ-ONLY COPY).

The authoritative reference and input builder live on the scoring server;
editing this copy changes nothing except your own understanding.
"""

import jax, jax.numpy as jnp
import numpy as np

D = 100000
K = 50
V = 5000
B = 128
MINI = 1e-06


def setup_inputs(seed: int = 0) -> dict:
    key = jax.random.key(seed)
    ks = jax.random.split(key, 6)
    exp_m = jax.random.uniform(ks[0], (D, K), dtype=jnp.float32)
    exp_m = exp_m / jnp.sum(exp_m, axis=1, keepdims=True)
    exp_n = jax.random.uniform(ks[1], (V, K), dtype=jnp.float32)
    exp_n = exp_n / (jnp.sum(exp_n, axis=1, keepdims=True) + MINI)
    alpha = jax.random.uniform(ks[2], (K,), dtype=jnp.float32) * 2.0 + 1.0
    beta = jax.random.uniform(ks[3], (V, K), dtype=jnp.float32) * 0.01 + 0.001
    batch_BOW = jax.random.randint(ks[4], (B, V), 0, 3, dtype=jnp.int32)
    batch_indices = jax.random.randint(ks[5], (B,), 0, D, dtype=jnp.int32)
    iter_n = 10
    return dict(exp_m=exp_m, exp_n=exp_n, alpha=alpha, beta=beta,
                batch_BOW=batch_BOW, batch_indices=batch_indices, iter_n=iter_n)


def reference(exp_m, exp_n, alpha, beta, batch_BOW, batch_indices, iter_n):
    # Faithful vectorized SCVB0 update (MixEHR.SCVB0 core, single modality m='icd').
    bow = batch_BOW.astype(jnp.float32)
    mask = (bow > 0).astype(jnp.float32)  # BOW_nonzero per doc
    g_m = exp_m[batch_indices]  # gather doc topic counts [B, K]
    beta_sum = jnp.sum(beta, axis=0)  # [K]
    exp_n_sum = jnp.sum(exp_n, axis=0)  # [K]
    # temp_gamma[BOW_nonzero] = (alpha + exp_m[doc]) * (beta + exp_n) / (beta_sum + exp_n_sum)
    num = (alpha[None, :] + g_m)[:, None, :] * (beta + exp_n)[None, :, :]  # [B, V, K]
    tg = num / (beta_sum + exp_n_sum)[None, None, :]
    tg = tg * mask[:, :, None]
    tg = tg / (jnp.sum(tg, axis=2, keepdims=True) + MINI)  # normalize over K
    # temp_exp_n += temp_gamma * batch_BOW[d].unsqueeze(1), summed over batch docs
    temp_exp_n = jnp.einsum('bvk,bv->vk', tg, bow)  # [V, K]
    # temp_exp_m_batch[d] = sum_v temp_gamma[v] * BOW[d, v]
    temp_exp_m = jnp.einsum('bvk,bv->bk', tg, bow)  # [B, K]
    # exp_q_z accumulation over nonzero entries
    exp_q_z = jnp.sum(tg * jnp.log(tg + MINI) * mask[:, :, None])
    rho64 = 1.0 / jnp.asarray(iter_n + 5, dtype=jnp.float64) ** 0.9
    rho = rho64.astype(jnp.float32)
    one_minus_rho = (1.0 - rho64).astype(jnp.float32)
    # scatter-overwrite the stochastically-updated doc rows into the D x K memory
    exp_m_new = exp_m.at[batch_indices].set(one_minus_rho * g_m + rho * temp_exp_m)
    # exp_n EMA update; C[m]/batch_C scaling reduces to D/B for uniform corpora
    exp_n_new = one_minus_rho * exp_n + rho * temp_exp_n * (float(D) / float(B))
    return exp_m_new, exp_n_new, exp_q_z

if __name__ == "__main__":
    import jax
    _d = setup_inputs()
    print(jax.jit(kernel)(*tuple(_d.values())))

</pallas_src>

<mosaic_0001>
#map = affine_map<(d0, d1) -> (0, 0)>
#map1 = affine_map<(d0, d1) -> (0)>
module attributes {stable_mosaic.version = 14 : i64} {
  func.func @copy_k(%arg0: i32, %arg1: i32, %arg2: memref<50x100000xf32, #tpu.memory_space<hbm>>, %arg3: memref<128xi32, #tpu.memory_space<hbm>>, %arg4: memref<128x50xf32, #tpu.memory_space<hbm>>, %arg5: memref<50x100000xf32, #tpu.memory_space<hbm>>, %arg6: memref<128xi32, #tpu.memory_space<vmem>>, %arg7: memref<128x50xf32, #tpu.memory_space<vmem>>, %arg8: memref<50x1664xf32, #tpu.memory_space<vmem>>) attributes {dimension_semantics = [#tpu.dimension_semantics<core_parallel>, #tpu.dimension_semantics<subcore_parallel>], iteration_bounds = array<i64: 2, 16>, scalar_prefetch = 0 : i64, scratch_operands = 3 : i64, tpu.core_type = #tpu.core_type<sc_vector_subcore>, window_params = [{transform_indices = #map}, {transform_indices = #map1}, {transform_indices = #map}, {transform_indices = #map}]} {
    %mul3A = arith.constant 2 : i32
    %mul3A_0 = arith.muli %arg1, %mul3A : i32
    %add3A = arith.addi %mul3A_0, %arg0 : i32
    "tpu.region"() ({
      %run_scoped3A = tpu.sem_alloc : memref<!tpu.dma_semaphore, #tpu.memory_space<semaphore_mem>>
      tpu.enqueue_dma source(%arg3 : memref<128xi32, #tpu.memory_space<hbm>>) target(%arg6 : memref<128xi32, #tpu.memory_space<vmem>>) target_semaphore(%run_scoped3A : memref<!tpu.dma_semaphore, #tpu.memory_space<semaphore_mem>>)
      tpu.wait_dma2 semaphore(%run_scoped3A : memref<!tpu.dma_semaphore, #tpu.memory_space<semaphore_mem>>) src(%arg3 : memref<128xi32, #tpu.memory_space<hbm>>) dst(%arg6 : memref<128xi32, #tpu.memory_space<vmem>>)
      tpu.yield
    }) : () -> ()
    "tpu.region"() ({
      %run_scoped3A = tpu.sem_alloc : memref<!tpu.dma_semaphore, #tpu.memory_space<semaphore_mem>>
      tpu.enqueue_dma source(%arg4 : memref<128x50xf32, #tpu.memory_space<hbm>>) target(%arg7 : memref<128x50xf32, #tpu.memory_space<vmem>>) target_semaphore(%run_scoped3A : memref<!tpu.dma_semaphore, #tpu.memory_space<semaphore_mem>>)
      tpu.wait_dma2 semaphore(%run_scoped3A : memref<!tpu.dma_semaphore, #tpu.memory_space<semaphore_mem>>) src(%arg4 : memref<128x50xf32, #tpu.memory_space<hbm>>) dst(%arg7 : memref<128x50xf32, #tpu.memory_space<vmem>>)
      tpu.yield
    }) : () -> ()
    %iota3A = tpu.iota {dimensions = array<i32: 0>} : vector<16xi32>
    %add3A_1 = arith.constant 0 : i32
    %add3A_2 = arith.addi %add3A, %add3A_1 : i32
    %lt3A = arith.constant 13 : i32
    %lt3A_3 = arith.cmpi slt, %add3A_2, %lt3A : i32
    %convert_element_type3A = arith.extui %lt3A_3 : i1 to i32
    %cond3A = arith.constant 0 : i32
    %cond3A_4 = arith.cmpi ne, %convert_element_type3A, %cond3A : i32
    scf.if %cond3A_4 {
      %mul3A_21 = arith.constant 1664 : i32
      %mul3A_22 = arith.muli %add3A_2, %mul3A_21 : i32
      "tpu.region"() ({
        %run_scoped3A = tpu.sem_alloc : memref<!tpu.dma_semaphore, #tpu.memory_space<semaphore_mem>>
        %dma_start3A = arith.constant 0 : i32
        %dma_start3A_247 = arith.constant 0 : i32
        %dma_start3A_248 = tpu.memref_slice %arg8[%dma_start3A, %dma_start3A_247] : memref<50x1664xf32, #tpu.memory_space<vmem>> -> memref<50x1664xf32, #tpu.memory_space<vmem>>
        %dma_start3A_249 = arith.constant 0 : i32
        %dma_start3A_250 = tpu.memref_slice %arg2[%dma_start3A_249, %mul3A_22] : memref<50x100000xf32, #tpu.memory_space<hbm>> -> memref<50x1664xf32, #tpu.memory_space<hbm>>
        %dma_start3A_251 = arith.constant 0 : i32
        %dma_start3A_252 = arith.constant 0 : i32
        %dma_start3A_253 = tpu.memref_slice %arg8[%dma_start3A_251, %dma_start3A_252] : memref<50x1664xf32, #tpu.memory_space<vmem>> -> memref<50x1664xf32, #tpu.memory_space<vmem>>
        %dma_start3A_254 = arith.constant 0 : i32
        %dma_start3A_255 = tpu.memref_slice %arg2[%dma_start3A_254, %mul3A_22] : memref<50x100000xf32, #tpu.memory_space<hbm>> -> memref<50x1664xf32, #tpu.memory_space<hbm>>
        tpu.enqueue_dma source(%dma_start3A_255 : memref<50x1664xf32, #tpu.memory_space<hbm>>) target(%dma_start3A_253 : memref<50x1664xf32, #tpu.memory_space<vmem>>) target_semaphore(%run_scoped3A : memref<!tpu.dma_semaphore, #tpu.memory_space<semaphore_mem>>)
        %dma_wait3A = arith.constant 0 : i32
        %dma_wait3A_256 = arith.constant 0 : i32
        %dma_wait3A_257 = tpu.memref_slice %arg8[%dma_wait3A, %dma_wait3A_256] : memref<50x1664xf32, #tpu.memory_space<vmem>> -> memref<50x1664xf32, #tpu.memory_space<vmem>>
        %dma_wait3A_258 = arith.constant 0 : i32
        %dma_wait3A_259 = tpu.memref_slice %arg2[%dma_wait3A_258, %mul3A_22] : memref<50x100000xf32, #tpu.memory_space<hbm>> -> memref<50x1664xf32, #tpu.memory_space<hbm>>
        %dma_wait3A_260 = arith.constant 0 : i32
        %dma_wait3A_261 = arith.constant 0 : i32
        %dma_wait3A_262 = tpu.memref_slice %arg8[%dma_wait3A_260, %dma_wait3A_261] : memref<50x1664xf32, #tpu.memory_space<vmem>> -> memref<50x1664xf32, #tpu.memory_space<vmem>>
        %dma_wait3A_263 = arith.constant 0 : i32
        %dma_wait3A_264 = tpu.memref_slice %arg2[%dma_wait3A_263, %mul3A_22] : memref<50x100000xf32, #tpu.memory_space<hbm>> -> memref<50x1664xf32, #tpu.memory_space<hbm>>
        tpu.wait_dma2 semaphore(%run_scoped3A : memref<!tpu.dma_semaphore, #tpu.memory_space<semaphore_mem>>) src(%dma_wait3A_264 : memref<50x1664xf32, #tpu.memory_space<hbm>>) dst(%dma_wait3A_262 : memref<50x1664xf32, #tpu.memory_space<vmem>>)
        tpu.yield
      }) : () -> ()
      %get3A = arith.constant 0 : index
      %get3A_23 = tpu.vector_load %arg6[%get3A] {strides = array<i32>} : memref<128xi32, #tpu.memory_space<vmem>>, vector<16xi32>,
      %sub3A = vector.broadcast %mul3A_22 : i32 to vector<16xi32>
      %sub3A_24 = arith.subi %get3A_23, %sub3A : vector<16xi32>
      %ge3A_25 = arith.constant 0 : i32
      %ge3A_26 = vector.broadcast %ge3A_25 : i32 to vector<16xi32>
      %ge3A_27 = arith.cmpi sge, %sub3A_24, %ge3A_26 : vector<16xi32>
      %lt3A_28 = arith.constant 1664 : i32
      %lt3A_29 = vector.broadcast %lt3A_28 : i32 to vector<16xi32>
      %lt3A_30 = arith.cmpi slt, %sub3A_24, %lt3A_29 : vector<16xi32>
      %and3A = arith.andi %ge3A_27, %lt3A_30 : vector<16xi1>
      %jit3A = arith.constant 1 : i32
      %jit3A_31 = arith.constant 0 : i32
      %broadcast_in_dim3A = vector.broadcast %jit3A : i32 to vector<16xi32>
      %broadcast_in_dim3A_32 = vector.broadcast %jit3A_31 : i32 to vector<16xi32>
      %select_n3A = arith.select %and3A, %broadcast_in_dim3A, %broadcast_in_dim3A_32 : vector<16xi1>, vector<16xi32>
      %reduce_max3A = arith.constant true
      %reduce_max3A_33 = vector.broadcast %reduce_max3A : i1 to vector<16xi1>
      %reduce_max3A_34 = arith.constant -2147483648 : i32
      %reduce_max3A_35 = vector.broadcast %reduce_max3A_34 : i32 to vector<16xi32>
      %reduce_max3A_36 = arith.xori %select_n3A, %reduce_max3A_35 : vector<16xi32>
      %reduce_max3A_37 = tpu.scan <max>, %reduce_max3A_36 masked %reduce_max3A_33 : vector<16xi32>, vector<16xi1> -> vector<16xi32>
      %reduce_max3A_38 = arith.xori %reduce_max3A_37, %reduce_max3A_35 : vector<16xi32>
      %reduce_max3A_39 = vector.extract %reduce_max3A_38[15] : i32 from vector<16xi32>
      %gt3A = arith.constant 0 : i32
      %gt3A_40 = arith.cmpi sgt, %reduce_max3A_39, %gt3A : i32
      %convert_element_type3A_41 = arith.extui %gt3A_40 : i1 to i32
      %cond3A_42 = arith.constant 0 : i32
      %cond3A_43 = arith.cmpi ne, %convert_element_type3A_41, %cond3A_42 : i32
      scf.if %cond3A_43 {
        %scan3A = arith.constant 0 : i32
        %scan3A_247 = arith.constant 0 : i32
        %scan3A_248 = arith.constant 16 : i32
        %scan3A_249 = arith.addi %scan3A_247, %scan3A_248 : i32
        %scan3A_250 = arith.constant 1 : i32
        scf.for %scan3A_252 = %scan3A_247 to %scan3A_249 step %scan3A_250  : i32 {
          %iota3A_253 = tpu.iota {dimensions = array<i32: 0>} : vector<16xi32>
          %eq3A = vector.broadcast %scan3A_252 : i32 to vector<16xi32>
          %eq3A_254 = arith.cmpi eq, %iota3A_253, %eq3A : vector<16xi32>
          %jit3A_255 = arith.constant 0 : i32
          %broadcast_in_dim3A_256 = vector.broadcast %jit3A_255 : i32 to vector<16xi32>
          %select_n3A_257 = arith.select %eq3A_254, %sub3A_24, %broadcast_in_dim3A_256 : vector<16xi1>, vector<16xi32>
          %reduce_sum3A = arith.constant true
          %reduce_sum3A_258 = vector.broadcast %reduce_sum3A : i1 to vector<16xi1>
          %reduce_sum3A_259 = tpu.scan <sum>, %select_n3A_257 masked %reduce_sum3A_258 : vector<16xi32>, vector<16xi1> -> vector<16xi32>
          %reduce_sum3A_260 = vector.extract %reduce_sum3A_259[15] : i32 from vector<16xi32>
          %ge3A_261 = arith.constant 0 : i32
          %ge3A_262 = arith.cmpi sge, %reduce_sum3A_260, %ge3A_261 : i32
          %lt3A_263 = arith.constant 1664 : i32
          %lt3A_264 = arith.cmpi slt, %reduce_sum3A_260, %lt3A_263 : i32
          %and3A_265 = arith.andi %ge3A_262, %lt3A_264 : i1
          %convert_element_type3A_266 = arith.extui %and3A_265 : i1 to i32
          %cond3A_267 = arith.constant 0 : i32
          %cond3A_268 = arith.cmpi ne, %convert_element_type3A_266, %cond3A_267 : i32
          scf.if %cond3A_268 {
            %add3A_269 = arith.constant 0 : i32
            %add3A_270 = arith.addi %add3A_269, %scan3A_252 : i32
            %broadcast_in_dim3A_271 = arith.constant 0 : i32
            %broadcast_in_dim3A_272 = vector.broadcast %broadcast_in_dim3A_271 : i32 to vector<16xi32>
            %add3A_273 = vector.broadcast %reduce_sum3A_260 : i32 to vector<16xi32>
            %add3A_274 = arith.addi %broadcast_in_dim3A_272, %add3A_273 : vector<16xi32>
            %get3A_275 = arith.index_cast %add3A_270 : i32 to index
            %get3A_276 = arith.constant 0 : index
            %get3A_277 = tpu.vector_load %arg7[%get3A_275, %get3A_276] {strides = array<i32>} : memref<128x50xf32, #tpu.memory_space<vmem>>, vector<16xf32>,
            %add3A_278 = arith.constant 0 : i32
            %add3A_279 = vector.broadcast %add3A_278 : i32 to vector<16xi32>
            %add3A_280 = arith.addi %iota3A, %add3A_279 : vector<16xi32>
            tpu.vector_store_idx %arg8[%add3A_280, %add3A_274], %get3A_277 : memref<50x1664xf32, #tpu.memory_space<vmem>>[vector<16xi32>, vector<16xi32>], vector<16xf32>,
            %get3A_281 = arith.index_cast %add3A_270 : i32 to index
            %get3A_282 = arith.constant 16 : index
            %get3A_283 = tpu.vector_load %arg7[%get3A_281, %get3A_282] {strides = array<i32>} : memref<128x50xf32, #tpu.memory_space<vmem>>, vector<16xf32>,
            %add3A_284 = arith.constant 16 : i32
            %add3A_285 = vector.broadcast %add3A_284 : i32 to vector<16xi32>
            %add3A_286 = arith.addi %iota3A, %add3A_285 : vector<16xi32>
            tpu.vector_store_idx %arg8[%add3A_286, %add3A_274], %get3A_283 : memref<50x1664xf32, #tpu.memory_space<vmem>>[vector<16xi32>, vector<16xi32>], vector<16xf32>,
            %get3A_287 = arith.index_cast %add3A_270 : i32 to index
            %get3A_288 = arith.constant 32 : index
            %get3A_289 = tpu.vector_load %arg7[%get3A_287, %get3A_288] {strides = array<i32>} : memref<128x50xf32, #tpu.memory_space<vmem>>, vector<16xf32>,
            %add3A_290 = arith.constant 32 : i32
            %add3A_291 = vector.broadcast %add3A_290 : i32 to vector<16xi32>
            %add3A_292 = arith.addi %iota3A, %add3A_291 : vector<16xi32>
            tpu.vector_store_idx %arg8[%add3A_292, %add3A_274], %get3A_289 : memref<50x1664xf32, #tpu.memory_space<vmem>>[vector<16xi32>, vector<16xi32>], vector<16xf32>,
            %get3A_293 = arith.index_cast %add3A_270 : i32 to index
            %get3A_294 = arith.constant 34 : index
            %get3A_295 = tpu.vector_load %arg7[%get3A_293, %get3A_294] {strides = array<i32>} : memref<128x50xf32, #tpu.memory_space<vmem>>, vector<16xf32>,
            %add3A_296 = arith.constant 34 : i32
            %add3A_297 = vector.broadcast %add3A_296 : i32 to vector<16xi32>
            %add3A_298 = arith.addi %iota3A, %add3A_297 : vector<16xi32>
            tpu.vector_store_idx %arg8[%add3A_298, %add3A_274], %get3A_295 : memref<50x1664xf32, #tpu.memory_space<vmem>>[vector<16xi32>, vector<16xi32>], vector<16xf32>,
          } else {
          }
        }
        %scan3A_251 = arith.constant 16 : i32
      } else {
      }
      %get3A_44 = arith.constant 16 : index
      %get3A_45 = tpu.vector_load %arg6[%get3A_44] {strides = array<i32>} : memref<128xi32, #tpu.memory_space<vmem>>, vector<16xi32>,
      %sub3A_46 = vector.broadcast %mul3A_22 : i32 to vector<16xi32>
      %sub3A_47 = arith.subi %get3A_45, %sub3A_46 : vector<16xi32>
      %ge3A_48 = arith.constant 0 : i32
      %ge3A_49 = vector.broadcast %ge3A_48 : i32 to vector<16xi32>
      %ge3A_50 = arith.cmpi sge, %sub3A_47, %ge3A_49 : vector<16xi32>
      %lt3A_51 = arith.constant 1664 : i32
      %lt3A_52 = vector.broadcast %lt3A_51 : i32 to vector<16xi32>
      %lt3A_53 = arith.cmpi slt, %sub3A_47, %lt3A_52 : vector<16xi32>
      %and3A_54 = arith.andi %ge3A_50, %lt3A_53 : vector<16xi1>
      %jit3A_55 = arith.constant 1 : i32
      %jit3A_56 = arith.constant 0 : i32
      %broadcast_in_dim3A_57 = vector.broadcast %jit3A_55 : i32 to vector<16xi32>
      %broadcast_in_dim3A_58 = vector.broadcast %jit3A_56 : i32 to vector<16xi32>
      %select_n3A_59 = arith.select %and3A_54, %broadcast_in_dim3A_57, %broadcast_in_dim3A_58 : vector<16xi1>, vector<16xi32>
      %reduce_max3A_60 = arith.constant true
      %reduce_max3A_61 = vector.broadcast %reduce_max3A_60 : i1 to vector<16xi1>
      %reduce_max3A_62 = arith.constant -2147483648 : i32
      %reduce_max3A_63 = vector.broadcast %reduce_max3A_62 : i32 to vector<16xi32>
      %reduce_max3A_64 = arith.xori %select_n3A_59, %reduce_max3A_63 : vector<16xi32>
      %reduce_max3A_65 = tpu.scan <max>, %reduce_max3A_64 masked %reduce_max3A_61 : vector<16xi32>, vector<16xi1> -> vector<16xi32>
      %reduce_max3A_66 = arith.xori %reduce_max3A_65, %reduce_max3A_63 : vector<16xi32>
      %reduce_max3A_67 = vector.extract %reduce_max3A_66[15] : i32 from vector<16xi32>
      %gt3A_68 = arith.constant 0 : i32
      %gt3A_69 = arith.cmpi sgt, %reduce_max3A_67, %gt3A_68 : i32
      %convert_element_type3A_70 = arith.extui %gt3A_69 : i1 to i32
      %cond3A_71 = arith.constant 0 : i32
      %cond3A_72 = arith.cmpi ne, %convert_element_type3A_70, %cond3A_71 : i32
      scf.if %cond3A_72 {
        %scan3A = arith.constant 0 : i32
        %scan3A_247 = arith.constant 0 : i32
        %scan3A_248 = arith.constant 16 : i32
        %scan3A_249 = arith.addi %scan3A_247, %scan3A_248 : i32
        %scan3A_250 = arith.constant 1 : i32
        scf.for %scan3A_252 = %scan3A_247 to %scan3A_249 step %scan3A_250  : i32 {
          %iota3A_253 = tpu.iota {dimensions = array<i32: 0>} : vector<16xi32>
          %eq3A = vector.broadcast %scan3A_252 : i32 to vector<16xi32>
          %eq3A_254 = arith.cmpi eq, %iota3A_253, %eq3A : vector<16xi32>
          %jit3A_255 = arith.constant 0 : i32
          %broadcast_in_dim3A_256 = vector.broadcast %jit3A_255 : i32 to vector<16xi32>
          %select_n3A_257 = arith.select %eq3A_254, %sub3A_47, %broadcast_in_dim3A_256 : vector<16xi1>, vector<16xi32>
          %reduce_sum3A = arith.constant true
          %reduce_sum3A_258 = vector.broadcast %reduce_sum3A : i1 to vector<16xi1>
          %reduce_sum3A_259 = tpu.scan <sum>, %select_n3A_257 masked %reduce_sum3A_258 : vector<16xi32>, vector<16xi1> -> vector<16xi32>
          %reduce_sum3A_260 = vector.extract %reduce_sum3A_259[15] : i32 from vector<16xi32>
          %ge3A_261 = arith.constant 0 : i32
          %ge3A_262 = arith.cmpi sge, %reduce_sum3A_260, %ge3A_261 : i32
          %lt3A_263 = arith.constant 1664 : i32
          %lt3A_264 = arith.cmpi slt, %reduce_sum3A_260, %lt3A_263 : i32
          %and3A_265 = arith.andi %ge3A_262, %lt3A_264 : i1
          %convert_element_type3A_266 = arith.extui %and3A_265 : i1 to i32
          %cond3A_267 = arith.constant 0 : i32
          %cond3A_268 = arith.cmpi ne, %convert_element_type3A_266, %cond3A_267 : i32
          scf.if %cond3A_268 {
            %add3A_269 = arith.constant 16 : i32
            %add3A_270 = arith.addi %add3A_269, %scan3A_252 : i32
            %broadcast_in_dim3A_271 = arith.constant 0 : i32
            %broadcast_in_dim3A_272 = vector.broadcast %broadcast_in_dim3A_271 : i32 to vector<16xi32>
            %add3A_273 = vector.broadcast %reduce_sum3A_260 : i32 to vector<16xi32>
            %add3A_274 = arith.addi %broadcast_in_dim3A_272, %add3A_273 : vector<16xi32>
            %get3A_275 = arith.index_cast %add3A_270 : i32 to index
            %get3A_276 = arith.constant 0 : index
            %get3A_277 = tpu.vector_load %arg7[%get3A_275, %get3A_276] {strides = array<i32>} : memref<128x50xf32, #tpu.memory_space<vmem>>, vector<16xf32>,
            %add3A_278 = arith.constant 0 : i32
            %add3A_279 = vector.broadcast %add3A_278 : i32 to vector<16xi32>
            %add3A_280 = arith.addi %iota3A, %add3A_279 : vector<16xi32>
            tpu.vector_store_idx %arg8[%add3A_280, %add3A_274], %get3A_277 : memref<50x1664xf32, #tpu.memory_space<vmem>>[vector<16xi32>, vector<16xi32>], vector<16xf32>,
            %get3A_281 = arith.index_cast %add3A_270 : i32 to index
            %get3A_282 = arith.constant 16 : index
            %get3A_283 = tpu.vector_load %arg7[%get3A_281, %get3A_282] {strides = array<i32>} : memref<128x50xf32, #tpu.memory_space<vmem>>, vector<16xf32>,
            %add3A_284 = arith.constant 16 : i32
            %add3A_285 = vector.broadcast %add3A_284 : i32 to vector<16xi32>
            %add3A_286 = arith.addi %iota3A, %add3A_285 : vector<16xi32>
            tpu.vector_store_idx %arg8[%add3A_286, %add3A_274], %get3A_283 : memref<50x1664xf32, #tpu.memory_space<vmem>>[vector<16xi32>, vector<16xi32>], vector<16xf32>,
            %get3A_287 = arith.index_cast %add3A_270 : i32 to index
            %get3A_288 = arith.constant 32 : index
            %get3A_289 = tpu.vector_load %arg7[%get3A_287, %get3A_288] {strides = array<i32>} : memref<128x50xf32, #tpu.memory_space<vmem>>, vector<16xf32>,
            %add3A_290 = arith.constant 32 : i32
            %add3A_291 = vector.broadcast %add3A_290 : i32 to vector<16xi32>
            %add3A_292 = arith.addi %iota3A, %add3A_291 : vector<16xi32>
            tpu.vector_store_idx %arg8[%add3A_292, %add3A_274], %get3A_289 : memref<50x1664xf32, #tpu.memory_space<vmem>>[vector<16xi32>, vector<16xi32>], vector<16xf32>,
            %get3A_293 = arith.index_cast %add3A_270 : i32 to index
            %get3A_294 = arith.constant 34 : index
            %get3A_295 = tpu.vector_load %arg7[%get3A_293, %get3A_294] {strides = array<i32>} : memref<128x50xf32, #tpu.memory_space<vmem>>, vector<16xf32>,
            %add3A_296 = arith.constant 34 : i32
            %add3A_297 = vector.broadcast %add3A_296 : i32 to vector<16xi32>
            %add3A_298 = arith.addi %iota3A, %add3A_297 : vector<16xi32>
            tpu.vector_store_idx %arg8[%add3A_298, %add3A_274], %get3A_295 : memref<50x1664xf32, #tpu.memory_space<vmem>>[vector<16xi32>, vector<16xi32>], vector<16xf32>,
          } else {
          }
        }
        %scan3A_251 = arith.constant 16 : i32
      } else {
      }
      %get3A_73 = arith.constant 32 : index
      %get3A_74 = tpu.vector_load %arg6[%get3A_73] {strides = array<i32>} : memref<128xi32, #tpu.memory_space<vmem>>, vector<16xi32>,
      %sub3A_75 = vector.broadcast %mul3A_22 : i32 to vector<16xi32>
      %sub3A_76 = arith.subi %get3A_74, %sub3A_75 : vector<16xi32>
      %ge3A_77 = arith.constant 0 : i32
      %ge3A_78 = vector.broadcast %ge3A_77 : i32 to vector<16xi32>
      %ge3A_79 = arith.cmpi sge, %sub3A_76, %ge3A_78 : vector<16xi32>
      %lt3A_80 = arith.constant 1664 : i32
      %lt3A_81 = vector.broadcast %lt3A_80 : i32 to vector<16xi32>
      %lt3A_82 = arith.cmpi slt, %sub3A_76, %lt3A_81 : vector<16xi32>
      %and3A_83 = arith.andi %ge3A_79, %lt3A_82 : vector<16xi1>
      %jit3A_84 = arith.constant 1 : i32
      %jit3A_85 = arith.constant 0 : i32
      %broadcast_in_dim3A_86 = vector.broadcast %jit3A_84 : i32 to vector<16xi32>
      %broadcast_in_dim3A_87 = vector.broadcast %jit3A_85 : i32 to vector<16xi32>
      %select_n3A_88 = arith.select %and3A_83, %broadcast_in_dim3A_86, %broadcast_in_dim3A_87 : vector<16xi1>, vector<16xi32>
      %reduce_max3A_89 = arith.constant true
      %reduce_max3A_90 = vector.broadcast %reduce_max3A_89 : i1 to vector<16xi1>
      %reduce_max3A_91 = arith.constant -2147483648 : i32
      %reduce_max3A_92 = vector.broadcast %reduce_max3A_91 : i32 to vector<16xi32>
      %reduce_max3A_93 = arith.xori %select_n3A_88, %reduce_max3A_92 : vector<16xi32>
      %reduce_max3A_94 = tpu.scan <max>, %reduce_max3A_93 masked %reduce_max3A_90 : vector<16xi32>, vector<16xi1> -> vector<16xi32>
      %reduce_max3A_95 = arith.xori %reduce_max3A_94, %reduce_max3A_92 : vector<16xi32>
      %reduce_max3A_96 = vector.extract %reduce_max3A_95[15] : i32 from vector<16xi32>
      %gt3A_97 = arith.constant 0 : i32
      %gt3A_98 = arith.cmpi sgt, %reduce_max3A_96, %gt3A_97 : i32
      %convert_element_type3A_99 = arith.extui %gt3A_98 : i1 to i32
      %cond3A_100 = arith.constant 0 : i32
      %cond3A_101 = arith.cmpi ne, %convert_element_type3A_99, %cond3A_100 : i32
      scf.if %cond3A_101 {
        %scan3A = arith.constant 0 : i32
        %scan3A_247 = arith.constant 0 : i32
        %scan3A_248 = arith.constant 16 : i32
        %scan3A_249 = arith.addi %scan3A_247, %scan3A_248 : i32
        %scan3A_250 = arith.constant 1 : i32
        scf.for %scan3A_252 = %scan3A_247 to %scan3A_249 step %scan3A_250  : i32 {
          %iota3A_253 = tpu.iota {dimensions = array<i32: 0>} : vector<16xi32>
          %eq3A = vector.broadcast %scan3A_252 : i32 to vector<16xi32>
          %eq3A_254 = arith.cmpi eq, %iota3A_253, %eq3A : vector<16xi32>
          %jit3A_255 = arith.constant 0 : i32
          %broadcast_in_dim3A_256 = vector.broadcast %jit3A_255 : i32 to vector<16xi32>
          %select_n3A_257 = arith.select %eq3A_254, %sub3A_76, %broadcast_in_dim3A_256 : vector<16xi1>, vector<16xi32>
          %reduce_sum3A = arith.constant true
          %reduce_sum3A_258 = vector.broadcast %reduce_sum3A : i1 to vector<16xi1>
          %reduce_sum3A_259 = tpu.scan <sum>, %select_n3A_257 masked %reduce_sum3A_258 : vector<16xi32>, vector<16xi1> -> vector<16xi32>
          %reduce_sum3A_260 = vector.extract %reduce_sum3A_259[15] : i32 from vector<16xi32>
          %ge3A_261 = arith.constant 0 : i32
          %ge3A_262 = arith.cmpi sge, %reduce_sum3A_260, %ge3A_261 : i32
          %lt3A_263 = arith.constant 1664 : i32
          %lt3A_264 = arith.cmpi slt, %reduce_sum3A_260, %lt3A_263 : i32
          %and3A_265 = arith.andi %ge3A_262, %lt3A_264 : i1
          %convert_element_type3A_266 = arith.extui %and3A_265 : i1 to i32
          %cond3A_267 = arith.constant 0 : i32
          %cond3A_268 = arith.cmpi ne, %convert_element_type3A_266, %cond3A_267 : i32
          scf.if %cond3A_268 {
            %add3A_269 = arith.constant 32 : i32
            %add3A_270 = arith.addi %add3A_269, %scan3A_252 : i32
            %broadcast_in_dim3A_271 = arith.constant 0 : i32
            %broadcast_in_dim3A_272 = vector.broadcast %broadcast_in_dim3A_271 : i32 to vector<16xi32>
            %add3A_273 = vector.broadcast %reduce_sum3A_260 : i32 to vector<16xi32>
            %add3A_274 = arith.addi %broadcast_in_dim3A_272, %add3A_273 : vector<16xi32>
            %get3A_275 = arith.index_cast %add3A_270 : i32 to index
            %get3A_276 = arith.constant 0 : index
            %get3A_277 = tpu.vector_load %arg7[%get3A_275, %get3A_276] {strides = array<i32>} : memref<128x50xf32, #tpu.memory_space<vmem>>, vector<16xf32>,
            %add3A_278 = arith.constant 0 : i32
            %add3A_279 = vector.broadcast %add3A_278 : i32 to vector<16xi32>
            %add3A_280 = arith.addi %iota3A, %add3A_279 : vector<16xi32>
            tpu.vector_store_idx %arg8[%add3A_280, %add3A_274], %get3A_277 : memref<50x1664xf32, #tpu.memory_space<vmem>>[vector<16xi32>, vector<16xi32>], vector<16xf32>,
            %get3A_281 = arith.index_cast %add3A_270 : i32 to index
            %get3A_282 = arith.constant 16 : index
            %get3A_283 = tpu.vector_load %arg7[%get3A_281, %get3A_282] {strides = array<i32>} : memref<128x50xf32, #tpu.memory_space<vmem>>, vector<16xf32>,
            %add3A_284 = arith.constant 16 : i32
            %add3A_285 = vector.broadcast %add3A_284 : i32 to vector<16xi32>
            %add3A_286 = arith.addi %iota3A, %add3A_285 : vector<16xi32>
            tpu.vector_store_idx %arg8[%add3A_286, %add3A_274], %get3A_283 : memref<50x1664xf32, #tpu.memory_space<vmem>>[vector<16xi32>, vector<16xi32>], vector<16xf32>,
            %get3A_287 = arith.index_cast %add3A_270 : i32 to index
            %get3A_288 = arith.constant 32 : index
            %get3A_289 = tpu.vector_load %arg7[%get3A_287, %get3A_288] {strides = array<i32>} : memref<128x50xf32, #tpu.memory_space<vmem>>, vector<16xf32>,
            %add3A_290 = arith.constant 32 : i32
            %add3A_291 = vector.broadcast %add3A_290 : i32 to vector<16xi32>
            %add3A_292 = arith.addi %iota3A, %add3A_291 : vector<16xi32>
            tpu.vector_store_idx %arg8[%add3A_292, %add3A_274], %get3A_289 : memref<50x1664xf32, #tpu.memory_space<vmem>>[vector<16xi32>, vector<16xi32>], vector<16xf32>,
            %get3A_293 = arith.index_cast %add3A_270 : i32 to index
            %get3A_294 = arith.constant 34 : index
            %get3A_295 = tpu.vector_load %arg7[%get3A_293, %get3A_294] {strides = array<i32>} : memref<128x50xf32, #tpu.memory_space<vmem>>, vector<16xf32>,
            %add3A_296 = arith.constant 34 : i32
            %add3A_297 = vector.broadcast %add3A_296 : i32 to vector<16xi32>
            %add3A_298 = arith.addi %iota3A, %add3A_297 : vector<16xi32>
            tpu.vector_store_idx %arg8[%add3A_298, %add3A_274], %get3A_295 : memref<50x1664xf32, #tpu.memory_space<vmem>>[vector<16xi32>, vector<16xi32>], vector<16xf32>,
          } else {
          }
        }
        %scan3A_251 = arith.constant 16 : i32
      } else {
      }
      %get3A_102 = arith.constant 48 : index
      %get3A_103 = tpu.vector_load %arg6[%get3A_102] {strides = array<i32>} : memref<128xi32, #tpu.memory_space<vmem>>, vector<16xi32>,
      %sub3A_104 = vector.broadcast %mul3A_22 : i32 to vector<16xi32>
      %sub3A_105 = arith.subi %get3A_103, %sub3A_104 : vector<16xi32>
      %ge3A_106 = arith.constant 0 : i32
      %ge3A_107 = vector.broadcast %ge3A_106 : i32 to vector<16xi32>
      %ge3A_108 = arith.cmpi sge, %sub3A_105, %ge3A_107 : vector<16xi32>
      %lt3A_109 = arith.constant 1664 : i32
      %lt3A_110 = vector.broadcast %lt3A_109 : i32 to vector<16xi32>
      %lt3A_111 = arith.cmpi slt, %sub3A_105, %lt3A_110 : vector<16xi32>
      %and3A_112 = arith.andi %ge3A_108, %lt3A_111 : vector<16xi1>
      %jit3A_113 = arith.constant 1 : i32
      %jit3A_114 = arith.constant 0 : i32
      %broadcast_in_dim3A_115 = vector.broadcast %jit3A_113 : i32 to vector<16xi32>
      %broadcast_in_dim3A_116 = vector.broadcast %jit3A_114 : i32 to vector<16xi32>
      %select_n3A_117 = arith.select %and3A_112, %broadcast_in_dim3A_115, %broadcast_in_dim3A_116 : vector<16xi1>, vector<16xi32>
      %reduce_max3A_118 = arith.constant true
      %reduce_max3A_119 = vector.broadcast %reduce_max3A_118 : i1 to vector<16xi1>
      %reduce_max3A_120 = arith.constant -2147483648 : i32
      %reduce_max3A_121 = vector.broadcast %reduce_max3A_120 : i32 to vector<16xi32>
      %reduce_max3A_122 = arith.xori %select_n3A_117, %reduce_max3A_121 : vector<16xi32>
      %reduce_max3A_123 = tpu.scan <max>, %reduce_max3A_122 masked %reduce_max3A_119 : vector<16xi32>, vector<16xi1> -> vector<16xi32>
      %reduce_max3A_124 = arith.xori %reduce_max3A_123, %reduce_max3A_121 : vector<16xi32>
      %reduce_max3A_125 = vector.extract %reduce_max3A_124[15] : i32 from vector<16xi32>
      %gt3A_126 = arith.constant 0 : i32
      %gt3A_127 = arith.cmpi sgt, %reduce_max3A_125, %gt3A_126 : i32
      %convert_element_type3A_128 = arith.extui %gt3A_127 : i1 to i32
      %cond3A_129 = arith.constant 0 : i32
      %cond3A_130 = arith.cmpi ne, %convert_element_type3A_128, %cond3A_129 : i32
      scf.if %cond3A_130 {
        %scan3A = arith.constant 0 : i32
        %scan3A_247 = arith.constant 0 : i32
        %scan3A_248 = arith.constant 16 : i32
        %scan3A_249 = arith.addi %scan3A_247, %scan3A_248 : i32
        %scan3A_250 = arith.constant 1 : i32
        scf.for %scan3A_252 = %scan3A_247 to %scan3A_249 step %scan3A_250  : i32 {
          %iota3A_253 = tpu.iota {dimensions = array<i32: 0>} : vector<16xi32>
          %eq3A = vector.broadcast %scan3A_252 : i32 to vector<16xi32>
          %eq3A_254 = arith.cmpi eq, %iota3A_253, %eq3A : vector<16xi32>
          %jit3A_255 = arith.constant 0 : i32
          %broadcast_in_dim3A_256 = vector.broadcast %jit3A_255 : i32 to vector<16xi32>
          %select_n3A_257 = arith.select %eq3A_254, %sub3A_105, %broadcast_in_dim3A_256 : vector<16xi1>, vector<16xi32>
          %reduce_sum3A = arith.constant true
          %reduce_sum3A_258 = vector.broadcast %reduce_sum3A : i1 to vector<16xi1>
          %reduce_sum3A_259 = tpu.scan <sum>, %select_n3A_257 masked %reduce_sum3A_258 : vector<16xi32>, vector<16xi1> -> vector<16xi32>
          %reduce_sum3A_260 = vector.extract %reduce_sum3A_259[15] : i32 from vector<16xi32>
          %ge3A_261 = arith.constant 0 : i32
          %ge3A_262 = arith.cmpi sge, %reduce_sum3A_260, %ge3A_261 : i32
          %lt3A_263 = arith.constant 1664 : i32
          %lt3A_264 = arith.cmpi slt, %reduce_sum3A_260, %lt3A_263 : i32
          %and3A_265 = arith.andi %ge3A_262, %lt3A_264 : i1
          %convert_element_type3A_266 = arith.extui %and3A_265 : i1 to i32
          %cond3A_267 = arith.constant 0 : i32
          %cond3A_268 = arith.cmpi ne, %convert_element_type3A_266, %cond3A_267 : i32
          scf.if %cond3A_268 {
            %add3A_269 = arith.constant 48 : i32
            %add3A_270 = arith.addi %add3A_269, %scan3A_252 : i32
            %broadcast_in_dim3A_271 = arith.constant 0 : i32
            %broadcast_in_dim3A_272 = vector.broadcast %broadcast_in_dim3A_271 : i32 to vector<16xi32>
            %add3A_273 = vector.broadcast %reduce_sum3A_260 : i32 to vector<16xi32>
            %add3A_274 = arith.addi %broadcast_in_dim3A_272, %add3A_273 : vector<16xi32>
            %get3A_275 = arith.index_cast %add3A_270 : i32 to index
            %get3A_276 = arith.constant 0 : index
            %get3A_277 = tpu.vector_load %arg7[%get3A_275, %get3A_276] {strides = array<i32>} : memref<128x50xf32, #tpu.memory_space<vmem>>, vector<16xf32>,
            %add3A_278 = arith.constant 0 : i32
            %add3A_279 = vector.broadcast %add3A_278 : i32 to vector<16xi32>
            %add3A_280 = arith.addi %iota3A, %add3A_279 : vector<16xi32>
            tpu.vector_store_idx %arg8[%add3A_280, %add3A_274], %get3A_277 : memref<50x1664xf32, #tpu.memory_space<vmem>>[vector<16xi32>, vector<16xi32>], vector<16xf32>,
            %get3A_281 = arith.index_cast %add3A_270 : i32 to index
            %get3A_282 = arith.constant 16 : index
            %get3A_283 = tpu.vector_load %arg7[%get3A_281, %get3A_282] {strides = array<i32>} : memref<128x50xf32, #tpu.memory_space<vmem>>, vector<16xf32>,
            %add3A_284 = arith.constant 16 : i32
            %add3A_285 = vector.broadcast %add3A_284 : i32 to vector<16xi32>
            %add3A_286 = arith.addi %iota3A, %add3A_285 : vector<16xi32>
            tpu.vector_store_idx %arg8[%add3A_286, %add3A_274], %get3A_283 : memref<50x1664xf32, #tpu.memory_space<vmem>>[vector<16xi32>, vector<16xi32>], vector<16xf32>,
            %get3A_287 = arith.index_cast %add3A_270 : i32 to index
            %get3A_288 = arith.constant 32 : index
            %get3A_289 = tpu.vector_load %arg7[%get3A_287, %get3A_288] {strides = array<i32>} : memref<128x50xf32, #tpu.memory_space<vmem>>, vector<16xf32>,
            %add3A_290 = arith.constant 32 : i32
            %add3A_291 = vector.broadcast %add3A_290 : i32 to vector<16xi32>
            %add3A_292 = arith.addi %iota3A, %add3A_291 : vector<16xi32>
            tpu.vector_store_idx %arg8[%add3A_292, %add3A_274], %get3A_289 : memref<50x1664xf32, #tpu.memory_space<vmem>>[vector<16xi32>, vector<16xi32>], vector<16xf32>,
            %get3A_293 = arith.index_cast %add3A_270 : i32 to index
            %get3A_294 = arith.constant 34 : index
            %get3A_295 = tpu.vector_load %arg7[%get3A_293, %get3A_294] {strides = array<i32>} : memref<128x50xf32, #tpu.memory_space<vmem>>, vector<16xf32>,
            %add3A_296 = arith.constant 34 : i32
            %add3A_297 = vector.broadcast %add3A_296 : i32 to vector<16xi32>
            %add3A_298 = arith.addi %iota3A, %add3A_297 : vector<16xi32>
            tpu.vector_store_idx %arg8[%add3A_298, %add3A_274], %get3A_295 : memref<50x1664xf32, #tpu.memory_space<vmem>>[vector<16xi32>, vector<16xi32>], vector<16xf32>,
          } else {
          }
        }
        %scan3A_251 = arith.constant 16 : i32
      } else {
      }
      %get3A_131 = arith.constant 64 : index
      %get3A_132 = tpu.vector_load %arg6[%get3A_131] {strides = array<i32>} : memref<128xi32, #tpu.memory_space<vmem>>, vector<16xi32>,
      %sub3A_133 = vector.broadcast %mul3A_22 : i32 to vector<16xi32>
      %sub3A_134 = arith.subi %get3A_132, %sub3A_133 : vector<16xi32>
      %ge3A_135 = arith.constant 0 : i32
      %ge3A_136 = vector.broadcast %ge3A_135 : i32 to vector<16xi32>
      %ge3A_137 = arith.cmpi sge, %sub3A_134, %ge3A_136 : vector<16xi32>
      %lt3A_138 = arith.constant 1664 : i32
      %lt3A_139 = vector.broadcast %lt3A_138 : i32 to vector<16xi32>
      %lt3A_140 = arith.cmpi slt, %sub3A_134, %lt3A_139 : vector<16xi32>
      %and3A_141 = arith.andi %ge3A_137, %lt3A_140 : vector<16xi1>
      %jit3A_142 = arith.constant 1 : i32
      %jit3A_143 = arith.constant 0 : i32
      %broadcast_in_dim3A_144 = vector.broadcast %jit3A_142 : i32 to vector<16xi32>
      %broadcast_in_dim3A_145 = vector.broadcast %jit3A_143 : i32 to vector<16xi32>
      %select_n3A_146 = arith.select %and3A_141, %broadcast_in_dim3A_144, %broadcast_in_dim3A_145 : vector<16xi1>, vector<16xi32>
      %reduce_max3A_147 = arith.constant true
      %reduce_max3A_148 = vector.broadcast %reduce_max3A_147 : i1 to vector<16xi1>
      %reduce_max3A_149 = arith.constant -2147483648 : i32
      %reduce_max3A_150 = vector.broadcast %reduce_max3A_149 : i32 to vector<16xi32>
      %reduce_max3A_151 = arith.xori %select_n3A_146, %reduce_max3A_150 : vector<16xi32>
      %reduce_max3A_152 = tpu.scan <max>, %reduce_max3A_151 masked %reduce_max3A_148 : vector<16xi32>, vector<16xi1> -> vector<16xi32>
      %reduce_max3A_153 = arith.xori %reduce_max3A_152, %reduce_max3A_150 : vector<16xi32>
      %reduce_max3A_154 = vector.extract %reduce_max3A_153[15] : i32 from vector<16xi32>
      %gt3A_155 = arith.constant 0 : i32
      %gt3A_156 = arith.cmpi sgt, %reduce_max3A_154, %gt3A_155 : i32
      %convert_element_type3A_157 = arith.extui %gt3A_156 : i1 to i32
      %cond3A_158 = arith.constant 0 : i32
      %cond3A_159 = arith.cmpi ne, %convert_element_type3A_157, %cond3A_158 : i32
      scf.if %cond3A_159 {
        %scan3A = arith.constant 0 : i32
        %scan3A_247 = arith.constant 0 : i32
        %scan3A_248 = arith.constant 16 : i32
        %scan3A_249 = arith.addi %scan3A_247, %scan3A_248 : i32
        %scan3A_250 = arith.constant 1 : i32
        scf.for %scan3A_252 = %scan3A_247 to %scan3A_249 step %scan3A_250  : i32 {
          %iota3A_253 = tpu.iota {dimensions = array<i32: 0>} : vector<16xi32>
          %eq3A = vector.broadcast %scan3A_252 : i32 to vector<16xi32>
          %eq3A_254 = arith.cmpi eq, %iota3A_253, %eq3A : vector<16xi32>
          %jit3A_255 = arith.constant 0 : i32
          %broadcast_in_dim3A_256 = vector.broadcast %jit3A_255 : i32 to vector<16xi32>
          %select_n3A_257 = arith.select %eq3A_254, %sub3A_134, %broadcast_in_dim3A_256 : vector<16xi1>, vector<16xi32>
          %reduce_sum3A = arith.constant true
          %reduce_sum3A_258 = vector.broadcast %reduce_sum3A : i1 to vector<16xi1>
          %reduce_sum3A_259 = tpu.scan <sum>, %select_n3A_257 masked %reduce_sum3A_258 : vector<16xi32>, vector<16xi1> -> vector<16xi32>
          %reduce_sum3A_260 = vector.extract %reduce_sum3A_259[15] : i32 from vector<16xi32>
          %ge3A_261 = arith.constant 0 : i32
          %ge3A_262 = arith.cmpi sge, %reduce_sum3A_260, %ge3A_261 : i32
          %lt3A_263 = arith.constant 1664 : i32
          %lt3A_264 = arith.cmpi slt, %reduce_sum3A_260, %lt3A_263 : i32
          %and3A_265 = arith.andi %ge3A_262, %lt3A_264 : i1
          %convert_element_type3A_266 = arith.extui %and3A_265 : i1 to i32
          %cond3A_267 = arith.constant 0 : i32
          %cond3A_268 = arith.cmpi ne, %convert_element_type3A_266, %cond3A_267 : i32
          scf.if %cond3A_268 {
            %add3A_269 = arith.constant 64 : i32
            %add3A_270 = arith.addi %add3A_269, %scan3A_252 : i32
            %broadcast_in_dim3A_271 = arith.constant 0 : i32
            %broadcast_in_dim3A_272 = vector.broadcast %broadcast_in_dim3A_271 : i32 to vector<16xi32>
            %add3A_273 = vector.broadcast %reduce_sum3A_260 : i32 to vector<16xi32>
            %add3A_274 = arith.addi %broadcast_in_dim3A_272, %add3A_273 : vector<16xi32>
            %get3A_275 = arith.index_cast %add3A_270 : i32 to index
            %get3A_276 = arith.constant 0 : index
            %get3A_277 = tpu.vector_load %arg7[%get3A_275, %get3A_276] {strides = array<i32>} : memref<128x50xf32, #tpu.memory_space<vmem>>, vector<16xf32>,
            %add3A_278 = arith.constant 0 : i32
            %add3A_279 = vector.broadcast %add3A_278 : i32 to vector<16xi32>
            %add3A_280 = arith.addi %iota3A, %add3A_279 : vector<16xi32>
            tpu.vector_store_idx %arg8[%add3A_280, %add3A_274], %get3A_277 : memref<50x1664xf32, #tpu.memory_space<vmem>>[vector<16xi32>, vector<16xi32>], vector<16xf32>,
            %get3A_281 = arith.index_cast %add3A_270 : i32 to index
            %get3A_282 = arith.constant 16 : index
            %get3A_283 = tpu.vector_load %arg7[%get3A_281, %get3A_282] {strides = array<i32>} : memref<128x50xf32, #tpu.memory_space<vmem>>, vector<16xf32>,
            %add3A_284 = arith.constant 16 : i32
            %add3A_285 = vector.broadcast %add3A_284 : i32 to vector<16xi32>
            %add3A_286 = arith.addi %iota3A, %add3A_285 : vector<16xi32>
            tpu.vector_store_idx %arg8[%add3A_286, %add3A_274], %get3A_283 : memref<50x1664xf32, #tpu.memory_space<vmem>>[vector<16xi32>, vector<16xi32>], vector<16xf32>,
            %get3A_287 = arith.index_cast %add3A_270 : i32 to index
            %get3A_288 = arith.constant 32 : index
            %get3A_289 = tpu.vector_load %arg7[%get3A_287, %get3A_288] {strides = array<i32>} : memref<128x50xf32, #tpu.memory_space<vmem>>, vector<16xf32>,
            %add3A_290 = arith.constant 32 : i32
            %add3A_291 = vector.broadcast %add3A_290 : i32 to vector<16xi32>
            %add3A_292 = arith.addi %iota3A, %add3A_291 : vector<16xi32>
            tpu.vector_store_idx %arg8[%add3A_292, %add3A_274], %get3A_289 : memref<50x1664xf32, #tpu.memory_space<vmem>>[vector<16xi32>, vector<16xi32>], vector<16xf32>,
            %get3A_293 = arith.index_cast %add3A_270 : i32 to index
            %get3A_294 = arith.constant 34 : index
            %get3A_295 = tpu.vector_load %arg7[%get3A_293, %get3A_294] {strides = array<i32>} : memref<128x50xf32, #tpu.memory_space<vmem>>, vector<16xf32>,
            %add3A_296 = arith.constant 34 : i32
            %add3A_297 = vector.broadcast %add3A_296 : i32 to vector<16xi32>
            %add3A_298 = arith.addi %iota3A, %add3A_297 : vector<16xi32>
            tpu.vector_store_idx %arg8[%add3A_298, %add3A_274], %get3A_295 : memref<50x1664xf32, #tpu.memory_space<vmem>>[vector<16xi32>, vector<16xi32>], vector<16xf32>,
          } else {
          }
        }
        %scan3A_251 = arith.constant 16 : i32
      } else {
      }
      %get3A_160 = arith.constant 80 : index
      %get3A_161 = tpu.vector_load %arg6[%get3A_160] {strides = array<i32>} : memref<128xi32, #tpu.memory_space<vmem>>, vector<16xi32>,
      %sub3A_162 = vector.broadcast %mul3A_22 : i32 to vector<16xi32>
      %sub3A_163 = arith.subi %get3A_161, %sub3A_162 : vector<16xi32>
      %ge3A_164 = arith.constant 0 : i32
      %ge3A_165 = vector.broadcast %ge3A_164 : i32 to vector<16xi32>
      %ge3A_166 = arith.cmpi sge, %sub3A_163, %ge3A_165 : vector<16xi32>
      %lt3A_167 = arith.constant 1664 : i32
      %lt3A_168 = vector.broadcast %lt3A_167 : i32 to vector<16xi32>
      %lt3A_169 = arith.cmpi slt, %sub3A_163, %lt3A_168 : vector<16xi32>
      %and3A_170 = arith.andi %ge3A_166, %lt3A_169 : vector<16xi1>
      %jit3A_171 = arith.constant 1 : i32
      %jit3A_172 = arith.constant 0 : i32
      %broadcast_in_dim3A_173 = vector.broadcast %jit3A_171 : i32 to vector<16xi32>
      %broadcast_in_dim3A_174 = vector.broadcast %jit3A_172 : i32 to vector<16xi32>
      %select_n3A_175 = arith.select %and3A_170, %broadcast_in_dim3A_173, %broadcast_in_dim3A_174 : vector<16xi1>, vector<16xi32>
      %reduce_max3A_176 = arith.constant true
      %reduce_max3A_177 = vector.broadcast %reduce_max3A_176 : i1 to vector<16xi1>
      %reduce_max3A_178 = arith.constant -2147483648 : i32
      %reduce_max3A_179 = vector.broadcast %reduce_max3A_178 : i32 to vector<16xi32>
      %reduce_max3A_180 = arith.xori %select_n3A_175, %reduce_max3A_179 : vector<16xi32>
      %reduce_max3A_181 = tpu.scan <max>, %reduce_max3A_180 masked %reduce_max3A_177 : vector<16xi32>, vector<16xi1> -> vector<16xi32>
      %reduce_max3A_182 = arith.xori %reduce_max3A_181, %reduce_max3A_179 : vector<16xi32>
      %reduce_max3A_183 = vector.extract %reduce_max3A_182[15] : i32 from vector<16xi32>
      %gt3A_184 = arith.constant 0 : i32
      %gt3A_185 = arith.cmpi sgt, %reduce_max3A_183, %gt3A_184 : i32
      %convert_element_type3A_186 = arith.extui %gt3A_185 : i1 to i32
      %cond3A_187 = arith.constant 0 : i32
      %cond3A_188 = arith.cmpi ne, %convert_element_type3A_186, %cond3A_187 : i32
      scf.if %cond3A_188 {
        %scan3A = arith.constant 0 : i32
        %scan3A_247 = arith.constant 0 : i32
        %scan3A_248 = arith.constant 16 : i32
        %scan3A_249 = arith.addi %scan3A_247, %scan3A_248 : i32
        %scan3A_250 = arith.constant 1 : i32
        scf.for %scan3A_252 = %scan3A_247 to %scan3A_249 step %scan3A_250  : i32 {
          %iota3A_253 = tpu.iota {dimensions = array<i32: 0>} : vector<16xi32>
          %eq3A = vector.broadcast %scan3A_252 : i32 to vector<16xi32>
          %eq3A_254 = arith.cmpi eq, %iota3A_253, %eq3A : vector<16xi32>
          %jit3A_255 = arith.constant 0 : i32
          %broadcast_in_dim3A_256 = vector.broadcast %jit3A_255 : i32 to vector<16xi32>
          %select_n3A_257 = arith.select %eq3A_254, %sub3A_163, %broadcast_in_dim3A_256 : vector<16xi1>, vector<16xi32>
          %reduce_sum3A = arith.constant true
          %reduce_sum3A_258 = vector.broadcast %reduce_sum3A : i1 to vector<16xi1>
          %reduce_sum3A_259 = tpu.scan <sum>, %select_n3A_257 masked %reduce_sum3A_258 : vector<16xi32>, vector<16xi1> -> vector<16xi32>
          %reduce_sum3A_260 = vector.extract %reduce_sum3A_259[15] : i32 from vector<16xi32>
          %ge3A_261 = arith.constant 0 : i32
          %ge3A_262 = arith.cmpi sge, %reduce_sum3A_260, %ge3A_261 : i32
          %lt3A_263 = arith.constant 1664 : i32
          %lt3A_264 = arith.cmpi slt, %reduce_sum3A_260, %lt3A_263 : i32
          %and3A_265 = arith.andi %ge3A_262, %lt3A_264 : i1
          %convert_element_type3A_266 = arith.extui %and3A_265 : i1 to i32
          %cond3A_267 = arith.constant 0 : i32
          %cond3A_268 = arith.cmpi ne, %convert_element_type3A_266, %cond3A_267 : i32
          scf.if %cond3A_268 {
            %add3A_269 = arith.constant 80 : i32
            %add3A_270 = arith.addi %add3A_269, %scan3A_252 : i32
            %broadcast_in_dim3A_271 = arith.constant 0 : i32
            %broadcast_in_dim3A_272 = vector.broadcast %broadcast_in_dim3A_271 : i32 to vector<16xi32>
            %add3A_273 = vector.broadcast %reduce_sum3A_260 : i32 to vector<16xi32>
            %add3A_274 = arith.addi %broadcast_in_dim3A_272, %add3A_273 : vector<16xi32>
            %get3A_275 = arith.index_cast %add3A_270 : i32 to index
            %get3A_276 = arith.constant 0 : index
            %get3A_277 = tpu.vector_load %arg7[%get3A_275, %get3A_276] {strides = array<i32>} : memref<128x50xf32, #tpu.memory_space<vmem>>, vector<16xf32>,
            %add3A_278 = arith.constant 0 : i32
            %add3A_279 = vector.broadcast %add3A_278 : i32 to vector<16xi32>
            %add3A_280 = arith.addi %iota3A, %add3A_279 : vector<16xi32>
            tpu.vector_store_idx %arg8[%add3A_280, %add3A_274], %get3A_277 : memref<50x1664xf32, #tpu.memory_space<vmem>>[vector<16xi32>, vector<16xi32>], vector<16xf32>,
            %get3A_281 = arith.index_cast %add3A_270 : i32 to index
            %get3A_282 = arith.constant 16 : index
            %get3A_283 = tpu.vector_load %arg7[%get3A_281, %get3A_282] {strides = array<i32>} : memref<128x50xf32, #tpu.memory_space<vmem>>, vector<16xf32>,
            %add3A_284 = arith.constant 16 : i32
            %add3A_285 = vector.broadcast %add3A_284 : i32 to vector<16xi32>
            %add3A_286 = arith.addi %iota3A, %add3A_285 : vector<16xi32>
            tpu.vector_store_idx %arg8[%add3A_286, %add3A_274], %get3A_283 : memref<50x1664xf32, #tpu.memory_space<vmem>>[vector<16xi32>, vector<16xi32>], vector<16xf32>,
            %get3A_287 = arith.index_cast %add3A_270 : i32 to index
            %get3A_288 = arith.constant 32 : index
            %get3A_289 = tpu.vector_load %arg7[%get3A_287, %get3A_288] {strides = array<i32>} : memref<128x50xf32, #tpu.memory_space<vmem>>, vector<16xf32>,
            %add3A_290 = arith.constant 32 : i32
            %add3A_291 = vector.broadcast %add3A_290 : i32 to vector<16xi32>
            %add3A_292 = arith.addi %iota3A, %add3A_291 : vector<16xi32>
            tpu.vector_store_idx %arg8[%add3A_292, %add3A_274], %get3A_289 : memref<50x1664xf32, #tpu.memory_space<vmem>>[vector<16xi32>, vector<16xi32>], vector<16xf32>,
            %get3A_293 = arith.index_cast %add3A_270 : i32 to index
            %get3A_294 = arith.constant 34 : index
            %get3A_295 = tpu.vector_load %arg7[%get3A_293, %get3A_294] {strides = array<i32>} : memref<128x50xf32, #tpu.memory_space<vmem>>, vector<16xf32>,
            %add3A_296 = arith.constant 34 : i32
            %add3A_297 = vector.broadcast %add3A_296 : i32 to vector<16xi32>
            %add3A_298 = arith.addi %iota3A, %add3A_297 : vector<16xi32>
            tpu.vector_store_idx %arg8[%add3A_298, %add3A_274], %get3A_295 : memref<50x1664xf32, #tpu.memory_space<vmem>>[vector<16xi32>, vector<16xi32>], vector<16xf32>,
          } else {
          }
        }
        %scan3A_251 = arith.constant 16 : i32
      } else {
      }
      %get3A_189 = arith.constant 96 : index
      %get3A_190 = tpu.vector_load %arg6[%get3A_189] {strides = array<i32>} : memref<128xi32, #tpu.memory_space<vmem>>, vector<16xi32>,
      %sub3A_191 = vector.broadcast %mul3A_22 : i32 to vector<16xi32>
      %sub3A_192 = arith.subi %get3A_190, %sub3A_191 : vector<16xi32>
      %ge3A_193 = arith.constant 0 : i32
      %ge3A_194 = vector.broadcast %ge3A_193 : i32 to vector<16xi32>
      %ge3A_195 = arith.cmpi sge, %sub3A_192, %ge3A_194 : vector<16xi32>
      %lt3A_196 = arith.constant 1664 : i32
      %lt3A_197 = vector.broadcast %lt3A_196 : i32 to vector<16xi32>
      %lt3A_198 = arith.cmpi slt, %sub3A_192, %lt3A_197 : vector<16xi32>
      %and3A_199 = arith.andi %ge3A_195, %lt3A_198 : vector<16xi1>
      %jit3A_200 = arith.constant 1 : i32
      %jit3A_201 = arith.constant 0 : i32
      %broadcast_in_dim3A_202 = vector.broadcast %jit3A_200 : i32 to vector<16xi32>
      %broadcast_in_dim3A_203 = vector.broadcast %jit3A_201 : i32 to vector<16xi32>
      %select_n3A_204 = arith.select %and3A_199, %broadcast_in_dim3A_202, %broadcast_in_dim3A_203 : vector<16xi1>, vector<16xi32>
      %reduce_max3A_205 = arith.constant true
      %reduce_max3A_206 = vector.broadcast %reduce_max3A_205 : i1 to vector<16xi1>
      %reduce_max3A_207 = arith.constant -2147483648 : i32
      %reduce_max3A_208 = vector.broadcast %reduce_max3A_207 : i32 to vector<16xi32>
      %reduce_max3A_209 = arith.xori %select_n3A_204, %reduce_max3A_208 : vector<16xi32>
      %reduce_max3A_210 = tpu.scan <max>, %reduce_max3A_209 masked %reduce_max3A_206 : vector<16xi32>, vector<16xi1> -> vector<16xi32>
      %reduce_max3A_211 = arith.xori %reduce_max3A_210, %reduce_max3A_208 : vector<16xi32>
      %reduce_max3A_212 = vector.extract %reduce_max3A_211[15] : i32 from vector<16xi32>
      %gt3A_213 = arith.constant 0 : i32
      %gt3A_214 = arith.cmpi sgt, %reduce_max3A_212, %gt3A_213 : i32
      %convert_element_type3A_215 = arith.extui %gt3A_214 : i1 to i32
      %cond3A_216 = arith.constant 0 : i32
      %cond3A_217 = arith.cmpi ne, %convert_element_type3A_215, %cond3A_216 : i32
      scf.if %cond3A_217 {
        %scan3A = arith.constant 0 : i32
        %scan3A_247 = arith.constant 0 : i32
        %scan3A_248 = arith.constant 16 : i32
        %scan3A_249 = arith.addi %scan3A_247, %scan3A_248 : i32
        %scan3A_250 = arith.constant 1 : i32
        scf.for %scan3A_252 = %scan3A_247 to %scan3A_249 step %scan3A_250  : i32 {
          %iota3A_253 = tpu.iota {dimensions = array<i32: 0>} : vector<16xi32>
          %eq3A = vector.broadcast %scan3A_252 : i32 to vector<16xi32>
          %eq3A_254 = arith.cmpi eq, %iota3A_253, %eq3A : vector<16xi32>
          %jit3A_255 = arith.constant 0 : i32
          %broadcast_in_dim3A_256 = vector.broadcast %jit3A_255 : i32 to vector<16xi32>
          %select_n3A_257 = arith.select %eq3A_254, %sub3A_192, %broadcast_in_dim3A_256 : vector<16xi1>, vector<16xi32>
          %reduce_sum3A = arith.constant true
          %reduce_sum3A_258 = vector.broadcast %reduce_sum3A : i1 to vector<16xi1>
          %reduce_sum3A_259 = tpu.scan <sum>, %select_n3A_257 masked %reduce_sum3A_258 : vector<16xi32>, vector<16xi1> -> vector<16xi32>
          %reduce_sum3A_260 = vector.extract %reduce_sum3A_259[15] : i32 from vector<16xi32>
          %ge3A_261 = arith.constant 0 : i32
          %ge3A_262 = arith.cmpi sge, %reduce_sum3A_260, %ge3A_261 : i32
          %lt3A_263 = arith.constant 1664 : i32
          %lt3A_264 = arith.cmpi slt, %reduce_sum3A_260, %lt3A_263 : i32
          %and3A_265 = arith.andi %ge3A_262, %lt3A_264 : i1
          %convert_element_type3A_266 = arith.extui %and3A_265 : i1 to i32
          %cond3A_267 = arith.constant 0 : i32
          %cond3A_268 = arith.cmpi ne, %convert_element_type3A_266, %cond3A_267 : i32
          scf.if %cond3A_268 {
            %add3A_269 = arith.constant 96 : i32
            %add3A_270 = arith.addi %add3A_269, %scan3A_252 : i32
            %broadcast_in_dim3A_271 = arith.constant 0 : i32
            %broadcast_in_dim3A_272 = vector.broadcast %broadcast_in_dim3A_271 : i32 to vector<16xi32>
            %add3A_273 = vector.broadcast %reduce_sum3A_260 : i32 to vector<16xi32>
            %add3A_274 = arith.addi %broadcast_in_dim3A_272, %add3A_273 : vector<16xi32>
            %get3A_275 = arith.index_cast %add3A_270 : i32 to index
            %get3A_276 = arith.constant 0 : index
            %get3A_277 = tpu.vector_load %arg7[%get3A_275, %get3A_276] {strides = array<i32>} : memref<128x50xf32, #tpu.memory_space<vmem>>, vector<16xf32>,
            %add3A_278 = arith.constant 0 : i32
            %add3A_279 = vector.broadcast %add3A_278 : i32 to vector<16xi32>
            %add3A_280 = arith.addi %iota3A, %add3A_279 : vector<16xi32>
            tpu.vector_store_idx %arg8[%add3A_280, %add3A_274], %get3A_277 : memref<50x1664xf32, #tpu.memory_space<vmem>>[vector<16xi32>, vector<16xi32>], vector<16xf32>,
            %get3A_281 = arith.index_cast %add3A_270 : i32 to index
            %get3A_282 = arith.constant 16 : index
            %get3A_283 = tpu.vector_load %arg7[%get3A_281, %get3A_282] {strides = array<i32>} : memref<128x50xf32, #tpu.memory_space<vmem>>, vector<16xf32>,
            %add3A_284 = arith.constant 16 : i32
            %add3A_285 = vector.broadcast %add3A_284 : i32 to vector<16xi32>
            %add3A_286 = arith.addi %iota3A, %add3A_285 : vector<16xi32>
            tpu.vector_store_idx %arg8[%add3A_286, %add3A_274], %get3A_283 : memref<50x1664xf32, #tpu.memory_space<vmem>>[vector<16xi32>, vector<16xi32>], vector<16xf32>,
            %get3A_287 = arith.index_cast %add3A_270 : i32 to index
            %get3A_288 = arith.constant 32 : index
            %get3A_289 = tpu.vector_load %arg7[%get3A_287, %get3A_288] {strides = array<i32>} : memref<128x50xf32, #tpu.memory_space<vmem>>, vector<16xf32>,
            %add3A_290 = arith.constant 32 : i32
            %add3A_291 = vector.broadcast %add3A_290 : i32 to vector<16xi32>
            %add3A_292 = arith.addi %iota3A, %add3A_291 : vector<16xi32>
            tpu.vector_store_idx %arg8[%add3A_292, %add3A_274], %get3A_289 : memref<50x1664xf32, #tpu.memory_space<vmem>>[vector<16xi32>, vector<16xi32>], vector<16xf32>,
            %get3A_293 = arith.index_cast %add3A_270 : i32 to index
            %get3A_294 = arith.constant 34 : index
            %get3A_295 = tpu.vector_load %arg7[%get3A_293, %get3A_294] {strides = array<i32>} : memref<128x50xf32, #tpu.memory_space<vmem>>, vector<16xf32>,
            %add3A_296 = arith.constant 34 : i32
            %add3A_297 = vector.broadcast %add3A_296 : i32 to vector<16xi32>
            %add3A_298 = arith.addi %iota3A, %add3A_297 : vector<16xi32>
            tpu.vector_store_idx %arg8[%add3A_298, %add3A_274], %get3A_295 : memref<50x1664xf32, #tpu.memory_space<vmem>>[vector<16xi32>, vector<16xi32>], vector<16xf32>,
          } else {
          }
        }
        %scan3A_251 = arith.constant 16 : i32
      } else {
      }
      %get3A_218 = arith.constant 112 : index
      %get3A_219 = tpu.vector_load %arg6[%get3A_218] {strides = array<i32>} : memref<128xi32, #tpu.memory_space<vmem>>, vector<16xi32>,
      %sub3A_220 = vector.broadcast %mul3A_22 : i32 to vector<16xi32>
      %sub3A_221 = arith.subi %get3A_219, %sub3A_220 : vector<16xi32>
      %ge3A_222 = arith.constant 0 : i32
      %ge3A_223 = vector.broadcast %ge3A_222 : i32 to vector<16xi32>
      %ge3A_224 = arith.cmpi sge, %sub3A_221, %ge3A_223 : vector<16xi32>
      %lt3A_225 = arith.constant 1664 : i32
      %lt3A_226 = vector.broadcast %lt3A_225 : i32 to vector<16xi32>
      %lt3A_227 = arith.cmpi slt, %sub3A_221, %lt3A_226 : vector<16xi32>
      %and3A_228 = arith.andi %ge3A_224, %lt3A_227 : vector<16xi1>
      %jit3A_229 = arith.constant 1 : i32
      %jit3A_230 = arith.constant 0 : i32
      %broadcast_in_dim3A_231 = vector.broadcast %jit3A_229 : i32 to vector<16xi32>
      %broadcast_in_dim3A_232 = vector.broadcast %jit3A_230 : i32 to vector<16xi32>
      %select_n3A_233 = arith.select %and3A_228, %broadcast_in_dim3A_231, %broadcast_in_dim3A_232 : vector<16xi1>, vector<16xi32>
      %reduce_max3A_234 = arith.constant true
      %reduce_max3A_235 = vector.broadcast %reduce_max3A_234 : i1 to vector<16xi1>
      %reduce_max3A_236 = arith.constant -2147483648 : i32
      %reduce_max3A_237 = vector.broadcast %reduce_max3A_236 : i32 to vector<16xi32>
      %reduce_max3A_238 = arith.xori %select_n3A_233, %reduce_max3A_237 : vector<16xi32>
      %reduce_max3A_239 = tpu.scan <max>, %reduce_max3A_238 masked %reduce_max3A_235 : vector<16xi32>, vector<16xi1> -> vector<16xi32>
      %reduce_max3A_240 = arith.xori %reduce_max3A_239, %reduce_max3A_237 : vector<16xi32>
      %reduce_max3A_241 = vector.extract %reduce_max3A_240[15] : i32 from vector<16xi32>
      %gt3A_242 = arith.constant 0 : i32
      %gt3A_243 = arith.cmpi sgt, %reduce_max3A_241, %gt3A_242 : i32
      %convert_element_type3A_244 = arith.extui %gt3A_243 : i1 to i32
      %cond3A_245 = arith.constant 0 : i32
      %cond3A_246 = arith.cmpi ne, %convert_element_type3A_244, %cond3A_245 : i32
      scf.if %cond3A_246 {
        %scan3A = arith.constant 0 : i32
        %scan3A_247 = arith.constant 0 : i32
        %scan3A_248 = arith.constant 16 : i32
        %scan3A_249 = arith.addi %scan3A_247, %scan3A_248 : i32
        %scan3A_250 = arith.constant 1 : i32
        scf.for %scan3A_252 = %scan3A_247 to %scan3A_249 step %scan3A_250  : i32 {
          %iota3A_253 = tpu.iota {dimensions = array<i32: 0>} : vector<16xi32>
          %eq3A = vector.broadcast %scan3A_252 : i32 to vector<16xi32>
          %eq3A_254 = arith.cmpi eq, %iota3A_253, %eq3A : vector<16xi32>
          %jit3A_255 = arith.constant 0 : i32
          %broadcast_in_dim3A_256 = vector.broadcast %jit3A_255 : i32 to vector<16xi32>
          %select_n3A_257 = arith.select %eq3A_254, %sub3A_221, %broadcast_in_dim3A_256 : vector<16xi1>, vector<16xi32>
          %reduce_sum3A = arith.constant true
          %reduce_sum3A_258 = vector.broadcast %reduce_sum3A : i1 to vector<16xi1>
          %reduce_sum3A_259 = tpu.scan <sum>, %select_n3A_257 masked %reduce_sum3A_258 : vector<16xi32>, vector<16xi1> -> vector<16xi32>
          %reduce_sum3A_260 = vector.extract %reduce_sum3A_259[15] : i32 from vector<16xi32>
          %ge3A_261 = arith.constant 0 : i32
          %ge3A_262 = arith.cmpi sge, %reduce_sum3A_260, %ge3A_261 : i32
          %lt3A_263 = arith.constant 1664 : i32
          %lt3A_264 = arith.cmpi slt, %reduce_sum3A_260, %lt3A_263 : i32
          %and3A_265 = arith.andi %ge3A_262, %lt3A_264 : i1
          %convert_element_type3A_266 = arith.extui %and3A_265 : i1 to i32
          %cond3A_267 = arith.constant 0 : i32
          %cond3A_268 = arith.cmpi ne, %convert_element_type3A_266, %cond3A_267 : i32
          scf.if %cond3A_268 {
            %add3A_269 = arith.constant 112 : i32
            %add3A_270 = arith.addi %add3A_269, %scan3A_252 : i32
            %broadcast_in_dim3A_271 = arith.constant 0 : i32
            %broadcast_in_dim3A_272 = vector.broadcast %broadcast_in_dim3A_271 : i32 to vector<16xi32>
            %add3A_273 = vector.broadcast %reduce_sum3A_260 : i32 to vector<16xi32>
            %add3A_274 = arith.addi %broadcast_in_dim3A_272, %add3A_273 : vector<16xi32>
            %get3A_275 = arith.index_cast %add3A_270 : i32 to index
            %get3A_276 = arith.constant 0 : index
            %get3A_277 = tpu.vector_load %arg7[%get3A_275, %get3A_276] {strides = array<i32>} : memref<128x50xf32, #tpu.memory_space<vmem>>, vector<16xf32>,
            %add3A_278 = arith.constant 0 : i32
            %add3A_279 = vector.broadcast %add3A_278 : i32 to vector<16xi32>
            %add3A_280 = arith.addi %iota3A, %add3A_279 : vector<16xi32>
            tpu.vector_store_idx %arg8[%add3A_280, %add3A_274], %get3A_277 : memref<50x1664xf32, #tpu.memory_space<vmem>>[vector<16xi32>, vector<16xi32>], vector<16xf32>,
            %get3A_281 = arith.index_cast %add3A_270 : i32 to index
            %get3A_282 = arith.constant 16 : index
            %get3A_283 = tpu.vector_load %arg7[%get3A_281, %get3A_282] {strides = array<i32>} : memref<128x50xf32, #tpu.memory_space<vmem>>, vector<16xf32>,
            %add3A_284 = arith.constant 16 : i32
            %add3A_285 = vector.broadcast %add3A_284 : i32 to vector<16xi32>
            %add3A_286 = arith.addi %iota3A, %add3A_285 : vector<16xi32>
            tpu.vector_store_idx %arg8[%add3A_286, %add3A_274], %get3A_283 : memref<50x1664xf32, #tpu.memory_space<vmem>>[vector<16xi32>, vector<16xi32>], vector<16xf32>,
            %get3A_287 = arith.index_cast %add3A_270 : i32 to index
            %get3A_288 = arith.constant 32 : index
            %get3A_289 = tpu.vector_load %arg7[%get3A_287, %get3A_288] {strides = array<i32>} : memref<128x50xf32, #tpu.memory_space<vmem>>, vector<16xf32>,
            %add3A_290 = arith.constant 32 : i32
            %add3A_291 = vector.broadcast %add3A_290 : i32 to vector<16xi32>
            %add3A_292 = arith.addi %iota3A, %add3A_291 : vector<16xi32>
            tpu.vector_store_idx %arg8[%add3A_292, %add3A_274], %get3A_289 : memref<50x1664xf32, #tpu.memory_space<vmem>>[vector<16xi32>, vector<16xi32>], vector<16xf32>,
            %get3A_293 = arith.index_cast %add3A_270 : i32 to index
            %get3A_294 = arith.constant 34 : index
            %get3A_295 = tpu.vector_load %arg7[%get3A_293, %get3A_294] {strides = array<i32>} : memref<128x50xf32, #tpu.memory_space<vmem>>, vector<16xf32>,
            %add3A_296 = arith.constant 34 : i32
            %add3A_297 = vector.broadcast %add3A_296 : i32 to vector<16xi32>
            %add3A_298 = arith.addi %iota3A, %add3A_297 : vector<16xi32>
            tpu.vector_store_idx %arg8[%add3A_298, %add3A_274], %get3A_295 : memref<50x1664xf32, #tpu.memory_space<vmem>>[vector<16xi32>, vector<16xi32>], vector<16xf32>,
          } else {
          }
        }
        %scan3A_251 = arith.constant 16 : i32
      } else {
      }
      "tpu.region"() ({
        %run_scoped3A = tpu.sem_alloc : memref<!tpu.dma_semaphore, #tpu.memory_space<semaphore_mem>>
        %dma_start3A = arith.constant 0 : i32
        %dma_start3A_247 = arith.constant 0 : i32
        %dma_start3A_248 = tpu.memref_slice %arg8[%dma_start3A, %dma_start3A_247] : memref<50x1664xf32, #tpu.memory_space<vmem>> -> memref<50x1664xf32, #tpu.memory_space<vmem>>
        %dma_start3A_249 = arith.constant 0 : i32
        %dma_start3A_250 = tpu.memref_slice %arg5[%dma_start3A_249, %mul3A_22] : memref<50x100000xf32, #tpu.memory_space<hbm>> -> memref<50x1664xf32, #tpu.memory_space<hbm>>
        %dma_start3A_251 = arith.constant 0 : i32
        %dma_start3A_252 = tpu.memref_slice %arg5[%dma_start3A_251, %mul3A_22] : memref<50x100000xf32, #tpu.memory_space<hbm>> -> memref<50x1664xf32, #tpu.memory_space<hbm>>
        %dma_start3A_253 = arith.constant 0 : i32
        %dma_start3A_254 = arith.constant 0 : i32
        %dma_start3A_255 = tpu.memref_slice %arg8[%dma_start3A_253, %dma_start3A_254] : memref<50x1664xf32, #tpu.memory_space<vmem>> -> memref<50x1664xf32, #tpu.memory_space<vmem>>
        tpu.enqueue_dma source(%dma_start3A_255 : memref<50x1664xf32, #tpu.memory_space<vmem>>) target(%dma_start3A_252 : memref<50x1664xf32, #tpu.memory_space<hbm>>) target_semaphore(%run_scoped3A : memref<!tpu.dma_semaphore, #tpu.memory_space<semaphore_mem>>)
        %dma_wait3A = arith.constant 0 : i32
        %dma_wait3A_256 = arith.constant 0 : i32
        %dma_wait3A_257 = tpu.memref_slice %arg8[%dma_wait3A, %dma_wait3A_256] : memref<50x1664xf32, #tpu.memory_space<vmem>> -> memref<50x1664xf32, #tpu.memory_space<vmem>>
        %dma_wait3A_258 = arith.constant 0 : i32
        %dma_wait3A_259 = tpu.memref_slice %arg5[%dma_wait3A_258, %mul3A_22] : memref<50x100000xf32, #tpu.memory_space<hbm>> -> memref<50x1664xf32, #tpu.memory_space<hbm>>
        %dma_wait3A_260 = arith.constant 0 : i32
        %dma_wait3A_261 = tpu.memref_slice %arg5[%dma_wait3A_260, %mul3A_22] : memref<50x100000xf32, #tpu.memory_space<hbm>> -> memref<50x1664xf32, #tpu.memory_space<hbm>>
        %dma_wait3A_262 = arith.constant 0 : i32
        %dma_wait3A_263 = arith.constant 0 : i32
        %dma_wait3A_264 = tpu.memref_slice %arg8[%dma_wait3A_262, %dma_wait3A_263] : memref<50x1664xf32, #tpu.memory_space<vmem>> -> memref<50x1664xf32, #tpu.memory_space<vmem>>
        tpu.wait_dma2 semaphore(%run_scoped3A : memref<!tpu.dma_semaphore, #tpu.memory_space<semaphore_mem>>) src(%dma_wait3A_264 : memref<50x1664xf32, #tpu.memory_space<vmem>>) dst(%dma_wait3A_261 : memref<50x1664xf32, #tpu.memory_space<hbm>>)
        tpu.yield
      }) : () -> ()
    } else {
    }
    %ge3A = arith.constant 13 : i32
    %ge3A_5 = arith.cmpi sge, %add3A_2, %ge3A : i32
    %convert_element_type3A_6 = arith.extui %ge3A_5 : i1 to i32
    %cond3A_7 = arith.constant 0 : i32
    %cond3A_8 = arith.cmpi ne, %convert_element_type3A_6, %cond3A_7 : i32
    scf.if %cond3A_8 {
      %sub3A = arith.constant 13 : i32
      %sub3A_21 = arith.subi %add3A_2, %sub3A : i32
      %mul3A_22 = arith.constant 1536 : i32
      %mul3A_23 = arith.muli %sub3A_21, %mul3A_22 : i32
      %add3A_24 = arith.constant 21632 : i32
      %add3A_25 = arith.addi %add3A_24, %mul3A_23 : i32
      "tpu.region"() ({
        %run_scoped3A = tpu.sem_alloc : memref<!tpu.dma_semaphore, #tpu.memory_space<semaphore_mem>>
        %dma_start3A = arith.constant 0 : i32
        %dma_start3A_251 = arith.constant 0 : i32
        %dma_start3A_252 = tpu.memref_slice %arg8[%dma_start3A, %dma_start3A_251] : memref<50x1664xf32, #tpu.memory_space<vmem>> -> memref<50x1536xf32, #tpu.memory_space<vmem>>
        %dma_start3A_253 = arith.constant 0 : i32
        %dma_start3A_254 = tpu.memref_slice %arg2[%dma_start3A_253, %add3A_25] : memref<50x100000xf32, #tpu.memory_space<hbm>> -> memref<50x1536xf32, #tpu.memory_space<hbm>>
        %dma_start3A_255 = arith.constant 0 : i32
        %dma_start3A_256 = arith.constant 0 : i32
        %dma_start3A_257 = tpu.memref_slice %arg8[%dma_start3A_255, %dma_start3A_256] : memref<50x1664xf32, #tpu.memory_space<vmem>> -> memref<50x1536xf32, #tpu.memory_space<vmem>>
        %dma_start3A_258 = arith.constant 0 : i32
        %dma_start3A_259 = tpu.memref_slice %arg2[%dma_start3A_258, %add3A_25] : memref<50x100000xf32, #tpu.memory_space<hbm>> -> memref<50x1536xf32, #tpu.memory_space<hbm>>
        tpu.enqueue_dma source(%dma_start3A_259 : memref<50x1536xf32, #tpu.memory_space<hbm>>) target(%dma_start3A_257 : memref<50x1536xf32, #tpu.memory_space<vmem>>) target_semaphore(%run_scoped3A : memref<!tpu.dma_semaphore, #tpu.memory_space<semaphore_mem>>)
        %dma_wait3A = arith.constant 0 : i32
        %dma_wait3A_260 = arith.constant 0 : i32
        %dma_wait3A_261 = tpu.memref_slice %arg8[%dma_wait3A, %dma_wait3A_260] : memref<50x1664xf32, #tpu.memory_space<vmem>> -> memref<50x1536xf32, #tpu.memory_space<vmem>>
        %dma_wait3A_262 = arith.constant 0 : i32
        %dma_wait3A_263 = tpu.memref_slice %arg2[%dma_wait3A_262, %add3A_25] : memref<50x100000xf32, #tpu.memory_space<hbm>> -> memref<50x1536xf32, #tpu.memory_space<hbm>>
        %dma_wait3A_264 = arith.constant 0 : i32
        %dma_wait3A_265 = arith.constant 0 : i32
        %dma_wait3A_266 = tpu.memref_slice %arg8[%dma_wait3A_264, %dma_wait3A_265] : memref<50x1664xf32, #tpu.memory_space<vmem>> -> memref<50x1536xf32, #tpu.memory_space<vmem>>
        %dma_wait3A_267 = arith.constant 0 : i32
        %dma_wait3A_268 = tpu.memref_slice %arg2[%dma_wait3A_267, %add3A_25] : memref<50x100000xf32, #tpu.memory_space<hbm>> -> memref<50x1536xf32, #tpu.memory_space<hbm>>
        tpu.wait_dma2 semaphore(%run_scoped3A : memref<!tpu.dma_semaphore, #tpu.memory_space<semaphore_mem>>) src(%dma_wait3A_268 : memref<50x1536xf32, #tpu.memory_space<hbm>>) dst(%dma_wait3A_266 : memref<50x1536xf32, #tpu.memory_space<vmem>>)
        tpu.yield
      }) : () -> ()
      %get3A = arith.constant 0 : index
      %get3A_26 = tpu.vector_load %arg6[%get3A] {strides = array<i32>} : memref<128xi32, #tpu.memory_space<vmem>>, vector<16xi32>,
      %sub3A_27 = vector.broadcast %add3A_25 : i32 to vector<16xi32>
      %sub3A_28 = arith.subi %get3A_26, %sub3A_27 : vector<16xi32>
      %ge3A_29 = arith.constant 0 : i32
      %ge3A_30 = vector.broadcast %ge3A_29 : i32 to vector<16xi32>
      %ge3A_31 = arith.cmpi sge, %sub3A_28, %ge3A_30 : vector<16xi32>
      %lt3A_32 = arith.constant 1536 : i32
      %lt3A_33 = vector.broadcast %lt3A_32 : i32 to vector<16xi32>
      %lt3A_34 = arith.cmpi slt, %sub3A_28, %lt3A_33 : vector<16xi32>
      %and3A = arith.andi %ge3A_31, %lt3A_34 : vector<16xi1>
      %jit3A = arith.constant 1 : i32
      %jit3A_35 = arith.constant 0 : i32
      %broadcast_in_dim3A = vector.broadcast %jit3A : i32 to vector<16xi32>
      %broadcast_in_dim3A_36 = vector.broadcast %jit3A_35 : i32 to vector<16xi32>
      %select_n3A = arith.select %and3A, %broadcast_in_dim3A, %broadcast_in_dim3A_36 : vector<16xi1>, vector<16xi32>
      %reduce_max3A = arith.constant true
      %reduce_max3A_37 = vector.broadcast %reduce_max3A : i1 to vector<16xi1>
      %reduce_max3A_38 = arith.constant -2147483648 : i32
      %reduce_max3A_39 = vector.broadcast %reduce_max3A_38 : i32 to vector<16xi32>
      %reduce_max3A_40 = arith.xori %select_n3A, %reduce_max3A_39 : vector<16xi32>
      %reduce_max3A_41 = tpu.scan <max>, %reduce_max3A_40 masked %reduce_max3A_37 : vector<16xi32>, vector<16xi1> -> vector<16xi32>
      %reduce_max3A_42 = arith.xori %reduce_max3A_41, %reduce_max3A_39 : vector<16xi32>
      %reduce_max3A_43 = vector.extract %reduce_max3A_42[15] : i32 from vector<16xi32>
      %gt3A = arith.constant 0 : i32
      %gt3A_44 = arith.cmpi sgt, %reduce_max3A_43, %gt3A : i32
      %convert_element_type3A_45 = arith.extui %gt3A_44 : i1 to i32
      %cond3A_46 = arith.constant 0 : i32
      %cond3A_47 = arith.cmpi ne, %convert_element_type3A_45, %cond3A_46 : i32
      scf.if %cond3A_47 {
        %scan3A = arith.constant 0 : i32
        %scan3A_251 = arith.constant 0 : i32
        %scan3A_252 = arith.constant 16 : i32
        %scan3A_253 = arith.addi %scan3A_251, %scan3A_252 : i32
        %scan3A_254 = arith.constant 1 : i32
        scf.for %scan3A_256 = %scan3A_251 to %scan3A_253 step %scan3A_254  : i32 {
          %iota3A_257 = tpu.iota {dimensions = array<i32: 0>} : vector<16xi32>
          %eq3A = vector.broadcast %scan3A_256 : i32 to vector<16xi32>
          %eq3A_258 = arith.cmpi eq, %iota3A_257, %eq3A : vector<16xi32>
          %jit3A_259 = arith.constant 0 : i32
          %broadcast_in_dim3A_260 = vector.broadcast %jit3A_259 : i32 to vector<16xi32>
          %select_n3A_261 = arith.select %eq3A_258, %sub3A_28, %broadcast_in_dim3A_260 : vector<16xi1>, vector<16xi32>
          %reduce_sum3A = arith.constant true
          %reduce_sum3A_262 = vector.broadcast %reduce_sum3A : i1 to vector<16xi1>
          %reduce_sum3A_263 = tpu.scan <sum>, %select_n3A_261 masked %reduce_sum3A_262 : vector<16xi32>, vector<16xi1> -> vector<16xi32>
          %reduce_sum3A_264 = vector.extract %reduce_sum3A_263[15] : i32 from vector<16xi32>
          %ge3A_265 = arith.constant 0 : i32
          %ge3A_266 = arith.cmpi sge, %reduce_sum3A_264, %ge3A_265 : i32
          %lt3A_267 = arith.constant 1536 : i32
          %lt3A_268 = arith.cmpi slt, %reduce_sum3A_264, %lt3A_267 : i32
          %and3A_269 = arith.andi %ge3A_266, %lt3A_268 : i1
          %convert_element_type3A_270 = arith.extui %and3A_269 : i1 to i32
          %cond3A_271 = arith.constant 0 : i32
          %cond3A_272 = arith.cmpi ne, %convert_element_type3A_270, %cond3A_271 : i32
          scf.if %cond3A_272 {
            %add3A_273 = arith.constant 0 : i32
            %add3A_274 = arith.addi %add3A_273, %scan3A_256 : i32
            %broadcast_in_dim3A_275 = arith.constant 0 : i32
            %broadcast_in_dim3A_276 = vector.broadcast %broadcast_in_dim3A_275 : i32 to vector<16xi32>
            %add3A_277 = vector.broadcast %reduce_sum3A_264 : i32 to vector<16xi32>
            %add3A_278 = arith.addi %broadcast_in_dim3A_276, %add3A_277 : vector<16xi32>
            %get3A_279 = arith.index_cast %add3A_274 : i32 to index
            %get3A_280 = arith.constant 0 : index
            %get3A_281 = tpu.vector_load %arg7[%get3A_279, %get3A_280] {strides = array<i32>} : memref<128x50xf32, #tpu.memory_space<vmem>>, vector<16xf32>,
            %add3A_282 = arith.constant 0 : i32
            %add3A_283 = vector.broadcast %add3A_282 : i32 to vector<16xi32>
            %add3A_284 = arith.addi %iota3A, %add3A_283 : vector<16xi32>
            tpu.vector_store_idx %arg8[%add3A_284, %add3A_278], %get3A_281 : memref<50x1664xf32, #tpu.memory_space<vmem>>[vector<16xi32>, vector<16xi32>], vector<16xf32>,
            %get3A_285 = arith.index_cast %add3A_274 : i32 to index
            %get3A_286 = arith.constant 16 : index
            %get3A_287 = tpu.vector_load %arg7[%get3A_285, %get3A_286] {strides = array<i32>} : memref<128x50xf32, #tpu.memory_space<vmem>>, vector<16xf32>,
            %add3A_288 = arith.constant 16 : i32
            %add3A_289 = vector.broadcast %add3A_288 : i32 to vector<16xi32>
            %add3A_290 = arith.addi %iota3A, %add3A_289 : vector<16xi32>
            tpu.vector_store_idx %arg8[%add3A_290, %add3A_278], %get3A_287 : memref<50x1664xf32, #tpu.memory_space<vmem>>[vector<16xi32>, vector<16xi32>], vector<16xf32>,
            %get3A_291 = arith.index_cast %add3A_274 : i32 to index
            %get3A_292 = arith.constant 32 : index
            %get3A_293 = tpu.vector_load %arg7[%get3A_291, %get3A_292] {strides = array<i32>} : memref<128x50xf32, #tpu.memory_space<vmem>>, vector<16xf32>,
            %add3A_294 = arith.constant 32 : i32
            %add3A_295 = vector.broadcast %add3A_294 : i32 to vector<16xi32>
            %add3A_296 = arith.addi %iota3A, %add3A_295 : vector<16xi32>
            tpu.vector_store_idx %arg8[%add3A_296, %add3A_278], %get3A_293 : memref<50x1664xf32, #tpu.memory_space<vmem>>[vector<16xi32>, vector<16xi32>], vector<16xf32>,
            %get3A_297 = arith.index_cast %add3A_274 : i32 to index
            %get3A_298 = arith.constant 34 : index
            %get3A_299 = tpu.vector_load %arg7[%get3A_297, %get3A_298] {strides = array<i32>} : memref<128x50xf32, #tpu.memory_space<vmem>>, vector<16xf32>,
            %add3A_300 = arith.constant 34 : i32
            %add3A_301 = vector.broadcast %add3A_300 : i32 to vector<16xi32>
            %add3A_302 = arith.addi %iota3A, %add3A_301 : vector<16xi32>
            tpu.vector_store_idx %arg8[%add3A_302, %add3A_278], %get3A_299 : memref<50x1664xf32, #tpu.memory_space<vmem>>[vector<16xi32>, vector<16xi32>], vector<16xf32>,
          } else {
          }
        }
        %scan3A_255 = arith.constant 16 : i32
      } else {
      }
      %get3A_48 = arith.constant 16 : index
      %get3A_49 = tpu.vector_load %arg6[%get3A_48] {strides = array<i32>} : memref<128xi32, #tpu.memory_space<vmem>>, vector<16xi32>,
      %sub3A_50 = vector.broadcast %add3A_25 : i32 to vector<16xi32>
      %sub3A_51 = arith.subi %get3A_49, %sub3A_50 : vector<16xi32>
      %ge3A_52 = arith.constant 0 : i32
      %ge3A_53 = vector.broadcast %ge3A_52 : i32 to vector<16xi32>
      %ge3A_54 = arith.cmpi sge, %sub3A_51, %ge3A_53 : vector<16xi32>
      %lt3A_55 = arith.constant 1536 : i32
      %lt3A_56 = vector.broadcast %lt3A_55 : i32 to vector<16xi32>
      %lt3A_57 = arith.cmpi slt, %sub3A_51, %lt3A_56 : vector<16xi32>
      %and3A_58 = arith.andi %ge3A_54, %lt3A_57 : vector<16xi1>
      %jit3A_59 = arith.constant 1 : i32
      %jit3A_60 = arith.constant 0 : i32
      %broadcast_in_dim3A_61 = vector.broadcast %jit3A_59 : i32 to vector<16xi32>
      %broadcast_in_dim3A_62 = vector.broadcast %jit3A_60 : i32 to vector<16xi32>
      %select_n3A_63 = arith.select %and3A_58, %broadcast_in_dim3A_61, %broadcast_in_dim3A_62 : vector<16xi1>, vector<16xi32>
      %reduce_max3A_64 = arith.constant true
      %reduce_max3A_65 = vector.broadcast %reduce_max3A_64 : i1 to vector<16xi1>
      %reduce_max3A_66 = arith.constant -2147483648 : i32
      %reduce_max3A_67 = vector.broadcast %reduce_max3A_66 : i32 to vector<16xi32>
      %reduce_max3A_68 = arith.xori %select_n3A_63, %reduce_max3A_67 : vector<16xi32>
      %reduce_max3A_69 = tpu.scan <max>, %reduce_max3A_68 masked %reduce_max3A_65 : vector<16xi32>, vector<16xi1> -> vector<16xi32>
      %reduce_max3A_70 = arith.xori %reduce_max3A_69, %reduce_max3A_67 : vector<16xi32>
      %reduce_max3A_71 = vector.extract %reduce_max3A_70[15] : i32 from vector<16xi32>
      %gt3A_72 = arith.constant 0 : i32
      %gt3A_73 = arith.cmpi sgt, %reduce_max3A_71, %gt3A_72 : i32
      %convert_element_type3A_74 = arith.extui %gt3A_73 : i1 to i32
      %cond3A_75 = arith.constant 0 : i32
      %cond3A_76 = arith.cmpi ne, %convert_element_type3A_74, %cond3A_75 : i32
      scf.if %cond3A_76 {
        %scan3A = arith.constant 0 : i32
        %scan3A_251 = arith.constant 0 : i32
        %scan3A_252 = arith.constant 16 : i32
        %scan3A_253 = arith.addi %scan3A_251, %scan3A_252 : i32
        %scan3A_254 = arith.constant 1 : i32
        scf.for %scan3A_256 = %scan3A_251 to %scan3A_253 step %scan3A_254  : i32 {
          %iota3A_257 = tpu.iota {dimensions = array<i32: 0>} : vector<16xi32>
          %eq3A = vector.broadcast %scan3A_256 : i32 to vector<16xi32>
          %eq3A_258 = arith.cmpi eq, %iota3A_257, %eq3A : vector<16xi32>
          %jit3A_259 = arith.constant 0 : i32
          %broadcast_in_dim3A_260 = vector.broadcast %jit3A_259 : i32 to vector<16xi32>
          %select_n3A_261 = arith.select %eq3A_258, %sub3A_51, %broadcast_in_dim3A_260 : vector<16xi1>, vector<16xi32>
          %reduce_sum3A = arith.constant true
          %reduce_sum3A_262 = vector.broadcast %reduce_sum3A : i1 to vector<16xi1>
          %reduce_sum3A_263 = tpu.scan <sum>, %select_n3A_261 masked %reduce_sum3A_262 : vector<16xi32>, vector<16xi1> -> vector<16xi32>
          %reduce_sum3A_264 = vector.extract %reduce_sum3A_263[15] : i32 from vector<16xi32>
          %ge3A_265 = arith.constant 0 : i32
          %ge3A_266 = arith.cmpi sge, %reduce_sum3A_264, %ge3A_265 : i32
          %lt3A_267 = arith.constant 1536 : i32
          %lt3A_268 = arith.cmpi slt, %reduce_sum3A_264, %lt3A_267 : i32
          %and3A_269 = arith.andi %ge3A_266, %lt3A_268 : i1
          %convert_element_type3A_270 = arith.extui %and3A_269 : i1 to i32
          %cond3A_271 = arith.constant 0 : i32
          %cond3A_272 = arith.cmpi ne, %convert_element_type3A_270, %cond3A_271 : i32
          scf.if %cond3A_272 {
            %add3A_273 = arith.constant 16 : i32
            %add3A_274 = arith.addi %add3A_273, %scan3A_256 : i32
            %broadcast_in_dim3A_275 = arith.constant 0 : i32
            %broadcast_in_dim3A_276 = vector.broadcast %broadcast_in_dim3A_275 : i32 to vector<16xi32>
            %add3A_277 = vector.broadcast %reduce_sum3A_264 : i32 to vector<16xi32>
            %add3A_278 = arith.addi %broadcast_in_dim3A_276, %add3A_277 : vector<16xi32>
            %get3A_279 = arith.index_cast %add3A_274 : i32 to index
            %get3A_280 = arith.constant 0 : index
            %get3A_281 = tpu.vector_load %arg7[%get3A_279, %get3A_280] {strides = array<i32>} : memref<128x50xf32, #tpu.memory_space<vmem>>, vector<16xf32>,
            %add3A_282 = arith.constant 0 : i32
            %add3A_283 = vector.broadcast %add3A_282 : i32 to vector<16xi32>
            %add3A_284 = arith.addi %iota3A, %add3A_283 : vector<16xi32>
            tpu.vector_store_idx %arg8[%add3A_284, %add3A_278], %get3A_281 : memref<50x1664xf32, #tpu.memory_space<vmem>>[vector<16xi32>, vector<16xi32>], vector<16xf32>,
            %get3A_285 = arith.index_cast %add3A_274 : i32 to index
            %get3A_286 = arith.constant 16 : index
            %get3A_287 = tpu.vector_load %arg7[%get3A_285, %get3A_286] {strides = array<i32>} : memref<128x50xf32, #tpu.memory_space<vmem>>, vector<16xf32>,
            %add3A_288 = arith.constant 16 : i32
            %add3A_289 = vector.broadcast %add3A_288 : i32 to vector<16xi32>
            %add3A_290 = arith.addi %iota3A, %add3A_289 : vector<16xi32>
            tpu.vector_store_idx %arg8[%add3A_290, %add3A_278], %get3A_287 : memref<50x1664xf32, #tpu.memory_space<vmem>>[vector<16xi32>, vector<16xi32>], vector<16xf32>,
            %get3A_291 = arith.index_cast %add3A_274 : i32 to index
            %get3A_292 = arith.constant 32 : index
            %get3A_293 = tpu.vector_load %arg7[%get3A_291, %get3A_292] {strides = array<i32>} : memref<128x50xf32, #tpu.memory_space<vmem>>, vector<16xf32>,
            %add3A_294 = arith.constant 32 : i32
            %add3A_295 = vector.broadcast %add3A_294 : i32 to vector<16xi32>
            %add3A_296 = arith.addi %iota3A, %add3A_295 : vector<16xi32>
            tpu.vector_store_idx %arg8[%add3A_296, %add3A_278], %get3A_293 : memref<50x1664xf32, #tpu.memory_space<vmem>>[vector<16xi32>, vector<16xi32>], vector<16xf32>,
            %get3A_297 = arith.index_cast %add3A_274 : i32 to index
            %get3A_298 = arith.constant 34 : index
            %get3A_299 = tpu.vector_load %arg7[%get3A_297, %get3A_298] {strides = array<i32>} : memref<128x50xf32, #tpu.memory_space<vmem>>, vector<16xf32>,
            %add3A_300 = arith.constant 34 : i32
            %add3A_301 = vector.broadcast %add3A_300 : i32 to vector<16xi32>
            %add3A_302 = arith.addi %iota3A, %add3A_301 : vector<16xi32>
            tpu.vector_store_idx %arg8[%add3A_302, %add3A_278], %get3A_299 : memref<50x1664xf32, #tpu.memory_space<vmem>>[vector<16xi32>, vector<16xi32>], vector<16xf32>,
          } else {
          }
        }
        %scan3A_255 = arith.constant 16 : i32
      } else {
      }
      %get3A_77 = arith.constant 32 : index
      %get3A_78 = tpu.vector_load %arg6[%get3A_77] {strides = array<i32>} : memref<128xi32, #tpu.memory_space<vmem>>, vector<16xi32>,
      %sub3A_79 = vector.broadcast %add3A_25 : i32 to vector<16xi32>
      %sub3A_80 = arith.subi %get3A_78, %sub3A_79 : vector<16xi32>
      %ge3A_81 = arith.constant 0 : i32
      %ge3A_82 = vector.broadcast %ge3A_81 : i32 to vector<16xi32>
      %ge3A_83 = arith.cmpi sge, %sub3A_80, %ge3A_82 : vector<16xi32>
      %lt3A_84 = arith.constant 1536 : i32
      %lt3A_85 = vector.broadcast %lt3A_84 : i32 to vector<16xi32>
      %lt3A_86 = arith.cmpi slt, %sub3A_80, %lt3A_85 : vector<16xi32>
      %and3A_87 = arith.andi %ge3A_83, %lt3A_86 : vector<16xi1>
      %jit3A_88 = arith.constant 1 : i32
      %jit3A_89 = arith.constant 0 : i32
      %broadcast_in_dim3A_90 = vector.broadcast %jit3A_88 : i32 to vector<16xi32>
      %broadcast_in_dim3A_91 = vector.broadcast %jit3A_89 : i32 to vector<16xi32>
      %select_n3A_92 = arith.select %and3A_87, %broadcast_in_dim3A_90, %broadcast_in_dim3A_91 : vector<16xi1>, vector<16xi32>
      %reduce_max3A_93 = arith.constant true
      %reduce_max3A_94 = vector.broadcast %reduce_max3A_93 : i1 to vector<16xi1>
      %reduce_max3A_95 = arith.constant -2147483648 : i32
      %reduce_max3A_96 = vector.broadcast %reduce_max3A_95 : i32 to vector<16xi32>
      %reduce_max3A_97 = arith.xori %select_n3A_92, %reduce_max3A_96 : vector<16xi32>
      %reduce_max3A_98 = tpu.scan <max>, %reduce_max3A_97 masked %reduce_max3A_94 : vector<16xi32>, vector<16xi1> -> vector<16xi32>
      %reduce_max3A_99 = arith.xori %reduce_max3A_98, %reduce_max3A_96 : vector<16xi32>
      %reduce_max3A_100 = vector.extract %reduce_max3A_99[15] : i32 from vector<16xi32>
      %gt3A_101 = arith.constant 0 : i32
      %gt3A_102 = arith.cmpi sgt, %reduce_max3A_100, %gt3A_101 : i32
      %convert_element_type3A_103 = arith.extui %gt3A_102 : i1 to i32
      %cond3A_104 = arith.constant 0 : i32
      %cond3A_105 = arith.cmpi ne, %convert_element_type3A_103, %cond3A_104 : i32
      scf.if %cond3A_105 {
        %scan3A = arith.constant 0 : i32
        %scan3A_251 = arith.constant 0 : i32
        %scan3A_252 = arith.constant 16 : i32
        %scan3A_253 = arith.addi %scan3A_251, %scan3A_252 : i32
        %scan3A_254 = arith.constant 1 : i32
        scf.for %scan3A_256 = %scan3A_251 to %scan3A_253 step %scan3A_254  : i32 {
          %iota3A_257 = tpu.iota {dimensions = array<i32: 0>} : vector<16xi32>
          %eq3A = vector.broadcast %scan3A_256 : i32 to vector<16xi32>
          %eq3A_258 = arith.cmpi eq, %iota3A_257, %eq3A : vector<16xi32>
          %jit3A_259 = arith.constant 0 : i32
          %broadcast_in_dim3A_260 = vector.broadcast %jit3A_259 : i32 to vector<16xi32>
          %select_n3A_261 = arith.select %eq3A_258, %sub3A_80, %broadcast_in_dim3A_260 : vector<16xi1>, vector<16xi32>
          %reduce_sum3A = arith.constant true
          %reduce_sum3A_262 = vector.broadcast %reduce_sum3A : i1 to vector<16xi1>
          %reduce_sum3A_263 = tpu.scan <sum>, %select_n3A_261 masked %reduce_sum3A_262 : vector<16xi32>, vector<16xi1> -> vector<16xi32>
          %reduce_sum3A_264 = vector.extract %reduce_sum3A_263[15] : i32 from vector<16xi32>
          %ge3A_265 = arith.constant 0 : i32
          %ge3A_266 = arith.cmpi sge, %reduce_sum3A_264, %ge3A_265 : i32
          %lt3A_267 = arith.constant 1536 : i32
          %lt3A_268 = arith.cmpi slt, %reduce_sum3A_264, %lt3A_267 : i32
          %and3A_269 = arith.andi %ge3A_266, %lt3A_268 : i1
          %convert_element_type3A_270 = arith.extui %and3A_269 : i1 to i32
          %cond3A_271 = arith.constant 0 : i32
          %cond3A_272 = arith.cmpi ne, %convert_element_type3A_270, %cond3A_271 : i32
          scf.if %cond3A_272 {
            %add3A_273 = arith.constant 32 : i32
            %add3A_274 = arith.addi %add3A_273, %scan3A_256 : i32
            %broadcast_in_dim3A_275 = arith.constant 0 : i32
            %broadcast_in_dim3A_276 = vector.broadcast %broadcast_in_dim3A_275 : i32 to vector<16xi32>
            %add3A_277 = vector.broadcast %reduce_sum3A_264 : i32 to vector<16xi32>
            %add3A_278 = arith.addi %broadcast_in_dim3A_276, %add3A_277 : vector<16xi32>
            %get3A_279 = arith.index_cast %add3A_274 : i32 to index
            %get3A_280 = arith.constant 0 : index
            %get3A_281 = tpu.vector_load %arg7[%get3A_279, %get3A_280] {strides = array<i32>} : memref<128x50xf32, #tpu.memory_space<vmem>>, vector<16xf32>,
            %add3A_282 = arith.constant 0 : i32
            %add3A_283 = vector.broadcast %add3A_282 : i32 to vector<16xi32>
            %add3A_284 = arith.addi %iota3A, %add3A_283 : vector<16xi32>
            tpu.vector_store_idx %arg8[%add3A_284, %add3A_278], %get3A_281 : memref<50x1664xf32, #tpu.memory_space<vmem>>[vector<16xi32>, vector<16xi32>], vector<16xf32>,
            %get3A_285 = arith.index_cast %add3A_274 : i32 to index
            %get3A_286 = arith.constant 16 : index
            %get3A_287 = tpu.vector_load %arg7[%get3A_285, %get3A_286] {strides = array<i32>} : memref<128x50xf32, #tpu.memory_space<vmem>>, vector<16xf32>,
            %add3A_288 = arith.constant 16 : i32
            %add3A_289 = vector.broadcast %add3A_288 : i32 to vector<16xi32>
            %add3A_290 = arith.addi %iota3A, %add3A_289 : vector<16xi32>
            tpu.vector_store_idx %arg8[%add3A_290, %add3A_278], %get3A_287 : memref<50x1664xf32, #tpu.memory_space<vmem>>[vector<16xi32>, vector<16xi32>], vector<16xf32>,
            %get3A_291 = arith.index_cast %add3A_274 : i32 to index
            %get3A_292 = arith.constant 32 : index
            %get3A_293 = tpu.vector_load %arg7[%get3A_291, %get3A_292] {strides = array<i32>} : memref<128x50xf32, #tpu.memory_space<vmem>>, vector<16xf32>,
            %add3A_294 = arith.constant 32 : i32
            %add3A_295 = vector.broadcast %add3A_294 : i32 to vector<16xi32>
            %add3A_296 = arith.addi %iota3A, %add3A_295 : vector<16xi32>
            tpu.vector_store_idx %arg8[%add3A_296, %add3A_278], %get3A_293 : memref<50x1664xf32, #tpu.memory_space<vmem>>[vector<16xi32>, vector<16xi32>], vector<16xf32>,
            %get3A_297 = arith.index_cast %add3A_274 : i32 to index
            %get3A_298 = arith.constant 34 : index
            %get3A_299 = tpu.vector_load %arg7[%get3A_297, %get3A_298] {strides = array<i32>} : memref<128x50xf32, #tpu.memory_space<vmem>>, vector<16xf32>,
            %add3A_300 = arith.constant 34 : i32
            %add3A_301 = vector.broadcast %add3A_300 : i32 to vector<16xi32>
            %add3A_302 = arith.addi %iota3A, %add3A_301 : vector<16xi32>
            tpu.vector_store_idx %arg8[%add3A_302, %add3A_278], %get3A_299 : memref<50x1664xf32, #tpu.memory_space<vmem>>[vector<16xi32>, vector<16xi32>], vector<16xf32>,
          } else {
          }
        }
        %scan3A_255 = arith.constant 16 : i32
      } else {
      }
      %get3A_106 = arith.constant 48 : index
      %get3A_107 = tpu.vector_load %arg6[%get3A_106] {strides = array<i32>} : memref<128xi32, #tpu.memory_space<vmem>>, vector<16xi32>,
      %sub3A_108 = vector.broadcast %add3A_25 : i32 to vector<16xi32>
      %sub3A_109 = arith.subi %get3A_107, %sub3A_108 : vector<16xi32>
      %ge3A_110 = arith.constant 0 : i32
      %ge3A_111 = vector.broadcast %ge3A_110 : i32 to vector<16xi32>
      %ge3A_112 = arith.cmpi sge, %sub3A_109, %ge3A_111 : vector<16xi32>
      %lt3A_113 = arith.constant 1536 : i32
      %lt3A_114 = vector.broadcast %lt3A_113 : i32 to vector<16xi32>
      %lt3A_115 = arith.cmpi slt, %sub3A_109, %lt3A_114 : vector<16xi32>
      %and3A_116 = arith.andi %ge3A_112, %lt3A_115 : vector<16xi1>
      %jit3A_117 = arith.constant 1 : i32
      %jit3A_118 = arith.constant 0 : i32
      %broadcast_in_dim3A_119 = vector.broadcast %jit3A_117 : i32 to vector<16xi32>
      %broadcast_in_dim3A_120 = vector.broadcast %jit3A_118 : i32 to vector<16xi32>
      %select_n3A_121 = arith.select %and3A_116, %broadcast_in_dim3A_119, %broadcast_in_dim3A_120 : vector<16xi1>, vector<16xi32>
      %reduce_max3A_122 = arith.constant true
      %reduce_max3A_123 = vector.broadcast %reduce_max3A_122 : i1 to vector<16xi1>
      %reduce_max3A_124 = arith.constant -2147483648 : i32
      %reduce_max3A_125 = vector.broadcast %reduce_max3A_124 : i32 to vector<16xi32>
      %reduce_max3A_126 = arith.xori %select_n3A_121, %reduce_max3A_125 : vector<16xi32>
      %reduce_max3A_127 = tpu.scan <max>, %reduce_max3A_126 masked %reduce_max3A_123 : vector<16xi32>, vector<16xi1> -> vector<16xi32>
      %reduce_max3A_128 = arith.xori %reduce_max3A_127, %reduce_max3A_125 : vector<16xi32>
      %reduce_max3A_129 = vector.extract %reduce_max3A_128[15] : i32 from vector<16xi32>
      %gt3A_130 = arith.constant 0 : i32
      %gt3A_131 = arith.cmpi sgt, %reduce_max3A_129, %gt3A_130 : i32
      %convert_element_type3A_132 = arith.extui %gt3A_131 : i1 to i32
      %cond3A_133 = arith.constant 0 : i32
      %cond3A_134 = arith.cmpi ne, %convert_element_type3A_132, %cond3A_133 : i32
      scf.if %cond3A_134 {
        %scan3A = arith.constant 0 : i32
        %scan3A_251 = arith.constant 0 : i32
        %scan3A_252 = arith.constant 16 : i32
        %scan3A_253 = arith.addi %scan3A_251, %scan3A_252 : i32
        %scan3A_254 = arith.constant 1 : i32
        scf.for %scan3A_256 = %scan3A_251 to %scan3A_253 step %scan3A_254  : i32 {
          %iota3A_257 = tpu.iota {dimensions = array<i32: 0>} : vector<16xi32>
          %eq3A = vector.broadcast %scan3A_256 : i32 to vector<16xi32>
          %eq3A_258 = arith.cmpi eq, %iota3A_257, %eq3A : vector<16xi32>
          %jit3A_259 = arith.constant 0 : i32
          %broadcast_in_dim3A_260 = vector.broadcast %jit3A_259 : i32 to vector<16xi32>
          %select_n3A_261 = arith.select %eq3A_258, %sub3A_109, %broadcast_in_dim3A_260 : vector<16xi1>, vector<16xi32>
          %reduce_sum3A = arith.constant true
          %reduce_sum3A_262 = vector.broadcast %reduce_sum3A : i1 to vector<16xi1>
          %reduce_sum3A_263 = tpu.scan <sum>, %select_n3A_261 masked %reduce_sum3A_262 : vector<16xi32>, vector<16xi1> -> vector<16xi32>
          %reduce_sum3A_264 = vector.extract %reduce_sum3A_263[15] : i32 from vector<16xi32>
          %ge3A_265 = arith.constant 0 : i32
          %ge3A_266 = arith.cmpi sge, %reduce_sum3A_264, %ge3A_265 : i32
          %lt3A_267 = arith.constant 1536 : i32
          %lt3A_268 = arith.cmpi slt, %reduce_sum3A_264, %lt3A_267 : i32
          %and3A_269 = arith.andi %ge3A_266, %lt3A_268 : i1
          %convert_element_type3A_270 = arith.extui %and3A_269 : i1 to i32
          %cond3A_271 = arith.constant 0 : i32
          %cond3A_272 = arith.cmpi ne, %convert_element_type3A_270, %cond3A_271 : i32
          scf.if %cond3A_272 {
            %add3A_273 = arith.constant 48 : i32
            %add3A_274 = arith.addi %add3A_273, %scan3A_256 : i32
            %broadcast_in_dim3A_275 = arith.constant 0 : i32
            %broadcast_in_dim3A_276 = vector.broadcast %broadcast_in_dim3A_275 : i32 to vector<16xi32>
            %add3A_277 = vector.broadcast %reduce_sum3A_264 : i32 to vector<16xi32>
            %add3A_278 = arith.addi %broadcast_in_dim3A_276, %add3A_277 : vector<16xi32>
            %get3A_279 = arith.index_cast %add3A_274 : i32 to index
            %get3A_280 = arith.constant 0 : index
            %get3A_281 = tpu.vector_load %arg7[%get3A_279, %get3A_280] {strides = array<i32>} : memref<128x50xf32, #tpu.memory_space<vmem>>, vector<16xf32>,
            %add3A_282 = arith.constant 0 : i32
            %add3A_283 = vector.broadcast %add3A_282 : i32 to vector<16xi32>
            %add3A_284 = arith.addi %iota3A, %add3A_283 : vector<16xi32>
            tpu.vector_store_idx %arg8[%add3A_284, %add3A_278], %get3A_281 : memref<50x1664xf32, #tpu.memory_space<vmem>>[vector<16xi32>, vector<16xi32>], vector<16xf32>,
            %get3A_285 = arith.index_cast %add3A_274 : i32 to index
            %get3A_286 = arith.constant 16 : index
            %get3A_287 = tpu.vector_load %arg7[%get3A_285, %get3A_286] {strides = array<i32>} : memref<128x50xf32, #tpu.memory_space<vmem>>, vector<16xf32>,
            %add3A_288 = arith.constant 16 : i32
            %add3A_289 = vector.broadcast %add3A_288 : i32 to vector<16xi32>
            %add3A_290 = arith.addi %iota3A, %add3A_289 : vector<16xi32>
            tpu.vector_store_idx %arg8[%add3A_290, %add3A_278], %get3A_287 : memref<50x1664xf32, #tpu.memory_space<vmem>>[vector<16xi32>, vector<16xi32>], vector<16xf32>,
            %get3A_291 = arith.index_cast %add3A_274 : i32 to index
            %get3A_292 = arith.constant 32 : index
            %get3A_293 = tpu.vector_load %arg7[%get3A_291, %get3A_292] {strides = array<i32>} : memref<128x50xf32, #tpu.memory_space<vmem>>, vector<16xf32>,
            %add3A_294 = arith.constant 32 : i32
            %add3A_295 = vector.broadcast %add3A_294 : i32 to vector<16xi32>
            %add3A_296 = arith.addi %iota3A, %add3A_295 : vector<16xi32>
            tpu.vector_store_idx %arg8[%add3A_296, %add3A_278], %get3A_293 : memref<50x1664xf32, #tpu.memory_space<vmem>>[vector<16xi32>, vector<16xi32>], vector<16xf32>,
            %get3A_297 = arith.index_cast %add3A_274 : i32 to index
            %get3A_298 = arith.constant 34 : index
            %get3A_299 = tpu.vector_load %arg7[%get3A_297, %get3A_298] {strides = array<i32>} : memref<128x50xf32, #tpu.memory_space<vmem>>, vector<16xf32>,
            %add3A_300 = arith.constant 34 : i32
            %add3A_301 = vector.broadcast %add3A_300 : i32 to vector<16xi32>
            %add3A_302 = arith.addi %iota3A, %add3A_301 : vector<16xi32>
            tpu.vector_store_idx %arg8[%add3A_302, %add3A_278], %get3A_299 : memref<50x1664xf32, #tpu.memory_space<vmem>>[vector<16xi32>, vector<16xi32>], vector<16xf32>,
          } else {
          }
        }
        %scan3A_255 = arith.constant 16 : i32
      } else {
      }
      %get3A_135 = arith.constant 64 : index
      %get3A_136 = tpu.vector_load %arg6[%get3A_135] {strides = array<i32>} : memref<128xi32, #tpu.memory_space<vmem>>, vector<16xi32>,
      %sub3A_137 = vector.broadcast %add3A_25 : i32 to vector<16xi32>
      %sub3A_138 = arith.subi %get3A_136, %sub3A_137 : vector<16xi32>
      %ge3A_139 = arith.constant 0 : i32
      %ge3A_140 = vector.broadcast %ge3A_139 : i32 to vector<16xi32>
      %ge3A_141 = arith.cmpi sge, %sub3A_138, %ge3A_140 : vector<16xi32>
      %lt3A_142 = arith.constant 1536 : i32
      %lt3A_143 = vector.broadcast %lt3A_142 : i32 to vector<16xi32>
      %lt3A_144 = arith.cmpi slt, %sub3A_138, %lt3A_143 : vector<16xi32>
      %and3A_145 = arith.andi %ge3A_141, %lt3A_144 : vector<16xi1>
      %jit3A_146 = arith.constant 1 : i32
      %jit3A_147 = arith.constant 0 : i32
      %broadcast_in_dim3A_148 = vector.broadcast %jit3A_146 : i32 to vector<16xi32>
      %broadcast_in_dim3A_149 = vector.broadcast %jit3A_147 : i32 to vector<16xi32>
      %select_n3A_150 = arith.select %and3A_145, %broadcast_in_dim3A_148, %broadcast_in_dim3A_149 : vector<16xi1>, vector<16xi32>
      %reduce_max3A_151 = arith.constant true
      %reduce_max3A_152 = vector.broadcast %reduce_max3A_151 : i1 to vector<16xi1>
      %reduce_max3A_153 = arith.constant -2147483648 : i32
      %reduce_max3A_154 = vector.broadcast %reduce_max3A_153 : i32 to vector<16xi32>
      %reduce_max3A_155 = arith.xori %select_n3A_150, %reduce_max3A_154 : vector<16xi32>
      %reduce_max3A_156 = tpu.scan <max>, %reduce_max3A_155 masked %reduce_max3A_152 : vector<16xi32>, vector<16xi1> -> vector<16xi32>
      %reduce_max3A_157 = arith.xori %reduce_max3A_156, %reduce_max3A_154 : vector<16xi32>
      %reduce_max3A_158 = vector.extract %reduce_max3A_157[15] : i32 from vector<16xi32>
      %gt3A_159 = arith.constant 0 : i32
      %gt3A_160 = arith.cmpi sgt, %reduce_max3A_158, %gt3A_159 : i32
      %convert_element_type3A_161 = arith.extui %gt3A_160 : i1 to i32
      %cond3A_162 = arith.constant 0 : i32
      %cond3A_163 = arith.cmpi ne, %convert_element_type3A_161, %cond3A_162 : i32
      scf.if %cond3A_163 {
        %scan3A = arith.constant 0 : i32
        %scan3A_251 = arith.constant 0 : i32
        %scan3A_252 = arith.constant 16 : i32
        %scan3A_253 = arith.addi %scan3A_251, %scan3A_252 : i32
        %scan3A_254 = arith.constant 1 : i32
        scf.for %scan3A_256 = %scan3A_251 to %scan3A_253 step %scan3A_254  : i32 {
          %iota3A_257 = tpu.iota {dimensions = array<i32: 0>} : vector<16xi32>
          %eq3A = vector.broadcast %scan3A_256 : i32 to vector<16xi32>
          %eq3A_258 = arith.cmpi eq, %iota3A_257, %eq3A : vector<16xi32>
          %jit3A_259 = arith.constant 0 : i32
          %broadcast_in_dim3A_260 = vector.broadcast %jit3A_259 : i32 to vector<16xi32>
          %select_n3A_261 = arith.select %eq3A_258, %sub3A_138, %broadcast_in_dim3A_260 : vector<16xi1>, vector<16xi32>
          %reduce_sum3A = arith.constant true
          %reduce_sum3A_262 = vector.broadcast %reduce_sum3A : i1 to vector<16xi1>
          %reduce_sum3A_263 = tpu.scan <sum>, %select_n3A_261 masked %reduce_sum3A_262 : vector<16xi32>, vector<16xi1> -> vector<16xi32>
          %reduce_sum3A_264 = vector.extract %reduce_sum3A_263[15] : i32 from vector<16xi32>
          %ge3A_265 = arith.constant 0 : i32
          %ge3A_266 = arith.cmpi sge, %reduce_sum3A_264, %ge3A_265 : i32
          %lt3A_267 = arith.constant 1536 : i32
          %lt3A_268 = arith.cmpi slt, %reduce_sum3A_264, %lt3A_267 : i32
          %and3A_269 = arith.andi %ge3A_266, %lt3A_268 : i1
          %convert_element_type3A_270 = arith.extui %and3A_269 : i1 to i32
          %cond3A_271 = arith.constant 0 : i32
          %cond3A_272 = arith.cmpi ne, %convert_element_type3A_270, %cond3A_271 : i32
          scf.if %cond3A_272 {
            %add3A_273 = arith.constant 64 : i32
            %add3A_274 = arith.addi %add3A_273, %scan3A_256 : i32
            %broadcast_in_dim3A_275 = arith.constant 0 : i32
            %broadcast_in_dim3A_276 = vector.broadcast %broadcast_in_dim3A_275 : i32 to vector<16xi32>
            %add3A_277 = vector.broadcast %reduce_sum3A_264 : i32 to vector<16xi32>
            %add3A_278 = arith.addi %broadcast_in_dim3A_276, %add3A_277 : vector<16xi32>
            %get3A_279 = arith.index_cast %add3A_274 : i32 to index
            %get3A_280 = arith.constant 0 : index
            %get3A_281 = tpu.vector_load %arg7[%get3A_279, %get3A_280] {strides = array<i32>} : memref<128x50xf32, #tpu.memory_space<vmem>>, vector<16xf32>,
            %add3A_282 = arith.constant 0 : i32
            %add3A_283 = vector.broadcast %add3A_282 : i32 to vector<16xi32>
            %add3A_284 = arith.addi %iota3A, %add3A_283 : vector<16xi32>
            tpu.vector_store_idx %arg8[%add3A_284, %add3A_278], %get3A_281 : memref<50x1664xf32, #tpu.memory_space<vmem>>[vector<16xi32>, vector<16xi32>], vector<16xf32>,
            %get3A_285 = arith.index_cast %add3A_274 : i32 to index
            %get3A_286 = arith.constant 16 : index
            %get3A_287 = tpu.vector_load %arg7[%get3A_285, %get3A_286] {strides = array<i32>} : memref<128x50xf32, #tpu.memory_space<vmem>>, vector<16xf32>,
            %add3A_288 = arith.constant 16 : i32
            %add3A_289 = vector.broadcast %add3A_288 : i32 to vector<16xi32>
            %add3A_290 = arith.addi %iota3A, %add3A_289 : vector<16xi32>
            tpu.vector_store_idx %arg8[%add3A_290, %add3A_278], %get3A_287 : memref<50x1664xf32, #tpu.memory_space<vmem>>[vector<16xi32>, vector<16xi32>], vector<16xf32>,
            %get3A_291 = arith.index_cast %add3A_274 : i32 to index
            %get3A_292 = arith.constant 32 : index
            %get3A_293 = tpu.vector_load %arg7[%get3A_291, %get3A_292] {strides = array<i32>} : memref<128x50xf32, #tpu.memory_space<vmem>>, vector<16xf32>,
            %add3A_294 = arith.constant 32 : i32
            %add3A_295 = vector.broadcast %add3A_294 : i32 to vector<16xi32>
            %add3A_296 = arith.addi %iota3A, %add3A_295 : vector<16xi32>
            tpu.vector_store_idx %arg8[%add3A_296, %add3A_278], %get3A_293 : memref<50x1664xf32, #tpu.memory_space<vmem>>[vector<16xi32>, vector<16xi32>], vector<16xf32>,
            %get3A_297 = arith.index_cast %add3A_274 : i32 to index
            %get3A_298 = arith.constant 34 : index
            %get3A_299 = tpu.vector_load %arg7[%get3A_297, %get3A_298] {strides = array<i32>} : memref<128x50xf32, #tpu.memory_space<vmem>>, vector<16xf32>,
            %add3A_300 = arith.constant 34 : i32
            %add3A_301 = vector.broadcast %add3A_300 : i32 to vector<16xi32>
            %add3A_302 = arith.addi %iota3A, %add3A_301 : vector<16xi32>
            tpu.vector_store_idx %arg8[%add3A_302, %add3A_278], %get3A_299 : memref<50x1664xf32, #tpu.memory_space<vmem>>[vector<16xi32>, vector<16xi32>], vector<16xf32>,
          } else {
          }
        }
        %scan3A_255 = arith.constant 16 : i32
      } else {
      }
      %get3A_164 = arith.constant 80 : index
      %get3A_165 = tpu.vector_load %arg6[%get3A_164] {strides = array<i32>} : memref<128xi32, #tpu.memory_space<vmem>>, vector<16xi32>,
      %sub3A_166 = vector.broadcast %add3A_25 : i32 to vector<16xi32>
      %sub3A_167 = arith.subi %get3A_165, %sub3A_166 : vector<16xi32>
      %ge3A_168 = arith.constant 0 : i32
      %ge3A_169 = vector.broadcast %ge3A_168 : i32 to vector<16xi32>
      %ge3A_170 = arith.cmpi sge, %sub3A_167, %ge3A_169 : vector<16xi32>
      %lt3A_171 = arith.constant 1536 : i32
      %lt3A_172 = vector.broadcast %lt3A_171 : i32 to vector<16xi32>
      %lt3A_173 = arith.cmpi slt, %sub3A_167, %lt3A_172 : vector<16xi32>
      %and3A_174 = arith.andi %ge3A_170, %lt3A_173 : vector<16xi1>
      %jit3A_175 = arith.constant 1 : i32
      %jit3A_176 = arith.constant 0 : i32
      %broadcast_in_dim3A_177 = vector.broadcast %jit3A_175 : i32 to vector<16xi32>
      %broadcast_in_dim3A_178 = vector.broadcast %jit3A_176 : i32 to vector<16xi32>
      %select_n3A_179 = arith.select %and3A_174, %broadcast_in_dim3A_177, %broadcast_in_dim3A_178 : vector<16xi1>, vector<16xi32>
      %reduce_max3A_180 = arith.constant true
      %reduce_max3A_181 = vector.broadcast %reduce_max3A_180 : i1 to vector<16xi1>
      %reduce_max3A_182 = arith.constant -2147483648 : i32
      %reduce_max3A_183 = vector.broadcast %reduce_max3A_182 : i32 to vector<16xi32>
      %reduce_max3A_184 = arith.xori %select_n3A_179, %reduce_max3A_183 : vector<16xi32>
      %reduce_max3A_185 = tpu.scan <max>, %reduce_max3A_184 masked %reduce_max3A_181 : vector<16xi32>, vector<16xi1> -> vector<16xi32>
      %reduce_max3A_186 = arith.xori %reduce_max3A_185, %reduce_max3A_183 : vector<16xi32>
      %reduce_max3A_187 = vector.extract %reduce_max3A_186[15] : i32 from vector<16xi32>
      %gt3A_188 = arith.constant 0 : i32
      %gt3A_189 = arith.cmpi sgt, %reduce_max3A_187, %gt3A_188 : i32
      %convert_element_type3A_190 = arith.extui %gt3A_189 : i1 to i32
      %cond3A_191 = arith.constant 0 : i32
      %cond3A_192 = arith.cmpi ne, %convert_element_type3A_190, %cond3A_191 : i32
      scf.if %cond3A_192 {
        %scan3A = arith.constant 0 : i32
        %scan3A_251 = arith.constant 0 : i32
        %scan3A_252 = arith.constant 16 : i32
        %scan3A_253 = arith.addi %scan3A_251, %scan3A_252 : i32
        %scan3A_254 = arith.constant 1 : i32
        scf.for %scan3A_256 = %scan3A_251 to %scan3A_253 step %scan3A_254  : i32 {
          %iota3A_257 = tpu.iota {dimensions = array<i32: 0>} : vector<16xi32>
          %eq3A = vector.broadcast %scan3A_256 : i32 to vector<16xi32>
          %eq3A_258 = arith.cmpi eq, %iota3A_257, %eq3A : vector<16xi32>
          %jit3A_259 = arith.constant 0 : i32
          %broadcast_in_dim3A_260 = vector.broadcast %jit3A_259 : i32 to vector<16xi32>
          %select_n3A_261 = arith.select %eq3A_258, %sub3A_167, %broadcast_in_dim3A_260 : vector<16xi1>, vector<16xi32>
          %reduce_sum3A = arith.constant true
          %reduce_sum3A_262 = vector.broadcast %reduce_sum3A : i1 to vector<16xi1>
          %reduce_sum3A_263 = tpu.scan <sum>, %select_n3A_261 masked %reduce_sum3A_262 : vector<16xi32>, vector<16xi1> -> vector<16xi32>
          %reduce_sum3A_264 = vector.extract %reduce_sum3A_263[15] : i32 from vector<16xi32>
          %ge3A_265 = arith.constant 0 : i32
          %ge3A_266 = arith.cmpi sge, %reduce_sum3A_264, %ge3A_265 : i32
          %lt3A_267 = arith.constant 1536 : i32
          %lt3A_268 = arith.cmpi slt, %reduce_sum3A_264, %lt3A_267 : i32
          %and3A_269 = arith.andi %ge3A_266, %lt3A_268 : i1
          %convert_element_type3A_270 = arith.extui %and3A_269 : i1 to i32
          %cond3A_271 = arith.constant 0 : i32
          %cond3A_272 = arith.cmpi ne, %convert_element_type3A_270, %cond3A_271 : i32
          scf.if %cond3A_272 {
            %add3A_273 = arith.constant 80 : i32
            %add3A_274 = arith.addi %add3A_273, %scan3A_256 : i32
            %broadcast_in_dim3A_275 = arith.constant 0 : i32
            %broadcast_in_dim3A_276 = vector.broadcast %broadcast_in_dim3A_275 : i32 to vector<16xi32>
            %add3A_277 = vector.broadcast %reduce_sum3A_264 : i32 to vector<16xi32>
            %add3A_278 = arith.addi %broadcast_in_dim3A_276, %add3A_277 : vector<16xi32>
            %get3A_279 = arith.index_cast %add3A_274 : i32 to index
            %get3A_280 = arith.constant 0 : index
            %get3A_281 = tpu.vector_load %arg7[%get3A_279, %get3A_280] {strides = array<i32>} : memref<128x50xf32, #tpu.memory_space<vmem>>, vector<16xf32>,
            %add3A_282 = arith.constant 0 : i32
            %add3A_283 = vector.broadcast %add3A_282 : i32 to vector<16xi32>
            %add3A_284 = arith.addi %iota3A, %add3A_283 : vector<16xi32>
            tpu.vector_store_idx %arg8[%add3A_284, %add3A_278], %get3A_281 : memref<50x1664xf32, #tpu.memory_space<vmem>>[vector<16xi32>, vector<16xi32>], vector<16xf32>,
            %get3A_285 = arith.index_cast %add3A_274 : i32 to index
            %get3A_286 = arith.constant 16 : index
            %get3A_287 = tpu.vector_load %arg7[%get3A_285, %get3A_286] {strides = array<i32>} : memref<128x50xf32, #tpu.memory_space<vmem>>, vector<16xf32>,
            %add3A_288 = arith.constant 16 : i32
            %add3A_289 = vector.broadcast %add3A_288 : i32 to vector<16xi32>
            %add3A_290 = arith.addi %iota3A, %add3A_289 : vector<16xi32>
            tpu.vector_store_idx %arg8[%add3A_290, %add3A_278], %get3A_287 : memref<50x1664xf32, #tpu.memory_space<vmem>>[vector<16xi32>, vector<16xi32>], vector<16xf32>,
            %get3A_291 = arith.index_cast %add3A_274 : i32 to index
            %get3A_292 = arith.constant 32 : index
            %get3A_293 = tpu.vector_load %arg7[%get3A_291, %get3A_292] {strides = array<i32>} : memref<128x50xf32, #tpu.memory_space<vmem>>, vector<16xf32>,
            %add3A_294 = arith.constant 32 : i32
            %add3A_295 = vector.broadcast %add3A_294 : i32 to vector<16xi32>
            %add3A_296 = arith.addi %iota3A, %add3A_295 : vector<16xi32>
            tpu.vector_store_idx %arg8[%add3A_296, %add3A_278], %get3A_293 : memref<50x1664xf32, #tpu.memory_space<vmem>>[vector<16xi32>, vector<16xi32>], vector<16xf32>,
            %get3A_297 = arith.index_cast %add3A_274 : i32 to index
            %get3A_298 = arith.constant 34 : index
            %get3A_299 = tpu.vector_load %arg7[%get3A_297, %get3A_298] {strides = array<i32>} : memref<128x50xf32, #tpu.memory_space<vmem>>, vector<16xf32>,
            %add3A_300 = arith.constant 34 : i32
            %add3A_301 = vector.broadcast %add3A_300 : i32 to vector<16xi32>
            %add3A_302 = arith.addi %iota3A, %add3A_301 : vector<16xi32>
            tpu.vector_store_idx %arg8[%add3A_302, %add3A_278], %get3A_299 : memref<50x1664xf32, #tpu.memory_space<vmem>>[vector<16xi32>, vector<16xi32>], vector<16xf32>,
          } else {
          }
        }
        %scan3A_255 = arith.constant 16 : i32
      } else {
      }
      %get3A_193 = arith.constant 96 : index
      %get3A_194 = tpu.vector_load %arg6[%get3A_193] {strides = array<i32>} : memref<128xi32, #tpu.memory_space<vmem>>, vector<16xi32>,
      %sub3A_195 = vector.broadcast %add3A_25 : i32 to vector<16xi32>
      %sub3A_196 = arith.subi %get3A_194, %sub3A_195 : vector<16xi32>
      %ge3A_197 = arith.constant 0 : i32
      %ge3A_198 = vector.broadcast %ge3A_197 : i32 to vector<16xi32>
      %ge3A_199 = arith.cmpi sge, %sub3A_196, %ge3A_198 : vector<16xi32>
      %lt3A_200 = arith.constant 1536 : i32
      %lt3A_201 = vector.broadcast %lt3A_200 : i32 to vector<16xi32>
      %lt3A_202 = arith.cmpi slt, %sub3A_196, %lt3A_201 : vector<16xi32>
      %and3A_203 = arith.andi %ge3A_199, %lt3A_202 : vector<16xi1>
      %jit3A_204 = arith.constant 1 : i32
      %jit3A_205 = arith.constant 0 : i32
      %broadcast_in_dim3A_206 = vector.broadcast %jit3A_204 : i32 to vector<16xi32>
      %broadcast_in_dim3A_207 = vector.broadcast %jit3A_205 : i32 to vector<16xi32>
      %select_n3A_208 = arith.select %and3A_203, %broadcast_in_dim3A_206, %broadcast_in_dim3A_207 : vector<16xi1>, vector<16xi32>
      %reduce_max3A_209 = arith.constant true
      %reduce_max3A_210 = vector.broadcast %reduce_max3A_209 : i1 to vector<16xi1>
      %reduce_max3A_211 = arith.constant -2147483648 : i32
      %reduce_max3A_212 = vector.broadcast %reduce_max3A_211 : i32 to vector<16xi32>
      %reduce_max3A_213 = arith.xori %select_n3A_208, %reduce_max3A_212 : vector<16xi32>
      %reduce_max3A_214 = tpu.scan <max>, %reduce_max3A_213 masked %reduce_max3A_210 : vector<16xi32>, vector<16xi1> -> vector<16xi32>
      %reduce_max3A_215 = arith.xori %reduce_max3A_214, %reduce_max3A_212 : vector<16xi32>
      %reduce_max3A_216 = vector.extract %reduce_max3A_215[15] : i32 from vector<16xi32>
      %gt3A_217 = arith.constant 0 : i32
      %gt3A_218 = arith.cmpi sgt, %reduce_max3A_216, %gt3A_217 : i32
      %convert_element_type3A_219 = arith.extui %gt3A_218 : i1 to i32
      %cond3A_220 = arith.constant 0 : i32
      %cond3A_221 = arith.cmpi ne, %convert_element_type3A_219, %cond3A_220 : i32
      scf.if %cond3A_221 {
        %scan3A = arith.constant 0 : i32
        %scan3A_251 = arith.constant 0 : i32
        %scan3A_252 = arith.constant 16 : i32
        %scan3A_253 = arith.addi %scan3A_251, %scan3A_252 : i32
        %scan3A_254 = arith.constant 1 : i32
        scf.for %scan3A_256 = %scan3A_251 to %scan3A_253 step %scan3A_254  : i32 {
          %iota3A_257 = tpu.iota {dimensions = array<i32: 0>} : vector<16xi32>
          %eq3A = vector.broadcast %scan3A_256 : i32 to vector<16xi32>
          %eq3A_258 = arith.cmpi eq, %iota3A_257, %eq3A : vector<16xi32>
          %jit3A_259 = arith.constant 0 : i32
          %broadcast_in_dim3A_260 = vector.broadcast %jit3A_259 : i32 to vector<16xi32>
          %select_n3A_261 = arith.select %eq3A_258, %sub3A_196, %broadcast_in_dim3A_260 : vector<16xi1>, vector<16xi32>
          %reduce_sum3A = arith.constant true
          %reduce_sum3A_262 = vector.broadcast %reduce_sum3A : i1 to vector<16xi1>
          %reduce_sum3A_263 = tpu.scan <sum>, %select_n3A_261 masked %reduce_sum3A_262 : vector<16xi32>, vector<16xi1> -> vector<16xi32>
          %reduce_sum3A_264 = vector.extract %reduce_sum3A_263[15] : i32 from vector<16xi32>
          %ge3A_265 = arith.constant 0 : i32
          %ge3A_266 = arith.cmpi sge, %reduce_sum3A_264, %ge3A_265 : i32
          %lt3A_267 = arith.constant 1536 : i32
          %lt3A_268 = arith.cmpi slt, %reduce_sum3A_264, %lt3A_267 : i32
          %and3A_269 = arith.andi %ge3A_266, %lt3A_268 : i1
          %convert_element_type3A_270 = arith.extui %and3A_269 : i1 to i32
          %cond3A_271 = arith.constant 0 : i32
          %cond3A_272 = arith.cmpi ne, %convert_element_type3A_270, %cond3A_271 : i32
          scf.if %cond3A_272 {
            %add3A_273 = arith.constant 96 : i32
            %add3A_274 = arith.addi %add3A_273, %scan3A_256 : i32
            %broadcast_in_dim3A_275 = arith.constant 0 : i32
            %broadcast_in_dim3A_276 = vector.broadcast %broadcast_in_dim3A_275 : i32 to vector<16xi32>
            %add3A_277 = vector.broadcast %reduce_sum3A_264 : i32 to vector<16xi32>
            %add3A_278 = arith.addi %broadcast_in_dim3A_276, %add3A_277 : vector<16xi32>
            %get3A_279 = arith.index_cast %add3A_274 : i32 to index
            %get3A_280 = arith.constant 0 : index
            %get3A_281 = tpu.vector_load %arg7[%get3A_279, %get3A_280] {strides = array<i32>} : memref<128x50xf32, #tpu.memory_space<vmem>>, vector<16xf32>,
            %add3A_282 = arith.constant 0 : i32
            %add3A_283 = vector.broadcast %add3A_282 : i32 to vector<16xi32>
            %add3A_284 = arith.addi %iota3A, %add3A_283 : vector<16xi32>
            tpu.vector_store_idx %arg8[%add3A_284, %add3A_278], %get3A_281 : memref<50x1664xf32, #tpu.memory_space<vmem>>[vector<16xi32>, vector<16xi32>], vector<16xf32>,
            %get3A_285 = arith.index_cast %add3A_274 : i32 to index
            %get3A_286 = arith.constant 16 : index
            %get3A_287 = tpu.vector_load %arg7[%get3A_285, %get3A_286] {strides = array<i32>} : memref<128x50xf32, #tpu.memory_space<vmem>>, vector<16xf32>,
            %add3A_288 = arith.constant 16 : i32
            %add3A_289 = vector.broadcast %add3A_288 : i32 to vector<16xi32>
            %add3A_290 = arith.addi %iota3A, %add3A_289 : vector<16xi32>
            tpu.vector_store_idx %arg8[%add3A_290, %add3A_278], %get3A_287 : memref<50x1664xf32, #tpu.memory_space<vmem>>[vector<16xi32>, vector<16xi32>], vector<16xf32>,
            %get3A_291 = arith.index_cast %add3A_274 : i32 to index
            %get3A_292 = arith.constant 32 : index
            %get3A_293 = tpu.vector_load %arg7[%get3A_291, %get3A_292] {strides = array<i32>} : memref<128x50xf32, #tpu.memory_space<vmem>>, vector<16xf32>,
            %add3A_294 = arith.constant 32 : i32
            %add3A_295 = vector.broadcast %add3A_294 : i32 to vector<16xi32>
            %add3A_296 = arith.addi %iota3A, %add3A_295 : vector<16xi32>
            tpu.vector_store_idx %arg8[%add3A_296, %add3A_278], %get3A_293 : memref<50x1664xf32, #tpu.memory_space<vmem>>[vector<16xi32>, vector<16xi32>], vector<16xf32>,
            %get3A_297 = arith.index_cast %add3A_274 : i32 to index
            %get3A_298 = arith.constant 34 : index
            %get3A_299 = tpu.vector_load %arg7[%get3A_297, %get3A_298] {strides = array<i32>} : memref<128x50xf32, #tpu.memory_space<vmem>>, vector<16xf32>,
            %add3A_300 = arith.constant 34 : i32
            %add3A_301 = vector.broadcast %add3A_300 : i32 to vector<16xi32>
            %add3A_302 = arith.addi %iota3A, %add3A_301 : vector<16xi32>
            tpu.vector_store_idx %arg8[%add3A_302, %add3A_278], %get3A_299 : memref<50x1664xf32, #tpu.memory_space<vmem>>[vector<16xi32>, vector<16xi32>], vector<16xf32>,
          } else {
          }
        }
        %scan3A_255 = arith.constant 16 : i32
      } else {
      }
      %get3A_222 = arith.constant 112 : index
      %get3A_223 = tpu.vector_load %arg6[%get3A_222] {strides = array<i32>} : memref<128xi32, #tpu.memory_space<vmem>>, vector<16xi32>,
      %sub3A_224 = vector.broadcast %add3A_25 : i32 to vector<16xi32>
      %sub3A_225 = arith.subi %get3A_223, %sub3A_224 : vector<16xi32>
      %ge3A_226 = arith.constant 0 : i32
      %ge3A_227 = vector.broadcast %ge3A_226 : i32 to vector<16xi32>
      %ge3A_228 = arith.cmpi sge, %sub3A_225, %ge3A_227 : vector<16xi32>
      %lt3A_229 = arith.constant 1536 : i32
      %lt3A_230 = vector.broadcast %lt3A_229 : i32 to vector<16xi32>
      %lt3A_231 = arith.cmpi slt, %sub3A_225, %lt3A_230 : vector<16xi32>
      %and3A_232 = arith.andi %ge3A_228, %lt3A_231 : vector<16xi1>
      %jit3A_233 = arith.constant 1 : i32
      %jit3A_234 = arith.constant 0 : i32
      %broadcast_in_dim3A_235 = vector.broadcast %jit3A_233 : i32 to vector<16xi32>
      %broadcast_in_dim3A_236 = vector.broadcast %jit3A_234 : i32 to vector<16xi32>
      %select_n3A_237 = arith.select %and3A_232, %broadcast_in_dim3A_235, %broadcast_in_dim3A_236 : vector<16xi1>, vector<16xi32>
      %reduce_max3A_238 = arith.constant true
      %reduce_max3A_239 = vector.broadcast %reduce_max3A_238 : i1 to vector<16xi1>
      %reduce_max3A_240 = arith.constant -2147483648 : i32
      %reduce_max3A_241 = vector.broadcast %reduce_max3A_240 : i32 to vector<16xi32>
      %reduce_max3A_242 = arith.xori %select_n3A_237, %reduce_max3A_241 : vector<16xi32>
      %reduce_max3A_243 = tpu.scan <max>, %reduce_max3A_242 masked %reduce_max3A_239 : vector<16xi32>, vector<16xi1> -> vector<16xi32>
      %reduce_max3A_244 = arith.xori %reduce_max3A_243, %reduce_max3A_241 : vector<16xi32>
      %reduce_max3A_245 = vector.extract %reduce_max3A_244[15] : i32 from vector<16xi32>
      %gt3A_246 = arith.constant 0 : i32
      %gt3A_247 = arith.cmpi sgt, %reduce_max3A_245, %gt3A_246 : i32
      %convert_element_type3A_248 = arith.extui %gt3A_247 : i1 to i32
      %cond3A_249 = arith.constant 0 : i32
      %cond3A_250 = arith.cmpi ne, %convert_element_type3A_248, %cond3A_249 : i32
      scf.if %cond3A_250 {
        %scan3A = arith.constant 0 : i32
        %scan3A_251 = arith.constant 0 : i32
        %scan3A_252 = arith.constant 16 : i32
        %scan3A_253 = arith.addi %scan3A_251, %scan3A_252 : i32
        %scan3A_254 = arith.constant 1 : i32
        scf.for %scan3A_256 = %scan3A_251 to %scan3A_253 step %scan3A_254  : i32 {
          %iota3A_257 = tpu.iota {dimensions = array<i32: 0>} : vector<16xi32>
          %eq3A = vector.broadcast %scan3A_256 : i32 to vector<16xi32>
          %eq3A_258 = arith.cmpi eq, %iota3A_257, %eq3A : vector<16xi32>
          %jit3A_259 = arith.constant 0 : i32
          %broadcast_in_dim3A_260 = vector.broadcast %jit3A_259 : i32 to vector<16xi32>
          %select_n3A_261 = arith.select %eq3A_258, %sub3A_225, %broadcast_in_dim3A_260 : vector<16xi1>, vector<16xi32>
          %reduce_sum3A = arith.constant true
          %reduce_sum3A_262 = vector.broadcast %reduce_sum3A : i1 to vector<16xi1>
          %reduce_sum3A_263 = tpu.scan <sum>, %select_n3A_261 masked %reduce_sum3A_262 : vector<16xi32>, vector<16xi1> -> vector<16xi32>
          %reduce_sum3A_264 = vector.extract %reduce_sum3A_263[15] : i32 from vector<16xi32>
          %ge3A_265 = arith.constant 0 : i32
          %ge3A_266 = arith.cmpi sge, %reduce_sum3A_264, %ge3A_265 : i32
          %lt3A_267 = arith.constant 1536 : i32
          %lt3A_268 = arith.cmpi slt, %reduce_sum3A_264, %lt3A_267 : i32
          %and3A_269 = arith.andi %ge3A_266, %lt3A_268 : i1
          %convert_element_type3A_270 = arith.extui %and3A_269 : i1 to i32
          %cond3A_271 = arith.constant 0 : i32
          %cond3A_272 = arith.cmpi ne, %convert_element_type3A_270, %cond3A_271 : i32
          scf.if %cond3A_272 {
            %add3A_273 = arith.constant 112 : i32
            %add3A_274 = arith.addi %add3A_273, %scan3A_256 : i32
            %broadcast_in_dim3A_275 = arith.constant 0 : i32
            %broadcast_in_dim3A_276 = vector.broadcast %broadcast_in_dim3A_275 : i32 to vector<16xi32>
            %add3A_277 = vector.broadcast %reduce_sum3A_264 : i32 to vector<16xi32>
            %add3A_278 = arith.addi %broadcast_in_dim3A_276, %add3A_277 : vector<16xi32>
            %get3A_279 = arith.index_cast %add3A_274 : i32 to index
            %get3A_280 = arith.constant 0 : index
            %get3A_281 = tpu.vector_load %arg7[%get3A_279, %get3A_280] {strides = array<i32>} : memref<128x50xf32, #tpu.memory_space<vmem>>, vector<16xf32>,
            %add3A_282 = arith.constant 0 : i32
            %add3A_283 = vector.broadcast %add3A_282 : i32 to vector<16xi32>
            %add3A_284 = arith.addi %iota3A, %add3A_283 : vector<16xi32>
            tpu.vector_store_idx %arg8[%add3A_284, %add3A_278], %get3A_281 : memref<50x1664xf32, #tpu.memory_space<vmem>>[vector<16xi32>, vector<16xi32>], vector<16xf32>,
            %get3A_285 = arith.index_cast %add3A_274 : i32 to index
            %get3A_286 = arith.constant 16 : index
            %get3A_287 = tpu.vector_load %arg7[%get3A_285, %get3A_286] {strides = array<i32>} : memref<128x50xf32, #tpu.memory_space<vmem>>, vector<16xf32>,
            %add3A_288 = arith.constant 16 : i32
            %add3A_289 = vector.broadcast %add3A_288 : i32 to vector<16xi32>
            %add3A_290 = arith.addi %iota3A, %add3A_289 : vector<16xi32>
            tpu.vector_store_idx %arg8[%add3A_290, %add3A_278], %get3A_287 : memref<50x1664xf32, #tpu.memory_space<vmem>>[vector<16xi32>, vector<16xi32>], vector<16xf32>,
            %get3A_291 = arith.index_cast %add3A_274 : i32 to index
            %get3A_292 = arith.constant 32 : index
            %get3A_293 = tpu.vector_load %arg7[%get3A_291, %get3A_292] {strides = array<i32>} : memref<128x50xf32, #tpu.memory_space<vmem>>, vector<16xf32>,
            %add3A_294 = arith.constant 32 : i32
            %add3A_295 = vector.broadcast %add3A_294 : i32 to vector<16xi32>
            %add3A_296 = arith.addi %iota3A, %add3A_295 : vector<16xi32>
            tpu.vector_store_idx %arg8[%add3A_296, %add3A_278], %get3A_293 : memref<50x1664xf32, #tpu.memory_space<vmem>>[vector<16xi32>, vector<16xi32>], vector<16xf32>,
            %get3A_297 = arith.index_cast %add3A_274 : i32 to index
            %get3A_298 = arith.constant 34 : index
            %get3A_299 = tpu.vector_load %arg7[%get3A_297, %get3A_298] {strides = array<i32>} : memref<128x50xf32, #tpu.memory_space<vmem>>, vector<16xf32>,
            %add3A_300 = arith.constant 34 : i32
            %add3A_301 = vector.broadcast %add3A_300 : i32 to vector<16xi32>
            %add3A_302 = arith.addi %iota3A, %add3A_301 : vector<16xi32>
            tpu.vector_store_idx %arg8[%add3A_302, %add3A_278], %get3A_299 : memref<50x1664xf32, #tpu.memory_space<vmem>>[vector<16xi32>, vector<16xi32>], vector<16xf32>,
          } else {
          }
        }
        %scan3A_255 = arith.constant 16 : i32
      } else {
      }
      "tpu.region"() ({
        %run_scoped3A = tpu.sem_alloc : memref<!tpu.dma_semaphore, #tpu.memory_space<semaphore_mem>>
        %dma_start3A = arith.constant 0 : i32
        %dma_start3A_251 = arith.constant 0 : i32
        %dma_start3A_252 = tpu.memref_slice %arg8[%dma_start3A, %dma_start3A_251] : memref<50x1664xf32, #tpu.memory_space<vmem>> -> memref<50x1536xf32, #tpu.memory_space<vmem>>
        %dma_start3A_253 = arith.constant 0 : i32
        %dma_start3A_254 = tpu.memref_slice %arg5[%dma_start3A_253, %add3A_25] : memref<50x100000xf32, #tpu.memory_space<hbm>> -> memref<50x1536xf32, #tpu.memory_space<hbm>>
        %dma_start3A_255 = arith.constant 0 : i32
        %dma_start3A_256 = tpu.memref_slice %arg5[%dma_start3A_255, %add3A_25] : memref<50x100000xf32, #tpu.memory_space<hbm>> -> memref<50x1536xf32, #tpu.memory_space<hbm>>
        %dma_start3A_257 = arith.constant 0 : i32
        %dma_start3A_258 = arith.constant 0 : i32
        %dma_start3A_259 = tpu.memref_slice %arg8[%dma_start3A_257, %dma_start3A_258] : memref<50x1664xf32, #tpu.memory_space<vmem>> -> memref<50x1536xf32, #tpu.memory_space<vmem>>
        tpu.enqueue_dma source(%dma_start3A_259 : memref<50x1536xf32, #tpu.memory_space<vmem>>) target(%dma_start3A_256 : memref<50x1536xf32, #tpu.memory_space<hbm>>) target_semaphore(%run_scoped3A : memref<!tpu.dma_semaphore, #tpu.memory_space<semaphore_mem>>)
        %dma_wait3A = arith.constant 0 : i32
        %dma_wait3A_260 = arith.constant 0 : i32
        %dma_wait3A_261 = tpu.memref_slice %arg8[%dma_wait3A, %dma_wait3A_260] : memref<50x1664xf32, #tpu.memory_space<vmem>> -> memref<50x1536xf32, #tpu.memory_space<vmem>>
        %dma_wait3A_262 = arith.constant 0 : i32
        %dma_wait3A_263 = tpu.memref_slice %arg5[%dma_wait3A_262, %add3A_25] : memref<50x100000xf32, #tpu.memory_space<hbm>> -> memref<50x1536xf32, #tpu.memory_space<hbm>>
        %dma_wait3A_264 = arith.constant 0 : i32
        %dma_wait3A_265 = tpu.memref_slice %arg5[%dma_wait3A_264, %add3A_25] : memref<50x100000xf32, #tpu.memory_space<hbm>> -> memref<50x1536xf32, #tpu.memory_space<hbm>>
        %dma_wait3A_266 = arith.constant 0 : i32
        %dma_wait3A_267 = arith.constant 0 : i32
        %dma_wait3A_268 = tpu.memref_slice %arg8[%dma_wait3A_266, %dma_wait3A_267] : memref<50x1664xf32, #tpu.memory_space<vmem>> -> memref<50x1536xf32, #tpu.memory_space<vmem>>
        tpu.wait_dma2 semaphore(%run_scoped3A : memref<!tpu.dma_semaphore, #tpu.memory_space<semaphore_mem>>) src(%dma_wait3A_268 : memref<50x1536xf32, #tpu.memory_space<vmem>>) dst(%dma_wait3A_265 : memref<50x1536xf32, #tpu.memory_space<hbm>>)
        tpu.yield
      }) : () -> ()
    } else {
    }
    %add3A_9 = arith.constant 32 : i32
    %add3A_10 = arith.addi %add3A, %add3A_9 : i32
    %lt3A_11 = arith.constant 13 : i32
    %lt3A_12 = arith.cmpi slt, %add3A_10, %lt3A_11 : i32
    %convert_element_type3A_13 = arith.extui %lt3A_12 : i1 to i32
    %cond3A_14 = arith.constant 0 : i32
    %cond3A_15 = arith.cmpi ne, %convert_element_type3A_13, %cond3A_14 : i32
    scf.if %cond3A_15 {
      %mul3A_21 = arith.constant 1664 : i32
      %mul3A_22 = arith.muli %add3A_10, %mul3A_21 : i32
      "tpu.region"() ({
        %run_scoped3A = tpu.sem_alloc : memref<!tpu.dma_semaphore, #tpu.memory_space<semaphore_mem>>
        %dma_start3A = arith.constant 0 : i32
        %dma_start3A_247 = arith.constant 0 : i32
        %dma_start3A_248 = tpu.memref_slice %arg8[%dma_start3A, %dma_start3A_247] : memref<50x1664xf32, #tpu.memory_space<vmem>> -> memref<50x1664xf32, #tpu.memory_space<vmem>>
        %dma_start3A_249 = arith.constant 0 : i32
        %dma_start3A_250 = tpu.memref_slice %arg2[%dma_start3A_249, %mul3A_22] : memref<50x100000xf32, #tpu.memory_space<hbm>> -> memref<50x1664xf32, #tpu.memory_space<hbm>>
        %dma_start3A_251 = arith.constant 0 : i32
        %dma_start3A_252 = arith.constant 0 : i32
        %dma_start3A_253 = tpu.memref_slice %arg8[%dma_start3A_251, %dma_start3A_252] : memref<50x1664xf32, #tpu.memory_space<vmem>> -> memref<50x1664xf32, #tpu.memory_space<vmem>>
        %dma_start3A_254 = arith.constant 0 : i32
        %dma_start3A_255 = tpu.memref_slice %arg2[%dma_start3A_254, %mul3A_22] : memref<50x100000xf32, #tpu.memory_space<hbm>> -> memref<50x1664xf32, #tpu.memory_space<hbm>>
        tpu.enqueue_dma source(%dma_start3A_255 : memref<50x1664xf32, #tpu.memory_space<hbm>>) target(%dma_start3A_253 : memref<50x1664xf32, #tpu.memory_space<vmem>>) target_semaphore(%run_scoped3A : memref<!tpu.dma_semaphore, #tpu.memory_space<semaphore_mem>>)
        %dma_wait3A = arith.constant 0 : i32
        %dma_wait3A_256 = arith.constant 0 : i32
        %dma_wait3A_257 = tpu.memref_slice %arg8[%dma_wait3A, %dma_wait3A_256] : memref<50x1664xf32, #tpu.memory_space<vmem>> -> memref<50x1664xf32, #tpu.memory_space<vmem>>
        %dma_wait3A_258 = arith.constant 0 : i32
        %dma_wait3A_259 = tpu.memref_slice %arg2[%dma_wait3A_258, %mul3A_22] : memref<50x100000xf32, #tpu.memory_space<hbm>> -> memref<50x1664xf32, #tpu.memory_space<hbm>>
        %dma_wait3A_260 = arith.constant 0 : i32
        %dma_wait3A_261 = arith.constant 0 : i32
        %dma_wait3A_262 = tpu.memref_slice %arg8[%dma_wait3A_260, %dma_wait3A_261] : memref<50x1664xf32, #tpu.memory_space<vmem>> -> memref<50x1664xf32, #tpu.memory_space<vmem>>
        %dma_wait3A_263 = arith.constant 0 : i32
        %dma_wait3A_264 = tpu.memref_slice %arg2[%dma_wait3A_263, %mul3A_22] : memref<50x100000xf32, #tpu.memory_space<hbm>> -> memref<50x1664xf32, #tpu.memory_space<hbm>>
        tpu.wait_dma2 semaphore(%run_scoped3A : memref<!tpu.dma_semaphore, #tpu.memory_space<semaphore_mem>>) src(%dma_wait3A_264 : memref<50x1664xf32, #tpu.memory_space<hbm>>) dst(%dma_wait3A_262 : memref<50x1664xf32, #tpu.memory_space<vmem>>)
        tpu.yield
      }) : () -> ()
      %get3A = arith.constant 0 : index
      %get3A_23 = tpu.vector_load %arg6[%get3A] {strides = array<i32>} : memref<128xi32, #tpu.memory_space<vmem>>, vector<16xi32>,
      %sub3A = vector.broadcast %mul3A_22 : i32 to vector<16xi32>
      %sub3A_24 = arith.subi %get3A_23, %sub3A : vector<16xi32>
      %ge3A_25 = arith.constant 0 : i32
      %ge3A_26 = vector.broadcast %ge3A_25 : i32 to vector<16xi32>
      %ge3A_27 = arith.cmpi sge, %sub3A_24, %ge3A_26 : vector<16xi32>
      %lt3A_28 = arith.constant 1664 : i32
      %lt3A_29 = vector.broadcast %lt3A_28 : i32 to vector<16xi32>
      %lt3A_30 = arith.cmpi slt, %sub3A_24, %lt3A_29 : vector<16xi32>
      %and3A = arith.andi %ge3A_27, %lt3A_30 : vector<16xi1>
      %jit3A = arith.constant 1 : i32
      %jit3A_31 = arith.constant 0 : i32
      %broadcast_in_dim3A = vector.broadcast %jit3A : i32 to vector<16xi32>
      %broadcast_in_dim3A_32 = vector.broadcast %jit3A_31 : i32 to vector<16xi32>
      %select_n3A = arith.select %and3A, %broadcast_in_dim3A, %broadcast_in_dim3A_32 : vector<16xi1>, vector<16xi32>
      %reduce_max3A = arith.constant true
      %reduce_max3A_33 = vector.broadcast %reduce_max3A : i1 to vector<16xi1>
      %reduce_max3A_34 = arith.constant -2147483648 : i32
      %reduce_max3A_35 = vector.broadcast %reduce_max3A_34 : i32 to vector<16xi32>
      %reduce_max3A_36 = arith.xori %select_n3A, %reduce_max3A_35 : vector<16xi32>
      %reduce_max3A_37 = tpu.scan <max>, %reduce_max3A_36 masked %reduce_max3A_33 : vector<16xi32>, vector<16xi1> -> vector<16xi32>
      %reduce_max3A_38 = arith.xori %reduce_max3A_37, %reduce_max3A_35 : vector<16xi32>
      %reduce_max3A_39 = vector.extract %reduce_max3A_38[15] : i32 from vector<16xi32>
      %gt3A = arith.constant 0 : i32
      %gt3A_40 = arith.cmpi sgt, %reduce_max3A_39, %gt3A : i32
      %convert_element_type3A_41 = arith.extui %gt3A_40 : i1 to i32
      %cond3A_42 = arith.constant 0 : i32
      %cond3A_43 = arith.cmpi ne, %convert_element_type3A_41, %cond3A_42 : i32
      scf.if %cond3A_43 {
        %scan3A = arith.constant 0 : i32
        %scan3A_247 = arith.constant 0 : i32
        %scan3A_248 = arith.constant 16 : i32
        %scan3A_249 = arith.addi %scan3A_247, %scan3A_248 : i32
        %scan3A_250 = arith.constant 1 : i32
        scf.for %scan3A_252 = %scan3A_247 to %scan3A_249 step %scan3A_250  : i32 {
          %iota3A_253 = tpu.iota {dimensions = array<i32: 0>} : vector<16xi32>
          %eq3A = vector.broadcast %scan3A_252 : i32 to vector<16xi32>
          %eq3A_254 = arith.cmpi eq, %iota3A_253, %eq3A : vector<16xi32>
          %jit3A_255 = arith.constant 0 : i32
          %broadcast_in_dim3A_256 = vector.broadcast %jit3A_255 : i32 to vector<16xi32>
          %select_n3A_257 = arith.select %eq3A_254, %sub3A_24, %broadcast_in_dim3A_256 : vector<16xi1>, vector<16xi32>
          %reduce_sum3A = arith.constant true
          %reduce_sum3A_258 = vector.broadcast %reduce_sum3A : i1 to vector<16xi1>
          %reduce_sum3A_259 = tpu.scan <sum>, %select_n3A_257 masked %reduce_sum3A_258 : vector<16xi32>, vector<16xi1> -> vector<16xi32>
          %reduce_sum3A_260 = vector.extract %reduce_sum3A_259[15] : i32 from vector<16xi32>
          %ge3A_261 = arith.constant 0 : i32
          %ge3A_262 = arith.cmpi sge, %reduce_sum3A_260, %ge3A_261 : i32
          %lt3A_263 = arith.constant 1664 : i32
          %lt3A_264 = arith.cmpi slt, %reduce_sum3A_260, %lt3A_263 : i32
          %and3A_265 = arith.andi %ge3A_262, %lt3A_264 : i1
          %convert_element_type3A_266 = arith.extui %and3A_265 : i1 to i32
          %cond3A_267 = arith.constant 0 : i32
          %cond3A_268 = arith.cmpi ne, %convert_element_type3A_266, %cond3A_267 : i32
          scf.if %cond3A_268 {
            %add3A_269 = arith.constant 0 : i32
            %add3A_270 = arith.addi %add3A_269, %scan3A_252 : i32
            %broadcast_in_dim3A_271 = arith.constant 0 : i32
            %broadcast_in_dim3A_272 = vector.broadcast %broadcast_in_dim3A_271 : i32 to vector<16xi32>
            %add3A_273 = vector.broadcast %reduce_sum3A_260 : i32 to vector<16xi32>
            %add3A_274 = arith.addi %broadcast_in_dim3A_272, %add3A_273 : vector<16xi32>
            %get3A_275 = arith.index_cast %add3A_270 : i32 to index
            %get3A_276 = arith.constant 0 : index
            %get3A_277 = tpu.vector_load %arg7[%get3A_275, %get3A_276] {strides = array<i32>} : memref<128x50xf32, #tpu.memory_space<vmem>>, vector<16xf32>,
            %add3A_278 = arith.constant 0 : i32
            %add3A_279 = vector.broadcast %add3A_278 : i32 to vector<16xi32>
            %add3A_280 = arith.addi %iota3A, %add3A_279 : vector<16xi32>
            tpu.vector_store_idx %arg8[%add3A_280, %add3A_274], %get3A_277 : memref<50x1664xf32, #tpu.memory_space<vmem>>[vector<16xi32>, vector<16xi32>], vector<16xf32>,
            %get3A_281 = arith.index_cast %add3A_270 : i32 to index
            %get3A_282 = arith.constant 16 : index
            %get3A_283 = tpu.vector_load %arg7[%get3A_281, %get3A_282] {strides = array<i32>} : memref<128x50xf32, #tpu.memory_space<vmem>>, vector<16xf32>,
            %add3A_284 = arith.constant 16 : i32
            %add3A_285 = vector.broadcast %add3A_284 : i32 to vector<16xi32>
            %add3A_286 = arith.addi %iota3A, %add3A_285 : vector<16xi32>
            tpu.vector_store_idx %arg8[%add3A_286, %add3A_274], %get3A_283 : memref<50x1664xf32, #tpu.memory_space<vmem>>[vector<16xi32>, vector<16xi32>], vector<16xf32>,
            %get3A_287 = arith.index_cast %add3A_270 : i32 to index
            %get3A_288 = arith.constant 32 : index
            %get3A_289 = tpu.vector_load %arg7[%get3A_287, %get3A_288] {strides = array<i32>} : memref<128x50xf32, #tpu.memory_space<vmem>>, vector<16xf32>,
            %add3A_290 = arith.constant 32 : i32
            %add3A_291 = vector.broadcast %add3A_290 : i32 to vector<16xi32>
            %add3A_292 = arith.addi %iota3A, %add3A_291 : vector<16xi32>
            tpu.vector_store_idx %arg8[%add3A_292, %add3A_274], %get3A_289 : memref<50x1664xf32, #tpu.memory_space<vmem>>[vector<16xi32>, vector<16xi32>], vector<16xf32>,
            %get3A_293 = arith.index_cast %add3A_270 : i32 to index
            %get3A_294 = arith.constant 34 : index
            %get3A_295 = tpu.vector_load %arg7[%get3A_293, %get3A_294] {strides = array<i32>} : memref<128x50xf32, #tpu.memory_space<vmem>>, vector<16xf32>,
            %add3A_296 = arith.constant 34 : i32
            %add3A_297 = vector.broadcast %add3A_296 : i32 to vector<16xi32>
            %add3A_298 = arith.addi %iota3A, %add3A_297 : vector<16xi32>
            tpu.vector_store_idx %arg8[%add3A_298, %add3A_274], %get3A_295 : memref<50x1664xf32, #tpu.memory_space<vmem>>[vector<16xi32>, vector<16xi32>], vector<16xf32>,
          } else {
          }
        }
        %scan3A_251 = arith.constant 16 : i32
      } else {
      }
      %get3A_44 = arith.constant 16 : index
      %get3A_45 = tpu.vector_load %arg6[%get3A_44] {strides = array<i32>} : memref<128xi32, #tpu.memory_space<vmem>>, vector<16xi32>,
      %sub3A_46 = vector.broadcast %mul3A_22 : i32 to vector<16xi32>
      %sub3A_47 = arith.subi %get3A_45, %sub3A_46 : vector<16xi32>
      %ge3A_48 = arith.constant 0 : i32
      %ge3A_49 = vector.broadcast %ge3A_48 : i32 to vector<16xi32>
      %ge3A_50 = arith.cmpi sge, %sub3A_47, %ge3A_49 : vector<16xi32>
      %lt3A_51 = arith.constant 1664 : i32
      %lt3A_52 = vector.broadcast %lt3A_51 : i32 to vector<16xi32>
      %lt3A_53 = arith.cmpi slt, %sub3A_47, %lt3A_52 : vector<16xi32>
      %and3A_54 = arith.andi %ge3A_50, %lt3A_53 : vector<16xi1>
      %jit3A_55 = arith.constant 1 : i32
      %jit3A_56 = arith.constant 0 : i32
      %broadcast_in_dim3A_57 = vector.broadcast %jit3A_55 : i32 to vector<16xi32>
      %broadcast_in_dim3A_58 = vector.broadcast %jit3A_56 : i32 to vector<16xi32>
      %select_n3A_59 = arith.select %and3A_54, %broadcast_in_dim3A_57, %broadcast_in_dim3A_58 : vector<16xi1>, vector<16xi32>
      %reduce_max3A_60 = arith.constant true
      %reduce_max3A_61 = vector.broadcast %reduce_max3A_60 : i1 to vector<16xi1>
      %reduce_max3A_62 = arith.constant -2147483648 : i32
      %reduce_max3A_63 = vector.broadcast %reduce_max3A_62 : i32 to vector<16xi32>
      %reduce_max3A_64 = arith.xori %select_n3A_59, %reduce_max3A_63 : vector<16xi32>
      %reduce_max3A_65 = tpu.scan <max>, %reduce_max3A_64 masked %reduce_max3A_61 : vector<16xi32>, vector<16xi1> -> vector<16xi32>
      %reduce_max3A_66 = arith.xori %reduce_max3A_65, %reduce_max3A_63 : vector<16xi32>
      %reduce_max3A_67 = vector.extract %reduce_max3A_66[15] : i32 from vector<16xi32>
      %gt3A_68 = arith.constant 0 : i32
      %gt3A_69 = arith.cmpi sgt, %reduce_max3A_67, %gt3A_68 : i32
      %convert_element_type3A_70 = arith.extui %gt3A_69 : i1 to i32
      %cond3A_71 = arith.constant 0 : i32
      %cond3A_72 = arith.cmpi ne, %convert_element_type3A_70, %cond3A_71 : i32
      scf.if %cond3A_72 {
        %scan3A = arith.constant 0 : i32
        %scan3A_247 = arith.constant 0 : i32
        %scan3A_248 = arith.constant 16 : i32
        %scan3A_249 = arith.addi %scan3A_247, %scan3A_248 : i32
        %scan3A_250 = arith.constant 1 : i32
        scf.for %scan3A_252 = %scan3A_247 to %scan3A_249 step %scan3A_250  : i32 {
          %iota3A_253 = tpu.iota {dimensions = array<i32: 0>} : vector<16xi32>
          %eq3A = vector.broadcast %scan3A_252 : i32 to vector<16xi32>
          %eq3A_254 = arith.cmpi eq, %iota3A_253, %eq3A : vector<16xi32>
          %jit3A_255 = arith.constant 0 : i32
          %broadcast_in_dim3A_256 = vector.broadcast %jit3A_255 : i32 to vector<16xi32>
          %select_n3A_257 = arith.select %eq3A_254, %sub3A_47, %broadcast_in_dim3A_256 : vector<16xi1>, vector<16xi32>
          %reduce_sum3A = arith.constant true
          %reduce_sum3A_258 = vector.broadcast %reduce_sum3A : i1 to vector<16xi1>
          %reduce_sum3A_259 = tpu.scan <sum>, %select_n3A_257 masked %reduce_sum3A_258 : vector<16xi32>, vector<16xi1> -> vector<16xi32>
          %reduce_sum3A_260 = vector.extract %reduce_sum3A_259[15] : i32 from vector<16xi32>
          %ge3A_261 = arith.constant 0 : i32
          %ge3A_262 = arith.cmpi sge, %reduce_sum3A_260, %ge3A_261 : i32
          %lt3A_263 = arith.constant 1664 : i32
          %lt3A_264 = arith.cmpi slt, %reduce_sum3A_260, %lt3A_263 : i32
          %and3A_265 = arith.andi %ge3A_262, %lt3A_264 : i1
          %convert_element_type3A_266 = arith.extui %and3A_265 : i1 to i32
          %cond3A_267 = arith.constant 0 : i32
          %cond3A_268 = arith.cmpi ne, %convert_element_type3A_266, %cond3A_267 : i32
          scf.if %cond3A_268 {
            %add3A_269 = arith.constant 16 : i32
            %add3A_270 = arith.addi %add3A_269, %scan3A_252 : i32
            %broadcast_in_dim3A_271 = arith.constant 0 : i32
            %broadcast_in_dim3A_272 = vector.broadcast %broadcast_in_dim3A_271 : i32 to vector<16xi32>
            %add3A_273 = vector.broadcast %reduce_sum3A_260 : i32 to vector<16xi32>
            %add3A_274 = arith.addi %broadcast_in_dim3A_272, %add3A_273 : vector<16xi32>
            %get3A_275 = arith.index_cast %add3A_270 : i32 to index
            %get3A_276 = arith.constant 0 : index
            %get3A_277 = tpu.vector_load %arg7[%get3A_275, %get3A_276] {strides = array<i32>} : memref<128x50xf32, #tpu.memory_space<vmem>>, vector<16xf32>,
            %add3A_278 = arith.constant 0 : i32
            %add3A_279 = vector.broadcast %add3A_278 : i32 to vector<16xi32>
            %add3A_280 = arith.addi %iota3A, %add3A_279 : vector<16xi32>
            tpu.vector_store_idx %arg8[%add3A_280, %add3A_274], %get3A_277 : memref<50x1664xf32, #tpu.memory_space<vmem>>[vector<16xi32>, vector<16xi32>], vector<16xf32>,
            %get3A_281 = arith.index_cast %add3A_270 : i32 to index
            %get3A_282 = arith.constant 16 : index
            %get3A_283 = tpu.vector_load %arg7[%get3A_281, %get3A_282] {strides = array<i32>} : memref<128x50xf32, #tpu.memory_space<vmem>>, vector<16xf32>,
            %add3A_284 = arith.constant 16 : i32
            %add3A_285 = vector.broadcast %add3A_284 : i32 to vector<16xi32>
            %add3A_286 = arith.addi %iota3A, %add3A_285 : vector<16xi32>
            tpu.vector_store_idx %arg8[%add3A_286, %add3A_274], %get3A_283 : memref<50x1664xf32, #tpu.memory_space<vmem>>[vector<16xi32>, vector<16xi32>], vector<16xf32>,
            %get3A_287 = arith.index_cast %add3A_270 : i32 to index
            %get3A_288 = arith.constant 32 : index
            %get3A_289 = tpu.vector_load %arg7[%get3A_287, %get3A_288] {strides = array<i32>} : memref<128x50xf32, #tpu.memory_space<vmem>>, vector<16xf32>,
            %add3A_290 = arith.constant 32 : i32
            %add3A_291 = vector.broadcast %add3A_290 : i32 to vector<16xi32>
            %add3A_292 = arith.addi %iota3A, %add3A_291 : vector<16xi32>
            tpu.vector_store_idx %arg8[%add3A_292, %add3A_274], %get3A_289 : memref<50x1664xf32, #tpu.memory_space<vmem>>[vector<16xi32>, vector<16xi32>], vector<16xf32>,
            %get3A_293 = arith.index_cast %add3A_270 : i32 to index
            %get3A_294 = arith.constant 34 : index
            %get3A_295 = tpu.vector_load %arg7[%get3A_293, %get3A_294] {strides = array<i32>} : memref<128x50xf32, #tpu.memory_space<vmem>>, vector<16xf32>,
            %add3A_296 = arith.constant 34 : i32
            %add3A_297 = vector.broadcast %add3A_296 : i32 to vector<16xi32>
            %add3A_298 = arith.addi %iota3A, %add3A_297 : vector<16xi32>
            tpu.vector_store_idx %arg8[%add3A_298, %add3A_274], %get3A_295 : memref<50x1664xf32, #tpu.memory_space<vmem>>[vector<16xi32>, vector<16xi32>], vector<16xf32>,
          } else {
          }
        }
        %scan3A_251 = arith.constant 16 : i32
      } else {
      }
      %get3A_73 = arith.constant 32 : index
      %get3A_74 = tpu.vector_load %arg6[%get3A_73] {strides = array<i32>} : memref<128xi32, #tpu.memory_space<vmem>>, vector<16xi32>,
      %sub3A_75 = vector.broadcast %mul3A_22 : i32 to vector<16xi32>
      %sub3A_76 = arith.subi %get3A_74, %sub3A_75 : vector<16xi32>
      %ge3A_77 = arith.constant 0 : i32
      %ge3A_78 = vector.broadcast %ge3A_77 : i32 to vector<16xi32>
      %ge3A_79 = arith.cmpi sge, %sub3A_76, %ge3A_78 : vector<16xi32>
      %lt3A_80 = arith.constant 1664 : i32
      %lt3A_81 = vector.broadcast %lt3A_80 : i32 to vector<16xi32>
      %lt3A_82 = arith.cmpi slt, %sub3A_76, %lt3A_81 : vector<16xi32>
      %and3A_83 = arith.andi %ge3A_79, %lt3A_82 : vector<16xi1>
      %jit3A_84 = arith.constant 1 : i32
      %jit3A_85 = arith.constant 0 : i32
      %broadcast_in_dim3A_86 = vector.broadcast %jit3A_84 : i32 to vector<16xi32>
      %broadcast_in_dim3A_87 = vector.broadcast %jit3A_85 : i32 to vector<16xi32>
      %select_n3A_88 = arith.select %and3A_83, %broadcast_in_dim3A_86, %broadcast_in_dim3A_87 : vector<16xi1>, vector<16xi32>
      %reduce_max3A_89 = arith.constant true
      %reduce_max3A_90 = vector.broadcast %reduce_max3A_89 : i1 to vector<16xi1>
      %reduce_max3A_91 = arith.constant -2147483648 : i32
      %reduce_max3A_92 = vector.broadcast %reduce_max3A_91 : i32 to vector<16xi32>
      %reduce_max3A_93 = arith.xori %select_n3A_88, %reduce_max3A_92 : vector<16xi32>
      %reduce_max3A_94 = tpu.scan <max>, %reduce_max3A_93 masked %reduce_max3A_90 : vector<16xi32>, vector<16xi1> -> vector<16xi32>
      %reduce_max3A_95 = arith.xori %reduce_max3A_94, %reduce_max3A_92 : vector<16xi32>
      %reduce_max3A_96 = vector.extract %reduce_max3A_95[15] : i32 from vector<16xi32>
      %gt3A_97 = arith.constant 0 : i32
      %gt3A_98 = arith.cmpi sgt, %reduce_max3A_96, %gt3A_97 : i32
      %convert_element_type3A_99 = arith.extui %gt3A_98 : i1 to i32
      %cond3A_100 = arith.constant 0 : i32
      %cond3A_101 = arith.cmpi ne, %convert_element_type3A_99, %cond3A_100 : i32
      scf.if %cond3A_101 {
        %scan3A = arith.constant 0 : i32
        %scan3A_247 = arith.constant 0 : i32
        %scan3A_248 = arith.constant 16 : i32
        %scan3A_249 = arith.addi %scan3A_247, %scan3A_248 : i32
        %scan3A_250 = arith.constant 1 : i32
        scf.for %scan3A_252 = %scan3A_247 to %scan3A_249 step %scan3A_250  : i32 {
          %iota3A_253 = tpu.iota {dimensions = array<i32: 0>} : vector<16xi32>
          %eq3A = vector.broadcast %scan3A_252 : i32 to vector<16xi32>
          %eq3A_254 = arith.cmpi eq, %iota3A_253, %eq3A : vector<16xi32>
          %jit3A_255 = arith.constant 0 : i32
          %broadcast_in_dim3A_256 = vector.broadcast %jit3A_255 : i32 to vector<16xi32>
          %select_n3A_257 = arith.select %eq3A_254, %sub3A_76, %broadcast_in_dim3A_256 : vector<16xi1>, vector<16xi32>
          %reduce_sum3A = arith.constant true
          %reduce_sum3A_258 = vector.broadcast %reduce_sum3A : i1 to vector<16xi1>
          %reduce_sum3A_259 = tpu.scan <sum>, %select_n3A_257 masked %reduce_sum3A_258 : vector<16xi32>, vector<16xi1> -> vector<16xi32>
          %reduce_sum3A_260 = vector.extract %reduce_sum3A_259[15] : i32 from vector<16xi32>
          %ge3A_261 = arith.constant 0 : i32
          %ge3A_262 = arith.cmpi sge, %reduce_sum3A_260, %ge3A_261 : i32
          %lt3A_263 = arith.constant 1664 : i32
          %lt3A_264 = arith.cmpi slt, %reduce_sum3A_260, %lt3A_263 : i32
          %and3A_265 = arith.andi %ge3A_262, %lt3A_264 : i1
          %convert_element_type3A_266 = arith.extui %and3A_265 : i1 to i32
          %cond3A_267 = arith.constant 0 : i32
          %cond3A_268 = arith.cmpi ne, %convert_element_type3A_266, %cond3A_267 : i32
          scf.if %cond3A_268 {
            %add3A_269 = arith.constant 32 : i32
            %add3A_270 = arith.addi %add3A_269, %scan3A_252 : i32
            %broadcast_in_dim3A_271 = arith.constant 0 : i32
            %broadcast_in_dim3A_272 = vector.broadcast %broadcast_in_dim3A_271 : i32 to vector<16xi32>
            %add3A_273 = vector.broadcast %reduce_sum3A_260 : i32 to vector<16xi32>
            %add3A_274 = arith.addi %broadcast_in_dim3A_272, %add3A_273 : vector<16xi32>
            %get3A_275 = arith.index_cast %add3A_270 : i32 to index
            %get3A_276 = arith.constant 0 : index
            %get3A_277 = tpu.vector_load %arg7[%get3A_275, %get3A_276] {strides = array<i32>} : memref<128x50xf32, #tpu.memory_space<vmem>>, vector<16xf32>,
            %add3A_278 = arith.constant 0 : i32
            %add3A_279 = vector.broadcast %add3A_278 : i32 to vector<16xi32>
            %add3A_280 = arith.addi %iota3A, %add3A_279 : vector<16xi32>
            tpu.vector_store_idx %arg8[%add3A_280, %add3A_274], %get3A_277 : memref<50x1664xf32, #tpu.memory_space<vmem>>[vector<16xi32>, vector<16xi32>], vector<16xf32>,
            %get3A_281 = arith.index_cast %add3A_270 : i32 to index
            %get3A_282 = arith.constant 16 : index
            %get3A_283 = tpu.vector_load %arg7[%get3A_281, %get3A_282] {strides = array<i32>} : memref<128x50xf32, #tpu.memory_space<vmem>>, vector<16xf32>,
            %add3A_284 = arith.constant 16 : i32
            %add3A_285 = vector.broadcast %add3A_284 : i32 to vector<16xi32>
            %add3A_286 = arith.addi %iota3A, %add3A_285 : vector<16xi32>
            tpu.vector_store_idx %arg8[%add3A_286, %add3A_274], %get3A_283 : memref<50x1664xf32, #tpu.memory_space<vmem>>[vector<16xi32>, vector<16xi32>], vector<16xf32>,
            %get3A_287 = arith.index_cast %add3A_270 : i32 to index
            %get3A_288 = arith.constant 32 : index
            %get3A_289 = tpu.vector_load %arg7[%get3A_287, %get3A_288] {strides = array<i32>} : memref<128x50xf32, #tpu.memory_space<vmem>>, vector<16xf32>,
            %add3A_290 = arith.constant 32 : i32
            %add3A_291 = vector.broadcast %add3A_290 : i32 to vector<16xi32>
            %add3A_292 = arith.addi %iota3A, %add3A_291 : vector<16xi32>
            tpu.vector_store_idx %arg8[%add3A_292, %add3A_274], %get3A_289 : memref<50x1664xf32, #tpu.memory_space<vmem>>[vector<16xi32>, vector<16xi32>], vector<16xf32>,
            %get3A_293 = arith.index_cast %add3A_270 : i32 to index
            %get3A_294 = arith.constant 34 : index
            %get3A_295 = tpu.vector_load %arg7[%get3A_293, %get3A_294] {strides = array<i32>} : memref<128x50xf32, #tpu.memory_space<vmem>>, vector<16xf32>,
            %add3A_296 = arith.constant 34 : i32
            %add3A_297 = vector.broadcast %add3A_296 : i32 to vector<16xi32>
            %add3A_298 = arith.addi %iota3A, %add3A_297 : vector<16xi32>
            tpu.vector_store_idx %arg8[%add3A_298, %add3A_274], %get3A_295 : memref<50x1664xf32, #tpu.memory_space<vmem>>[vector<16xi32>, vector<16xi32>], vector<16xf32>,
          } else {
          }
        }
        %scan3A_251 = arith.constant 16 : i32
      } else {
      }
      %get3A_102 = arith.constant 48 : index
      %get3A_103 = tpu.vector_load %arg6[%get3A_102] {strides = array<i32>} : memref<128xi32, #tpu.memory_space<vmem>>, vector<16xi32>,
      %sub3A_104 = vector.broadcast %mul3A_22 : i32 to vector<16xi32>
      %sub3A_105 = arith.subi %get3A_103, %sub3A_104 : vector<16xi32>
      %ge3A_106 = arith.constant 0 : i32
      %ge3A_107 = vector.broadcast %ge3A_106 : i32 to vector<16xi32>
      %ge3A_108 = arith.cmpi sge, %sub3A_105, %ge3A_107 : vector<16xi32>
      %lt3A_109 = arith.constant 1664 : i32
      %lt3A_110 = vector.broadcast %lt3A_109 : i32 to vector<16xi32>
      %lt3A_111 = arith.cmpi slt, %sub3A_105, %lt3A_110 : vector<16xi32>
      %and3A_112 = arith.andi %ge3A_108, %lt3A_111 : vector<16xi1>
      %jit3A_113 = arith.constant 1 : i32
      %jit3A_114 = arith.constant 0 : i32
      %broadcast_in_dim3A_115 = vector.broadcast %jit3A_113 : i32 to vector<16xi32>
      %broadcast_in_dim3A_116 = vector.broadcast %jit3A_114 : i32 to vector<16xi32>
      %select_n3A_117 = arith.select %and3A_112, %broadcast_in_dim3A_115, %broadcast_in_dim3A_116 : vector<16xi1>, vector<16xi32>
      %reduce_max3A_118 = arith.constant true
      %reduce_max3A_119 = vector.broadcast %reduce_max3A_118 : i1 to vector<16xi1>
      %reduce_max3A_120 = arith.constant -2147483648 : i32
      %reduce_max3A_121 = vector.broadcast %reduce_max3A_120 : i32 to vector<16xi32>
      %reduce_max3A_122 = arith.xori %select_n3A_117, %reduce_max3A_121 : vector<16xi32>
      %reduce_max3A_123 = tpu.scan <max>, %reduce_max3A_122 masked %reduce_max3A_119 : vector<16xi32>, vector<16xi1> -> vector<16xi32>
      %reduce_max3A_124 = arith.xori %reduce_max3A_123, %reduce_max3A_121 : vector<16xi32>
      %reduce_max3A_125 = vector.extract %reduce_max3A_124[15] : i32 from vector<16xi32>
      %gt3A_126 = arith.constant 0 : i32
      %gt3A_127 = arith.cmpi sgt, %reduce_max3A_125, %gt3A_126 : i32
      %convert_element_type3A_128 = arith.extui %gt3A_127 : i1 to i32
      %cond3A_129 = arith.constant 0 : i32
      %cond3A_130 = arith.cmpi ne, %convert_element_type3A_128, %cond3A_129 : i32
      scf.if %cond3A_130 {
        %scan3A = arith.constant 0 : i32
        %scan3A_247 = arith.constant 0 : i32
        %scan3A_248 = arith.constant 16 : i32
        %scan3A_249 = arith.addi %scan3A_247, %scan3A_248 : i32
        %scan3A_250 = arith.constant 1 : i32
        scf.for %scan3A_252 = %scan3A_247 to %scan3A_249 step %scan3A_250  : i32 {
          %iota3A_253 = tpu.iota {dimensions = array<i32: 0>} : vector<16xi32>
          %eq3A = vector.broadcast %scan3A_252 : i32 to vector<16xi32>
          %eq3A_254 = arith.cmpi eq, %iota3A_253, %eq3A : vector<16xi32>
          %jit3A_255 = arith.constant 0 : i32
          %broadcast_in_dim3A_256 = vector.broadcast %jit3A_255 : i32 to vector<16xi32>
          %select_n3A_257 = arith.select %eq3A_254, %sub3A_105, %broadcast_in_dim3A_256 : vector<16xi1>, vector<16xi32>
          %reduce_sum3A = arith.constant true
          %reduce_sum3A_258 = vector.broadcast %reduce_sum3A : i1 to vector<16xi1>
          %reduce_sum3A_259 = tpu.scan <sum>, %select_n3A_257 masked %reduce_sum3A_258 : vector<16xi32>, vector<16xi1> -> vector<16xi32>
          %reduce_sum3A_260 = vector.extract %reduce_sum3A_259[15] : i32 from vector<16xi32>
          %ge3A_261 = arith.constant 0 : i32
          %ge3A_262 = arith.cmpi sge, %reduce_sum3A_260, %ge3A_261 : i32
          %lt3A_263 = arith.constant 1664 : i32
          %lt3A_264 = arith.cmpi slt, %reduce_sum3A_260, %lt3A_263 : i32
          %and3A_265 = arith.andi %ge3A_262, %lt3A_264 : i1
          %convert_element_type3A_266 = arith.extui %and3A_265 : i1 to i32
          %cond3A_267 = arith.constant 0 : i32
          %cond3A_268 = arith.cmpi ne, %convert_element_type3A_266, %cond3A_267 : i32
          scf.if %cond3A_268 {
            %add3A_269 = arith.constant 48 : i32
            %add3A_270 = arith.addi %add3A_269, %scan3A_252 : i32
            %broadcast_in_dim3A_271 = arith.constant 0 : i32
            %broadcast_in_dim3A_272 = vector.broadcast %broadcast_in_dim3A_271 : i32 to vector<16xi32>
            %add3A_273 = vector.broadcast %reduce_sum3A_260 : i32 to vector<16xi32>
            %add3A_274 = arith.addi %broadcast_in_dim3A_272, %add3A_273 : vector<16xi32>
            %get3A_275 = arith.index_cast %add3A_270 : i32 to index
            %get3A_276 = arith.constant 0 : index
            %get3A_277 = tpu.vector_load %arg7[%get3A_275, %get3A_276] {strides = array<i32>} : memref<128x50xf32, #tpu.memory_space<vmem>>, vector<16xf32>,
            %add3A_278 = arith.constant 0 : i32
            %add3A_279 = vector.broadcast %add3A_278 : i32 to vector<16xi32>
            %add3A_280 = arith.addi %iota3A, %add3A_279 : vector<16xi32>
            tpu.vector_store_idx %arg8[%add3A_280, %add3A_274], %get3A_277 : memref<50x1664xf32, #tpu.memory_space<vmem>>[vector<16xi32>, vector<16xi32>], vector<16xf32>,
            %get3A_281 = arith.index_cast %add3A_270 : i32 to index
            %get3A_282 = arith.constant 16 : index
            %get3A_283 = tpu.vector_load %arg7[%get3A_281, %get3A_282] {strides = array<i32>} : memref<128x50xf32, #tpu.memory_space<vmem>>, vector<16xf32>,
            %add3A_284 = arith.constant 16 : i32
            %add3A_285 = vector.broadcast %add3A_284 : i32 to vector<16xi32>
            %add3A_286 = arith.addi %iota3A, %add3A_285 : vector<16xi32>
            tpu.vector_store_idx %arg8[%add3A_286, %add3A_274], %get3A_283 : memref<50x1664xf32, #tpu.memory_space<vmem>>[vector<16xi32>, vector<16xi32>], vector<16xf32>,
            %get3A_287 = arith.index_cast %add3A_270 : i32 to index
            %get3A_288 = arith.constant 32 : index
            %get3A_289 = tpu.vector_load %arg7[%get3A_287, %get3A_288] {strides = array<i32>} : memref<128x50xf32, #tpu.memory_space<vmem>>, vector<16xf32>,
            %add3A_290 = arith.constant 32 : i32
            %add3A_291 = vector.broadcast %add3A_290 : i32 to vector<16xi32>
            %add3A_292 = arith.addi %iota3A, %add3A_291 : vector<16xi32>
            tpu.vector_store_idx %arg8[%add3A_292, %add3A_274], %get3A_289 : memref<50x1664xf32, #tpu.memory_space<vmem>>[vector<16xi32>, vector<16xi32>], vector<16xf32>,
            %get3A_293 = arith.index_cast %add3A_270 : i32 to index
            %get3A_294 = arith.constant 34 : index
            %get3A_295 = tpu.vector_load %arg7[%get3A_293, %get3A_294] {strides = array<i32>} : memref<128x50xf32, #tpu.memory_space<vmem>>, vector<16xf32>,
            %add3A_296 = arith.constant 34 : i32
            %add3A_297 = vector.broadcast %add3A_296 : i32 to vector<16xi32>
            %add3A_298 = arith.addi %iota3A, %add3A_297 : vector<16xi32>
            tpu.vector_store_idx %arg8[%add3A_298, %add3A_274], %get3A_295 : memref<50x1664xf32, #tpu.memory_space<vmem>>[vector<16xi32>, vector<16xi32>], vector<16xf32>,
          } else {
          }
        }
        %scan3A_251 = arith.constant 16 : i32
      } else {
      }
      %get3A_131 = arith.constant 64 : index
      %get3A_132 = tpu.vector_load %arg6[%get3A_131] {strides = array<i32>} : memref<128xi32, #tpu.memory_space<vmem>>, vector<16xi32>,
      %sub3A_133 = vector.broadcast %mul3A_22 : i32 to vector<16xi32>
      %sub3A_134 = arith.subi %get3A_132, %sub3A_133 : vector<16xi32>
      %ge3A_135 = arith.constant 0 : i32
      %ge3A_136 = vector.broadcast %ge3A_135 : i32 to vector<16xi32>
      %ge3A_137 = arith.cmpi sge, %sub3A_134, %ge3A_136 : vector<16xi32>
      %lt3A_138 = arith.constant 1664 : i32
      %lt3A_139 = vector.broadcast %lt3A_138 : i32 to vector<16xi32>
      %lt3A_140 = arith.cmpi slt, %sub3A_134, %lt3A_139 : vector<16xi32>
      %and3A_141 = arith.andi %ge3A_137, %lt3A_140 : vector<16xi1>
      %jit3A_142 = arith.constant 1 : i32
      %jit3A_143 = arith.constant 0 : i32
      %broadcast_in_dim3A_144 = vector.broadcast %jit3A_142 : i32 to vector<16xi32>
      %broadcast_in_dim3A_145 = vector.broadcast %jit3A_143 : i32 to vector<16xi32>
      %select_n3A_146 = arith.select %and3A_141, %broadcast_in_dim3A_144, %broadcast_in_dim3A_145 : vector<16xi1>, vector<16xi32>
      %reduce_max3A_147 = arith.constant true
      %reduce_max3A_148 = vector.broadcast %reduce_max3A_147 : i1 to vector<16xi1>
      %reduce_max3A_149 = arith.constant -2147483648 : i32
      %reduce_max3A_150 = vector.broadcast %reduce_max3A_149 : i32 to vector<16xi32>
      %reduce_max3A_151 = arith.xori %select_n3A_146, %reduce_max3A_150 : vector<16xi32>
      %reduce_max3A_152 = tpu.scan <max>, %reduce_max3A_151 masked %reduce_max3A_148 : vector<16xi32>, vector<16xi1> -> vector<16xi32>
      %reduce_max3A_153 = arith.xori %reduce_max3A_152, %reduce_max3A_150 : vector<16xi32>
      %reduce_max3A_154 = vector.extract %reduce_max3A_153[15] : i32 from vector<16xi32>
      %gt3A_155 = arith.constant 0 : i32
      %gt3A_156 = arith.cmpi sgt, %reduce_max3A_154, %gt3A_155 : i32
      %convert_element_type3A_157 = arith.extui %gt3A_156 : i1 to i32
      %cond3A_158 = arith.constant 0 : i32
      %cond3A_159 = arith.cmpi ne, %convert_element_type3A_157, %cond3A_158 : i32
      scf.if %cond3A_159 {
        %scan3A = arith.constant 0 : i32
        %scan3A_247 = arith.constant 0 : i32
        %scan3A_248 = arith.constant 16 : i32
        %scan3A_249 = arith.addi %scan3A_247, %scan3A_248 : i32
        %scan3A_250 = arith.constant 1 : i32
        scf.for %scan3A_252 = %scan3A_247 to %scan3A_249 step %scan3A_250  : i32 {
          %iota3A_253 = tpu.iota {dimensions = array<i32: 0>} : vector<16xi32>
          %eq3A = vector.broadcast %scan3A_252 : i32 to vector<16xi32>
          %eq3A_254 = arith.cmpi eq, %iota3A_253, %eq3A : vector<16xi32>
          %jit3A_255 = arith.constant 0 : i32
          %broadcast_in_dim3A_256 = vector.broadcast %jit3A_255 : i32 to vector<16xi32>
          %select_n3A_257 = arith.select %eq3A_254, %sub3A_134, %broadcast_in_dim3A_256 : vector<16xi1>, vector<16xi32>
          %reduce_sum3A = arith.constant true
          %reduce_sum3A_258 = vector.broadcast %reduce_sum3A : i1 to vector<16xi1>
          %reduce_sum3A_259 = tpu.scan <sum>, %select_n3A_257 masked %reduce_sum3A_258 : vector<16xi32>, vector<16xi1> -> vector<16xi32>
          %reduce_sum3A_260 = vector.extract %reduce_sum3A_259[15] : i32 from vector<16xi32>
          %ge3A_261 = arith.constant 0 : i32
          %ge3A_262 = arith.cmpi sge, %reduce_sum3A_260, %ge3A_261 : i32
          %lt3A_263 = arith.constant 1664 : i32
          %lt3A_264 = arith.cmpi slt, %reduce_sum3A_260, %lt3A_263 : i32
          %and3A_265 = arith.andi %ge3A_262, %lt3A_264 : i1
          %convert_element_type3A_266 = arith.extui %and3A_265 : i1 to i32
          %cond3A_267 = arith.constant 0 : i32
          %cond3A_268 = arith.cmpi ne, %convert_element_type3A_266, %cond3A_267 : i32
          scf.if %cond3A_268 {
            %add3A_269 = arith.constant 64 : i32
            %add3A_270 = arith.addi %add3A_269, %scan3A_252 : i32
            %broadcast_in_dim3A_271 = arith.constant 0 : i32
            %broadcast_in_dim3A_272 = vector.broadcast %broadcast_in_dim3A_271 : i32 to vector<16xi32>
            %add3A_273 = vector.broadcast %reduce_sum3A_260 : i32 to vector<16xi32>
            %add3A_274 = arith.addi %broadcast_in_dim3A_272, %add3A_273 : vector<16xi32>
            %get3A_275 = arith.index_cast %add3A_270 : i32 to index
            %get3A_276 = arith.constant 0 : index
            %get3A_277 = tpu.vector_load %arg7[%get3A_275, %get3A_276] {strides = array<i32>} : memref<128x50xf32, #tpu.memory_space<vmem>>, vector<16xf32>,
            %add3A_278 = arith.constant 0 : i32
            %add3A_279 = vector.broadcast %add3A_278 : i32 to vector<16xi32>
            %add3A_280 = arith.addi %iota3A, %add3A_279 : vector<16xi32>
            tpu.vector_store_idx %arg8[%add3A_280, %add3A_274], %get3A_277 : memref<50x1664xf32, #tpu.memory_space<vmem>>[vector<16xi32>, vector<16xi32>], vector<16xf32>,
            %get3A_281 = arith.index_cast %add3A_270 : i32 to index
            %get3A_282 = arith.constant 16 : index
            %get3A_283 = tpu.vector_load %arg7[%get3A_281, %get3A_282] {strides = array<i32>} : memref<128x50xf32, #tpu.memory_space<vmem>>, vector<16xf32>,
            %add3A_284 = arith.constant 16 : i32
            %add3A_285 = vector.broadcast %add3A_284 : i32 to vector<16xi32>
            %add3A_286 = arith.addi %iota3A, %add3A_285 : vector<16xi32>
            tpu.vector_store_idx %arg8[%add3A_286, %add3A_274], %get3A_283 : memref<50x1664xf32, #tpu.memory_space<vmem>>[vector<16xi32>, vector<16xi32>], vector<16xf32>,
            %get3A_287 = arith.index_cast %add3A_270 : i32 to index
            %get3A_288 = arith.constant 32 : index
            %get3A_289 = tpu.vector_load %arg7[%get3A_287, %get3A_288] {strides = array<i32>} : memref<128x50xf32, #tpu.memory_space<vmem>>, vector<16xf32>,
            %add3A_290 = arith.constant 32 : i32
            %add3A_291 = vector.broadcast %add3A_290 : i32 to vector<16xi32>
            %add3A_292 = arith.addi %iota3A, %add3A_291 : vector<16xi32>
            tpu.vector_store_idx %arg8[%add3A_292, %add3A_274], %get3A_289 : memref<50x1664xf32, #tpu.memory_space<vmem>>[vector<16xi32>, vector<16xi32>], vector<16xf32>,
            %get3A_293 = arith.index_cast %add3A_270 : i32 to index
            %get3A_294 = arith.constant 34 : index
            %get3A_295 = tpu.vector_load %arg7[%get3A_293, %get3A_294] {strides = array<i32>} : memref<128x50xf32, #tpu.memory_space<vmem>>, vector<16xf32>,
            %add3A_296 = arith.constant 34 : i32
            %add3A_297 = vector.broadcast %add3A_296 : i32 to vector<16xi32>
            %add3A_298 = arith.addi %iota3A, %add3A_297 : vector<16xi32>
            tpu.vector_store_idx %arg8[%add3A_298, %add3A_274], %get3A_295 : memref<50x1664xf32, #tpu.memory_space<vmem>>[vector<16xi32>, vector<16xi32>], vector<16xf32>,
          } else {
          }
        }
        %scan3A_251 = arith.constant 16 : i32
      } else {
      }
      %get3A_160 = arith.constant 80 : index
      %get3A_161 = tpu.vector_load %arg6[%get3A_160] {strides = array<i32>} : memref<128xi32, #tpu.memory_space<vmem>>, vector<16xi32>,
      %sub3A_162 = vector.broadcast %mul3A_22 : i32 to vector<16xi32>
      %sub3A_163 = arith.subi %get3A_161, %sub3A_162 : vector<16xi32>
      %ge3A_164 = arith.constant 0 : i32
      %ge3A_165 = vector.broadcast %ge3A_164 : i32 to vector<16xi32>
      %ge3A_166 = arith.cmpi sge, %sub3A_163, %ge3A_165 : vector<16xi32>
      %lt3A_167 = arith.constant 1664 : i32
      %lt3A_168 = vector.broadcast %lt3A_167 : i32 to vector<16xi32>
      %lt3A_169 = arith.cmpi slt, %sub3A_163, %lt3A_168 : vector<16xi32>
      %and3A_170 = arith.andi %ge3A_166, %lt3A_169 : vector<16xi1>
      %jit3A_171 = arith.constant 1 : i32
      %jit3A_172 = arith.constant 0 : i32
      %broadcast_in_dim3A_173 = vector.broadcast %jit3A_171 : i32 to vector<16xi32>
      %broadcast_in_dim3A_174 = vector.broadcast %jit3A_172 : i32 to vector<16xi32>
      %select_n3A_175 = arith.select %and3A_170, %broadcast_in_dim3A_173, %broadcast_in_dim3A_174 : vector<16xi1>, vector<16xi32>
      %reduce_max3A_176 = arith.constant true
      %reduce_max3A_177 = vector.broadcast %reduce_max3A_176 : i1 to vector<16xi1>
      %reduce_max3A_178 = arith.constant -2147483648 : i32
      %reduce_max3A_179 = vector.broadcast %reduce_max3A_178 : i32 to vector<16xi32>
      %reduce_max3A_180 = arith.xori %select_n3A_175, %reduce_max3A_179 : vector<16xi32>
      %reduce_max3A_181 = tpu.scan <max>, %reduce_max3A_180 masked %reduce_max3A_177 : vector<16xi32>, vector<16xi1> -> vector<16xi32>
      %reduce_max3A_182 = arith.xori %reduce_max3A_181, %reduce_max3A_179 : vector<16xi32>
      %reduce_max3A_183 = vector.extract %reduce_max3A_182[15] : i32 from vector<16xi32>
      %gt3A_184 = arith.constant 0 : i32
      %gt3A_185 = arith.cmpi sgt, %reduce_max3A_183, %gt3A_184 : i32
      %convert_element_type3A_186 = arith.extui %gt3A_185 : i1 to i32
      %cond3A_187 = arith.constant 0 : i32
      %cond3A_188 = arith.cmpi ne, %convert_element_type3A_186, %cond3A_187 : i32
      scf.if %cond3A_188 {
        %scan3A = arith.constant 0 : i32
        %scan3A_247 = arith.constant 0 : i32
        %scan3A_248 = arith.constant 16 : i32
        %scan3A_249 = arith.addi %scan3A_247, %scan3A_248 : i32
        %scan3A_250 = arith.constant 1 : i32
        scf.for %scan3A_252 = %scan3A_247 to %scan3A_249 step %scan3A_250  : i32 {
          %iota3A_253 = tpu.iota {dimensions = array<i32: 0>} : vector<16xi32>
          %eq3A = vector.broadcast %scan3A_252 : i32 to vector<16xi32>
          %eq3A_254 = arith.cmpi eq, %iota3A_253, %eq3A : vector<16xi32>
          %jit3A_255 = arith.constant 0 : i32
          %broadcast_in_dim3A_256 = vector.broadcast %jit3A_255 : i32 to vector<16xi32>
          %select_n3A_257 = arith.select %eq3A_254, %sub3A_163, %broadcast_in_dim3A_256 : vector<16xi1>, vector<16xi32>
          %reduce_sum3A = arith.constant true
          %reduce_sum3A_258 = vector.broadcast %reduce_sum3A : i1 to vector<16xi1>
          %reduce_sum3A_259 = tpu.scan <sum>, %select_n3A_257 masked %reduce_sum3A_258 : vector<16xi32>, vector<16xi1> -> vector<16xi32>
          %reduce_sum3A_260 = vector.extract %reduce_sum3A_259[15] : i32 from vector<16xi32>
          %ge3A_261 = arith.constant 0 : i32
          %ge3A_262 = arith.cmpi sge, %reduce_sum3A_260, %ge3A_261 : i32
          %lt3A_263 = arith.constant 1664 : i32
          %lt3A_264 = arith.cmpi slt, %reduce_sum3A_260, %lt3A_263 : i32
          %and3A_265 = arith.andi %ge3A_262, %lt3A_264 : i1
          %convert_element_type3A_266 = arith.extui %and3A_265 : i1 to i32
          %cond3A_267 = arith.constant 0 : i32
          %cond3A_268 = arith.cmpi ne, %convert_element_type3A_266, %cond3A_267 : i32
          scf.if %cond3A_268 {
            %add3A_269 = arith.constant 80 : i32
            %add3A_270 = arith.addi %add3A_269, %scan3A_252 : i32
            %broadcast_in_dim3A_271 = arith.constant 0 : i32
            %broadcast_in_dim3A_272 = vector.broadcast %broadcast_in_dim3A_271 : i32 to vector<16xi32>
            %add3A_273 = vector.broadcast %reduce_sum3A_260 : i32 to vector<16xi32>
            %add3A_274 = arith.addi %broadcast_in_dim3A_272, %add3A_273 : vector<16xi32>
            %get3A_275 = arith.index_cast %add3A_270 : i32 to index
            %get3A_276 = arith.constant 0 : index
            %get3A_277 = tpu.vector_load %arg7[%get3A_275, %get3A_276] {strides = array<i32>} : memref<128x50xf32, #tpu.memory_space<vmem>>, vector<16xf32>,
            %add3A_278 = arith.constant 0 : i32
            %add3A_279 = vector.broadcast %add3A_278 : i32 to vector<16xi32>
            %add3A_280 = arith.addi %iota3A, %add3A_279 : vector<16xi32>
            tpu.vector_store_idx %arg8[%add3A_280, %add3A_274], %get3A_277 : memref<50x1664xf32, #tpu.memory_space<vmem>>[vector<16xi32>, vector<16xi32>], vector<16xf32>,
            %get3A_281 = arith.index_cast %add3A_270 : i32 to index
            %get3A_282 = arith.constant 16 : index
            %get3A_283 = tpu.vector_load %arg7[%get3A_281, %get3A_282] {strides = array<i32>} : memref<128x50xf32, #tpu.memory_space<vmem>>, vector<16xf32>,
            %add3A_284 = arith.constant 16 : i32
            %add3A_285 = vector.broadcast %add3A_284 : i32 to vector<16xi32>
            %add3A_286 = arith.addi %iota3A, %add3A_285 : vector<16xi32>
            tpu.vector_store_idx %arg8[%add3A_286, %add3A_274], %get3A_283 : memref<50x1664xf32, #tpu.memory_space<vmem>>[vector<16xi32>, vector<16xi32>], vector<16xf32>,
            %get3A_287 = arith.index_cast %add3A_270 : i32 to index
            %get3A_288 = arith.constant 32 : index
            %get3A_289 = tpu.vector_load %arg7[%get3A_287, %get3A_288] {strides = array<i32>} : memref<128x50xf32, #tpu.memory_space<vmem>>, vector<16xf32>,
            %add3A_290 = arith.constant 32 : i32
            %add3A_291 = vector.broadcast %add3A_290 : i32 to vector<16xi32>
            %add3A_292 = arith.addi %iota3A, %add3A_291 : vector<16xi32>
            tpu.vector_store_idx %arg8[%add3A_292, %add3A_274], %get3A_289 : memref<50x1664xf32, #tpu.memory_space<vmem>>[vector<16xi32>, vector<16xi32>], vector<16xf32>,
            %get3A_293 = arith.index_cast %add3A_270 : i32 to index
            %get3A_294 = arith.constant 34 : index
            %get3A_295 = tpu.vector_load %arg7[%get3A_293, %get3A_294] {strides = array<i32>} : memref<128x50xf32, #tpu.memory_space<vmem>>, vector<16xf32>,
            %add3A_296 = arith.constant 34 : i32
            %add3A_297 = vector.broadcast %add3A_296 : i32 to vector<16xi32>
            %add3A_298 = arith.addi %iota3A, %add3A_297 : vector<16xi32>
            tpu.vector_store_idx %arg8[%add3A_298, %add3A_274], %get3A_295 : memref<50x1664xf32, #tpu.memory_space<vmem>>[vector<16xi32>, vector<16xi32>], vector<16xf32>,
          } else {
          }
        }
        %scan3A_251 = arith.constant 16 : i32
      } else {
      }
      %get3A_189 = arith.constant 96 : index
      %get3A_190 = tpu.vector_load %arg6[%get3A_189] {strides = array<i32>} : memref<128xi32, #tpu.memory_space<vmem>>, vector<16xi32>,
      %sub3A_191 = vector.broadcast %mul3A_22 : i32 to vector<16xi32>
      %sub3A_192 = arith.subi %get3A_190, %sub3A_191 : vector<16xi32>
      %ge3A_193 = arith.constant 0 : i32
      %ge3A_194 = vector.broadcast %ge3A_193 : i32 to vector<16xi32>
      %ge3A_195 = arith.cmpi sge, %sub3A_192, %ge3A_194 : vector<16xi32>
      %lt3A_196 = arith.constant 1664 : i32
      %lt3A_197 = vector.broadcast %lt3A_196 : i32 to vector<16xi32>
      %lt3A_198 = arith.cmpi slt, %sub3A_192, %lt3A_197 : vector<16xi32>
      %and3A_199 = arith.andi %ge3A_195, %lt3A_198 : vector<16xi1>
      %jit3A_200 = arith.constant 1 : i32
      %jit3A_201 = arith.constant 0 : i32
      %broadcast_in_dim3A_202 = vector.broadcast %jit3A_200 : i32 to vector<16xi32>
      %broadcast_in_dim3A_203 = vector.broadcast %jit3A_201 : i32 to vector<16xi32>
      %select_n3A_204 = arith.select %and3A_199, %broadcast_in_dim3A_202, %broadcast_in_dim3A_203 : vector<16xi1>, vector<16xi32>
      %reduce_max3A_205 = arith.constant true
      %reduce_max3A_206 = vector.broadcast %reduce_max3A_205 : i1 to vector<16xi1>
      %reduce_max3A_207 = arith.constant -2147483648 : i32
      %reduce_max3A_208 = vector.broadcast %reduce_max3A_207 : i32 to vector<16xi32>
      %reduce_max3A_209 = arith.xori %select_n3A_204, %reduce_max3A_208 : vector<16xi32>
      %reduce_max3A_210 = tpu.scan <max>, %reduce_max3A_209 masked %reduce_max3A_206 : vector<16xi32>, vector<16xi1> -> vector<16xi32>
      %reduce_max3A_211 = arith.xori %reduce_max3A_210, %reduce_max3A_208 : vector<16xi32>
      %reduce_max3A_212 = vector.extract %reduce_max3A_211[15] : i32 from vector<16xi32>
      %gt3A_213 = arith.constant 0 : i32
      %gt3A_214 = arith.cmpi sgt, %reduce_max3A_212, %gt3A_213 : i32
      %convert_element_type3A_215 = arith.extui %gt3A_214 : i1 to i32
      %cond3A_216 = arith.constant 0 : i32
      %cond3A_217 = arith.cmpi ne, %convert_element_type3A_215, %cond3A_216 : i32
      scf.if %cond3A_217 {
        %scan3A = arith.constant 0 : i32
        %scan3A_247 = arith.constant 0 : i32
        %scan3A_248 = arith.constant 16 : i32
        %scan3A_249 = arith.addi %scan3A_247, %scan3A_248 : i32
        %scan3A_250 = arith.constant 1 : i32
        scf.for %scan3A_252 = %scan3A_247 to %scan3A_249 step %scan3A_250  : i32 {
          %iota3A_253 = tpu.iota {dimensions = array<i32: 0>} : vector<16xi32>
          %eq3A = vector.broadcast %scan3A_252 : i32 to vector<16xi32>
          %eq3A_254 = arith.cmpi eq, %iota3A_253, %eq3A : vector<16xi32>
          %jit3A_255 = arith.constant 0 : i32
          %broadcast_in_dim3A_256 = vector.broadcast %jit3A_255 : i32 to vector<16xi32>
          %select_n3A_257 = arith.select %eq3A_254, %sub3A_192, %broadcast_in_dim3A_256 : vector<16xi1>, vector<16xi32>
          %reduce_sum3A = arith.constant true
          %reduce_sum3A_258 = vector.broadcast %reduce_sum3A : i1 to vector<16xi1>
          %reduce_sum3A_259 = tpu.scan <sum>, %select_n3A_257 masked %reduce_sum3A_258 : vector<16xi32>, vector<16xi1> -> vector<16xi32>
          %reduce_sum3A_260 = vector.extract %reduce_sum3A_259[15] : i32 from vector<16xi32>
          %ge3A_261 = arith.constant 0 : i32
          %ge3A_262 = arith.cmpi sge, %reduce_sum3A_260, %ge3A_261 : i32
          %lt3A_263 = arith.constant 1664 : i32
          %lt3A_264 = arith.cmpi slt, %reduce_sum3A_260, %lt3A_263 : i32
          %and3A_265 = arith.andi %ge3A_262, %lt3A_264 : i1
          %convert_element_type3A_266 = arith.extui %and3A_265 : i1 to i32
          %cond3A_267 = arith.constant 0 : i32
          %cond3A_268 = arith.cmpi ne, %convert_element_type3A_266, %cond3A_267 : i32
          scf.if %cond3A_268 {
            %add3A_269 = arith.constant 96 : i32
            %add3A_270 = arith.addi %add3A_269, %scan3A_252 : i32
            %broadcast_in_dim3A_271 = arith.constant 0 : i32
            %broadcast_in_dim3A_272 = vector.broadcast %broadcast_in_dim3A_271 : i32 to vector<16xi32>
            %add3A_273 = vector.broadcast %reduce_sum3A_260 : i32 to vector<16xi32>
            %add3A_274 = arith.addi %broadcast_in_dim3A_272, %add3A_273 : vector<16xi32>
            %get3A_275 = arith.index_cast %add3A_270 : i32 to index
            %get3A_276 = arith.constant 0 : index
            %get3A_277 = tpu.vector_load %arg7[%get3A_275, %get3A_276] {strides = array<i32>} : memref<128x50xf32, #tpu.memory_space<vmem>>, vector<16xf32>,
            %add3A_278 = arith.constant 0 : i32
            %add3A_279 = vector.broadcast %add3A_278 : i32 to vector<16xi32>
            %add3A_280 = arith.addi %iota3A, %add3A_279 : vector<16xi32>
            tpu.vector_store_idx %arg8[%add3A_280, %add3A_274], %get3A_277 : memref<50x1664xf32, #tpu.memory_space<vmem>>[vector<16xi32>, vector<16xi32>], vector<16xf32>,
            %get3A_281 = arith.index_cast %add3A_270 : i32 to index
            %get3A_282 = arith.constant 16 : index
            %get3A_283 = tpu.vector_load %arg7[%get3A_281, %get3A_282] {strides = array<i32>} : memref<128x50xf32, #tpu.memory_space<vmem>>, vector<16xf32>,
            %add3A_284 = arith.constant 16 : i32
            %add3A_285 = vector.broadcast %add3A_284 : i32 to vector<16xi32>
            %add3A_286 = arith.addi %iota3A, %add3A_285 : vector<16xi32>
            tpu.vector_store_idx %arg8[%add3A_286, %add3A_274], %get3A_283 : memref<50x1664xf32, #tpu.memory_space<vmem>>[vector<16xi32>, vector<16xi32>], vector<16xf32>,
            %get3A_287 = arith.index_cast %add3A_270 : i32 to index
            %get3A_288 = arith.constant 32 : index
            %get3A_289 = tpu.vector_load %arg7[%get3A_287, %get3A_288] {strides = array<i32>} : memref<128x50xf32, #tpu.memory_space<vmem>>, vector<16xf32>,
            %add3A_290 = arith.constant 32 : i32
            %add3A_291 = vector.broadcast %add3A_290 : i32 to vector<16xi32>
            %add3A_292 = arith.addi %iota3A, %add3A_291 : vector<16xi32>
            tpu.vector_store_idx %arg8[%add3A_292, %add3A_274], %get3A_289 : memref<50x1664xf32, #tpu.memory_space<vmem>>[vector<16xi32>, vector<16xi32>], vector<16xf32>,
            %get3A_293 = arith.index_cast %add3A_270 : i32 to index
            %get3A_294 = arith.constant 34 : index
            %get3A_295 = tpu.vector_load %arg7[%get3A_293, %get3A_294] {strides = array<i32>} : memref<128x50xf32, #tpu.memory_space<vmem>>, vector<16xf32>,
            %add3A_296 = arith.constant 34 : i32
            %add3A_297 = vector.broadcast %add3A_296 : i32 to vector<16xi32>
            %add3A_298 = arith.addi %iota3A, %add3A_297 : vector<16xi32>
            tpu.vector_store_idx %arg8[%add3A_298, %add3A_274], %get3A_295 : memref<50x1664xf32, #tpu.memory_space<vmem>>[vector<16xi32>, vector<16xi32>], vector<16xf32>,
          } else {
          }
        }
        %scan3A_251 = arith.constant 16 : i32
      } else {
      }
      %get3A_218 = arith.constant 112 : index
      %get3A_219 = tpu.vector_load %arg6[%get3A_218] {strides = array<i32>} : memref<128xi32, #tpu.memory_space<vmem>>, vector<16xi32>,
      %sub3A_220 = vector.broadcast %mul3A_22 : i32 to vector<16xi32>
      %sub3A_221 = arith.subi %get3A_219, %sub3A_220 : vector<16xi32>
      %ge3A_222 = arith.constant 0 : i32
      %ge3A_223 = vector.broadcast %ge3A_222 : i32 to vector<16xi32>
      %ge3A_224 = arith.cmpi sge, %sub3A_221, %ge3A_223 : vector<16xi32>
      %lt3A_225 = arith.constant 1664 : i32
      %lt3A_226 = vector.broadcast %lt3A_225 : i32 to vector<16xi32>
      %lt3A_227 = arith.cmpi slt, %sub3A_221, %lt3A_226 : vector<16xi32>
      %and3A_228 = arith.andi %ge3A_224, %lt3A_227 : vector<16xi1>
      %jit3A_229 = arith.constant 1 : i32
      %jit3A_230 = arith.constant 0 : i32
      %broadcast_in_dim3A_231 = vector.broadcast %jit3A_229 : i32 to vector<16xi32>
      %broadcast_in_dim3A_232 = vector.broadcast %jit3A_230 : i32 to vector<16xi32>
      %select_n3A_233 = arith.select %and3A_228, %broadcast_in_dim3A_231, %broadcast_in_dim3A_232 : vector<16xi1>, vector<16xi32>
      %reduce_max3A_234 = arith.constant true
      %reduce_max3A_235 = vector.broadcast %reduce_max3A_234 : i1 to vector<16xi1>
      %reduce_max3A_236 = arith.constant -2147483648 : i32
      %reduce_max3A_237 = vector.broadcast %reduce_max3A_236 : i32 to vector<16xi32>
      %reduce_max3A_238 = arith.xori %select_n3A_233, %reduce_max3A_237 : vector<16xi32>
      %reduce_max3A_239 = tpu.scan <max>, %reduce_max3A_238 masked %reduce_max3A_235 : vector<16xi32>, vector<16xi1> -> vector<16xi32>
      %reduce_max3A_240 = arith.xori %reduce_max3A_239, %reduce_max3A_237 : vector<16xi32>
      %reduce_max3A_241 = vector.extract %reduce_max3A_240[15] : i32 from vector<16xi32>
      %gt3A_242 = arith.constant 0 : i32
      %gt3A_243 = arith.cmpi sgt, %reduce_max3A_241, %gt3A_242 : i32
      %convert_element_type3A_244 = arith.extui %gt3A_243 : i1 to i32
      %cond3A_245 = arith.constant 0 : i32
      %cond3A_246 = arith.cmpi ne, %convert_element_type3A_244, %cond3A_245 : i32
      scf.if %cond3A_246 {
        %scan3A = arith.constant 0 : i32
        %scan3A_247 = arith.constant 0 : i32
        %scan3A_248 = arith.constant 16 : i32
        %scan3A_249 = arith.addi %scan3A_247, %scan3A_248 : i32
        %scan3A_250 = arith.constant 1 : i32
        scf.for %scan3A_252 = %scan3A_247 to %scan3A_249 step %scan3A_250  : i32 {
          %iota3A_253 = tpu.iota {dimensions = array<i32: 0>} : vector<16xi32>
          %eq3A = vector.broadcast %scan3A_252 : i32 to vector<16xi32>
          %eq3A_254 = arith.cmpi eq, %iota3A_253, %eq3A : vector<16xi32>
          %jit3A_255 = arith.constant 0 : i32
          %broadcast_in_dim3A_256 = vector.broadcast %jit3A_255 : i32 to vector<16xi32>
          %select_n3A_257 = arith.select %eq3A_254, %sub3A_221, %broadcast_in_dim3A_256 : vector<16xi1>, vector<16xi32>
          %reduce_sum3A = arith.constant true
          %reduce_sum3A_258 = vector.broadcast %reduce_sum3A : i1 to vector<16xi1>
          %reduce_sum3A_259 = tpu.scan <sum>, %select_n3A_257 masked %reduce_sum3A_258 : vector<16xi32>, vector<16xi1> -> vector<16xi32>
          %reduce_sum3A_260 = vector.extract %reduce_sum3A_259[15] : i32 from vector<16xi32>
          %ge3A_261 = arith.constant 0 : i32
          %ge3A_262 = arith.cmpi sge, %reduce_sum3A_260, %ge3A_261 : i32
          %lt3A_263 = arith.constant 1664 : i32
          %lt3A_264 = arith.cmpi slt, %reduce_sum3A_260, %lt3A_263 : i32
          %and3A_265 = arith.andi %ge3A_262, %lt3A_264 : i1
          %convert_element_type3A_266 = arith.extui %and3A_265 : i1 to i32
          %cond3A_267 = arith.constant 0 : i32
          %cond3A_268 = arith.cmpi ne, %convert_element_type3A_266, %cond3A_267 : i32
          scf.if %cond3A_268 {
            %add3A_269 = arith.constant 112 : i32
            %add3A_270 = arith.addi %add3A_269, %scan3A_252 : i32
            %broadcast_in_dim3A_271 = arith.constant 0 : i32
            %broadcast_in_dim3A_272 = vector.broadcast %broadcast_in_dim3A_271 : i32 to vector<16xi32>
            %add3A_273 = vector.broadcast %reduce_sum3A_260 : i32 to vector<16xi32>
            %add3A_274 = arith.addi %broadcast_in_dim3A_272, %add3A_273 : vector<16xi32>
            %get3A_275 = arith.index_cast %add3A_270 : i32 to index
            %get3A_276 = arith.constant 0 : index
            %get3A_277 = tpu.vector_load %arg7[%get3A_275, %get3A_276] {strides = array<i32>} : memref<128x50xf32, #tpu.memory_space<vmem>>, vector<16xf32>,
            %add3A_278 = arith.constant 0 : i32
            %add3A_279 = vector.broadcast %add3A_278 : i32 to vector<16xi32>
            %add3A_280 = arith.addi %iota3A, %add3A_279 : vector<16xi32>
            tpu.vector_store_idx %arg8[%add3A_280, %add3A_274], %get3A_277 : memref<50x1664xf32, #tpu.memory_space<vmem>>[vector<16xi32>, vector<16xi32>], vector<16xf32>,
            %get3A_281 = arith.index_cast %add3A_270 : i32 to index
            %get3A_282 = arith.constant 16 : index
            %get3A_283 = tpu.vector_load %arg7[%get3A_281, %get3A_282] {strides = array<i32>} : memref<128x50xf32, #tpu.memory_space<vmem>>, vector<16xf32>,
            %add3A_284 = arith.constant 16 : i32
            %add3A_285 = vector.broadcast %add3A_284 : i32 to vector<16xi32>
            %add3A_286 = arith.addi %iota3A, %add3A_285 : vector<16xi32>
            tpu.vector_store_idx %arg8[%add3A_286, %add3A_274], %get3A_283 : memref<50x1664xf32, #tpu.memory_space<vmem>>[vector<16xi32>, vector<16xi32>], vector<16xf32>,
            %get3A_287 = arith.index_cast %add3A_270 : i32 to index
            %get3A_288 = arith.constant 32 : index
            %get3A_289 = tpu.vector_load %arg7[%get3A_287, %get3A_288] {strides = array<i32>} : memref<128x50xf32, #tpu.memory_space<vmem>>, vector<16xf32>,
            %add3A_290 = arith.constant 32 : i32
            %add3A_291 = vector.broadcast %add3A_290 : i32 to vector<16xi32>
            %add3A_292 = arith.addi %iota3A, %add3A_291 : vector<16xi32>
            tpu.vector_store_idx %arg8[%add3A_292, %add3A_274], %get3A_289 : memref<50x1664xf32, #tpu.memory_space<vmem>>[vector<16xi32>, vector<16xi32>], vector<16xf32>,
            %get3A_293 = arith.index_cast %add3A_270 : i32 to index
            %get3A_294 = arith.constant 34 : index
            %get3A_295 = tpu.vector_load %arg7[%get3A_293, %get3A_294] {strides = array<i32>} : memref<128x50xf32, #tpu.memory_space<vmem>>, vector<16xf32>,
            %add3A_296 = arith.constant 34 : i32
            %add3A_297 = vector.broadcast %add3A_296 : i32 to vector<16xi32>
            %add3A_298 = arith.addi %iota3A, %add3A_297 : vector<16xi32>
            tpu.vector_store_idx %arg8[%add3A_298, %add3A_274], %get3A_295 : memref<50x1664xf32, #tpu.memory_space<vmem>>[vector<16xi32>, vector<16xi32>], vector<16xf32>,
          } else {
          }
        }
        %scan3A_251 = arith.constant 16 : i32
      } else {
      }
      "tpu.region"() ({
        %run_scoped3A = tpu.sem_alloc : memref<!tpu.dma_semaphore, #tpu.memory_space<semaphore_mem>>
        %dma_start3A = arith.constant 0 : i32
        %dma_start3A_247 = arith.constant 0 : i32
        %dma_start3A_248 = tpu.memref_slice %arg8[%dma_start3A, %dma_start3A_247] : memref<50x1664xf32, #tpu.memory_space<vmem>> -> memref<50x1664xf32, #tpu.memory_space<vmem>>
        %dma_start3A_249 = arith.constant 0 : i32
        %dma_start3A_250 = tpu.memref_slice %arg5[%dma_start3A_249, %mul3A_22] : memref<50x100000xf32, #tpu.memory_space<hbm>> -> memref<50x1664xf32, #tpu.memory_space<hbm>>
        %dma_start3A_251 = arith.constant 0 : i32
        %dma_start3A_252 = tpu.memref_slice %arg5[%dma_start3A_251, %mul3A_22] : memref<50x100000xf32, #tpu.memory_space<hbm>> -> memref<50x1664xf32, #tpu.memory_space<hbm>>
        %dma_start3A_253 = arith.constant 0 : i32
        %dma_start3A_254 = arith.constant 0 : i32
        %dma_start3A_255 = tpu.memref_slice %arg8[%dma_start3A_253, %dma_start3A_254] : memref<50x1664xf32, #tpu.memory_space<vmem>> -> memref<50x1664xf32, #tpu.memory_space<vmem>>
        tpu.enqueue_dma source(%dma_start3A_255 : memref<50x1664xf32, #tpu.memory_space<vmem>>) target(%dma_start3A_252 : memref<50x1664xf32, #tpu.memory_space<hbm>>) target_semaphore(%run_scoped3A : memref<!tpu.dma_semaphore, #tpu.memory_space<semaphore_mem>>)
        %dma_wait3A = arith.constant 0 : i32
        %dma_wait3A_256 = arith.constant 0 : i32
        %dma_wait3A_257 = tpu.memref_slice %arg8[%dma_wait3A, %dma_wait3A_256] : memref<50x1664xf32, #tpu.memory_space<vmem>> -> memref<50x1664xf32, #tpu.memory_space<vmem>>
        %dma_wait3A_258 = arith.constant 0 : i32
        %dma_wait3A_259 = tpu.memref_slice %arg5[%dma_wait3A_258, %mul3A_22] : memref<50x100000xf32, #tpu.memory_space<hbm>> -> memref<50x1664xf32, #tpu.memory_space<hbm>>
        %dma_wait3A_260 = arith.constant 0 : i32
        %dma_wait3A_261 = tpu.memref_slice %arg5[%dma_wait3A_260, %mul3A_22] : memref<50x100000xf32, #tpu.memory_space<hbm>> -> memref<50x1664xf32, #tpu.memory_space<hbm>>
        %dma_wait3A_262 = arith.constant 0 : i32
        %dma_wait3A_263 = arith.constant 0 : i32
        %dma_wait3A_264 = tpu.memref_slice %arg8[%dma_wait3A_262, %dma_wait3A_263] : memref<50x1664xf32, #tpu.memory_space<vmem>> -> memref<50x1664xf32, #tpu.memory_space<vmem>>
        tpu.wait_dma2 semaphore(%run_scoped3A : memref<!tpu.dma_semaphore, #tpu.memory_space<semaphore_mem>>) src(%dma_wait3A_264 : memref<50x1664xf32, #tpu.memory_space<vmem>>) dst(%dma_wait3A_261 : memref<50x1664xf32, #tpu.memory_space<hbm>>)
        tpu.yield
      }) : () -> ()
    } else {
    }
    %ge3A_16 = arith.constant 13 : i32
    %ge3A_17 = arith.cmpi sge, %add3A_10, %ge3A_16 : i32
    %convert_element_type3A_18 = arith.extui %ge3A_17 : i1 to i32
    %cond3A_19 = arith.constant 0 : i32
    %cond3A_20 = arith.cmpi ne, %convert_element_type3A_18, %cond3A_19 : i32
    scf.if %cond3A_20 {
      %sub3A = arith.constant 13 : i32
      %sub3A_21 = arith.subi %add3A_10, %sub3A : i32
      %mul3A_22 = arith.constant 1536 : i32
      %mul3A_23 = arith.muli %sub3A_21, %mul3A_22 : i32
      %add3A_24 = arith.constant 21632 : i32
      %add3A_25 = arith.addi %add3A_24, %mul3A_23 : i32
      "tpu.region"() ({
        %run_scoped3A = tpu.sem_alloc : memref<!tpu.dma_semaphore, #tpu.memory_space<semaphore_mem>>
        %dma_start3A = arith.constant 0 : i32
        %dma_start3A_251 = arith.constant 0 : i32
        %dma_start3A_252 = tpu.memref_slice %arg8[%dma_start3A, %dma_start3A_251] : memref<50x1664xf32, #tpu.memory_space<vmem>> -> memref<50x1536xf32, #tpu.memory_space<vmem>>
        %dma_start3A_253 = arith.constant 0 : i32
        %dma_start3A_254 = tpu.memref_slice %arg2[%dma_start3A_253, %add3A_25] : memref<50x100000xf32, #tpu.memory_space<hbm>> -> memref<50x1536xf32, #tpu.memory_space<hbm>>
        %dma_start3A_255 = arith.constant 0 : i32
        %dma_start3A_256 = arith.constant 0 : i32
        %dma_start3A_257 = tpu.memref_slice %arg8[%dma_start3A_255, %dma_start3A_256] : memref<50x1664xf32, #tpu.memory_space<vmem>> -> memref<50x1536xf32, #tpu.memory_space<vmem>>
        %dma_start3A_258 = arith.constant 0 : i32
        %dma_start3A_259 = tpu.memref_slice %arg2[%dma_start3A_258, %add3A_25] : memref<50x100000xf32, #tpu.memory_space<hbm>> -> memref<50x1536xf32, #tpu.memory_space<hbm>>
        tpu.enqueue_dma source(%dma_start3A_259 : memref<50x1536xf32, #tpu.memory_space<hbm>>) target(%dma_start3A_257 : memref<50x1536xf32, #tpu.memory_space<vmem>>) target_semaphore(%run_scoped3A : memref<!tpu.dma_semaphore, #tpu.memory_space<semaphore_mem>>)
        %dma_wait3A = arith.constant 0 : i32
        %dma_wait3A_260 = arith.constant 0 : i32
        %dma_wait3A_261 = tpu.memref_slice %arg8[%dma_wait3A, %dma_wait3A_260] : memref<50x1664xf32, #tpu.memory_space<vmem>> -> memref<50x1536xf32, #tpu.memory_space<vmem>>
        %dma_wait3A_262 = arith.constant 0 : i32
        %dma_wait3A_263 = tpu.memref_slice %arg2[%dma_wait3A_262, %add3A_25] : memref<50x100000xf32, #tpu.memory_space<hbm>> -> memref<50x1536xf32, #tpu.memory_space<hbm>>
        %dma_wait3A_264 = arith.constant 0 : i32
        %dma_wait3A_265 = arith.constant 0 : i32
        %dma_wait3A_266 = tpu.memref_slice %arg8[%dma_wait3A_264, %dma_wait3A_265] : memref<50x1664xf32, #tpu.memory_space<vmem>> -> memref<50x1536xf32, #tpu.memory_space<vmem>>
        %dma_wait3A_267 = arith.constant 0 : i32
        %dma_wait3A_268 = tpu.memref_slice %arg2[%dma_wait3A_267, %add3A_25] : memref<50x100000xf32, #tpu.memory_space<hbm>> -> memref<50x1536xf32, #tpu.memory_space<hbm>>
        tpu.wait_dma2 semaphore(%run_scoped3A : memref<!tpu.dma_semaphore, #tpu.memory_space<semaphore_mem>>) src(%dma_wait3A_268 : memref<50x1536xf32, #tpu.memory_space<hbm>>) dst(%dma_wait3A_266 : memref<50x1536xf32, #tpu.memory_space<vmem>>)
        tpu.yield
      }) : () -> ()
      %get3A = arith.constant 0 : index
      %get3A_26 = tpu.vector_load %arg6[%get3A] {strides = array<i32>} : memref<128xi32, #tpu.memory_space<vmem>>, vector<16xi32>,
      %sub3A_27 = vector.broadcast %add3A_25 : i32 to vector<16xi32>
      %sub3A_28 = arith.subi %get3A_26, %sub3A_27 : vector<16xi32>
      %ge3A_29 = arith.constant 0 : i32
      %ge3A_30 = vector.broadcast %ge3A_29 : i32 to vector<16xi32>
      %ge3A_31 = arith.cmpi sge, %sub3A_28, %ge3A_30 : vector<16xi32>
      %lt3A_32 = arith.constant 1536 : i32
      %lt3A_33 = vector.broadcast %lt3A_32 : i32 to vector<16xi32>
      %lt3A_34 = arith.cmpi slt, %sub3A_28, %lt3A_33 : vector<16xi32>
      %and3A = arith.andi %ge3A_31, %lt3A_34 : vector<16xi1>
      %jit3A = arith.constant 1 : i32
      %jit3A_35 = arith.constant 0 : i32
      %broadcast_in_dim3A = vector.broadcast %jit3A : i32 to vector<16xi32>
      %broadcast_in_dim3A_36 = vector.broadcast %jit3A_35 : i32 to vector<16xi32>
      %select_n3A = arith.select %and3A, %broadcast_in_dim3A, %broadcast_in_dim3A_36 : vector<16xi1>, vector<16xi32>
      %reduce_max3A = arith.constant true
      %reduce_max3A_37 = vector.broadcast %reduce_max3A : i1 to vector<16xi1>
      %reduce_max3A_38 = arith.constant -2147483648 : i32
      %reduce_max3A_39 = vector.broadcast %reduce_max3A_38 : i32 to vector<16xi32>
      %reduce_max3A_40 = arith.xori %select_n3A, %reduce_max3A_39 : vector<16xi32>
      %reduce_max3A_41 = tpu.scan <max>, %reduce_max3A_40 masked %reduce_max3A_37 : vector<16xi32>, vector<16xi1> -> vector<16xi32>
      %reduce_max3A_42 = arith.xori %reduce_max3A_41, %reduce_max3A_39 : vector<16xi32>
      %reduce_max3A_43 = vector.extract %reduce_max3A_42[15] : i32 from vector<16xi32>
      %gt3A = arith.constant 0 : i32
      %gt3A_44 = arith.cmpi sgt, %reduce_max3A_43, %gt3A : i32
      %convert_element_type3A_45 = arith.extui %gt3A_44 : i1 to i32
      %cond3A_46 = arith.constant 0 : i32
      %cond3A_47 = arith.cmpi ne, %convert_element_type3A_45, %cond3A_46 : i32
      scf.if %cond3A_47 {
        %scan3A = arith.constant 0 : i32
        %scan3A_251 = arith.constant 0 : i32
        %scan3A_252 = arith.constant 16 : i32
        %scan3A_253 = arith.addi %scan3A_251, %scan3A_252 : i32
        %scan3A_254 = arith.constant 1 : i32
        scf.for %scan3A_256 = %scan3A_251 to %scan3A_253 step %scan3A_254  : i32 {
          %iota3A_257 = tpu.iota {dimensions = array<i32: 0>} : vector<16xi32>
          %eq3A = vector.broadcast %scan3A_256 : i32 to vector<16xi32>
          %eq3A_258 = arith.cmpi eq, %iota3A_257, %eq3A : vector<16xi32>
          %jit3A_259 = arith.constant 0 : i32
          %broadcast_in_dim3A_260 = vector.broadcast %jit3A_259 : i32 to vector<16xi32>
          %select_n3A_261 = arith.select %eq3A_258, %sub3A_28, %broadcast_in_dim3A_260 : vector<16xi1>, vector<16xi32>
          %reduce_sum3A = arith.constant true
          %reduce_sum3A_262 = vector.broadcast %reduce_sum3A : i1 to vector<16xi1>
          %reduce_sum3A_263 = tpu.scan <sum>, %select_n3A_261 masked %reduce_sum3A_262 : vector<16xi32>, vector<16xi1> -> vector<16xi32>
          %reduce_sum3A_264 = vector.extract %reduce_sum3A_263[15] : i32 from vector<16xi32>
          %ge3A_265 = arith.constant 0 : i32
          %ge3A_266 = arith.cmpi sge, %reduce_sum3A_264, %ge3A_265 : i32
          %lt3A_267 = arith.constant 1536 : i32
          %lt3A_268 = arith.cmpi slt, %reduce_sum3A_264, %lt3A_267 : i32
          %and3A_269 = arith.andi %ge3A_266, %lt3A_268 : i1
          %convert_element_type3A_270 = arith.extui %and3A_269 : i1 to i32
          %cond3A_271 = arith.constant 0 : i32
          %cond3A_272 = arith.cmpi ne, %convert_element_type3A_270, %cond3A_271 : i32
          scf.if %cond3A_272 {
            %add3A_273 = arith.constant 0 : i32
            %add3A_274 = arith.addi %add3A_273, %scan3A_256 : i32
            %broadcast_in_dim3A_275 = arith.constant 0 : i32
            %broadcast_in_dim3A_276 = vector.broadcast %broadcast_in_dim3A_275 : i32 to vector<16xi32>
            %add3A_277 = vector.broadcast %reduce_sum3A_264 : i32 to vector<16xi32>
            %add3A_278 = arith.addi %broadcast_in_dim3A_276, %add3A_277 : vector<16xi32>
            %get3A_279 = arith.index_cast %add3A_274 : i32 to index
            %get3A_280 = arith.constant 0 : index
            %get3A_281 = tpu.vector_load %arg7[%get3A_279, %get3A_280] {strides = array<i32>} : memref<128x50xf32, #tpu.memory_space<vmem>>, vector<16xf32>,
            %add3A_282 = arith.constant 0 : i32
            %add3A_283 = vector.broadcast %add3A_282 : i32 to vector<16xi32>
            %add3A_284 = arith.addi %iota3A, %add3A_283 : vector<16xi32>
            tpu.vector_store_idx %arg8[%add3A_284, %add3A_278], %get3A_281 : memref<50x1664xf32, #tpu.memory_space<vmem>>[vector<16xi32>, vector<16xi32>], vector<16xf32>,
            %get3A_285 = arith.index_cast %add3A_274 : i32 to index
            %get3A_286 = arith.constant 16 : index
            %get3A_287 = tpu.vector_load %arg7[%get3A_285, %get3A_286] {strides = array<i32>} : memref<128x50xf32, #tpu.memory_space<vmem>>, vector<16xf32>,
            %add3A_288 = arith.constant 16 : i32
            %add3A_289 = vector.broadcast %add3A_288 : i32 to vector<16xi32>
            %add3A_290 = arith.addi %iota3A, %add3A_289 : vector<16xi32>
            tpu.vector_store_idx %arg8[%add3A_290, %add3A_278], %get3A_287 : memref<50x1664xf32, #tpu.memory_space<vmem>>[vector<16xi32>, vector<16xi32>], vector<16xf32>,
            %get3A_291 = arith.index_cast %add3A_274 : i32 to index
            %get3A_292 = arith.constant 32 : index
            %get3A_293 = tpu.vector_load %arg7[%get3A_291, %get3A_292] {strides = array<i32>} : memref<128x50xf32, #tpu.memory_space<vmem>>, vector<16xf32>,
            %add3A_294 = arith.constant 32 : i32
            %add3A_295 = vector.broadcast %add3A_294 : i32 to vector<16xi32>
            %add3A_296 = arith.addi %iota3A, %add3A_295 : vector<16xi32>
            tpu.vector_store_idx %arg8[%add3A_296, %add3A_278], %get3A_293 : memref<50x1664xf32, #tpu.memory_space<vmem>>[vector<16xi32>, vector<16xi32>], vector<16xf32>,
            %get3A_297 = arith.index_cast %add3A_274 : i32 to index
            %get3A_298 = arith.constant 34 : index
            %get3A_299 = tpu.vector_load %arg7[%get3A_297, %get3A_298] {strides = array<i32>} : memref<128x50xf32, #tpu.memory_space<vmem>>, vector<16xf32>,
            %add3A_300 = arith.constant 34 : i32
            %add3A_301 = vector.broadcast %add3A_300 : i32 to vector<16xi32>
            %add3A_302 = arith.addi %iota3A, %add3A_301 : vector<16xi32>
            tpu.vector_store_idx %arg8[%add3A_302, %add3A_278], %get3A_299 : memref<50x1664xf32, #tpu.memory_space<vmem>>[vector<16xi32>, vector<16xi32>], vector<16xf32>,
          } else {
          }
        }
        %scan3A_255 = arith.constant 16 : i32
      } else {
      }
      %get3A_48 = arith.constant 16 : index
      %get3A_49 = tpu.vector_load %arg6[%get3A_48] {strides = array<i32>} : memref<128xi32, #tpu.memory_space<vmem>>, vector<16xi32>,
      %sub3A_50 = vector.broadcast %add3A_25 : i32 to vector<16xi32>
      %sub3A_51 = arith.subi %get3A_49, %sub3A_50 : vector<16xi32>
      %ge3A_52 = arith.constant 0 : i32
      %ge3A_53 = vector.broadcast %ge3A_52 : i32 to vector<16xi32>
      %ge3A_54 = arith.cmpi sge, %sub3A_51, %ge3A_53 : vector<16xi32>
      %lt3A_55 = arith.constant 1536 : i32
      %lt3A_56 = vector.broadcast %lt3A_55 : i32 to vector<16xi32>
      %lt3A_57 = arith.cmpi slt, %sub3A_51, %lt3A_56 : vector<16xi32>
      %and3A_58 = arith.andi %ge3A_54, %lt3A_57 : vector<16xi1>
      %jit3A_59 = arith.constant 1 : i32
      %jit3A_60 = arith.constant 0 : i32
      %broadcast_in_dim3A_61 = vector.broadcast %jit3A_59 : i32 to vector<16xi32>
      %broadcast_in_dim3A_62 = vector.broadcast %jit3A_60 : i32 to vector<16xi32>
      %select_n3A_63 = arith.select %and3A_58, %broadcast_in_dim3A_61, %broadcast_in_dim3A_62 : vector<16xi1>, vector<16xi32>
      %reduce_max3A_64 = arith.constant true
      %reduce_max3A_65 = vector.broadcast %reduce_max3A_64 : i1 to vector<16xi1>
      %reduce_max3A_66 = arith.constant -2147483648 : i32
      %reduce_max3A_67 = vector.broadcast %reduce_max3A_66 : i32 to vector<16xi32>
      %reduce_max3A_68 = arith.xori %select_n3A_63, %reduce_max3A_67 : vector<16xi32>
      %reduce_max3A_69 = tpu.scan <max>, %reduce_max3A_68 masked %reduce_max3A_65 : vector<16xi32>, vector<16xi1> -> vector<16xi32>
      %reduce_max3A_70 = arith.xori %reduce_max3A_69, %reduce_max3A_67 : vector<16xi32>
      %reduce_max3A_71 = vector.extract %reduce_max3A_70[15] : i32 from vector<16xi32>
      %gt3A_72 = arith.constant 0 : i32
      %gt3A_73 = arith.cmpi sgt, %reduce_max3A_71, %gt3A_72 : i32
      %convert_element_type3A_74 = arith.extui %gt3A_73 : i1 to i32
      %cond3A_75 = arith.constant 0 : i32
      %cond3A_76 = arith.cmpi ne, %convert_element_type3A_74, %cond3A_75 : i32
      scf.if %cond3A_76 {
        %scan3A = arith.constant 0 : i32
        %scan3A_251 = arith.constant 0 : i32
        %scan3A_252 = arith.constant 16 : i32
        %scan3A_253 = arith.addi %scan3A_251, %scan3A_252 : i32
        %scan3A_254 = arith.constant 1 : i32
        scf.for %scan3A_256 = %scan3A_251 to %scan3A_253 step %scan3A_254  : i32 {
          %iota3A_257 = tpu.iota {dimensions = array<i32: 0>} : vector<16xi32>
          %eq3A = vector.broadcast %scan3A_256 : i32 to vector<16xi32>
          %eq3A_258 = arith.cmpi eq, %iota3A_257, %eq3A : vector<16xi32>
          %jit3A_259 = arith.constant 0 : i32
          %broadcast_in_dim3A_260 = vector.broadcast %jit3A_259 : i32 to vector<16xi32>
          %select_n3A_261 = arith.select %eq3A_258, %sub3A_51, %broadcast_in_dim3A_260 : vector<16xi1>, vector<16xi32>
          %reduce_sum3A = arith.constant true
          %reduce_sum3A_262 = vector.broadcast %reduce_sum3A : i1 to vector<16xi1>
          %reduce_sum3A_263 = tpu.scan <sum>, %select_n3A_261 masked %reduce_sum3A_262 : vector<16xi32>, vector<16xi1> -> vector<16xi32>
          %reduce_sum3A_264 = vector.extract %reduce_sum3A_263[15] : i32 from vector<16xi32>
          %ge3A_265 = arith.constant 0 : i32
          %ge3A_266 = arith.cmpi sge, %reduce_sum3A_264, %ge3A_265 : i32
          %lt3A_267 = arith.constant 1536 : i32
          %lt3A_268 = arith.cmpi slt, %reduce_sum3A_264, %lt3A_267 : i32
          %and3A_269 = arith.andi %ge3A_266, %lt3A_268 : i1
          %convert_element_type3A_270 = arith.extui %and3A_269 : i1 to i32
          %cond3A_271 = arith.constant 0 : i32
          %cond3A_272 = arith.cmpi ne, %convert_element_type3A_270, %cond3A_271 : i32
          scf.if %cond3A_272 {
            %add3A_273 = arith.constant 16 : i32
            %add3A_274 = arith.addi %add3A_273, %scan3A_256 : i32
            %broadcast_in_dim3A_275 = arith.constant 0 : i32
            %broadcast_in_dim3A_276 = vector.broadcast %broadcast_in_dim3A_275 : i32 to vector<16xi32>
            %add3A_277 = vector.broadcast %reduce_sum3A_264 : i32 to vector<16xi32>
            %add3A_278 = arith.addi %broadcast_in_dim3A_276, %add3A_277 : vector<16xi32>
            %get3A_279 = arith.index_cast %add3A_274 : i32 to index
            %get3A_280 = arith.constant 0 : index
            %get3A_281 = tpu.vector_load %arg7[%get3A_279, %get3A_280] {strides = array<i32>} : memref<128x50xf32, #tpu.memory_space<vmem>>, vector<16xf32>,
            %add3A_282 = arith.constant 0 : i32
            %add3A_283 = vector.broadcast %add3A_282 : i32 to vector<16xi32>
            %add3A_284 = arith.addi %iota3A, %add3A_283 : vector<16xi32>
            tpu.vector_store_idx %arg8[%add3A_284, %add3A_278], %get3A_281 : memref<50x1664xf32, #tpu.memory_space<vmem>>[vector<16xi32>, vector<16xi32>], vector<16xf32>,
            %get3A_285 = arith.index_cast %add3A_274 : i32 to index
            %get3A_286 = arith.constant 16 : index
            %get3A_287 = tpu.vector_load %arg7[%get3A_285, %get3A_286] {strides = array<i32>} : memref<128x50xf32, #tpu.memory_space<vmem>>, vector<16xf32>,
            %add3A_288 = arith.constant 16 : i32
            %add3A_289 = vector.broadcast %add3A_288 : i32 to vector<16xi32>
            %add3A_290 = arith.addi %iota3A, %add3A_289 : vector<16xi32>
            tpu.vector_store_idx %arg8[%add3A_290, %add3A_278], %get3A_287 : memref<50x1664xf32, #tpu.memory_space<vmem>>[vector<16xi32>, vector<16xi32>], vector<16xf32>,
            %get3A_291 = arith.index_cast %add3A_274 : i32 to index
            %get3A_292 = arith.constant 32 : index
            %get3A_293 = tpu.vector_load %arg7[%get3A_291, %get3A_292] {strides = array<i32>} : memref<128x50xf32, #tpu.memory_space<vmem>>, vector<16xf32>,
            %add3A_294 = arith.constant 32 : i32
            %add3A_295 = vector.broadcast %add3A_294 : i32 to vector<16xi32>
            %add3A_296 = arith.addi %iota3A, %add3A_295 : vector<16xi32>
            tpu.vector_store_idx %arg8[%add3A_296, %add3A_278], %get3A_293 : memref<50x1664xf32, #tpu.memory_space<vmem>>[vector<16xi32>, vector<16xi32>], vector<16xf32>,
            %get3A_297 = arith.index_cast %add3A_274 : i32 to index
            %get3A_298 = arith.constant 34 : index
            %get3A_299 = tpu.vector_load %arg7[%get3A_297, %get3A_298] {strides = array<i32>} : memref<128x50xf32, #tpu.memory_space<vmem>>, vector<16xf32>,
            %add3A_300 = arith.constant 34 : i32
            %add3A_301 = vector.broadcast %add3A_300 : i32 to vector<16xi32>
            %add3A_302 = arith.addi %iota3A, %add3A_301 : vector<16xi32>
            tpu.vector_store_idx %arg8[%add3A_302, %add3A_278], %get3A_299 : memref<50x1664xf32, #tpu.memory_space<vmem>>[vector<16xi32>, vector<16xi32>], vector<16xf32>,
          } else {
          }
        }
        %scan3A_255 = arith.constant 16 : i32
      } else {
      }
      %get3A_77 = arith.constant 32 : index
      %get3A_78 = tpu.vector_load %arg6[%get3A_77] {strides = array<i32>} : memref<128xi32, #tpu.memory_space<vmem>>, vector<16xi32>,
      %sub3A_79 = vector.broadcast %add3A_25 : i32 to vector<16xi32>
      %sub3A_80 = arith.subi %get3A_78, %sub3A_79 : vector<16xi32>
      %ge3A_81 = arith.constant 0 : i32
      %ge3A_82 = vector.broadcast %ge3A_81 : i32 to vector<16xi32>
      %ge3A_83 = arith.cmpi sge, %sub3A_80, %ge3A_82 : vector<16xi32>
      %lt3A_84 = arith.constant 1536 : i32
      %lt3A_85 = vector.broadcast %lt3A_84 : i32 to vector<16xi32>
      %lt3A_86 = arith.cmpi slt, %sub3A_80, %lt3A_85 : vector<16xi32>
      %and3A_87 = arith.andi %ge3A_83, %lt3A_86 : vector<16xi1>
      %jit3A_88 = arith.constant 1 : i32
      %jit3A_89 = arith.constant 0 : i32
      %broadcast_in_dim3A_90 = vector.broadcast %jit3A_88 : i32 to vector<16xi32>
      %broadcast_in_dim3A_91 = vector.broadcast %jit3A_89 : i32 to vector<16xi32>
      %select_n3A_92 = arith.select %and3A_87, %broadcast_in_dim3A_90, %broadcast_in_dim3A_91 : vector<16xi1>, vector<16xi32>
      %reduce_max3A_93 = arith.constant true
      %reduce_max3A_94 = vector.broadcast %reduce_max3A_93 : i1 to vector<16xi1>
      %reduce_max3A_95 = arith.constant -2147483648 : i32
      %reduce_max3A_96 = vector.broadcast %reduce_max3A_95 : i32 to vector<16xi32>
      %reduce_max3A_97 = arith.xori %select_n3A_92, %reduce_max3A_96 : vector<16xi32>
      %reduce_max3A_98 = tpu.scan <max>, %reduce_max3A_97 masked %reduce_max3A_94 : vector<16xi32>, vector<16xi1> -> vector<16xi32>
      %reduce_max3A_99 = arith.xori %reduce_max3A_98, %reduce_max3A_96 : vector<16xi32>
      %reduce_max3A_100 = vector.extract %reduce_max3A_99[15] : i32 from vector<16xi32>
      %gt3A_101 = arith.constant 0 : i32
      %gt3A_102 = arith.cmpi sgt, %reduce_max3A_100, %gt3A_101 : i32
      %convert_element_type3A_103 = arith.extui %gt3A_102 : i1 to i32
      %cond3A_104 = arith.constant 0 : i32
      %cond3A_105 = arith.cmpi ne, %convert_element_type3A_103, %cond3A_104 : i32
      scf.if %cond3A_105 {
        %scan3A = arith.constant 0 : i32
        %scan3A_251 = arith.constant 0 : i32
        %scan3A_252 = arith.constant 16 : i32
        %scan3A_253 = arith.addi %scan3A_251, %scan3A_252 : i32
        %scan3A_254 = arith.constant 1 : i32
        scf.for %scan3A_256 = %scan3A_251 to %scan3A_253 step %scan3A_254  : i32 {
          %iota3A_257 = tpu.iota {dimensions = array<i32: 0>} : vector<16xi32>
          %eq3A = vector.broadcast %scan3A_256 : i32 to vector<16xi32>
          %eq3A_258 = arith.cmpi eq, %iota3A_257, %eq3A : vector<16xi32>
          %jit3A_259 = arith.constant 0 : i32
          %broadcast_in_dim3A_260 = vector.broadcast %jit3A_259 : i32 to vector<16xi32>
          %select_n3A_261 = arith.select %eq3A_258, %sub3A_80, %broadcast_in_dim3A_260 : vector<16xi1>, vector<16xi32>
          %reduce_sum3A = arith.constant true
          %reduce_sum3A_262 = vector.broadcast %reduce_sum3A : i1 to vector<16xi1>
          %reduce_sum3A_263 = tpu.scan <sum>, %select_n3A_261 masked %reduce_sum3A_262 : vector<16xi32>, vector<16xi1> -> vector<16xi32>
          %reduce_sum3A_264 = vector.extract %reduce_sum3A_263[15] : i32 from vector<16xi32>
          %ge3A_265 = arith.constant 0 : i32
          %ge3A_266 = arith.cmpi sge, %reduce_sum3A_264, %ge3A_265 : i32
          %lt3A_267 = arith.constant 1536 : i32
          %lt3A_268 = arith.cmpi slt, %reduce_sum3A_264, %lt3A_267 : i32
          %and3A_269 = arith.andi %ge3A_266, %lt3A_268 : i1
          %convert_element_type3A_270 = arith.extui %and3A_269 : i1 to i32
          %cond3A_271 = arith.constant 0 : i32
          %cond3A_272 = arith.cmpi ne, %convert_element_type3A_270, %cond3A_271 : i32
          scf.if %cond3A_272 {
            %add3A_273 = arith.constant 32 : i32
            %add3A_274 = arith.addi %add3A_273, %scan3A_256 : i32
            %broadcast_in_dim3A_275 = arith.constant 0 : i32
            %broadcast_in_dim3A_276 = vector.broadcast %broadcast_in_dim3A_275 : i32 to vector<16xi32>
            %add3A_277 = vector.broadcast %reduce_sum3A_264 : i32 to vector<16xi32>
            %add3A_278 = arith.addi %broadcast_in_dim3A_276, %add3A_277 : vector<16xi32>
            %get3A_279 = arith.index_cast %add3A_274 : i32 to index
            %get3A_280 = arith.constant 0 : index
            %get3A_281 = tpu.vector_load %arg7[%get3A_279, %get3A_280] {strides = array<i32>} : memref<128x50xf32, #tpu.memory_space<vmem>>, vector<16xf32>,
            %add3A_282 = arith.constant 0 : i32
            %add3A_283 = vector.broadcast %add3A_282 : i32 to vector<16xi32>
            %add3A_284 = arith.addi %iota3A, %add3A_283 : vector<16xi32>
            tpu.vector_store_idx %arg8[%add3A_284, %add3A_278], %get3A_281 : memref<50x1664xf32, #tpu.memory_space<vmem>>[vector<16xi32>, vector<16xi32>], vector<16xf32>,
            %get3A_285 = arith.index_cast %add3A_274 : i32 to index
            %get3A_286 = arith.constant 16 : index
            %get3A_287 = tpu.vector_load %arg7[%get3A_285, %get3A_286] {strides = array<i32>} : memref<128x50xf32, #tpu.memory_space<vmem>>, vector<16xf32>,
            %add3A_288 = arith.constant 16 : i32
            %add3A_289 = vector.broadcast %add3A_288 : i32 to vector<16xi32>
            %add3A_290 = arith.addi %iota3A, %add3A_289 : vector<16xi32>
            tpu.vector_store_idx %arg8[%add3A_290, %add3A_278], %get3A_287 : memref<50x1664xf32, #tpu.memory_space<vmem>>[vector<16xi32>, vector<16xi32>], vector<16xf32>,
            %get3A_291 = arith.index_cast %add3A_274 : i32 to index
            %get3A_292 = arith.constant 32 : index
            %get3A_293 = tpu.vector_load %arg7[%get3A_291, %get3A_292] {strides = array<i32>} : memref<128x50xf32, #tpu.memory_space<vmem>>, vector<16xf32>,
            %add3A_294 = arith.constant 32 : i32
            %add3A_295 = vector.broadcast %add3A_294 : i32 to vector<16xi32>
            %add3A_296 = arith.addi %iota3A, %add3A_295 : vector<16xi32>
            tpu.vector_store_idx %arg8[%add3A_296, %add3A_278], %get3A_293 : memref<50x1664xf32, #tpu.memory_space<vmem>>[vector<16xi32>, vector<16xi32>], vector<16xf32>,
            %get3A_297 = arith.index_cast %add3A_274 : i32 to index
            %get3A_298 = arith.constant 34 : index
            %get3A_299 = tpu.vector_load %arg7[%get3A_297, %get3A_298] {strides = array<i32>} : memref<128x50xf32, #tpu.memory_space<vmem>>, vector<16xf32>,
            %add3A_300 = arith.constant 34 : i32
            %add3A_301 = vector.broadcast %add3A_300 : i32 to vector<16xi32>
            %add3A_302 = arith.addi %iota3A, %add3A_301 : vector<16xi32>
            tpu.vector_store_idx %arg8[%add3A_302, %add3A_278], %get3A_299 : memref<50x1664xf32, #tpu.memory_space<vmem>>[vector<16xi32>, vector<16xi32>], vector<16xf32>,
          } else {
          }
        }
        %scan3A_255 = arith.constant 16 : i32
      } else {
      }
      %get3A_106 = arith.constant 48 : index
      %get3A_107 = tpu.vector_load %arg6[%get3A_106] {strides = array<i32>} : memref<128xi32, #tpu.memory_space<vmem>>, vector<16xi32>,
      %sub3A_108 = vector.broadcast %add3A_25 : i32 to vector<16xi32>
      %sub3A_109 = arith.subi %get3A_107, %sub3A_108 : vector<16xi32>
      %ge3A_110 = arith.constant 0 : i32
      %ge3A_111 = vector.broadcast %ge3A_110 : i32 to vector<16xi32>
      %ge3A_112 = arith.cmpi sge, %sub3A_109, %ge3A_111 : vector<16xi32>
      %lt3A_113 = arith.constant 1536 : i32
      %lt3A_114 = vector.broadcast %lt3A_113 : i32 to vector<16xi32>
      %lt3A_115 = arith.cmpi slt, %sub3A_109, %lt3A_114 : vector<16xi32>
      %and3A_116 = arith.andi %ge3A_112, %lt3A_115 : vector<16xi1>
      %jit3A_117 = arith.constant 1 : i32
      %jit3A_118 = arith.constant 0 : i32
      %broadcast_in_dim3A_119 = vector.broadcast %jit3A_117 : i32 to vector<16xi32>
      %broadcast_in_dim3A_120 = vector.broadcast %jit3A_118 : i32 to vector<16xi32>
      %select_n3A_121 = arith.select %and3A_116, %broadcast_in_dim3A_119, %broadcast_in_dim3A_120 : vector<16xi1>, vector<16xi32>
      %reduce_max3A_122 = arith.constant true
      %reduce_max3A_123 = vector.broadcast %reduce_max3A_122 : i1 to vector<16xi1>
      %reduce_max3A_124 = arith.constant -2147483648 : i32
      %reduce_max3A_125 = vector.broadcast %reduce_max3A_124 : i32 to vector<16xi32>
      %reduce_max3A_126 = arith.xori %select_n3A_121, %reduce_max3A_125 : vector<16xi32>
      %reduce_max3A_127 = tpu.scan <max>, %reduce_max3A_126 masked %reduce_max3A_123 : vector<16xi32>, vector<16xi1> -> vector<16xi32>
      %reduce_max3A_128 = arith.xori %reduce_max3A_127, %reduce_max3A_125 : vector<16xi32>
      %reduce_max3A_129 = vector.extract %reduce_max3A_128[15] : i32 from vector<16xi32>
      %gt3A_130 = arith.constant 0 : i32
      %gt3A_131 = arith.cmpi sgt, %reduce_max3A_129, %gt3A_130 : i32
      %convert_element_type3A_132 = arith.extui %gt3A_131 : i1 to i32
      %cond3A_133 = arith.constant 0 : i32
      %cond3A_134 = arith.cmpi ne, %convert_element_type3A_132, %cond3A_133 : i32
      scf.if %cond3A_134 {
        %scan3A = arith.constant 0 : i32
        %scan3A_251 = arith.constant 0 : i32
        %scan3A_252 = arith.constant 16 : i32
        %scan3A_253 = arith.addi %scan3A_251, %scan3A_252 : i32
        %scan3A_254 = arith.constant 1 : i32
        scf.for %scan3A_256 = %scan3A_251 to %scan3A_253 step %scan3A_254  : i32 {
          %iota3A_257 = tpu.iota {dimensions = array<i32: 0>} : vector<16xi32>
          %eq3A = vector.broadcast %scan3A_256 : i32 to vector<16xi32>
          %eq3A_258 = arith.cmpi eq, %iota3A_257, %eq3A : vector<16xi32>
          %jit3A_259 = arith.constant 0 : i32
          %broadcast_in_dim3A_260 = vector.broadcast %jit3A_259 : i32 to vector<16xi32>
          %select_n3A_261 = arith.select %eq3A_258, %sub3A_109, %broadcast_in_dim3A_260 : vector<16xi1>, vector<16xi32>
          %reduce_sum3A = arith.constant true
          %reduce_sum3A_262 = vector.broadcast %reduce_sum3A : i1 to vector<16xi1>
          %reduce_sum3A_263 = tpu.scan <sum>, %select_n3A_261 masked %reduce_sum3A_262 : vector<16xi32>, vector<16xi1> -> vector<16xi32>
          %reduce_sum3A_264 = vector.extract %reduce_sum3A_263[15] : i32 from vector<16xi32>
          %ge3A_265 = arith.constant 0 : i32
          %ge3A_266 = arith.cmpi sge, %reduce_sum3A_264, %ge3A_265 : i32
          %lt3A_267 = arith.constant 1536 : i32
          %lt3A_268 = arith.cmpi slt, %reduce_sum3A_264, %lt3A_267 : i32
          %and3A_269 = arith.andi %ge3A_266, %lt3A_268 : i1
          %convert_element_type3A_270 = arith.extui %and3A_269 : i1 to i32
          %cond3A_271 = arith.constant 0 : i32
          %cond3A_272 = arith.cmpi ne, %convert_element_type3A_270, %cond3A_271 : i32
          scf.if %cond3A_272 {
            %add3A_273 = arith.constant 48 : i32
            %add3A_274 = arith.addi %add3A_273, %scan3A_256 : i32
            %broadcast_in_dim3A_275 = arith.constant 0 : i32
            %broadcast_in_dim3A_276 = vector.broadcast %broadcast_in_dim3A_275 : i32 to vector<16xi32>
            %add3A_277 = vector.broadcast %reduce_sum3A_264 : i32 to vector<16xi32>
            %add3A_278 = arith.addi %broadcast_in_dim3A_276, %add3A_277 : vector<16xi32>
            %get3A_279 = arith.index_cast %add3A_274 : i32 to index
            %get3A_280 = arith.constant 0 : index
            %get3A_281 = tpu.vector_load %arg7[%get3A_279, %get3A_280] {strides = array<i32>} : memref<128x50xf32, #tpu.memory_space<vmem>>, vector<16xf32>,
            %add3A_282 = arith.constant 0 : i32
            %add3A_283 = vector.broadcast %add3A_282 : i32 to vector<16xi32>
            %add3A_284 = arith.addi %iota3A, %add3A_283 : vector<16xi32>
            tpu.vector_store_idx %arg8[%add3A_284, %add3A_278], %get3A_281 : memref<50x1664xf32, #tpu.memory_space<vmem>>[vector<16xi32>, vector<16xi32>], vector<16xf32>,
            %get3A_285 = arith.index_cast %add3A_274 : i32 to index
            %get3A_286 = arith.constant 16 : index
            %get3A_287 = tpu.vector_load %arg7[%get3A_285, %get3A_286] {strides = array<i32>} : memref<128x50xf32, #tpu.memory_space<vmem>>, vector<16xf32>,
            %add3A_288 = arith.constant 16 : i32
            %add3A_289 = vector.broadcast %add3A_288 : i32 to vector<16xi32>
            %add3A_290 = arith.addi %iota3A, %add3A_289 : vector<16xi32>
            tpu.vector_store_idx %arg8[%add3A_290, %add3A_278], %get3A_287 : memref<50x1664xf32, #tpu.memory_space<vmem>>[vector<16xi32>, vector<16xi32>], vector<16xf32>,
            %get3A_291 = arith.index_cast %add3A_274 : i32 to index
            %get3A_292 = arith.constant 32 : index
            %get3A_293 = tpu.vector_load %arg7[%get3A_291, %get3A_292] {strides = array<i32>} : memref<128x50xf32, #tpu.memory_space<vmem>>, vector<16xf32>,
            %add3A_294 = arith.constant 32 : i32
            %add3A_295 = vector.broadcast %add3A_294 : i32 to vector<16xi32>
            %add3A_296 = arith.addi %iota3A, %add3A_295 : vector<16xi32>
            tpu.vector_store_idx %arg8[%add3A_296, %add3A_278], %get3A_293 : memref<50x1664xf32, #tpu.memory_space<vmem>>[vector<16xi32>, vector<16xi32>], vector<16xf32>,
            %get3A_297 = arith.index_cast %add3A_274 : i32 to index
            %get3A_298 = arith.constant 34 : index
            %get3A_299 = tpu.vector_load %arg7[%get3A_297, %get3A_298] {strides = array<i32>} : memref<128x50xf32, #tpu.memory_space<vmem>>, vector<16xf32>,
            %add3A_300 = arith.constant 34 : i32
            %add3A_301 = vector.broadcast %add3A_300 : i32 to vector<16xi32>
            %add3A_302 = arith.addi %iota3A, %add3A_301 : vector<16xi32>
            tpu.vector_store_idx %arg8[%add3A_302, %add3A_278], %get3A_299 : memref<50x1664xf32, #tpu.memory_space<vmem>>[vector<16xi32>, vector<16xi32>], vector<16xf32>,
          } else {
          }
        }
        %scan3A_255 = arith.constant 16 : i32
      } else {
      }
      %get3A_135 = arith.constant 64 : index
      %get3A_136 = tpu.vector_load %arg6[%get3A_135] {strides = array<i32>} : memref<128xi32, #tpu.memory_space<vmem>>, vector<16xi32>,
      %sub3A_137 = vector.broadcast %add3A_25 : i32 to vector<16xi32>
      %sub3A_138 = arith.subi %get3A_136, %sub3A_137 : vector<16xi32>
      %ge3A_139 = arith.constant 0 : i32
      %ge3A_140 = vector.broadcast %ge3A_139 : i32 to vector<16xi32>
      %ge3A_141 = arith.cmpi sge, %sub3A_138, %ge3A_140 : vector<16xi32>
      %lt3A_142 = arith.constant 1536 : i32
      %lt3A_143 = vector.broadcast %lt3A_142 : i32 to vector<16xi32>
      %lt3A_144 = arith.cmpi slt, %sub3A_138, %lt3A_143 : vector<16xi32>
      %and3A_145 = arith.andi %ge3A_141, %lt3A_144 : vector<16xi1>
      %jit3A_146 = arith.constant 1 : i32
      %jit3A_147 = arith.constant 0 : i32
      %broadcast_in_dim3A_148 = vector.broadcast %jit3A_146 : i32 to vector<16xi32>
      %broadcast_in_dim3A_149 = vector.broadcast %jit3A_147 : i32 to vector<16xi32>
      %select_n3A_150 = arith.select %and3A_145, %broadcast_in_dim3A_148, %broadcast_in_dim3A_149 : vector<16xi1>, vector<16xi32>
      %reduce_max3A_151 = arith.constant true
      %reduce_max3A_152 = vector.broadcast %reduce_max3A_151 : i1 to vector<16xi1>
      %reduce_max3A_153 = arith.constant -2147483648 : i32
      %reduce_max3A_154 = vector.broadcast %reduce_max3A_153 : i32 to vector<16xi32>
      %reduce_max3A_155 = arith.xori %select_n3A_150, %reduce_max3A_154 : vector<16xi32>
      %reduce_max3A_156 = tpu.scan <max>, %reduce_max3A_155 masked %reduce_max3A_152 : vector<16xi32>, vector<16xi1> -> vector<16xi32>
      %reduce_max3A_157 = arith.xori %reduce_max3A_156, %reduce_max3A_154 : vector<16xi32>
      %reduce_max3A_158 = vector.extract %reduce_max3A_157[15] : i32 from vector<16xi32>
      %gt3A_159 = arith.constant 0 : i32
      %gt3A_160 = arith.cmpi sgt, %reduce_max3A_158, %gt3A_159 : i32
      %convert_element_type3A_161 = arith.extui %gt3A_160 : i1 to i32
      %cond3A_162 = arith.constant 0 : i32
      %cond3A_163 = arith.cmpi ne, %convert_element_type3A_161, %cond3A_162 : i32
      scf.if %cond3A_163 {
        %scan3A = arith.constant 0 : i32
        %scan3A_251 = arith.constant 0 : i32
        %scan3A_252 = arith.constant 16 : i32
        %scan3A_253 = arith.addi %scan3A_251, %scan3A_252 : i32
        %scan3A_254 = arith.constant 1 : i32
        scf.for %scan3A_256 = %scan3A_251 to %scan3A_253 step %scan3A_254  : i32 {
          %iota3A_257 = tpu.iota {dimensions = array<i32: 0>} : vector<16xi32>
          %eq3A = vector.broadcast %scan3A_256 : i32 to vector<16xi32>
          %eq3A_258 = arith.cmpi eq, %iota3A_257, %eq3A : vector<16xi32>
          %jit3A_259 = arith.constant 0 : i32
          %broadcast_in_dim3A_260 = vector.broadcast %jit3A_259 : i32 to vector<16xi32>
          %select_n3A_261 = arith.select %eq3A_258, %sub3A_138, %broadcast_in_dim3A_260 : vector<16xi1>, vector<16xi32>
          %reduce_sum3A = arith.constant true
          %reduce_sum3A_262 = vector.broadcast %reduce_sum3A : i1 to vector<16xi1>
          %reduce_sum3A_263 = tpu.scan <sum>, %select_n3A_261 masked %reduce_sum3A_262 : vector<16xi32>, vector<16xi1> -> vector<16xi32>
          %reduce_sum3A_264 = vector.extract %reduce_sum3A_263[15] : i32 from vector<16xi32>
          %ge3A_265 = arith.constant 0 : i32
          %ge3A_266 = arith.cmpi sge, %reduce_sum3A_264, %ge3A_265 : i32
          %lt3A_267 = arith.constant 1536 : i32
          %lt3A_268 = arith.cmpi slt, %reduce_sum3A_264, %lt3A_267 : i32
          %and3A_269 = arith.andi %ge3A_266, %lt3A_268 : i1
          %convert_element_type3A_270 = arith.extui %and3A_269 : i1 to i32
          %cond3A_271 = arith.constant 0 : i32
          %cond3A_272 = arith.cmpi ne, %convert_element_type3A_270, %cond3A_271 : i32
          scf.if %cond3A_272 {
            %add3A_273 = arith.constant 64 : i32
            %add3A_274 = arith.addi %add3A_273, %scan3A_256 : i32
            %broadcast_in_dim3A_275 = arith.constant 0 : i32
            %broadcast_in_dim3A_276 = vector.broadcast %broadcast_in_dim3A_275 : i32 to vector<16xi32>
            %add3A_277 = vector.broadcast %reduce_sum3A_264 : i32 to vector<16xi32>
            %add3A_278 = arith.addi %broadcast_in_dim3A_276, %add3A_277 : vector<16xi32>
            %get3A_279 = arith.index_cast %add3A_274 : i32 to index
            %get3A_280 = arith.constant 0 : index
            %get3A_281 = tpu.vector_load %arg7[%get3A_279, %get3A_280] {strides = array<i32>} : memref<128x50xf32, #tpu.memory_space<vmem>>, vector<16xf32>,
            %add3A_282 = arith.constant 0 : i32
            %add3A_283 = vector.broadcast %add3A_282 : i32 to vector<16xi32>
            %add3A_284 = arith.addi %iota3A, %add3A_283 : vector<16xi32>
            tpu.vector_store_idx %arg8[%add3A_284, %add3A_278], %get3A_281 : memref<50x1664xf32, #tpu.memory_space<vmem>>[vector<16xi32>, vector<16xi32>], vector<16xf32>,
            %get3A_285 = arith.index_cast %add3A_274 : i32 to index
            %get3A_286 = arith.constant 16 : index
            %get3A_287 = tpu.vector_load %arg7[%get3A_285, %get3A_286] {strides = array<i32>} : memref<128x50xf32, #tpu.memory_space<vmem>>, vector<16xf32>,
            %add3A_288 = arith.constant 16 : i32
            %add3A_289 = vector.broadcast %add3A_288 : i32 to vector<16xi32>
            %add3A_290 = arith.addi %iota3A, %add3A_289 : vector<16xi32>
            tpu.vector_store_idx %arg8[%add3A_290, %add3A_278], %get3A_287 : memref<50x1664xf32, #tpu.memory_space<vmem>>[vector<16xi32>, vector<16xi32>], vector<16xf32>,
            %get3A_291 = arith.index_cast %add3A_274 : i32 to index
            %get3A_292 = arith.constant 32 : index
            %get3A_293 = tpu.vector_load %arg7[%get3A_291, %get3A_292] {strides = array<i32>} : memref<128x50xf32, #tpu.memory_space<vmem>>, vector<16xf32>,
            %add3A_294 = arith.constant 32 : i32
            %add3A_295 = vector.broadcast %add3A_294 : i32 to vector<16xi32>
            %add3A_296 = arith.addi %iota3A, %add3A_295 : vector<16xi32>
            tpu.vector_store_idx %arg8[%add3A_296, %add3A_278], %get3A_293 : memref<50x1664xf32, #tpu.memory_space<vmem>>[vector<16xi32>, vector<16xi32>], vector<16xf32>,
            %get3A_297 = arith.index_cast %add3A_274 : i32 to index
            %get3A_298 = arith.constant 34 : index
            %get3A_299 = tpu.vector_load %arg7[%get3A_297, %get3A_298] {strides = array<i32>} : memref<128x50xf32, #tpu.memory_space<vmem>>, vector<16xf32>,
            %add3A_300 = arith.constant 34 : i32
            %add3A_301 = vector.broadcast %add3A_300 : i32 to vector<16xi32>
            %add3A_302 = arith.addi %iota3A, %add3A_301 : vector<16xi32>
            tpu.vector_store_idx %arg8[%add3A_302, %add3A_278], %get3A_299 : memref<50x1664xf32, #tpu.memory_space<vmem>>[vector<16xi32>, vector<16xi32>], vector<16xf32>,
          } else {
          }
        }
        %scan3A_255 = arith.constant 16 : i32
      } else {
      }
      %get3A_164 = arith.constant 80 : index
      %get3A_165 = tpu.vector_load %arg6[%get3A_164] {strides = array<i32>} : memref<128xi32, #tpu.memory_space<vmem>>, vector<16xi32>,
      %sub3A_166 = vector.broadcast %add3A_25 : i32 to vector<16xi32>
      %sub3A_167 = arith.subi %get3A_165, %sub3A_166 : vector<16xi32>
      %ge3A_168 = arith.constant 0 : i32
      %ge3A_169 = vector.broadcast %ge3A_168 : i32 to vector<16xi32>
      %ge3A_170 = arith.cmpi sge, %sub3A_167, %ge3A_169 : vector<16xi32>
      %lt3A_171 = arith.constant 1536 : i32
      %lt3A_172 = vector.broadcast %lt3A_171 : i32 to vector<16xi32>
      %lt3A_173 = arith.cmpi slt, %sub3A_167, %lt3A_172 : vector<16xi32>
      %and3A_174 = arith.andi %ge3A_170, %lt3A_173 : vector<16xi1>
      %jit3A_175 = arith.constant 1 : i32
      %jit3A_176 = arith.constant 0 : i32
      %broadcast_in_dim3A_177 = vector.broadcast %jit3A_175 : i32 to vector<16xi32>
      %broadcast_in_dim3A_178 = vector.broadcast %jit3A_176 : i32 to vector<16xi32>
      %select_n3A_179 = arith.select %and3A_174, %broadcast_in_dim3A_177, %broadcast_in_dim3A_178 : vector<16xi1>, vector<16xi32>
      %reduce_max3A_180 = arith.constant true
      %reduce_max3A_181 = vector.broadcast %reduce_max3A_180 : i1 to vector<16xi1>
      %reduce_max3A_182 = arith.constant -2147483648 : i32
      %reduce_max3A_183 = vector.broadcast %reduce_max3A_182 : i32 to vector<16xi32>
      %reduce_max3A_184 = arith.xori %select_n3A_179, %reduce_max3A_183 : vector<16xi32>
      %reduce_max3A_185 = tpu.scan <max>, %reduce_max3A_184 masked %reduce_max3A_181 : vector<16xi32>, vector<16xi1> -> vector<16xi32>
      %reduce_max3A_186 = arith.xori %reduce_max3A_185, %reduce_max3A_183 : vector<16xi32>
      %reduce_max3A_187 = vector.extract %reduce_max3A_186[15] : i32 from vector<16xi32>
      %gt3A_188 = arith.constant 0 : i32
      %gt3A_189 = arith.cmpi sgt, %reduce_max3A_187, %gt3A_188 : i32
      %convert_element_type3A_190 = arith.extui %gt3A_189 : i1 to i32
      %cond3A_191 = arith.constant 0 : i32
      %cond3A_192 = arith.cmpi ne, %convert_element_type3A_190, %cond3A_191 : i32
      scf.if %cond3A_192 {
        %scan3A = arith.constant 0 : i32
        %scan3A_251 = arith.constant 0 : i32
        %scan3A_252 = arith.constant 16 : i32
        %scan3A_253 = arith.addi %scan3A_251, %scan3A_252 : i32
        %scan3A_254 = arith.constant 1 : i32
        scf.for %scan3A_256 = %scan3A_251 to %scan3A_253 step %scan3A_254  : i32 {
          %iota3A_257 = tpu.iota {dimensions = array<i32: 0>} : vector<16xi32>
          %eq3A = vector.broadcast %scan3A_256 : i32 to vector<16xi32>
          %eq3A_258 = arith.cmpi eq, %iota3A_257, %eq3A : vector<16xi32>
          %jit3A_259 = arith.constant 0 : i32
          %broadcast_in_dim3A_260 = vector.broadcast %jit3A_259 : i32 to vector<16xi32>
          %select_n3A_261 = arith.select %eq3A_258, %sub3A_167, %broadcast_in_dim3A_260 : vector<16xi1>, vector<16xi32>
          %reduce_sum3A = arith.constant true
          %reduce_sum3A_262 = vector.broadcast %reduce_sum3A : i1 to vector<16xi1>
          %reduce_sum3A_263 = tpu.scan <sum>, %select_n3A_261 masked %reduce_sum3A_262 : vector<16xi32>, vector<16xi1> -> vector<16xi32>
          %reduce_sum3A_264 = vector.extract %reduce_sum3A_263[15] : i32 from vector<16xi32>
          %ge3A_265 = arith.constant 0 : i32
          %ge3A_266 = arith.cmpi sge, %reduce_sum3A_264, %ge3A_265 : i32
          %lt3A_267 = arith.constant 1536 : i32
          %lt3A_268 = arith.cmpi slt, %reduce_sum3A_264, %lt3A_267 : i32
          %and3A_269 = arith.andi %ge3A_266, %lt3A_268 : i1
          %convert_element_type3A_270 = arith.extui %and3A_269 : i1 to i32
          %cond3A_271 = arith.constant 0 : i32
          %cond3A_272 = arith.cmpi ne, %convert_element_type3A_270, %cond3A_271 : i32
          scf.if %cond3A_272 {
            %add3A_273 = arith.constant 80 : i32
            %add3A_274 = arith.addi %add3A_273, %scan3A_256 : i32
            %broadcast_in_dim3A_275 = arith.constant 0 : i32
            %broadcast_in_dim3A_276 = vector.broadcast %broadcast_in_dim3A_275 : i32 to vector<16xi32>
            %add3A_277 = vector.broadcast %reduce_sum3A_264 : i32 to vector<16xi32>
            %add3A_278 = arith.addi %broadcast_in_dim3A_276, %add3A_277 : vector<16xi32>
            %get3A_279 = arith.index_cast %add3A_274 : i32 to index
            %get3A_280 = arith.constant 0 : index
            %get3A_281 = tpu.vector_load %arg7[%get3A_279, %get3A_280] {strides = array<i32>} : memref<128x50xf32, #tpu.memory_space<vmem>>, vector<16xf32>,
            %add3A_282 = arith.constant 0 : i32
            %add3A_283 = vector.broadcast %add3A_282 : i32 to vector<16xi32>
            %add3A_284 = arith.addi %iota3A, %add3A_283 : vector<16xi32>
            tpu.vector_store_idx %arg8[%add3A_284, %add3A_278], %get3A_281 : memref<50x1664xf32, #tpu.memory_space<vmem>>[vector<16xi32>, vector<16xi32>], vector<16xf32>,
            %get3A_285 = arith.index_cast %add3A_274 : i32 to index
            %get3A_286 = arith.constant 16 : index
            %get3A_287 = tpu.vector_load %arg7[%get3A_285, %get3A_286] {strides = array<i32>} : memref<128x50xf32, #tpu.memory_space<vmem>>, vector<16xf32>,
            %add3A_288 = arith.constant 16 : i32
            %add3A_289 = vector.broadcast %add3A_288 : i32 to vector<16xi32>
            %add3A_290 = arith.addi %iota3A, %add3A_289 : vector<16xi32>
            tpu.vector_store_idx %arg8[%add3A_290, %add3A_278], %get3A_287 : memref<50x1664xf32, #tpu.memory_space<vmem>>[vector<16xi32>, vector<16xi32>], vector<16xf32>,
            %get3A_291 = arith.index_cast %add3A_274 : i32 to index
            %get3A_292 = arith.constant 32 : index
            %get3A_293 = tpu.vector_load %arg7[%get3A_291, %get3A_292] {strides = array<i32>} : memref<128x50xf32, #tpu.memory_space<vmem>>, vector<16xf32>,
            %add3A_294 = arith.constant 32 : i32
            %add3A_295 = vector.broadcast %add3A_294 : i32 to vector<16xi32>
            %add3A_296 = arith.addi %iota3A, %add3A_295 : vector<16xi32>
            tpu.vector_store_idx %arg8[%add3A_296, %add3A_278], %get3A_293 : memref<50x1664xf32, #tpu.memory_space<vmem>>[vector<16xi32>, vector<16xi32>], vector<16xf32>,
            %get3A_297 = arith.index_cast %add3A_274 : i32 to index
            %get3A_298 = arith.constant 34 : index
            %get3A_299 = tpu.vector_load %arg7[%get3A_297, %get3A_298] {strides = array<i32>} : memref<128x50xf32, #tpu.memory_space<vmem>>, vector<16xf32>,
            %add3A_300 = arith.constant 34 : i32
            %add3A_301 = vector.broadcast %add3A_300 : i32 to vector<16xi32>
            %add3A_302 = arith.addi %iota3A, %add3A_301 : vector<16xi32>
            tpu.vector_store_idx %arg8[%add3A_302, %add3A_278], %get3A_299 : memref<50x1664xf32, #tpu.memory_space<vmem>>[vector<16xi32>, vector<16xi32>], vector<16xf32>,
          } else {
          }
        }
        %scan3A_255 = arith.constant 16 : i32
      } else {
      }
      %get3A_193 = arith.constant 96 : index
      %get3A_194 = tpu.vector_load %arg6[%get3A_193] {strides = array<i32>} : memref<128xi32, #tpu.memory_space<vmem>>, vector<16xi32>,
      %sub3A_195 = vector.broadcast %add3A_25 : i32 to vector<16xi32>
      %sub3A_196 = arith.subi %get3A_194, %sub3A_195 : vector<16xi32>
      %ge3A_197 = arith.constant 0 : i32
      %ge3A_198 = vector.broadcast %ge3A_197 : i32 to vector<16xi32>
      %ge3A_199 = arith.cmpi sge, %sub3A_196, %ge3A_198 : vector<16xi32>
      %lt3A_200 = arith.constant 1536 : i32
      %lt3A_201 = vector.broadcast %lt3A_200 : i32 to vector<16xi32>
      %lt3A_202 = arith.cmpi slt, %sub3A_196, %lt3A_201 : vector<16xi32>
      %and3A_203 = arith.andi %ge3A_199, %lt3A_202 : vector<16xi1>
      %jit3A_204 = arith.constant 1 : i32
      %jit3A_205 = arith.constant 0 : i32
      %broadcast_in_dim3A_206 = vector.broadcast %jit3A_204 : i32 to vector<16xi32>
      %broadcast_in_dim3A_207 = vector.broadcast %jit3A_205 : i32 to vector<16xi32>
      %select_n3A_208 = arith.select %and3A_203, %broadcast_in_dim3A_206, %broadcast_in_dim3A_207 : vector<16xi1>, vector<16xi32>
      %reduce_max3A_209 = arith.constant true
      %reduce_max3A_210 = vector.broadcast %reduce_max3A_209 : i1 to vector<16xi1>
      %reduce_max3A_211 = arith.constant -2147483648 : i32
      %reduce_max3A_212 = vector.broadcast %reduce_max3A_211 : i32 to vector<16xi32>
      %reduce_max3A_213 = arith.xori %select_n3A_208, %reduce_max3A_212 : vector<16xi32>
      %reduce_max3A_214 = tpu.scan <max>, %reduce_max3A_213 masked %reduce_max3A_210 : vector<16xi32>, vector<16xi1> -> vector<16xi32>
      %reduce_max3A_215 = arith.xori %reduce_max3A_214, %reduce_max3A_212 : vector<16xi32>
      %reduce_max3A_216 = vector.extract %reduce_max3A_215[15] : i32 from vector<16xi32>
      %gt3A_217 = arith.constant 0 : i32
      %gt3A_218 = arith.cmpi sgt, %reduce_max3A_216, %gt3A_217 : i32
      %convert_element_type3A_219 = arith.extui %gt3A_218 : i1 to i32
      %cond3A_220 = arith.constant 0 : i32
      %cond3A_221 = arith.cmpi ne, %convert_element_type3A_219, %cond3A_220 : i32
      scf.if %cond3A_221 {
        %scan3A = arith.constant 0 : i32
        %scan3A_251 = arith.constant 0 : i32
        %scan3A_252 = arith.constant 16 : i32
        %scan3A_253 = arith.addi %scan3A_251, %scan3A_252 : i32
        %scan3A_254 = arith.constant 1 : i32
        scf.for %scan3A_256 = %scan3A_251 to %scan3A_253 step %scan3A_254  : i32 {
          %iota3A_257 = tpu.iota {dimensions = array<i32: 0>} : vector<16xi32>
          %eq3A = vector.broadcast %scan3A_256 : i32 to vector<16xi32>
          %eq3A_258 = arith.cmpi eq, %iota3A_257, %eq3A : vector<16xi32>
          %jit3A_259 = arith.constant 0 : i32
          %broadcast_in_dim3A_260 = vector.broadcast %jit3A_259 : i32 to vector<16xi32>
          %select_n3A_261 = arith.select %eq3A_258, %sub3A_196, %broadcast_in_dim3A_260 : vector<16xi1>, vector<16xi32>
          %reduce_sum3A = arith.constant true
          %reduce_sum3A_262 = vector.broadcast %reduce_sum3A : i1 to vector<16xi1>
          %reduce_sum3A_263 = tpu.scan <sum>, %select_n3A_261 masked %reduce_sum3A_262 : vector<16xi32>, vector<16xi1> -> vector<16xi32>
          %reduce_sum3A_264 = vector.extract %reduce_sum3A_263[15] : i32 from vector<16xi32>
          %ge3A_265 = arith.constant 0 : i32
          %ge3A_266 = arith.cmpi sge, %reduce_sum3A_264, %ge3A_265 : i32
          %lt3A_267 = arith.constant 1536 : i32
          %lt3A_268 = arith.cmpi slt, %reduce_sum3A_264, %lt3A_267 : i32
          %and3A_269 = arith.andi %ge3A_266, %lt3A_268 : i1
          %convert_element_type3A_270 = arith.extui %and3A_269 : i1 to i32
          %cond3A_271 = arith.constant 0 : i32
          %cond3A_272 = arith.cmpi ne, %convert_element_type3A_270, %cond3A_271 : i32
          scf.if %cond3A_272 {
            %add3A_273 = arith.constant 96 : i32
            %add3A_274 = arith.addi %add3A_273, %scan3A_256 : i32
            %broadcast_in_dim3A_275 = arith.constant 0 : i32
            %broadcast_in_dim3A_276 = vector.broadcast %broadcast_in_dim3A_275 : i32 to vector<16xi32>
            %add3A_277 = vector.broadcast %reduce_sum3A_264 : i32 to vector<16xi32>
            %add3A_278 = arith.addi %broadcast_in_dim3A_276, %add3A_277 : vector<16xi32>
            %get3A_279 = arith.index_cast %add3A_274 : i32 to index
            %get3A_280 = arith.constant 0 : index
            %get3A_281 = tpu.vector_load %arg7[%get3A_279, %get3A_280] {strides = array<i32>} : memref<128x50xf32, #tpu.memory_space<vmem>>, vector<16xf32>,
            %add3A_282 = arith.constant 0 : i32
            %add3A_283 = vector.broadcast %add3A_282 : i32 to vector<16xi32>
            %add3A_284 = arith.addi %iota3A, %add3A_283 : vector<16xi32>
            tpu.vector_store_idx %arg8[%add3A_284, %add3A_278], %get3A_281 : memref<50x1664xf32, #tpu.memory_space<vmem>>[vector<16xi32>, vector<16xi32>], vector<16xf32>,
            %get3A_285 = arith.index_cast %add3A_274 : i32 to index
            %get3A_286 = arith.constant 16 : index
            %get3A_287 = tpu.vector_load %arg7[%get3A_285, %get3A_286] {strides = array<i32>} : memref<128x50xf32, #tpu.memory_space<vmem>>, vector<16xf32>,
            %add3A_288 = arith.constant 16 : i32
            %add3A_289 = vector.broadcast %add3A_288 : i32 to vector<16xi32>
            %add3A_290 = arith.addi %iota3A, %add3A_289 : vector<16xi32>
            tpu.vector_store_idx %arg8[%add3A_290, %add3A_278], %get3A_287 : memref<50x1664xf32, #tpu.memory_space<vmem>>[vector<16xi32>, vector<16xi32>], vector<16xf32>,
            %get3A_291 = arith.index_cast %add3A_274 : i32 to index
            %get3A_292 = arith.constant 32 : index
            %get3A_293 = tpu.vector_load %arg7[%get3A_291, %get3A_292] {strides = array<i32>} : memref<128x50xf32, #tpu.memory_space<vmem>>, vector<16xf32>,
            %add3A_294 = arith.constant 32 : i32
            %add3A_295 = vector.broadcast %add3A_294 : i32 to vector<16xi32>
            %add3A_296 = arith.addi %iota3A, %add3A_295 : vector<16xi32>
            tpu.vector_store_idx %arg8[%add3A_296, %add3A_278], %get3A_293 : memref<50x1664xf32, #tpu.memory_space<vmem>>[vector<16xi32>, vector<16xi32>], vector<16xf32>,
            %get3A_297 = arith.index_cast %add3A_274 : i32 to index
            %get3A_298 = arith.constant 34 : index
            %get3A_299 = tpu.vector_load %arg7[%get3A_297, %get3A_298] {strides = array<i32>} : memref<128x50xf32, #tpu.memory_space<vmem>>, vector<16xf32>,
            %add3A_300 = arith.constant 34 : i32
            %add3A_301 = vector.broadcast %add3A_300 : i32 to vector<16xi32>
            %add3A_302 = arith.addi %iota3A, %add3A_301 : vector<16xi32>
            tpu.vector_store_idx %arg8[%add3A_302, %add3A_278], %get3A_299 : memref<50x1664xf32, #tpu.memory_space<vmem>>[vector<16xi32>, vector<16xi32>], vector<16xf32>,
          } else {
          }
        }
        %scan3A_255 = arith.constant 16 : i32
      } else {
      }
      %get3A_222 = arith.constant 112 : index
      %get3A_223 = tpu.vector_load %arg6[%get3A_222] {strides = array<i32>} : memref<128xi32, #tpu.memory_space<vmem>>, vector<16xi32>,
      %sub3A_224 = vector.broadcast %add3A_25 : i32 to vector<16xi32>
      %sub3A_225 = arith.subi %get3A_223, %sub3A_224 : vector<16xi32>
      %ge3A_226 = arith.constant 0 : i32
      %ge3A_227 = vector.broadcast %ge3A_226 : i32 to vector<16xi32>
      %ge3A_228 = arith.cmpi sge, %sub3A_225, %ge3A_227 : vector<16xi32>
      %lt3A_229 = arith.constant 1536 : i32
      %lt3A_230 = vector.broadcast %lt3A_229 : i32 to vector<16xi32>
      %lt3A_231 = arith.cmpi slt, %sub3A_225, %lt3A_230 : vector<16xi32>
      %and3A_232 = arith.andi %ge3A_228, %lt3A_231 : vector<16xi1>
      %jit3A_233 = arith.constant 1 : i32
      %jit3A_234 = arith.constant 0 : i32
      %broadcast_in_dim3A_235 = vector.broadcast %jit3A_233 : i32 to vector<16xi32>
      %broadcast_in_dim3A_236 = vector.broadcast %jit3A_234 : i32 to vector<16xi32>
      %select_n3A_237 = arith.select %and3A_232, %broadcast_in_dim3A_235, %broadcast_in_dim3A_236 : vector<16xi1>, vector<16xi32>
      %reduce_max3A_238 = arith.constant true
      %reduce_max3A_239 = vector.broadcast %reduce_max3A_238 : i1 to vector<16xi1>
      %reduce_max3A_240 = arith.constant -2147483648 : i32
      %reduce_max3A_241 = vector.broadcast %reduce_max3A_240 : i32 to vector<16xi32>
      %reduce_max3A_242 = arith.xori %select_n3A_237, %reduce_max3A_241 : vector<16xi32>
      %reduce_max3A_243 = tpu.scan <max>, %reduce_max3A_242 masked %reduce_max3A_239 : vector<16xi32>, vector<16xi1> -> vector<16xi32>
      %reduce_max3A_244 = arith.xori %reduce_max3A_243, %reduce_max3A_241 : vector<16xi32>
      %reduce_max3A_245 = vector.extract %reduce_max3A_244[15] : i32 from vector<16xi32>
      %gt3A_246 = arith.constant 0 : i32
      %gt3A_247 = arith.cmpi sgt, %reduce_max3A_245, %gt3A_246 : i32
      %convert_element_type3A_248 = arith.extui %gt3A_247 : i1 to i32
      %cond3A_249 = arith.constant 0 : i32
      %cond3A_250 = arith.cmpi ne, %convert_element_type3A_248, %cond3A_249 : i32
      scf.if %cond3A_250 {
        %scan3A = arith.constant 0 : i32
        %scan3A_251 = arith.constant 0 : i32
        %scan3A_252 = arith.constant 16 : i32
        %scan3A_253 = arith.addi %scan3A_251, %scan3A_252 : i32
        %scan3A_254 = arith.constant 1 : i32
        scf.for %scan3A_256 = %scan3A_251 to %scan3A_253 step %scan3A_254  : i32 {
          %iota3A_257 = tpu.iota {dimensions = array<i32: 0>} : vector<16xi32>
          %eq3A = vector.broadcast %scan3A_256 : i32 to vector<16xi32>
          %eq3A_258 = arith.cmpi eq, %iota3A_257, %eq3A : vector<16xi32>
          %jit3A_259 = arith.constant 0 : i32
          %broadcast_in_dim3A_260 = vector.broadcast %jit3A_259 : i32 to vector<16xi32>
          %select_n3A_261 = arith.select %eq3A_258, %sub3A_225, %broadcast_in_dim3A_260 : vector<16xi1>, vector<16xi32>
          %reduce_sum3A = arith.constant true
          %reduce_sum3A_262 = vector.broadcast %reduce_sum3A : i1 to vector<16xi1>
          %reduce_sum3A_263 = tpu.scan <sum>, %select_n3A_261 masked %reduce_sum3A_262 : vector<16xi32>, vector<16xi1> -> vector<16xi32>
          %reduce_sum3A_264 = vector.extract %reduce_sum3A_263[15] : i32 from vector<16xi32>
          %ge3A_265 = arith.constant 0 : i32
          %ge3A_266 = arith.cmpi sge, %reduce_sum3A_264, %ge3A_265 : i32
          %lt3A_267 = arith.constant 1536 : i32
          %lt3A_268 = arith.cmpi slt, %reduce_sum3A_264, %lt3A_267 : i32
          %and3A_269 = arith.andi %ge3A_266, %lt3A_268 : i1
          %convert_element_type3A_270 = arith.extui %and3A_269 : i1 to i32
          %cond3A_271 = arith.constant 0 : i32
          %cond3A_272 = arith.cmpi ne, %convert_element_type3A_270, %cond3A_271 : i32
          scf.if %cond3A_272 {
            %add3A_273 = arith.constant 112 : i32
            %add3A_274 = arith.addi %add3A_273, %scan3A_256 : i32
            %broadcast_in_dim3A_275 = arith.constant 0 : i32
            %broadcast_in_dim3A_276 = vector.broadcast %broadcast_in_dim3A_275 : i32 to vector<16xi32>
            %add3A_277 = vector.broadcast %reduce_sum3A_264 : i32 to vector<16xi32>
            %add3A_278 = arith.addi %broadcast_in_dim3A_276, %add3A_277 : vector<16xi32>
            %get3A_279 = arith.index_cast %add3A_274 : i32 to index
            %get3A_280 = arith.constant 0 : index
            %get3A_281 = tpu.vector_load %arg7[%get3A_279, %get3A_280] {strides = array<i32>} : memref<128x50xf32, #tpu.memory_space<vmem>>, vector<16xf32>,
            %add3A_282 = arith.constant 0 : i32
            %add3A_283 = vector.broadcast %add3A_282 : i32 to vector<16xi32>
            %add3A_284 = arith.addi %iota3A, %add3A_283 : vector<16xi32>
            tpu.vector_store_idx %arg8[%add3A_284, %add3A_278], %get3A_281 : memref<50x1664xf32, #tpu.memory_space<vmem>>[vector<16xi32>, vector<16xi32>], vector<16xf32>,
            %get3A_285 = arith.index_cast %add3A_274 : i32 to index
            %get3A_286 = arith.constant 16 : index
            %get3A_287 = tpu.vector_load %arg7[%get3A_285, %get3A_286] {strides = array<i32>} : memref<128x50xf32, #tpu.memory_space<vmem>>, vector<16xf32>,
            %add3A_288 = arith.constant 16 : i32
            %add3A_289 = vector.broadcast %add3A_288 : i32 to vector<16xi32>
            %add3A_290 = arith.addi %iota3A, %add3A_289 : vector<16xi32>
            tpu.vector_store_idx %arg8[%add3A_290, %add3A_278], %get3A_287 : memref<50x1664xf32, #tpu.memory_space<vmem>>[vector<16xi32>, vector<16xi32>], vector<16xf32>,
            %get3A_291 = arith.index_cast %add3A_274 : i32 to index
            %get3A_292 = arith.constant 32 : index
            %get3A_293 = tpu.vector_load %arg7[%get3A_291, %get3A_292] {strides = array<i32>} : memref<128x50xf32, #tpu.memory_space<vmem>>, vector<16xf32>,
            %add3A_294 = arith.constant 32 : i32
            %add3A_295 = vector.broadcast %add3A_294 : i32 to vector<16xi32>
            %add3A_296 = arith.addi %iota3A, %add3A_295 : vector<16xi32>
            tpu.vector_store_idx %arg8[%add3A_296, %add3A_278], %get3A_293 : memref<50x1664xf32, #tpu.memory_space<vmem>>[vector<16xi32>, vector<16xi32>], vector<16xf32>,
            %get3A_297 = arith.index_cast %add3A_274 : i32 to index
            %get3A_298 = arith.constant 34 : index
            %get3A_299 = tpu.vector_load %arg7[%get3A_297, %get3A_298] {strides = array<i32>} : memref<128x50xf32, #tpu.memory_space<vmem>>, vector<16xf32>,
            %add3A_300 = arith.constant 34 : i32
            %add3A_301 = vector.broadcast %add3A_300 : i32 to vector<16xi32>
            %add3A_302 = arith.addi %iota3A, %add3A_301 : vector<16xi32>
            tpu.vector_store_idx %arg8[%add3A_302, %add3A_278], %get3A_299 : memref<50x1664xf32, #tpu.memory_space<vmem>>[vector<16xi32>, vector<16xi32>], vector<16xf32>,
          } else {
          }
        }
        %scan3A_255 = arith.constant 16 : i32
      } else {
      }
      "tpu.region"() ({
        %run_scoped3A = tpu.sem_alloc : memref<!tpu.dma_semaphore, #tpu.memory_space<semaphore_mem>>
        %dma_start3A = arith.constant 0 : i32
        %dma_start3A_251 = arith.constant 0 : i32
        %dma_start3A_252 = tpu.memref_slice %arg8[%dma_start3A, %dma_start3A_251] : memref<50x1664xf32, #tpu.memory_space<vmem>> -> memref<50x1536xf32, #tpu.memory_space<vmem>>
        %dma_start3A_253 = arith.constant 0 : i32
        %dma_start3A_254 = tpu.memref_slice %arg5[%dma_start3A_253, %add3A_25] : memref<50x100000xf32, #tpu.memory_space<hbm>> -> memref<50x1536xf32, #tpu.memory_space<hbm>>
        %dma_start3A_255 = arith.constant 0 : i32
        %dma_start3A_256 = tpu.memref_slice %arg5[%dma_start3A_255, %add3A_25] : memref<50x100000xf32, #tpu.memory_space<hbm>> -> memref<50x1536xf32, #tpu.memory_space<hbm>>
        %dma_start3A_257 = arith.constant 0 : i32
        %dma_start3A_258 = arith.constant 0 : i32
        %dma_start3A_259 = tpu.memref_slice %arg8[%dma_start3A_257, %dma_start3A_258] : memref<50x1664xf32, #tpu.memory_space<vmem>> -> memref<50x1536xf32, #tpu.memory_space<vmem>>
        tpu.enqueue_dma source(%dma_start3A_259 : memref<50x1536xf32, #tpu.memory_space<vmem>>) target(%dma_start3A_256 : memref<50x1536xf32, #tpu.memory_space<hbm>>) target_semaphore(%run_scoped3A : memref<!tpu.dma_semaphore, #tpu.memory_space<semaphore_mem>>)
        %dma_wait3A = arith.constant 0 : i32
        %dma_wait3A_260 = arith.constant 0 : i32
        %dma_wait3A_261 = tpu.memref_slice %arg8[%dma_wait3A, %dma_wait3A_260] : memref<50x1664xf32, #tpu.memory_space<vmem>> -> memref<50x1536xf32, #tpu.memory_space<vmem>>
        %dma_wait3A_262 = arith.constant 0 : i32
        %dma_wait3A_263 = tpu.memref_slice %arg5[%dma_wait3A_262, %add3A_25] : memref<50x100000xf32, #tpu.memory_space<hbm>> -> memref<50x1536xf32, #tpu.memory_space<hbm>>
        %dma_wait3A_264 = arith.constant 0 : i32
        %dma_wait3A_265 = tpu.memref_slice %arg5[%dma_wait3A_264, %add3A_25] : memref<50x100000xf32, #tpu.memory_space<hbm>> -> memref<50x1536xf32, #tpu.memory_space<hbm>>
        %dma_wait3A_266 = arith.constant 0 : i32
        %dma_wait3A_267 = arith.constant 0 : i32
        %dma_wait3A_268 = tpu.memref_slice %arg8[%dma_wait3A_266, %dma_wait3A_267] : memref<50x1664xf32, #tpu.memory_space<vmem>> -> memref<50x1536xf32, #tpu.memory_space<vmem>>
        tpu.wait_dma2 semaphore(%run_scoped3A : memref<!tpu.dma_semaphore, #tpu.memory_space<semaphore_mem>>) src(%dma_wait3A_268 : memref<50x1536xf32, #tpu.memory_space<vmem>>) dst(%dma_wait3A_265 : memref<50x1536xf32, #tpu.memory_space<hbm>>)
        tpu.yield
      }) : () -> ()
    } else {
    }
    return
  }
}

#map = affine_map<(d0, d1) -> (0, 0)>
#map1 = affine_map<(d0, d1) -> (0)>
module attributes {stable_mosaic.version = 14 : i64} {
  func.func @gather_k(%arg0: i32, %arg1: i32, %arg2: memref<50x100000xf32, #tpu.memory_space<hbm>>, %arg3: memref<128xi32, #tpu.memory_space<hbm>>, %arg4: memref<128x50xf32, #tpu.memory_space<hbm>>, %arg5: memref<128xi32, #tpu.memory_space<vmem>>, %arg6: memref<50x128xf32, #tpu.memory_space<vmem>>, %arg7: memref<1x50xf32, #tpu.memory_space<vmem>>) attributes {dimension_semantics = [#tpu.dimension_semantics<core_parallel>, #tpu.dimension_semantics<subcore_parallel>], iteration_bounds = array<i64: 2, 16>, scalar_prefetch = 0 : i64, scratch_operands = 3 : i64, tpu.core_type = #tpu.core_type<sc_vector_subcore>, window_params = [{transform_indices = #map}, {transform_indices = #map1}, {transform_indices = #map}]} {
    %mul3A = arith.constant 2 : i32
    %mul3A_0 = arith.muli %arg1, %mul3A : i32
    %add3A = arith.addi %mul3A_0, %arg0 : i32
    "tpu.region"() ({
      %run_scoped3A = tpu.sem_alloc : memref<!tpu.dma_semaphore, #tpu.memory_space<semaphore_mem>>
      tpu.enqueue_dma source(%arg3 : memref<128xi32, #tpu.memory_space<hbm>>) target(%arg5 : memref<128xi32, #tpu.memory_space<vmem>>) target_semaphore(%run_scoped3A : memref<!tpu.dma_semaphore, #tpu.memory_space<semaphore_mem>>)
      tpu.wait_dma2 semaphore(%run_scoped3A : memref<!tpu.dma_semaphore, #tpu.memory_space<semaphore_mem>>) src(%arg3 : memref<128xi32, #tpu.memory_space<hbm>>) dst(%arg5 : memref<128xi32, #tpu.memory_space<vmem>>)
      tpu.yield
    }) : () -> ()
    %iota3A = tpu.iota {dimensions = array<i32: 0>} : vector<16xi32>
    %mul3A_1 = arith.constant 4 : i32
    %mul3A_2 = arith.muli %add3A, %mul3A_1 : i32
    %add3A_3 = arith.constant 0 : i32
    %add3A_4 = arith.addi %mul3A_2, %add3A_3 : i32
    %jit3A = arith.constant 16 : i32
    %div3A = arith.divsi %add3A_4, %jit3A : i32
    %sign3A = arith.constant 0 : i32
    %sign3A_5 = arith.cmpi sgt, %add3A_4, %sign3A : i32
    %sign3A_6 = arith.extui %sign3A_5 : i1 to i32
    %sign3A_7 = arith.constant 0 : i32
    %sign3A_8 = arith.cmpi slt, %add3A_4, %sign3A_7 : i32
    %sign3A_9 = arith.extui %sign3A_8 : i1 to i32
    %sign3A_10 = arith.subi %sign3A_6, %sign3A_9 : i32
    %sign3A_11 = arith.constant 0 : i32
    %sign3A_12 = arith.cmpi sgt, %jit3A, %sign3A_11 : i32
    %sign3A_13 = arith.extui %sign3A_12 : i1 to i32
    %sign3A_14 = arith.constant 0 : i32
    %sign3A_15 = arith.cmpi slt, %jit3A, %sign3A_14 : i32
    %sign3A_16 = arith.extui %sign3A_15 : i1 to i32
    %sign3A_17 = arith.subi %sign3A_13, %sign3A_16 : i32
    %ne3A = arith.cmpi ne, %sign3A_10, %sign3A_17 : i32
    %rem3A = arith.remsi %add3A_4, %jit3A : i32
    %ne3A_18 = arith.constant 0 : i32
    %ne3A_19 = arith.cmpi ne, %rem3A, %ne3A_18 : i32
    %and3A = arith.andi %ne3A, %ne3A_19 : i1
    %sub3A = arith.constant 1 : i32
    %sub3A_20 = arith.subi %div3A, %sub3A : i32
    %select_n3A = arith.select %and3A, %sub3A_20, %div3A : i32
    %mul3A_21 = arith.constant 16 : i32
    %mul3A_22 = arith.muli %select_n3A, %mul3A_21 : i32
    %get3A = arith.index_cast %mul3A_22 : i32 to index
    %get3A_23 = tpu.vector_load %arg5[%get3A] {strides = array<i32>} : memref<128xi32, #tpu.memory_space<vmem>>, vector<16xi32>,
    %sub3A_24 = arith.subi %add3A_4, %mul3A_22 : i32
    %iota3A_25 = tpu.iota {dimensions = array<i32: 0>} : vector<16xi32>
    %eq3A = vector.broadcast %sub3A_24 : i32 to vector<16xi32>
    %eq3A_26 = arith.cmpi eq, %iota3A_25, %eq3A : vector<16xi32>
    %jit3A_27 = arith.constant 0 : i32
    %broadcast_in_dim3A = vector.broadcast %jit3A_27 : i32 to vector<16xi32>
    %select_n3A_28 = arith.select %eq3A_26, %get3A_23, %broadcast_in_dim3A : vector<16xi1>, vector<16xi32>
    %reduce_sum3A = arith.constant true
    %reduce_sum3A_29 = vector.broadcast %reduce_sum3A : i1 to vector<16xi1>
    %reduce_sum3A_30 = tpu.scan <sum>, %select_n3A_28 masked %reduce_sum3A_29 : vector<16xi32>, vector<16xi1> -> vector<16xi32>
    %reduce_sum3A_31 = vector.extract %reduce_sum3A_30[15] : i32 from vector<16xi32>
    %jit3A_32 = arith.constant 128 : i32
    %div3A_33 = arith.divsi %reduce_sum3A_31, %jit3A_32 : i32
    %sign3A_34 = arith.constant 0 : i32
    %sign3A_35 = arith.cmpi sgt, %reduce_sum3A_31, %sign3A_34 : i32
    %sign3A_36 = arith.extui %sign3A_35 : i1 to i32
    %sign3A_37 = arith.constant 0 : i32
    %sign3A_38 = arith.cmpi slt, %reduce_sum3A_31, %sign3A_37 : i32
    %sign3A_39 = arith.extui %sign3A_38 : i1 to i32
    %sign3A_40 = arith.subi %sign3A_36, %sign3A_39 : i32
    %sign3A_41 = arith.constant 0 : i32
    %sign3A_42 = arith.cmpi sgt, %jit3A_32, %sign3A_41 : i32
    %sign3A_43 = arith.extui %sign3A_42 : i1 to i32
    %sign3A_44 = arith.constant 0 : i32
    %sign3A_45 = arith.cmpi slt, %jit3A_32, %sign3A_44 : i32
    %sign3A_46 = arith.extui %sign3A_45 : i1 to i32
    %sign3A_47 = arith.subi %sign3A_43, %sign3A_46 : i32
    %ne3A_48 = arith.cmpi ne, %sign3A_40, %sign3A_47 : i32
    %rem3A_49 = arith.remsi %reduce_sum3A_31, %jit3A_32 : i32
    %ne3A_50 = arith.constant 0 : i32
    %ne3A_51 = arith.cmpi ne, %rem3A_49, %ne3A_50 : i32
    %and3A_52 = arith.andi %ne3A_48, %ne3A_51 : i1
    %sub3A_53 = arith.constant 1 : i32
    %sub3A_54 = arith.subi %div3A_33, %sub3A_53 : i32
    %select_n3A_55 = arith.select %and3A_52, %sub3A_54, %div3A_33 : i32
    %mul3A_56 = arith.constant 128 : i32
    %mul3A_57 = arith.muli %select_n3A_55, %mul3A_56 : i32
    %sub3A_58 = arith.subi %reduce_sum3A_31, %mul3A_57 : i32
    "tpu.region"() ({
      %run_scoped3A = tpu.sem_alloc : memref<!tpu.dma_semaphore, #tpu.memory_space<semaphore_mem>>
      %dma_start3A = arith.constant 0 : i32
      %dma_start3A_411 = tpu.memref_slice %arg2[%dma_start3A, %mul3A_57] : memref<50x100000xf32, #tpu.memory_space<hbm>> -> memref<50x128xf32, #tpu.memory_space<hbm>>
      %dma_start3A_412 = arith.constant 0 : i32
      %dma_start3A_413 = tpu.memref_slice %arg2[%dma_start3A_412, %mul3A_57] : memref<50x100000xf32, #tpu.memory_space<hbm>> -> memref<50x128xf32, #tpu.memory_space<hbm>>
      tpu.enqueue_dma source(%dma_start3A_413 : memref<50x128xf32, #tpu.memory_space<hbm>>) target(%arg6 : memref<50x128xf32, #tpu.memory_space<vmem>>) target_semaphore(%run_scoped3A : memref<!tpu.dma_semaphore, #tpu.memory_space<semaphore_mem>>)
      %dma_wait3A = arith.constant 0 : i32
      %dma_wait3A_414 = tpu.memref_slice %arg2[%dma_wait3A, %mul3A_57] : memref<50x100000xf32, #tpu.memory_space<hbm>> -> memref<50x128xf32, #tpu.memory_space<hbm>>
      %dma_wait3A_415 = arith.constant 0 : i32
      %dma_wait3A_416 = tpu.memref_slice %arg2[%dma_wait3A_415, %mul3A_57] : memref<50x100000xf32, #tpu.memory_space<hbm>> -> memref<50x128xf32, #tpu.memory_space<hbm>>
      tpu.wait_dma2 semaphore(%run_scoped3A : memref<!tpu.dma_semaphore, #tpu.memory_space<semaphore_mem>>) src(%dma_wait3A_416 : memref<50x128xf32, #tpu.memory_space<hbm>>) dst(%arg6 : memref<50x128xf32, #tpu.memory_space<vmem>>)
      tpu.yield
    }) : () -> ()
    %broadcast_in_dim3A_59 = arith.constant 0 : i32
    %broadcast_in_dim3A_60 = vector.broadcast %broadcast_in_dim3A_59 : i32 to vector<16xi32>
    %add3A_61 = vector.broadcast %sub3A_58 : i32 to vector<16xi32>
    %add3A_62 = arith.addi %broadcast_in_dim3A_60, %add3A_61 : vector<16xi32>
    %add3A_63 = arith.constant 0 : i32
    %add3A_64 = vector.broadcast %add3A_63 : i32 to vector<16xi32>
    %add3A_65 = arith.addi %iota3A, %add3A_64 : vector<16xi32>
    %gather3A = tpu.vector_load_idx %arg6[%add3A_65, %add3A_62] : memref<50x128xf32, #tpu.memory_space<vmem>>[vector<16xi32>, vector<16xi32>], vector<16xf32>,
    %swap3A = arith.constant 0 : i32
    %swap3A_66 = arith.index_cast %swap3A : i32 to index
    %swap3A_67 = arith.constant 0 : index
    %swap3A_68 = tpu.vector_load %arg7[%swap3A_66, %swap3A_67] {strides = array<i32>} : memref<1x50xf32, #tpu.memory_space<vmem>>, vector<16xf32>,
    tpu.vector_store %arg7[%swap3A_66, %swap3A_67], %gather3A {strides = array<i32>} : memref<1x50xf32, #tpu.memory_space<vmem>>, vector<16xf32>,
    %add3A_69 = arith.constant 16 : i32
    %add3A_70 = vector.broadcast %add3A_69 : i32 to vector<16xi32>
    %add3A_71 = arith.addi %iota3A, %add3A_70 : vector<16xi32>
    %gather3A_72 = tpu.vector_load_idx %arg6[%add3A_71, %add3A_62] : memref<50x128xf32, #tpu.memory_space<vmem>>[vector<16xi32>, vector<16xi32>], vector<16xf32>,
    %swap3A_73 = arith.constant 0 : i32
    %swap3A_74 = arith.index_cast %swap3A_73 : i32 to index
    %swap3A_75 = arith.constant 16 : index
    %swap3A_76 = tpu.vector_load %arg7[%swap3A_74, %swap3A_75] {strides = array<i32>} : memref<1x50xf32, #tpu.memory_space<vmem>>, vector<16xf32>,
    tpu.vector_store %arg7[%swap3A_74, %swap3A_75], %gather3A_72 {strides = array<i32>} : memref<1x50xf32, #tpu.memory_space<vmem>>, vector<16xf32>,
    %add3A_77 = arith.constant 32 : i32
    %add3A_78 = vector.broadcast %add3A_77 : i32 to vector<16xi32>
    %add3A_79 = arith.addi %iota3A, %add3A_78 : vector<16xi32>
    %gather3A_80 = tpu.vector_load_idx %arg6[%add3A_79, %add3A_62] : memref<50x128xf32, #tpu.memory_space<vmem>>[vector<16xi32>, vector<16xi32>], vector<16xf32>,
    %swap3A_81 = arith.constant 0 : i32
    %swap3A_82 = arith.index_cast %swap3A_81 : i32 to index
    %swap3A_83 = arith.constant 32 : index
    %swap3A_84 = tpu.vector_load %arg7[%swap3A_82, %swap3A_83] {strides = array<i32>} : memref<1x50xf32, #tpu.memory_space<vmem>>, vector<16xf32>,
    tpu.vector_store %arg7[%swap3A_82, %swap3A_83], %gather3A_80 {strides = array<i32>} : memref<1x50xf32, #tpu.memory_space<vmem>>, vector<16xf32>,
    %add3A_85 = arith.constant 34 : i32
    %add3A_86 = vector.broadcast %add3A_85 : i32 to vector<16xi32>
    %add3A_87 = arith.addi %iota3A, %add3A_86 : vector<16xi32>
    %gather3A_88 = tpu.vector_load_idx %arg6[%add3A_87, %add3A_62] : memref<50x128xf32, #tpu.memory_space<vmem>>[vector<16xi32>, vector<16xi32>], vector<16xf32>,
    %swap3A_89 = arith.constant 0 : i32
    %swap3A_90 = arith.index_cast %swap3A_89 : i32 to index
    %swap3A_91 = arith.constant 34 : index
    %swap3A_92 = tpu.vector_load %arg7[%swap3A_90, %swap3A_91] {strides = array<i32>} : memref<1x50xf32, #tpu.memory_space<vmem>>, vector<16xf32>,
    tpu.vector_store %arg7[%swap3A_90, %swap3A_91], %gather3A_88 {strides = array<i32>} : memref<1x50xf32, #tpu.memory_space<vmem>>, vector<16xf32>,
    "tpu.region"() ({
      %run_scoped3A = tpu.sem_alloc : memref<!tpu.dma_semaphore, #tpu.memory_space<semaphore_mem>>
      %dma_start3A = arith.constant 0 : i32
      %dma_start3A_411 = tpu.memref_slice %arg4[%add3A_4, %dma_start3A] : memref<128x50xf32, #tpu.memory_space<hbm>> -> memref<1x50xf32, #tpu.memory_space<hbm>>
      %dma_start3A_412 = arith.constant 0 : i32
      %dma_start3A_413 = tpu.memref_slice %arg4[%add3A_4, %dma_start3A_412] : memref<128x50xf32, #tpu.memory_space<hbm>> -> memref<1x50xf32, #tpu.memory_space<hbm>>
      tpu.enqueue_dma source(%arg7 : memref<1x50xf32, #tpu.memory_space<vmem>>) target(%dma_start3A_413 : memref<1x50xf32, #tpu.memory_space<hbm>>) target_semaphore(%run_scoped3A : memref<!tpu.dma_semaphore, #tpu.memory_space<semaphore_mem>>)
      %dma_wait3A = arith.constant 0 : i32
      %dma_wait3A_414 = tpu.memref_slice %arg4[%add3A_4, %dma_wait3A] : memref<128x50xf32, #tpu.memory_space<hbm>> -> memref<1x50xf32, #tpu.memory_space<hbm>>
      %dma_wait3A_415 = arith.constant 0 : i32
      %dma_wait3A_416 = tpu.memref_slice %arg4[%add3A_4, %dma_wait3A_415] : memref<128x50xf32, #tpu.memory_space<hbm>> -> memref<1x50xf32, #tpu.memory_space<hbm>>
      tpu.wait_dma2 semaphore(%run_scoped3A : memref<!tpu.dma_semaphore, #tpu.memory_space<semaphore_mem>>) src(%arg7 : memref<1x50xf32, #tpu.memory_space<vmem>>) dst(%dma_wait3A_416 : memref<1x50xf32, #tpu.memory_space<hbm>>)
      tpu.yield
    }) : () -> ()
    %mul3A_93 = arith.constant 4 : i32
    %mul3A_94 = arith.muli %add3A, %mul3A_93 : i32
    %add3A_95 = arith.constant 1 : i32
    %add3A_96 = arith.addi %mul3A_94, %add3A_95 : i32
    %jit3A_97 = arith.constant 16 : i32
    %div3A_98 = arith.divsi %add3A_96, %jit3A_97 : i32
    %sign3A_99 = arith.constant 0 : i32
    %sign3A_100 = arith.cmpi sgt, %add3A_96, %sign3A_99 : i32
    %sign3A_101 = arith.extui %sign3A_100 : i1 to i32
    %sign3A_102 = arith.constant 0 : i32
    %sign3A_103 = arith.cmpi slt, %add3A_96, %sign3A_102 : i32
    %sign3A_104 = arith.extui %sign3A_103 : i1 to i32
    %sign3A_105 = arith.subi %sign3A_101, %sign3A_104 : i32
    %sign3A_106 = arith.constant 0 : i32
    %sign3A_107 = arith.cmpi sgt, %jit3A_97, %sign3A_106 : i32
    %sign3A_108 = arith.extui %sign3A_107 : i1 to i32
    %sign3A_109 = arith.constant 0 : i32
    %sign3A_110 = arith.cmpi slt, %jit3A_97, %sign3A_109 : i32
    %sign3A_111 = arith.extui %sign3A_110 : i1 to i32
    %sign3A_112 = arith.subi %sign3A_108, %sign3A_111 : i32
    %ne3A_113 = arith.cmpi ne, %sign3A_105, %sign3A_112 : i32
    %rem3A_114 = arith.remsi %add3A_96, %jit3A_97 : i32
    %ne3A_115 = arith.constant 0 : i32
    %ne3A_116 = arith.cmpi ne, %rem3A_114, %ne3A_115 : i32
    %and3A_117 = arith.andi %ne3A_113, %ne3A_116 : i1
    %sub3A_118 = arith.constant 1 : i32
    %sub3A_119 = arith.subi %div3A_98, %sub3A_118 : i32
    %select_n3A_120 = arith.select %and3A_117, %sub3A_119, %div3A_98 : i32
    %mul3A_121 = arith.constant 16 : i32
    %mul3A_122 = arith.muli %select_n3A_120, %mul3A_121 : i32
    %get3A_123 = arith.index_cast %mul3A_122 : i32 to index
    %get3A_124 = tpu.vector_load %arg5[%get3A_123] {strides = array<i32>} : memref<128xi32, #tpu.memory_space<vmem>>, vector<16xi32>,
    %sub3A_125 = arith.subi %add3A_96, %mul3A_122 : i32
    %iota3A_126 = tpu.iota {dimensions = array<i32: 0>} : vector<16xi32>
    %eq3A_127 = vector.broadcast %sub3A_125 : i32 to vector<16xi32>
    %eq3A_128 = arith.cmpi eq, %iota3A_126, %eq3A_127 : vector<16xi32>
    %jit3A_129 = arith.constant 0 : i32
    %broadcast_in_dim3A_130 = vector.broadcast %jit3A_129 : i32 to vector<16xi32>
    %select_n3A_131 = arith.select %eq3A_128, %get3A_124, %broadcast_in_dim3A_130 : vector<16xi1>, vector<16xi32>
    %reduce_sum3A_132 = arith.constant true
    %reduce_sum3A_133 = vector.broadcast %reduce_sum3A_132 : i1 to vector<16xi1>
    %reduce_sum3A_134 = tpu.scan <sum>, %select_n3A_131 masked %reduce_sum3A_133 : vector<16xi32>, vector<16xi1> -> vector<16xi32>
    %reduce_sum3A_135 = vector.extract %reduce_sum3A_134[15] : i32 from vector<16xi32>
    %jit3A_136 = arith.constant 128 : i32
    %div3A_137 = arith.divsi %reduce_sum3A_135, %jit3A_136 : i32
    %sign3A_138 = arith.constant 0 : i32
    %sign3A_139 = arith.cmpi sgt, %reduce_sum3A_135, %sign3A_138 : i32
    %sign3A_140 = arith.extui %sign3A_139 : i1 to i32
    %sign3A_141 = arith.constant 0 : i32
    %sign3A_142 = arith.cmpi slt, %reduce_sum3A_135, %sign3A_141 : i32
    %sign3A_143 = arith.extui %sign3A_142 : i1 to i32
    %sign3A_144 = arith.subi %sign3A_140, %sign3A_143 : i32
    %sign3A_145 = arith.constant 0 : i32
    %sign3A_146 = arith.cmpi sgt, %jit3A_136, %sign3A_145 : i32
    %sign3A_147 = arith.extui %sign3A_146 : i1 to i32
    %sign3A_148 = arith.constant 0 : i32
    %sign3A_149 = arith.cmpi slt, %jit3A_136, %sign3A_148 : i32
    %sign3A_150 = arith.extui %sign3A_149 : i1 to i32
    %sign3A_151 = arith.subi %sign3A_147, %sign3A_150 : i32
    %ne3A_152 = arith.cmpi ne, %sign3A_144, %sign3A_151 : i32
    %rem3A_153 = arith.remsi %reduce_sum3A_135, %jit3A_136 : i32
    %ne3A_154 = arith.constant 0 : i32
    %ne3A_155 = arith.cmpi ne, %rem3A_153, %ne3A_154 : i32
    %and3A_156 = arith.andi %ne3A_152, %ne3A_155 : i1
    %sub3A_157 = arith.constant 1 : i32
    %sub3A_158 = arith.subi %div3A_137, %sub3A_157 : i32
    %select_n3A_159 = arith.select %and3A_156, %sub3A_158, %div3A_137 : i32
    %mul3A_160 = arith.constant 128 : i32
    %mul3A_161 = arith.muli %select_n3A_159, %mul3A_160 : i32
    %sub3A_162 = arith.subi %reduce_sum3A_135, %mul3A_161 : i32
    "tpu.region"() ({
      %run_scoped3A = tpu.sem_alloc : memref<!tpu.dma_semaphore, #tpu.memory_space<semaphore_mem>>
      %dma_start3A = arith.constant 0 : i32
      %dma_start3A_411 = tpu.memref_slice %arg2[%dma_start3A, %mul3A_161] : memref<50x100000xf32, #tpu.memory_space<hbm>> -> memref<50x128xf32, #tpu.memory_space<hbm>>
      %dma_start3A_412 = arith.constant 0 : i32
      %dma_start3A_413 = tpu.memref_slice %arg2[%dma_start3A_412, %mul3A_161] : memref<50x100000xf32, #tpu.memory_space<hbm>> -> memref<50x128xf32, #tpu.memory_space<hbm>>
      tpu.enqueue_dma source(%dma_start3A_413 : memref<50x128xf32, #tpu.memory_space<hbm>>) target(%arg6 : memref<50x128xf32, #tpu.memory_space<vmem>>) target_semaphore(%run_scoped3A : memref<!tpu.dma_semaphore, #tpu.memory_space<semaphore_mem>>)
      %dma_wait3A = arith.constant 0 : i32
      %dma_wait3A_414 = tpu.memref_slice %arg2[%dma_wait3A, %mul3A_161] : memref<50x100000xf32, #tpu.memory_space<hbm>> -> memref<50x128xf32, #tpu.memory_space<hbm>>
      %dma_wait3A_415 = arith.constant 0 : i32
      %dma_wait3A_416 = tpu.memref_slice %arg2[%dma_wait3A_415, %mul3A_161] : memref<50x100000xf32, #tpu.memory_space<hbm>> -> memref<50x128xf32, #tpu.memory_space<hbm>>
      tpu.wait_dma2 semaphore(%run_scoped3A : memref<!tpu.dma_semaphore, #tpu.memory_space<semaphore_mem>>) src(%dma_wait3A_416 : memref<50x128xf32, #tpu.memory_space<hbm>>) dst(%arg6 : memref<50x128xf32, #tpu.memory_space<vmem>>)
      tpu.yield
    }) : () -> ()
    %broadcast_in_dim3A_163 = arith.constant 0 : i32
    %broadcast_in_dim3A_164 = vector.broadcast %broadcast_in_dim3A_163 : i32 to vector<16xi32>
    %add3A_165 = vector.broadcast %sub3A_162 : i32 to vector<16xi32>
    %add3A_166 = arith.addi %broadcast_in_dim3A_164, %add3A_165 : vector<16xi32>
    %add3A_167 = arith.constant 0 : i32
    %add3A_168 = vector.broadcast %add3A_167 : i32 to vector<16xi32>
    %add3A_169 = arith.addi %iota3A, %add3A_168 : vector<16xi32>
    %gather3A_170 = tpu.vector_load_idx %arg6[%add3A_169, %add3A_166] : memref<50x128xf32, #tpu.memory_space<vmem>>[vector<16xi32>, vector<16xi32>], vector<16xf32>,
    %swap3A_171 = arith.constant 0 : i32
    %swap3A_172 = arith.index_cast %swap3A_171 : i32 to index
    %swap3A_173 = arith.constant 0 : index
    %swap3A_174 = tpu.vector_load %arg7[%swap3A_172, %swap3A_173] {strides = array<i32>} : memref<1x50xf32, #tpu.memory_space<vmem>>, vector<16xf32>,
    tpu.vector_store %arg7[%swap3A_172, %swap3A_173], %gather3A_170 {strides = array<i32>} : memref<1x50xf32, #tpu.memory_space<vmem>>, vector<16xf32>,
    %add3A_175 = arith.constant 16 : i32
    %add3A_176 = vector.broadcast %add3A_175 : i32 to vector<16xi32>
    %add3A_177 = arith.addi %iota3A, %add3A_176 : vector<16xi32>
    %gather3A_178 = tpu.vector_load_idx %arg6[%add3A_177, %add3A_166] : memref<50x128xf32, #tpu.memory_space<vmem>>[vector<16xi32>, vector<16xi32>], vector<16xf32>,
    %swap3A_179 = arith.constant 0 : i32
    %swap3A_180 = arith.index_cast %swap3A_179 : i32 to index
    %swap3A_181 = arith.constant 16 : index
    %swap3A_182 = tpu.vector_load %arg7[%swap3A_180, %swap3A_181] {strides = array<i32>} : memref<1x50xf32, #tpu.memory_space<vmem>>, vector<16xf32>,
    tpu.vector_store %arg7[%swap3A_180, %swap3A_181], %gather3A_178 {strides = array<i32>} : memref<1x50xf32, #tpu.memory_space<vmem>>, vector<16xf32>,
    %add3A_183 = arith.constant 32 : i32
    %add3A_184 = vector.broadcast %add3A_183 : i32 to vector<16xi32>
    %add3A_185 = arith.addi %iota3A, %add3A_184 : vector<16xi32>
    %gather3A_186 = tpu.vector_load_idx %arg6[%add3A_185, %add3A_166] : memref<50x128xf32, #tpu.memory_space<vmem>>[vector<16xi32>, vector<16xi32>], vector<16xf32>,
    %swap3A_187 = arith.constant 0 : i32
    %swap3A_188 = arith.index_cast %swap3A_187 : i32 to index
    %swap3A_189 = arith.constant 32 : index
    %swap3A_190 = tpu.vector_load %arg7[%swap3A_188, %swap3A_189] {strides = array<i32>} : memref<1x50xf32, #tpu.memory_space<vmem>>, vector<16xf32>,
    tpu.vector_store %arg7[%swap3A_188, %swap3A_189], %gather3A_186 {strides = array<i32>} : memref<1x50xf32, #tpu.memory_space<vmem>>, vector<16xf32>,
    %add3A_191 = arith.constant 34 : i32
    %add3A_192 = vector.broadcast %add3A_191 : i32 to vector<16xi32>
    %add3A_193 = arith.addi %iota3A, %add3A_192 : vector<16xi32>
    %gather3A_194 = tpu.vector_load_idx %arg6[%add3A_193, %add3A_166] : memref<50x128xf32, #tpu.memory_space<vmem>>[vector<16xi32>, vector<16xi32>], vector<16xf32>,
    %swap3A_195 = arith.constant 0 : i32
    %swap3A_196 = arith.index_cast %swap3A_195 : i32 to index
    %swap3A_197 = arith.constant 34 : index
    %swap3A_198 = tpu.vector_load %arg7[%swap3A_196, %swap3A_197] {strides = array<i32>} : memref<1x50xf32, #tpu.memory_space<vmem>>, vector<16xf32>,
    tpu.vector_store %arg7[%swap3A_196, %swap3A_197], %gather3A_194 {strides = array<i32>} : memref<1x50xf32, #tpu.memory_space<vmem>>, vector<16xf32>,
    "tpu.region"() ({
      %run_scoped3A = tpu.sem_alloc : memref<!tpu.dma_semaphore, #tpu.memory_space<semaphore_mem>>
      %dma_start3A = arith.constant 0 : i32
      %dma_start3A_411 = tpu.memref_slice %arg4[%add3A_96, %dma_start3A] : memref<128x50xf32, #tpu.memory_space<hbm>> -> memref<1x50xf32, #tpu.memory_space<hbm>>
      %dma_start3A_412 = arith.constant 0 : i32
      %dma_start3A_413 = tpu.memref_slice %arg4[%add3A_96, %dma_start3A_412] : memref<128x50xf32, #tpu.memory_space<hbm>> -> memref<1x50xf32, #tpu.memory_space<hbm>>
      tpu.enqueue_dma source(%arg7 : memref<1x50xf32, #tpu.memory_space<vmem>>) target(%dma_start3A_413 : memref<1x50xf32, #tpu.memory_space<hbm>>) target_semaphore(%run_scoped3A : memref<!tpu.dma_semaphore, #tpu.memory_space<semaphore_mem>>)
      %dma_wait3A = arith.constant 0 : i32
      %dma_wait3A_414 = tpu.memref_slice %arg4[%add3A_96, %dma_wait3A] : memref<128x50xf32, #tpu.memory_space<hbm>> -> memref<1x50xf32, #tpu.memory_space<hbm>>
      %dma_wait3A_415 = arith.constant 0 : i32
      %dma_wait3A_416 = tpu.memref_slice %arg4[%add3A_96, %dma_wait3A_415] : memref<128x50xf32, #tpu.memory_space<hbm>> -> memref<1x50xf32, #tpu.memory_space<hbm>>
      tpu.wait_dma2 semaphore(%run_scoped3A : memref<!tpu.dma_semaphore, #tpu.memory_space<semaphore_mem>>) src(%arg7 : memref<1x50xf32, #tpu.memory_space<vmem>>) dst(%dma_wait3A_416 : memref<1x50xf32, #tpu.memory_space<hbm>>)
      tpu.yield
    }) : () -> ()
    %mul3A_199 = arith.constant 4 : i32
    %mul3A_200 = arith.muli %add3A, %mul3A_199 : i32
    %add3A_201 = arith.constant 2 : i32
    %add3A_202 = arith.addi %mul3A_200, %add3A_201 : i32
    %jit3A_203 = arith.constant 16 : i32
    %div3A_204 = arith.divsi %add3A_202, %jit3A_203 : i32
    %sign3A_205 = arith.constant 0 : i32
    %sign3A_206 = arith.cmpi sgt, %add3A_202, %sign3A_205 : i32
    %sign3A_207 = arith.extui %sign3A_206 : i1 to i32
    %sign3A_208 = arith.constant 0 : i32
    %sign3A_209 = arith.cmpi slt, %add3A_202, %sign3A_208 : i32
    %sign3A_210 = arith.extui %sign3A_209 : i1 to i32
    %sign3A_211 = arith.subi %sign3A_207, %sign3A_210 : i32
    %sign3A_212 = arith.constant 0 : i32
    %sign3A_213 = arith.cmpi sgt, %jit3A_203, %sign3A_212 : i32
    %sign3A_214 = arith.extui %sign3A_213 : i1 to i32
    %sign3A_215 = arith.constant 0 : i32
    %sign3A_216 = arith.cmpi slt, %jit3A_203, %sign3A_215 : i32
    %sign3A_217 = arith.extui %sign3A_216 : i1 to i32
    %sign3A_218 = arith.subi %sign3A_214, %sign3A_217 : i32
    %ne3A_219 = arith.cmpi ne, %sign3A_211, %sign3A_218 : i32
    %rem3A_220 = arith.remsi %add3A_202, %jit3A_203 : i32
    %ne3A_221 = arith.constant 0 : i32
    %ne3A_222 = arith.cmpi ne, %rem3A_220, %ne3A_221 : i32
    %and3A_223 = arith.andi %ne3A_219, %ne3A_222 : i1
    %sub3A_224 = arith.constant 1 : i32
    %sub3A_225 = arith.subi %div3A_204, %sub3A_224 : i32
    %select_n3A_226 = arith.select %and3A_223, %sub3A_225, %div3A_204 : i32
    %mul3A_227 = arith.constant 16 : i32
    %mul3A_228 = arith.muli %select_n3A_226, %mul3A_227 : i32
    %get3A_229 = arith.index_cast %mul3A_228 : i32 to index
    %get3A_230 = tpu.vector_load %arg5[%get3A_229] {strides = array<i32>} : memref<128xi32, #tpu.memory_space<vmem>>, vector<16xi32>,
    %sub3A_231 = arith.subi %add3A_202, %mul3A_228 : i32
    %iota3A_232 = tpu.iota {dimensions = array<i32: 0>} : vector<16xi32>
    %eq3A_233 = vector.broadcast %sub3A_231 : i32 to vector<16xi32>
    %eq3A_234 = arith.cmpi eq, %iota3A_232, %eq3A_233 : vector<16xi32>
    %jit3A_235 = arith.constant 0 : i32
    %broadcast_in_dim3A_236 = vector.broadcast %jit3A_235 : i32 to vector<16xi32>
    %select_n3A_237 = arith.select %eq3A_234, %get3A_230, %broadcast_in_dim3A_236 : vector<16xi1>, vector<16xi32>
    %reduce_sum3A_238 = arith.constant true
    %reduce_sum3A_239 = vector.broadcast %reduce_sum3A_238 : i1 to vector<16xi1>
    %reduce_sum3A_240 = tpu.scan <sum>, %select_n3A_237 masked %reduce_sum3A_239 : vector<16xi32>, vector<16xi1> -> vector<16xi32>
    %reduce_sum3A_241 = vector.extract %reduce_sum3A_240[15] : i32 from vector<16xi32>
    %jit3A_242 = arith.constant 128 : i32
    %div3A_243 = arith.divsi %reduce_sum3A_241, %jit3A_242 : i32
    %sign3A_244 = arith.constant 0 : i32
    %sign3A_245 = arith.cmpi sgt, %reduce_sum3A_241, %sign3A_244 : i32
    %sign3A_246 = arith.extui %sign3A_245 : i1 to i32
    %sign3A_247 = arith.constant 0 : i32
    %sign3A_248 = arith.cmpi slt, %reduce_sum3A_241, %sign3A_247 : i32
    %sign3A_249 = arith.extui %sign3A_248 : i1 to i32
    %sign3A_250 = arith.subi %sign3A_246, %sign3A_249 : i32
    %sign3A_251 = arith.constant 0 : i32
    %sign3A_252 = arith.cmpi sgt, %jit3A_242, %sign3A_251 : i32
    %sign3A_253 = arith.extui %sign3A_252 : i1 to i32
    %sign3A_254 = arith.constant 0 : i32
    %sign3A_255 = arith.cmpi slt, %jit3A_242, %sign3A_254 : i32
    %sign3A_256 = arith.extui %sign3A_255 : i1 to i32
    %sign3A_257 = arith.subi %sign3A_253, %sign3A_256 : i32
    %ne3A_258 = arith.cmpi ne, %sign3A_250, %sign3A_257 : i32
    %rem3A_259 = arith.remsi %reduce_sum3A_241, %jit3A_242 : i32
    %ne3A_260 = arith.constant 0 : i32
    %ne3A_261 = arith.cmpi ne, %rem3A_259, %ne3A_260 : i32
    %and3A_262 = arith.andi %ne3A_258, %ne3A_261 : i1
    %sub3A_263 = arith.constant 1 : i32
    %sub3A_264 = arith.subi %div3A_243, %sub3A_263 : i32
    %select_n3A_265 = arith.select %and3A_262, %sub3A_264, %div3A_243 : i32
    %mul3A_266 = arith.constant 128 : i32
    %mul3A_267 = arith.muli %select_n3A_265, %mul3A_266 : i32
    %sub3A_268 = arith.subi %reduce_sum3A_241, %mul3A_267 : i32
    "tpu.region"() ({
      %run_scoped3A = tpu.sem_alloc : memref<!tpu.dma_semaphore, #tpu.memory_space<semaphore_mem>>
      %dma_start3A = arith.constant 0 : i32
      %dma_start3A_411 = tpu.memref_slice %arg2[%dma_start3A, %mul3A_267] : memref<50x100000xf32, #tpu.memory_space<hbm>> -> memref<50x128xf32, #tpu.memory_space<hbm>>
      %dma_start3A_412 = arith.constant 0 : i32
      %dma_start3A_413 = tpu.memref_slice %arg2[%dma_start3A_412, %mul3A_267] : memref<50x100000xf32, #tpu.memory_space<hbm>> -> memref<50x128xf32, #tpu.memory_space<hbm>>
      tpu.enqueue_dma source(%dma_start3A_413 : memref<50x128xf32, #tpu.memory_space<hbm>>) target(%arg6 : memref<50x128xf32, #tpu.memory_space<vmem>>) target_semaphore(%run_scoped3A : memref<!tpu.dma_semaphore, #tpu.memory_space<semaphore_mem>>)
      %dma_wait3A = arith.constant 0 : i32
      %dma_wait3A_414 = tpu.memref_slice %arg2[%dma_wait3A, %mul3A_267] : memref<50x100000xf32, #tpu.memory_space<hbm>> -> memref<50x128xf32, #tpu.memory_space<hbm>>
      %dma_wait3A_415 = arith.constant 0 : i32
      %dma_wait3A_416 = tpu.memref_slice %arg2[%dma_wait3A_415, %mul3A_267] : memref<50x100000xf32, #tpu.memory_space<hbm>> -> memref<50x128xf32, #tpu.memory_space<hbm>>
      tpu.wait_dma2 semaphore(%run_scoped3A : memref<!tpu.dma_semaphore, #tpu.memory_space<semaphore_mem>>) src(%dma_wait3A_416 : memref<50x128xf32, #tpu.memory_space<hbm>>) dst(%arg6 : memref<50x128xf32, #tpu.memory_space<vmem>>)
      tpu.yield
    }) : () -> ()
    %broadcast_in_dim3A_269 = arith.constant 0 : i32
    %broadcast_in_dim3A_270 = vector.broadcast %broadcast_in_dim3A_269 : i32 to vector<16xi32>
    %add3A_271 = vector.broadcast %sub3A_268 : i32 to vector<16xi32>
    %add3A_272 = arith.addi %broadcast_in_dim3A_270, %add3A_271 : vector<16xi32>
    %add3A_273 = arith.constant 0 : i32
    %add3A_274 = vector.broadcast %add3A_273 : i32 to vector<16xi32>
    %add3A_275 = arith.addi %iota3A, %add3A_274 : vector<16xi32>
    %gather3A_276 = tpu.vector_load_idx %arg6[%add3A_275, %add3A_272] : memref<50x128xf32, #tpu.memory_space<vmem>>[vector<16xi32>, vector<16xi32>], vector<16xf32>,
    %swap3A_277 = arith.constant 0 : i32
    %swap3A_278 = arith.index_cast %swap3A_277 : i32 to index
    %swap3A_279 = arith.constant 0 : index
    %swap3A_280 = tpu.vector_load %arg7[%swap3A_278, %swap3A_279] {strides = array<i32>} : memref<1x50xf32, #tpu.memory_space<vmem>>, vector<16xf32>,
    tpu.vector_store %arg7[%swap3A_278, %swap3A_279], %gather3A_276 {strides = array<i32>} : memref<1x50xf32, #tpu.memory_space<vmem>>, vector<16xf32>,
    %add3A_281 = arith.constant 16 : i32
    %add3A_282 = vector.broadcast %add3A_281 : i32 to vector<16xi32>
    %add3A_283 = arith.addi %iota3A, %add3A_282 : vector<16xi32>
    %gather3A_284 = tpu.vector_load_idx %arg6[%add3A_283, %add3A_272] : memref<50x128xf32, #tpu.memory_space<vmem>>[vector<16xi32>, vector<16xi32>], vector<16xf32>,
    %swap3A_285 = arith.constant 0 : i32
    %swap3A_286 = arith.index_cast %swap3A_285 : i32 to index
    %swap3A_287 = arith.constant 16 : index
    %swap3A_288 = tpu.vector_load %arg7[%swap3A_286, %swap3A_287] {strides = array<i32>} : memref<1x50xf32, #tpu.memory_space<vmem>>, vector<16xf32>,
    tpu.vector_store %arg7[%swap3A_286, %swap3A_287], %gather3A_284 {strides = array<i32>} : memref<1x50xf32, #tpu.memory_space<vmem>>, vector<16xf32>,
    %add3A_289 = arith.constant 32 : i32
    %add3A_290 = vector.broadcast %add3A_289 : i32 to vector<16xi32>
    %add3A_291 = arith.addi %iota3A, %add3A_290 : vector<16xi32>
    %gather3A_292 = tpu.vector_load_idx %arg6[%add3A_291, %add3A_272] : memref<50x128xf32, #tpu.memory_space<vmem>>[vector<16xi32>, vector<16xi32>], vector<16xf32>,
    %swap3A_293 = arith.constant 0 : i32
    %swap3A_294 = arith.index_cast %swap3A_293 : i32 to index
    %swap3A_295 = arith.constant 32 : index
    %swap3A_296 = tpu.vector_load %arg7[%swap3A_294, %swap3A_295] {strides = array<i32>} : memref<1x50xf32, #tpu.memory_space<vmem>>, vector<16xf32>,
    tpu.vector_store %arg7[%swap3A_294, %swap3A_295], %gather3A_292 {strides = array<i32>} : memref<1x50xf32, #tpu.memory_space<vmem>>, vector<16xf32>,
    %add3A_297 = arith.constant 34 : i32
    %add3A_298 = vector.broadcast %add3A_297 : i32 to vector<16xi32>
    %add3A_299 = arith.addi %iota3A, %add3A_298 : vector<16xi32>
    %gather3A_300 = tpu.vector_load_idx %arg6[%add3A_299, %add3A_272] : memref<50x128xf32, #tpu.memory_space<vmem>>[vector<16xi32>, vector<16xi32>], vector<16xf32>,
    %swap3A_301 = arith.constant 0 : i32
    %swap3A_302 = arith.index_cast %swap3A_301 : i32 to index
    %swap3A_303 = arith.constant 34 : index
    %swap3A_304 = tpu.vector_load %arg7[%swap3A_302, %swap3A_303] {strides = array<i32>} : memref<1x50xf32, #tpu.memory_space<vmem>>, vector<16xf32>,
    tpu.vector_store %arg7[%swap3A_302, %swap3A_303], %gather3A_300 {strides = array<i32>} : memref<1x50xf32, #tpu.memory_space<vmem>>, vector<16xf32>,
    "tpu.region"() ({
      %run_scoped3A = tpu.sem_alloc : memref<!tpu.dma_semaphore, #tpu.memory_space<semaphore_mem>>
      %dma_start3A = arith.constant 0 : i32
      %dma_start3A_411 = tpu.memref_slice %arg4[%add3A_202, %dma_start3A] : memref<128x50xf32, #tpu.memory_space<hbm>> -> memref<1x50xf32, #tpu.memory_space<hbm>>
      %dma_start3A_412 = arith.constant 0 : i32
      %dma_start3A_413 = tpu.memref_slice %arg4[%add3A_202, %dma_start3A_412] : memref<128x50xf32, #tpu.memory_space<hbm>> -> memref<1x50xf32, #tpu.memory_space<hbm>>
      tpu.enqueue_dma source(%arg7 : memref<1x50xf32, #tpu.memory_space<vmem>>) target(%dma_start3A_413 : memref<1x50xf32, #tpu.memory_space<hbm>>) target_semaphore(%run_scoped3A : memref<!tpu.dma_semaphore, #tpu.memory_space<semaphore_mem>>)
      %dma_wait3A = arith.constant 0 : i32
      %dma_wait3A_414 = tpu.memref_slice %arg4[%add3A_202, %dma_wait3A] : memref<128x50xf32, #tpu.memory_space<hbm>> -> memref<1x50xf32, #tpu.memory_space<hbm>>
      %dma_wait3A_415 = arith.constant 0 : i32
      %dma_wait3A_416 = tpu.memref_slice %arg4[%add3A_202, %dma_wait3A_415] : memref<128x50xf32, #tpu.memory_space<hbm>> -> memref<1x50xf32, #tpu.memory_space<hbm>>
      tpu.wait_dma2 semaphore(%run_scoped3A : memref<!tpu.dma_semaphore, #tpu.memory_space<semaphore_mem>>) src(%arg7 : memref<1x50xf32, #tpu.memory_space<vmem>>) dst(%dma_wait3A_416 : memref<1x50xf32, #tpu.memory_space<hbm>>)
      tpu.yield
    }) : () -> ()
    %mul3A_305 = arith.constant 4 : i32
    %mul3A_306 = arith.muli %add3A, %mul3A_305 : i32
    %add3A_307 = arith.constant 3 : i32
    %add3A_308 = arith.addi %mul3A_306, %add3A_307 : i32
    %jit3A_309 = arith.constant 16 : i32
    %div3A_310 = arith.divsi %add3A_308, %jit3A_309 : i32
    %sign3A_311 = arith.constant 0 : i32
    %sign3A_312 = arith.cmpi sgt, %add3A_308, %sign3A_311 : i32
    %sign3A_313 = arith.extui %sign3A_312 : i1 to i32
    %sign3A_314 = arith.constant 0 : i32
    %sign3A_315 = arith.cmpi slt, %add3A_308, %sign3A_314 : i32
    %sign3A_316 = arith.extui %sign3A_315 : i1 to i32
    %sign3A_317 = arith.subi %sign3A_313, %sign3A_316 : i32
    %sign3A_318 = arith.constant 0 : i32
    %sign3A_319 = arith.cmpi sgt, %jit3A_309, %sign3A_318 : i32
    %sign3A_320 = arith.extui %sign3A_319 : i1 to i32
    %sign3A_321 = arith.constant 0 : i32
    %sign3A_322 = arith.cmpi slt, %jit3A_309, %sign3A_321 : i32
    %sign3A_323 = arith.extui %sign3A_322 : i1 to i32
    %sign3A_324 = arith.subi %sign3A_320, %sign3A_323 : i32
    %ne3A_325 = arith.cmpi ne, %sign3A_317, %sign3A_324 : i32
    %rem3A_326 = arith.remsi %add3A_308, %jit3A_309 : i32
    %ne3A_327 = arith.constant 0 : i32
    %ne3A_328 = arith.cmpi ne, %rem3A_326, %ne3A_327 : i32
    %and3A_329 = arith.andi %ne3A_325, %ne3A_328 : i1
    %sub3A_330 = arith.constant 1 : i32
    %sub3A_331 = arith.subi %div3A_310, %sub3A_330 : i32
    %select_n3A_332 = arith.select %and3A_329, %sub3A_331, %div3A_310 : i32
    %mul3A_333 = arith.constant 16 : i32
    %mul3A_334 = arith.muli %select_n3A_332, %mul3A_333 : i32
    %get3A_335 = arith.index_cast %mul3A_334 : i32 to index
    %get3A_336 = tpu.vector_load %arg5[%get3A_335] {strides = array<i32>} : memref<128xi32, #tpu.memory_space<vmem>>, vector<16xi32>,
    %sub3A_337 = arith.subi %add3A_308, %mul3A_334 : i32
    %iota3A_338 = tpu.iota {dimensions = array<i32: 0>} : vector<16xi32>
    %eq3A_339 = vector.broadcast %sub3A_337 : i32 to vector<16xi32>
    %eq3A_340 = arith.cmpi eq, %iota3A_338, %eq3A_339 : vector<16xi32>
    %jit3A_341 = arith.constant 0 : i32
    %broadcast_in_dim3A_342 = vector.broadcast %jit3A_341 : i32 to vector<16xi32>
    %select_n3A_343 = arith.select %eq3A_340, %get3A_336, %broadcast_in_dim3A_342 : vector<16xi1>, vector<16xi32>
    %reduce_sum3A_344 = arith.constant true
    %reduce_sum3A_345 = vector.broadcast %reduce_sum3A_344 : i1 to vector<16xi1>
    %reduce_sum3A_346 = tpu.scan <sum>, %select_n3A_343 masked %reduce_sum3A_345 : vector<16xi32>, vector<16xi1> -> vector<16xi32>
    %reduce_sum3A_347 = vector.extract %reduce_sum3A_346[15] : i32 from vector<16xi32>
    %jit3A_348 = arith.constant 128 : i32
    %div3A_349 = arith.divsi %reduce_sum3A_347, %jit3A_348 : i32
    %sign3A_350 = arith.constant 0 : i32
    %sign3A_351 = arith.cmpi sgt, %reduce_sum3A_347, %sign3A_350 : i32
    %sign3A_352 = arith.extui %sign3A_351 : i1 to i32
    %sign3A_353 = arith.constant 0 : i32
    %sign3A_354 = arith.cmpi slt, %reduce_sum3A_347, %sign3A_353 : i32
    %sign3A_355 = arith.extui %sign3A_354 : i1 to i32
    %sign3A_356 = arith.subi %sign3A_352, %sign3A_355 : i32
    %sign3A_357 = arith.constant 0 : i32
    %sign3A_358 = arith.cmpi sgt, %jit3A_348, %sign3A_357 : i32
    %sign3A_359 = arith.extui %sign3A_358 : i1 to i32
    %sign3A_360 = arith.constant 0 : i32
    %sign3A_361 = arith.cmpi slt, %jit3A_348, %sign3A_360 : i32
    %sign3A_362 = arith.extui %sign3A_361 : i1 to i32
    %sign3A_363 = arith.subi %sign3A_359, %sign3A_362 : i32
    %ne3A_364 = arith.cmpi ne, %sign3A_356, %sign3A_363 : i32
    %rem3A_365 = arith.remsi %reduce_sum3A_347, %jit3A_348 : i32
    %ne3A_366 = arith.constant 0 : i32
    %ne3A_367 = arith.cmpi ne, %rem3A_365, %ne3A_366 : i32
    %and3A_368 = arith.andi %ne3A_364, %ne3A_367 : i1
    %sub3A_369 = arith.constant 1 : i32
    %sub3A_370 = arith.subi %div3A_349, %sub3A_369 : i32
    %select_n3A_371 = arith.select %and3A_368, %sub3A_370, %div3A_349 : i32
    %mul3A_372 = arith.constant 128 : i32
    %mul3A_373 = arith.muli %select_n3A_371, %mul3A_372 : i32
    %sub3A_374 = arith.subi %reduce_sum3A_347, %mul3A_373 : i32
    "tpu.region"() ({
      %run_scoped3A = tpu.sem_alloc : memref<!tpu.dma_semaphore, #tpu.memory_space<semaphore_mem>>
      %dma_start3A = arith.constant 0 : i32
      %dma_start3A_411 = tpu.memref_slice %arg2[%dma_start3A, %mul3A_373] : memref<50x100000xf32, #tpu.memory_space<hbm>> -> memref<50x128xf32, #tpu.memory_space<hbm>>
      %dma_start3A_412 = arith.constant 0 : i32
      %dma_start3A_413 = tpu.memref_slice %arg2[%dma_start3A_412, %mul3A_373] : memref<50x100000xf32, #tpu.memory_space<hbm>> -> memref<50x128xf32, #tpu.memory_space<hbm>>
      tpu.enqueue_dma source(%dma_start3A_413 : memref<50x128xf32, #tpu.memory_space<hbm>>) target(%arg6 : memref<50x128xf32, #tpu.memory_space<vmem>>) target_semaphore(%run_scoped3A : memref<!tpu.dma_semaphore, #tpu.memory_space<semaphore_mem>>)
      %dma_wait3A = arith.constant 0 : i32
      %dma_wait3A_414 = tpu.memref_slice %arg2[%dma_wait3A, %mul3A_373] : memref<50x100000xf32, #tpu.memory_space<hbm>> -> memref<50x128xf32, #tpu.memory_space<hbm>>
      %dma_wait3A_415 = arith.constant 0 : i32
      %dma_wait3A_416 = tpu.memref_slice %arg2[%dma_wait3A_415, %mul3A_373] : memref<50x100000xf32, #tpu.memory_space<hbm>> -> memref<50x128xf32, #tpu.memory_space<hbm>>
      tpu.wait_dma2 semaphore(%run_scoped3A : memref<!tpu.dma_semaphore, #tpu.memory_space<semaphore_mem>>) src(%dma_wait3A_416 : memref<50x128xf32, #tpu.memory_space<hbm>>) dst(%arg6 : memref<50x128xf32, #tpu.memory_space<vmem>>)
      tpu.yield
    }) : () -> ()
    %broadcast_in_dim3A_375 = arith.constant 0 : i32
    %broadcast_in_dim3A_376 = vector.broadcast %broadcast_in_dim3A_375 : i32 to vector<16xi32>
    %add3A_377 = vector.broadcast %sub3A_374 : i32 to vector<16xi32>
    %add3A_378 = arith.addi %broadcast_in_dim3A_376, %add3A_377 : vector<16xi32>
    %add3A_379 = arith.constant 0 : i32
    %add3A_380 = vector.broadcast %add3A_379 : i32 to vector<16xi32>
    %add3A_381 = arith.addi %iota3A, %add3A_380 : vector<16xi32>
    %gather3A_382 = tpu.vector_load_idx %arg6[%add3A_381, %add3A_378] : memref<50x128xf32, #tpu.memory_space<vmem>>[vector<16xi32>, vector<16xi32>], vector<16xf32>,
    %swap3A_383 = arith.constant 0 : i32
    %swap3A_384 = arith.index_cast %swap3A_383 : i32 to index
    %swap3A_385 = arith.constant 0 : index
    %swap3A_386 = tpu.vector_load %arg7[%swap3A_384, %swap3A_385] {strides = array<i32>} : memref<1x50xf32, #tpu.memory_space<vmem>>, vector<16xf32>,
    tpu.vector_store %arg7[%swap3A_384, %swap3A_385], %gather3A_382 {strides = array<i32>} : memref<1x50xf32, #tpu.memory_space<vmem>>, vector<16xf32>,
    %add3A_387 = arith.constant 16 : i32
    %add3A_388 = vector.broadcast %add3A_387 : i32 to vector<16xi32>
    %add3A_389 = arith.addi %iota3A, %add3A_388 : vector<16xi32>
    %gather3A_390 = tpu.vector_load_idx %arg6[%add3A_389, %add3A_378] : memref<50x128xf32, #tpu.memory_space<vmem>>[vector<16xi32>, vector<16xi32>], vector<16xf32>,
    %swap3A_391 = arith.constant 0 : i32
    %swap3A_392 = arith.index_cast %swap3A_391 : i32 to index
    %swap3A_393 = arith.constant 16 : index
    %swap3A_394 = tpu.vector_load %arg7[%swap3A_392, %swap3A_393] {strides = array<i32>} : memref<1x50xf32, #tpu.memory_space<vmem>>, vector<16xf32>,
    tpu.vector_store %arg7[%swap3A_392, %swap3A_393], %gather3A_390 {strides = array<i32>} : memref<1x50xf32, #tpu.memory_space<vmem>>, vector<16xf32>,
    %add3A_395 = arith.constant 32 : i32
    %add3A_396 = vector.broadcast %add3A_395 : i32 to vector<16xi32>
    %add3A_397 = arith.addi %iota3A, %add3A_396 : vector<16xi32>
    %gather3A_398 = tpu.vector_load_idx %arg6[%add3A_397, %add3A_378] : memref<50x128xf32, #tpu.memory_space<vmem>>[vector<16xi32>, vector<16xi32>], vector<16xf32>,
    %swap3A_399 = arith.constant 0 : i32
    %swap3A_400 = arith.index_cast %swap3A_399 : i32 to index
    %swap3A_401 = arith.constant 32 : index
    %swap3A_402 = tpu.vector_load %arg7[%swap3A_400, %swap3A_401] {strides = array<i32>} : memref<1x50xf32, #tpu.memory_space<vmem>>, vector<16xf32>,
    tpu.vector_store %arg7[%swap3A_400, %swap3A_401], %gather3A_398 {strides = array<i32>} : memref<1x50xf32, #tpu.memory_space<vmem>>, vector<16xf32>,
    %add3A_403 = arith.constant 34 : i32
    %add3A_404 = vector.broadcast %add3A_403 : i32 to vector<16xi32>
    %add3A_405 = arith.addi %iota3A, %add3A_404 : vector<16xi32>
    %gather3A_406 = tpu.vector_load_idx %arg6[%add3A_405, %add3A_378] : memref<50x128xf32, #tpu.memory_space<vmem>>[vector<16xi32>, vector<16xi32>], vector<16xf32>,
    %swap3A_407 = arith.constant 0 : i32
    %swap3A_408 = arith.index_cast %swap3A_407 : i32 to index
    %swap3A_409 = arith.constant 34 : index
    %swap3A_410 = tpu.vector_load %arg7[%swap3A_408, %swap3A_409] {strides = array<i32>} : memref<1x50xf32, #tpu.memory_space<vmem>>, vector<16xf32>,
    tpu.vector_store %arg7[%swap3A_408, %swap3A_409], %gather3A_406 {strides = array<i32>} : memref<1x50xf32, #tpu.memory_space<vmem>>, vector<16xf32>,
    "tpu.region"() ({
      %run_scoped3A = tpu.sem_alloc : memref<!tpu.dma_semaphore, #tpu.memory_space<semaphore_mem>>
      %dma_start3A = arith.constant 0 : i32
      %dma_start3A_411 = tpu.memref_slice %arg4[%add3A_308, %dma_start3A] : memref<128x50xf32, #tpu.memory_space<hbm>> -> memref<1x50xf32, #tpu.memory_space<hbm>>
      %dma_start3A_412 = arith.constant 0 : i32
      %dma_start3A_413 = tpu.memref_slice %arg4[%add3A_308, %dma_start3A_412] : memref<128x50xf32, #tpu.memory_space<hbm>> -> memref<1x50xf32, #tpu.memory_space<hbm>>
      tpu.enqueue_dma source(%arg7 : memref<1x50xf32, #tpu.memory_space<vmem>>) target(%dma_start3A_413 : memref<1x50xf32, #tpu.memory_space<hbm>>) target_semaphore(%run_scoped3A : memref<!tpu.dma_semaphore, #tpu.memory_space<semaphore_mem>>)
      %dma_wait3A = arith.constant 0 : i32
      %dma_wait3A_414 = tpu.memref_slice %arg4[%add3A_308, %dma_wait3A] : memref<128x50xf32, #tpu.memory_space<hbm>> -> memref<1x50xf32, #tpu.memory_space<hbm>>
      %dma_wait3A_415 = arith.constant 0 : i32
      %dma_wait3A_416 = tpu.memref_slice %arg4[%add3A_308, %dma_wait3A_415] : memref<128x50xf32, #tpu.memory_space<hbm>> -> memref<1x50xf32, #tpu.memory_space<hbm>>
      tpu.wait_dma2 semaphore(%run_scoped3A : memref<!tpu.dma_semaphore, #tpu.memory_space<semaphore_mem>>) src(%arg7 : memref<1x50xf32, #tpu.memory_space<vmem>>) dst(%dma_wait3A_416 : memref<1x50xf32, #tpu.memory_space<hbm>>)
      tpu.yield
    }) : () -> ()
    return
  }
}

module attributes {stable_mosaic.version = 14 : i64} {
  func.func @body(%arg0: memref<128x50xf32, #tpu.memory_space<vmem>>, %arg1: memref<50x5000xf32, #tpu.memory_space<vmem>>, %arg2: memref<50x5000xf32, #tpu.memory_space<vmem>>, %arg3: memref<1x50xf32, #tpu.memory_space<vmem>>, %arg4: memref<128x5000xi32, #tpu.memory_space<vmem>>, %arg5: memref<128x1xi32, #tpu.memory_space<vmem>>, %arg6: memref<1x128xi32, #tpu.memory_space<vmem>>, %arg7: memref<1x3xf32, #tpu.memory_space<smem>>, %arg8: memref<128x50xf32, #tpu.memory_space<vmem>>, %arg9: memref<50x5000xf32, #tpu.memory_space<vmem>>, %arg10: memref<1x1xf32, #tpu.memory_space<smem>>) attributes {dimension_semantics = [], scalar_prefetch = 0 : i64, scratch_operands = 0 : i64, tpu.core_type = #tpu.core_type<tc>} {
    %get3A = arith.constant 0 : index
    %get3A_0 = arith.constant 0 : index
    %get3A_1 = memref.load %arg7[%get3A, %get3A_0] : memref<1x3xf32, #tpu.memory_space<smem>>
    %get3A_2 = arith.constant 0 : index
    %get3A_3 = arith.constant 1 : index
    %get3A_4 = memref.load %arg7[%get3A_2, %get3A_3] : memref<1x3xf32, #tpu.memory_space<smem>>
    %get3A_5 = arith.constant 0 : index
    %get3A_6 = arith.constant 2 : index
    %get3A_7 = memref.load %arg7[%get3A_5, %get3A_6] : memref<1x3xf32, #tpu.memory_space<smem>>
    %get3A_8 = arith.constant 0 : index
    %get3A_9 = arith.constant 0 : index
    %get3A_10 = vector.load %arg0[%get3A_8, %get3A_9] : memref<128x50xf32, #tpu.memory_space<vmem>>, vector<128x50xf32>
    %get3A_11 = arith.constant 0 : index
    %get3A_12 = arith.constant 0 : index
    %get3A_13 = vector.load %arg2[%get3A_11, %get3A_12] : memref<50x5000xf32, #tpu.memory_space<vmem>>, vector<50x5000xf32>
    %get3A_14 = arith.constant 0 : index
    %get3A_15 = arith.constant 0 : index
    %get3A_16 = vector.load %arg1[%get3A_14, %get3A_15] : memref<50x5000xf32, #tpu.memory_space<vmem>>, vector<50x5000xf32>
    %add3A = arith.addf %get3A_13, %get3A_16 : vector<50x5000xf32>
    %reduce_sum3A = arith.constant dense<0.000000e+00> : vector<50xf32>
    %reduce_sum3A_17 = vector.multi_reduction <add>, %add3A, %reduce_sum3A [1] : vector<50x5000xf32> to vector<50xf32>
    %broadcast_in_dim3A = vector.shape_cast %reduce_sum3A_17 : vector<50xf32> to vector<1x50xf32>
    %get3A_18 = arith.constant 0 : index
    %get3A_19 = arith.constant 0 : index
    %get3A_20 = vector.load %arg3[%get3A_18, %get3A_19] : memref<1x50xf32, #tpu.memory_space<vmem>>, vector<1x50xf32>
    %add3A_21 = vector.broadcast %get3A_20 : vector<1x50xf32> to vector<128x50xf32>
    %add3A_22 = arith.addf %add3A_21, %get3A_10 : vector<128x50xf32>
    %div3A = vector.broadcast %broadcast_in_dim3A : vector<1x50xf32> to vector<128x50xf32>
    %div3A_23 = arith.divf %add3A_22, %div3A : vector<128x50xf32>
    %get3A_24 = arith.constant 0 : index
    %get3A_25 = arith.constant 0 : index
    %get3A_26 = vector.load %arg4[%get3A_24, %get3A_25] : memref<128x5000xi32, #tpu.memory_space<vmem>>, vector<128x5000xi32>
    %convert_element_type3A = arith.sitofp %get3A_26 : vector<128x5000xi32> to vector<128x5000xf32>
    %gt3A = arith.constant 0.000000e+00 : f32
    %gt3A_27 = vector.broadcast %gt3A : f32 to vector<128x5000xf32>
    %gt3A_28 = arith.cmpf ogt, %convert_element_type3A, %gt3A_27 : vector<128x5000xf32>
    %convert_element_type3A_29 = arith.extui %gt3A_28 : vector<128x5000xi1> to vector<128x5000xi32>
    %convert_element_type3A_30 = arith.sitofp %convert_element_type3A_29 : vector<128x5000xi32> to vector<128x5000xf32>
    %dot_general3A = arith.constant dense<0.000000e+00> : vector<128x5000xf32>
    %dot_general3A_31 = tpu.matmul %div3A_23, %add3A, %dot_general3A {dimension_numbers = #tpu.dot_dimension_numbers<[1], [0], [0], [1], [0, 0, 1, 1], [], []>, precision = #tpu.contract_precision<fp32>, transpose_lhs_hint = false} : vector<128x50xf32>, vector<50x5000xf32>, vector<128x5000xf32> -> vector<128x5000xf32>
    %add3A_32 = arith.constant 9.99999997E-7 : f32
    %add3A_33 = vector.broadcast %add3A_32 : f32 to vector<128x5000xf32>
    %add3A_34 = arith.addf %dot_general3A_31, %add3A_33 : vector<128x5000xf32>
    %div3A_35 = arith.constant 1.000000e+00 : f32
    %div3A_36 = vector.broadcast %div3A_35 : f32 to vector<128x5000xf32>
    %div3A_37 = arith.divf %div3A_36, %add3A_34 : vector<128x5000xf32>
    %mul3A = arith.mulf %convert_element_type3A_30, %div3A_37 : vector<128x5000xf32>
    %mul3A_38 = arith.mulf %convert_element_type3A, %div3A_37 : vector<128x5000xf32>
    %dot_general3A_39 = arith.constant dense<0.000000e+00> : vector<128x50xf32>
    %dot_general3A_40 = tpu.matmul %mul3A_38, %add3A, %dot_general3A_39 {dimension_numbers = #tpu.dot_dimension_numbers<[1], [1], [0], [0], [0, 0, 1, 0], [], []>, precision = #tpu.contract_precision<fp32>, transpose_lhs_hint = false} : vector<128x5000xf32>, vector<50x5000xf32>, vector<128x50xf32> -> vector<128x50xf32>
    %mul3A_41 = arith.mulf %div3A_23, %dot_general3A_40 : vector<128x50xf32>
    %dot_general3A_42 = arith.constant dense<0.000000e+00> : vector<50x5000xf32>
    %dot_general3A_43 = tpu.matmul %div3A_23, %mul3A_38, %dot_general3A_42 {dimension_numbers = #tpu.dot_dimension_numbers<[0], [0], [1], [1], [0, 1, 1, 1], [], []>, precision = #tpu.contract_precision<fp32>, transpose_lhs_hint = false} : vector<128x50xf32>, vector<128x5000xf32>, vector<50x5000xf32> -> vector<50x5000xf32>
    %get3A_44 = arith.constant 0 : index
    %get3A_45 = arith.constant 0 : index
    %get3A_46 = vector.load %arg1[%get3A_44, %get3A_45] : memref<50x5000xf32, #tpu.memory_space<vmem>>, vector<50x5000xf32>
    %mul3A_47 = vector.broadcast %get3A_4 : f32 to vector<50x5000xf32>
    %mul3A_48 = arith.mulf %mul3A_47, %get3A_46 : vector<50x5000xf32>
    %mul3A_49 = arith.mulf %add3A, %dot_general3A_43 : vector<50x5000xf32>
    %mul3A_50 = vector.broadcast %get3A_7 : f32 to vector<50x5000xf32>
    %mul3A_51 = arith.mulf %mul3A_50, %mul3A_49 : vector<50x5000xf32>
    %add3A_52 = arith.addf %mul3A_48, %mul3A_51 : vector<50x5000xf32>
    %swap3A = arith.constant 0 : index
    %swap3A_53 = arith.constant 0 : index
    %swap3A_54 = vector.load %arg9[%swap3A, %swap3A_53] : memref<50x5000xf32, #tpu.memory_space<vmem>>, vector<50x5000xf32>
    tpu.vector_store %arg9[%swap3A, %swap3A_53], %add3A_52 {strides = array<i32>} : memref<50x5000xf32, #tpu.memory_space<vmem>>, vector<50x5000xf32>,
    %dot_general3A_55 = arith.constant dense<0.000000e+00> : vector<128x50xf32>
    %dot_general3A_56 = tpu.matmul %mul3A, %add3A, %dot_general3A_55 {dimension_numbers = #tpu.dot_dimension_numbers<[1], [1], [0], [0], [0, 0, 1, 0], [], []>, precision = #tpu.contract_precision<fp32>, transpose_lhs_hint = false} : vector<128x5000xf32>, vector<50x5000xf32>, vector<128x50xf32> -> vector<128x50xf32>
    %dot_general3A_57 = arith.constant dense<0.000000e+00> : vector<50x5000xf32>
    %dot_general3A_58 = tpu.matmul %div3A_23, %mul3A, %dot_general3A_57 {dimension_numbers = #tpu.dot_dimension_numbers<[0], [0], [1], [1], [0, 1, 1, 1], [], []>, precision = #tpu.contract_precision<fp32>, transpose_lhs_hint = false} : vector<128x50xf32>, vector<128x5000xf32>, vector<50x5000xf32> -> vector<50x5000xf32>
    %log3A = math.log %div3A_23 : vector<128x50xf32>
    %mul3A_59 = arith.mulf %div3A_23, %log3A : vector<128x50xf32>
    %mul3A_60 = arith.mulf %mul3A_59, %dot_general3A_56 : vector<128x50xf32>
    %reduce_sum3A_61 = vector.shape_cast %mul3A_60 : vector<128x50xf32> to vector<1x128x50xf32>
    %reduce_sum3A_62 = arith.constant dense<0.000000e+00> : vector<1xf32>
    %reduce_sum3A_63 = vector.multi_reduction <add>, %reduce_sum3A_61, %reduce_sum3A_62 [1, 2] : vector<1x128x50xf32> to vector<1xf32>
    %reduce_sum3A_64 = vector.shape_cast %reduce_sum3A_63 : vector<1xf32> to vector<1x1x1xf32>
    %reduce_sum3A_65 = vector.extract %reduce_sum3A_64[0, 0, 0] : f32 from vector<1x1x1xf32>
    %log3A_66 = math.log %add3A : vector<50x5000xf32>
    %mul3A_67 = arith.mulf %add3A, %log3A_66 : vector<50x5000xf32>
    %mul3A_68 = arith.mulf %mul3A_67, %dot_general3A_58 : vector<50x5000xf32>
    %reduce_sum3A_69 = vector.shape_cast %mul3A_68 : vector<50x5000xf32> to vector<1x50x5000xf32>
    %reduce_sum3A_70 = arith.constant dense<0.000000e+00> : vector<1xf32>
    %reduce_sum3A_71 = vector.multi_reduction <add>, %reduce_sum3A_69, %reduce_sum3A_70 [1, 2] : vector<1x50x5000xf32> to vector<1xf32>
    %reduce_sum3A_72 = vector.shape_cast %reduce_sum3A_71 : vector<1xf32> to vector<1x1x1xf32>
    %reduce_sum3A_73 = vector.extract %reduce_sum3A_72[0, 0, 0] : f32 from vector<1x1x1xf32>
    %mul3A_74 = arith.mulf %dot_general3A_31, %div3A_37 : vector<128x5000xf32>
    %mul3A_75 = arith.mulf %convert_element_type3A_30, %mul3A_74 : vector<128x5000xf32>
    %log3A_76 = math.log %add3A_34 : vector<128x5000xf32>
    %mul3A_77 = arith.mulf %mul3A_75, %log3A_76 : vector<128x5000xf32>
    %reduce_sum3A_78 = vector.shape_cast %mul3A_77 : vector<128x5000xf32> to vector<1x128x5000xf32>
    %reduce_sum3A_79 = arith.constant dense<0.000000e+00> : vector<1xf32>
    %reduce_sum3A_80 = vector.multi_reduction <add>, %reduce_sum3A_78, %reduce_sum3A_79 [1, 2] : vector<1x128x5000xf32> to vector<1xf32>
    %reduce_sum3A_81 = vector.shape_cast %reduce_sum3A_80 : vector<1xf32> to vector<1x1x1xf32>
    %reduce_sum3A_82 = vector.extract %reduce_sum3A_81[0, 0, 0] : f32 from vector<1x1x1xf32>
    %neg3A = arith.constant 0.000000e+00 : f32
    %neg3A_83 = arith.subf %neg3A, %reduce_sum3A_82 : f32
    %add3A_84 = arith.addf %reduce_sum3A_65, %reduce_sum3A_73 : f32
    %add3A_85 = arith.addf %add3A_84, %neg3A_83 : f32
    %swap3A_86 = arith.constant 0 : index
    %swap3A_87 = arith.constant 0 : index
    %swap3A_88 = memref.load %arg10[%swap3A_86, %swap3A_87] : memref<1x1xf32, #tpu.memory_space<smem>>
    memref.store %add3A_85, %arg10[%swap3A_86, %swap3A_87] : memref<1x1xf32, #tpu.memory_space<smem>>
    %mul3A_89 = vector.broadcast %get3A_4 : f32 to vector<128x50xf32>
    %mul3A_90 = arith.mulf %mul3A_89, %get3A_10 : vector<128x50xf32>
    %mul3A_91 = vector.broadcast %get3A_1 : f32 to vector<128x50xf32>
    %mul3A_92 = arith.mulf %mul3A_91, %mul3A_41 : vector<128x50xf32>
    %add3A_93 = arith.addf %mul3A_90, %mul3A_92 : vector<128x50xf32>
    %get3A_94 = arith.constant 0 : index
    %get3A_95 = arith.constant 0 : index
    %get3A_96 = vector.load %arg5[%get3A_94, %get3A_95] : memref<128x1xi32, #tpu.memory_space<vmem>>, vector<128x1xi32>
    %get3A_97 = arith.constant 0 : index
    %get3A_98 = arith.constant 0 : index
    %get3A_99 = vector.load %arg6[%get3A_97, %get3A_98] : memref<1x128xi32, #tpu.memory_space<vmem>>, vector<1x128xi32>
    %eq3A = vector.broadcast %get3A_96 : vector<128x1xi32> to vector<128x128xi32>
    %eq3A_100 = vector.broadcast %get3A_99 : vector<1x128xi32> to vector<128x128xi32>
    %eq3A_101 = arith.cmpi eq, %eq3A, %eq3A_100 : vector<128x128xi32>
    %iota3A = tpu.iota {dimensions = array<i32: 1>} : vector<128x128xi32>
    %jit3A = arith.constant -1 : i32
    %broadcast_in_dim3A_102 = vector.broadcast %jit3A : i32 to vector<128x128xi32>
    %select_n3A = arith.select %eq3A_101, %iota3A, %broadcast_in_dim3A_102 : vector<128x128xi1>, vector<128x128xi32>
    %reduce_max3A = arith.constant dense<-2147483648> : vector<128xi32>
    %reduce_max3A_103 = vector.multi_reduction <maxsi>, %select_n3A, %reduce_max3A [1] : vector<128x128xi32> to vector<128xi32>
    %broadcast_in_dim3A_104 = vector.shape_cast %reduce_max3A_103 : vector<128xi32> to vector<128x1xi32>
    %eq3A_105 = vector.broadcast %broadcast_in_dim3A_104 : vector<128x1xi32> to vector<128x128xi32>
    %eq3A_106 = arith.cmpi eq, %iota3A, %eq3A_105 : vector<128x128xi32>
    %convert_element_type3A_107 = arith.extui %eq3A_106 : vector<128x128xi1> to vector<128x128xi32>
    %convert_element_type3A_108 = arith.sitofp %convert_element_type3A_107 : vector<128x128xi32> to vector<128x128xf32>
    %dot_general3A_109 = arith.constant dense<0.000000e+00> : vector<128x50xf32>
    %dot_general3A_110 = tpu.matmul %convert_element_type3A_108, %add3A_93, %dot_general3A_109 {dimension_numbers = #tpu.dot_dimension_numbers<[1], [0], [0], [1], [0, 0, 1, 1], [], []>, precision = #tpu.contract_precision<fp32>, transpose_lhs_hint = false} : vector<128x128xf32>, vector<128x50xf32>, vector<128x50xf32> -> vector<128x50xf32>
    %swap3A_111 = arith.constant 0 : index
    %swap3A_112 = arith.constant 0 : index
    %swap3A_113 = vector.load %arg8[%swap3A_111, %swap3A_112] : memref<128x50xf32, #tpu.memory_space<vmem>>, vector<128x50xf32>
    tpu.vector_store %arg8[%swap3A_111, %swap3A_112], %dot_general3A_110 {strides = array<i32>} : memref<128x50xf32, #tpu.memory_space<vmem>>, vector<128x50xf32>,
    return
  }
}

module attributes {stable_mosaic.version = 14 : i64} {
  func.func @body(%arg0: i32, %arg1: memref<50x100000xf32, #tpu.memory_space<any>>, %arg2: memref<50x128xf32, #tpu.memory_space<vmem>>, %arg3: memref<1x128xi32, #tpu.memory_space<vmem>>, %arg4: memref<128x50xf32, #tpu.memory_space<vmem>>, %arg5: memref<50x128xf32, #tpu.memory_space<vmem>>) attributes {dimension_semantics = [#tpu.dimension_semantics<arbitrary>], iteration_bounds = array<i64: 1>, scalar_prefetch = 0 : i64, scratch_operands = 0 : i64, tpu.core_type = #tpu.core_type<tc>, window_params = [{}, {transform_indices = @transform_1, window_bounds = array<i64: 50, 128>}, {pipeline_mode = #tpu.pipeline_mode<synchronous>, transform_indices = @transform_2, window_bounds = array<i64: 1, 128>}, {pipeline_mode = #tpu.pipeline_mode<synchronous>, transform_indices = @transform_3, window_bounds = array<i64: 128, 50>}, {transform_indices = @transform_4, window_bounds = array<i64: 50, 128>}]} {
    %get3A = arith.constant 0 : index
    %get3A_0 = arith.constant 0 : index
    %get3A_1 = vector.load %arg3[%get3A, %get3A_0] : memref<1x128xi32, #tpu.memory_space<vmem>>, vector<1x128xi32>
    %reshape3A = vector.shape_cast %get3A_1 : vector<1x128xi32> to vector<128x1xi32>
    %iota3A = tpu.iota {dimensions = array<i32: 1>} : vector<128x128xi32>
    %eq3A = vector.broadcast %reshape3A : vector<128x1xi32> to vector<128x128xi32>
    %eq3A_2 = vector.broadcast %get3A_1 : vector<1x128xi32> to vector<128x128xi32>
    %eq3A_3 = arith.cmpi eq, %eq3A, %eq3A_2 : vector<128x128xi32>
    %jit3A = arith.constant -1 : i32
    %broadcast_in_dim3A = vector.broadcast %jit3A : i32 to vector<128x128xi32>
    %select_n3A = arith.select %eq3A_3, %iota3A, %broadcast_in_dim3A : vector<128x128xi1>, vector<128x128xi32>
    %reduce_max3A = arith.constant dense<-2147483648> : vector<128xi32>
    %reduce_max3A_4 = vector.multi_reduction <maxsi>, %select_n3A, %reduce_max3A [1] : vector<128x128xi32> to vector<128xi32>
    %broadcast_in_dim3A_5 = vector.shape_cast %reduce_max3A_4 : vector<128xi32> to vector<128x1xi32>
    %iota3A_6 = tpu.iota {dimensions = array<i32: 0>} : vector<128x1xi32>
    %eq3A_7 = arith.cmpi eq, %broadcast_in_dim3A_5, %iota3A_6 : vector<128x1xi32>
    %iota3A_8 = tpu.iota {dimensions = array<i32: 1>} : vector<1x128xi32>
    %add3A = arith.constant 99968 : i32
    %add3A_9 = vector.broadcast %add3A : i32 to vector<1x128xi32>
    %add3A_10 = arith.addi %add3A_9, %iota3A_8 : vector<1x128xi32>
    %eq3A_11 = vector.broadcast %reshape3A : vector<128x1xi32> to vector<128x128xi32>
    %eq3A_12 = vector.broadcast %add3A_10 : vector<1x128xi32> to vector<128x128xi32>
    %eq3A_13 = arith.cmpi eq, %eq3A_11, %eq3A_12 : vector<128x128xi32>
    %and3A = vector.broadcast %eq3A_7 : vector<128x1xi1> to vector<128x128xi1>
    %and3A_14 = arith.andi %eq3A_13, %and3A : vector<128x128xi1>
    %convert_element_type3A = arith.extui %and3A_14 : vector<128x128xi1> to vector<128x128xi32>
    %convert_element_type3A_15 = arith.sitofp %convert_element_type3A : vector<128x128xi32> to vector<128x128xf32>
    %reduce_max3A_16 = arith.constant dense<0xFF800000> : vector<128xf32>
    %reduce_max3A_17 = vector.multi_reduction <maximumf>, %convert_element_type3A_15, %reduce_max3A_16 [0] : vector<128x128xf32> to vector<128xf32>
    %broadcast_in_dim3A_18 = vector.shape_cast %reduce_max3A_17 : vector<128xf32> to vector<1x128xf32>
    %get3A_19 = arith.constant 0 : index
    %get3A_20 = arith.constant 0 : index
    %get3A_21 = vector.load %arg4[%get3A_19, %get3A_20] : memref<128x50xf32, #tpu.memory_space<vmem>>, vector<128x50xf32>
    %dot_general3A = arith.constant dense<0.000000e+00> : vector<50x128xf32>
    %dot_general3A_22 = tpu.matmul %get3A_21, %convert_element_type3A_15, %dot_general3A {dimension_numbers = #tpu.dot_dimension_numbers<[0], [0], [1], [1], [0, 1, 1, 1], [], []>, precision = #tpu.contract_precision<fp32>, transpose_lhs_hint = false} : vector<128x50xf32>, vector<128x128xf32>, vector<50x128xf32> -> vector<50x128xf32>
    %gt3A = arith.constant 0.000000e+00 : f32
    %gt3A_23 = vector.broadcast %gt3A : f32 to vector<1x128xf32>
    %gt3A_24 = arith.cmpf ogt, %broadcast_in_dim3A_18, %gt3A_23 : vector<1x128xf32>
    %get3A_25 = arith.constant 0 : index
    %get3A_26 = arith.constant 0 : index
    %get3A_27 = vector.load %arg2[%get3A_25, %get3A_26] : memref<50x128xf32, #tpu.memory_space<vmem>>, vector<50x128xf32>
    %broadcast_in_dim3A_28 = vector.shape_cast %gt3A_24 : vector<1x128xi1> to vector<1x128xi1>
    %broadcast_in_dim3A_29 = vector.broadcast %broadcast_in_dim3A_28 : vector<1x128xi1> to vector<50x128xi1>
    %select_n3A_30 = arith.select %broadcast_in_dim3A_29, %dot_general3A_22, %get3A_27 : vector<50x128xi1>, vector<50x128xf32>
    %swap3A = arith.constant 0 : index
    %swap3A_31 = arith.constant 0 : index
    %swap3A_32 = vector.load %arg5[%swap3A, %swap3A_31] : memref<50x128xf32, #tpu.memory_space<vmem>>, vector<50x128xf32>
    tpu.vector_store %arg5[%swap3A, %swap3A_31], %select_n3A_30 {strides = array<i32>} : memref<50x128xf32, #tpu.memory_space<vmem>>, vector<50x128xf32>,
    return
  }
  func.func @transform_1(%arg0: i32) -> (i32, i32) {
    %c0_i32 = arith.constant 0 : i32
    %c781_i32 = arith.constant 781 : i32
    %c0_i32_0 = arith.constant 0 : i32
    return %c0_i32, %c781_i32 : i32, i32
  }
  func.func @transform_2(%arg0: i32) -> (i32, i32) {
    %c0_i32 = arith.constant 0 : i32
    %c0_i32_0 = arith.constant 0 : i32
    %c0_i32_1 = arith.constant 0 : i32
    return %c0_i32, %c0_i32_0 : i32, i32
  }
  func.func @transform_3(%arg0: i32) -> (i32, i32) {
    %c0_i32 = arith.constant 0 : i32
    %c0_i32_0 = arith.constant 0 : i32
    %c0_i32_1 = arith.constant 0 : i32
    return %c0_i32, %c0_i32_0 : i32, i32
  }
  func.func @transform_4(%arg0: i32) -> (i32, i32) {
    %c0_i32 = arith.constant 0 : i32
    %c781_i32 = arith.constant 781 : i32
    %c0_i32_0 = arith.constant 0 : i32
    return %c0_i32, %c781_i32 : i32, i32
  }
}

</mosaic_0001>

<sc_bundles>
// kernel: kernel.6.cloned.1.call-start
scs
__scs_entry_jumppad:
0x0: {  	(pc) =	sbr.rel $0x88, $3  }
0x1: {  	(tag) =	ssettag $0x0;
	lr =	simm.s32 $0x1  }
0x2: {  	[smem:$0x3F9A] =	sst lr;
	_ =	strace $0xD0000000  }
0x3: {  	_ = 	snop  }
0x4: {  	_ = 	snop  }
0x5: {  	_ = 	snop  }
0x6: {  	_ = 	snop  }
0x7: {  	_ = 	snop  }
__scs_overlays_trampoline_lowered:
0x8: {  	[smem:$0x3FA9] =	sst s0  }
0x9: {  	[smem:$0x3FAA] =	sst s1  }
0xa: {  	[smem:$0x3FAB] =	sst s2  }
0xb: {  	[smem:$0x3FAC] =	sst s3  }
0xc: {  	[smem:$0x3FAD] =	sst s4  }
0xd: {  	[smem:$0x3FAE] =	sst s5  }
0xe: {  	[smem:$0x3FAF] =	sst s6  }
0xf: {  	[smem:$0x3FB0] =	sst s7  }
0x10: {  	[smem:$0x3FB1] =	sst s8  }
0x11: {  	[smem:$0x3FB2] =	sst s9;
	s0 =	simm.s32 @!p0 $0x0  }
0x12: {  	s1 =	sld [smem:$0x3F98];
	s0 =	simm.s32 @p0 $0x1  }
0x13: {  	[smem:$0x3FB3] =	sst s0;
	s0 =	simm.s32 @!p1 $0x0  }
0x14: {  	s2 =	sld [smem:$0x3F97];
	s0 =	simm.s32 @p1 $0x1  }
0x15: {  	[smem:$0x3FB4] =	sst s0;
	s0 =	simm.s32 @!p2 $0x0  }
0x16: {  	s3 =	sld [smem:$0x3FDB];
	s0 =	simm.s32 @p2 $0x1  }
0x17: {  	s4 =	simm.s32 $0x1BF5;
	[smem:$0x3FB6] =	sst s0  }
0x18: {  	s0 =	sld [smem:$0x3F99];
	_ =	swait.ge [sflag:s4], $0x0  }
0x19: {  	s7 =	sld [smem:$0x3F9A]  }
0x1a: {  	s8 =	sadd.s32 $0xFFFFE003, lr  }
0x1b: {  	s9 =	sadd.s32 $0xFFFFFEF7, lr;
	s5 =	simm.s32 $0xFFFFFFFF;
	p2 =	slt.u32 s8, $0xFFFFF086  }
0x1c: {  	p1 =	slt.u32 s9, $0xF7A;
	s5 =	simm.s32 @!p2 $0x0  }
0x1d: {  	s5 =	simm.s32 @p1 $0x1;
	p0 =	seq.s32 s7, s2  }
0x1e: {  	s7 =	smul.u32 @!p0 $0xF7A, s2;
	p2 =	seq.s32 @!p0 s5, $0x0  }
0x1f: {  	s9 =	smul.u32 $0xF7A, s1;
	s8 =	simm.s32 @!p0 $0x1BF5;
	p2 =	por !p2, p0  }
0x20: {  	[sflag:s8] =	ssyncset.s32 @!p0 $0xFFFFF086;
	s6 =	sadd.s32 @!p0 s3, s7;
	s7 =	simm.s32 @!p0 $0x108  }
0x21: {  	s3 =	sadd.s32 s3, s9;
	s6 =	sadd.s32 @!p0 $0x88, s6;
	s7 =	simm.s32 @p2 $0x1082  }
0x22: {  	[simem:s7], [sflag:s8] =	dma.local @!p0 [hbm:s6], $0xF7A  }
0x23: {  	s9 =	sor.u32 $0xD0000000, s2;
	s6 =	simm.s32 $0x108;
	_ =	swait.ge @!p0 [sflag:s8], $0x0  }
0x24: {  	s3 =	sadd.s32 $0x88, s3;
	s6 =	simm.s32 @!p1 $0x1082;
	[sflag:s4] =	ssyncset.s32 $0xFFFFF086  }
0x25: {  	[simem:s6], [sflag:s4] =	dma.local [hbm:s3], $0xF7A  }
0x26: {  	[smem:$0x3F9A] =	sst s1;
	(tag) =	ssettag s2;
	_ =	strace s9  }
0x27: {  	s1 =	sld [smem:$0x3FAA]  }
0x28: {  	s2 =	sld [smem:$0x3FAB]  }
0x29: {  	s4 =	sld [smem:$0x3FAD]  }
0x2a: {  	p0 =	seq.s32 s5, $0x0;
	s5 =	sld [smem:$0x3FAE]  }
0x2b: {  	s6 =	sld [smem:$0x3FAF]  }
0x2c: {  	s7 =	sld [smem:$0x3FB0]  }
0x2d: {  	s3 =	simm.s32 $0x108;
	s8 =	sld [smem:$0x3FB1]  }
0x2e: {  	s3 =	simm.s32 @!p0 $0x1082;
	s9 =	sld [smem:$0x3FB2]  }
0x2f: {  	lr =	sadd.s32 s0, s3;
	s0 =	sld [smem:$0x3FA9]  }
0x30: {  	s3 =	sld [smem:$0x3FAC]  }
0x31: {  	[smem:$0x3FB5] =	sst s10  }
0x32: {  	s10 =	sld [smem:$0x3FB3];
	_ =	sdelay $0x3  }
0x33: {  	p0 =	seq.s32 s10, $0x1;
	s10 =	sld [smem:$0x3FB5];
	_ =	sdelay $0x3  }
0x34: {  	[smem:$0x3FB5] =	sst s10  }
0x35: {  	s10 =	sld [smem:$0x3FB4];
	_ =	sdelay $0x3  }
0x36: {  	p1 =	seq.s32 s10, $0x1;
	s10 =	sld [smem:$0x3FB5];
	_ =	sdelay $0x3  }
0x37: {  	[smem:$0x3FB5] =	sst s10  }
0x38: {  	s10 =	sld [smem:$0x3FB6]  }
0x39: {  	_ = 	snop;
	(pc) =	sbr.ind lr, $3  }
0x3a: {  	_ = 	snop  }
0x3b: {  	_ = 	snop  }
0x3c: {  	p2 =	seq.s32 s10, $0x1;
	s10 =	sld [smem:$0x3FB5]  }
0x3d: {  	_ =	shalt  }
0x3e: {  	_ =	shalt  }
0x3f: {  	_ =	shalt  }
0x40: {  	_ =	shalt  }
0x41: {  	_ =	shalt  }
0x42: {  	_ =	shalt  }
0x43: {  	_ =	shalt  }
0x44: {  	_ =	shalt  }
0x45: {  	_ =	shalt  }
0x46: {  	_ =	shalt  }
0x47: {  	_ =	shalt  }
0x48: {  	_ =	shalt  }
0x49: {  	_ =	shalt  }
0x4a: {  	_ =	shalt  }
0x4b: {  	_ =	shalt  }
0x4c: {  	_ =	shalt  }
0x4d: {  	_ =	shalt  }
0x4e: {  	_ =	shalt  }
0x4f: {  	_ =	shalt  }
0x50: {  	_ =	shalt  }
0x51: {  	_ =	shalt  }
0x52: {  	_ =	shalt  }
0x53: {  	_ =	shalt  }
0x54: {  	_ =	shalt  }
0x55: {  	_ =	shalt  }
0x56: {  	_ =	shalt  }
0x57: {  	_ =	shalt  }
0x58: {  	_ =	shalt  }
0x59: {  	_ =	shalt  }
0x5a: {  	_ =	shalt  }
0x5b: {  	_ =	shalt  }
0x5c: {  	_ =	shalt  }
0x5d: {  	_ =	shalt  }
0x5e: {  	_ =	shalt  }
0x5f: {  	_ =	shalt  }
0x60: {  	_ =	shalt  }
0x61: {  	_ =	shalt  }
0x62: {  	_ =	shalt  }
0x63: {  	_ =	shalt  }
0x64: {  	_ =	shalt  }
0x65: {  	_ =	shalt  }
0x66: {  	_ =	shalt  }
0x67: {  	_ =	shalt  }
0x68: {  	_ =	shalt  }
0x69: {  	_ =	shalt  }
0x6a: {  	_ =	shalt  }
0x6b: {  	_ =	shalt  }
0x6c: {  	_ =	shalt  }
0x6d: {  	_ =	shalt  }
0x6e: {  	_ =	shalt  }
0x6f: {  	_ =	shalt  }
0x70: {  	_ =	shalt  }
0x71: {  	_ =	shalt  }
0x72: {  	_ =	shalt  }
0x73: {  	_ =	shalt  }
0x74: {  	_ =	shalt  }
0x75: {  	_ =	shalt  }
0x76: {  	_ =	shalt  }
0x77: {  	_ =	shalt  }
0x78: {  	_ =	shalt  }
0x79: {  	_ =	shalt  }
0x7a: {  	_ =	shalt  }
0x7b: {  	_ =	shalt  }
0x7c: {  	_ =	shalt  }
0x7d: {  	_ =	shalt  }
0x7e: {  	_ =	shalt  }
0x7f: {  	_ =	shalt  }
0x80: {  	_ =	shalt  }
0x81: {  	_ =	shalt  }
0x82: {  	_ =	shalt  }
0x83: {  	_ =	shalt  }
0x84: {  	_ =	shalt  }
0x85: {  	_ =	shalt  }
0x86: {  	_ =	shalt  }
0x87: {  	_ =	shalt  }
.Lfunc_end0:
.L_simem_size_0:
called_computation_lowered:
.L_overlay_start_0:
0x88: {  	s2 =	sld [smem:$0x3FD9]  }
0x89: {  	s3 =	sld [smem:$0x3FFE];
	_ =	sdelay $0x1  }
0x8a: {  	s1 =	srdreg.scid  }
0x8b: {  	s0 =	sand.u32 $0x1, s1  }
0x8c: {  	s15 =	sshll.u32 s0, $0xA;
	s2 =	sadd.s32 s3, s2  }
0x8d: {  	s2 =	sadd.s32 s2, s15  }
0x8e: {  	[smem:$0x3FC1] =	sst s2  }
0x8f: {  	_ = 	snop  }
0x90: {  	s2 =	sld [smem:$0x3FD0];
	_ =	sdelay $0x1  }
0x91: {  	s16 =	sld [smem:$0x3FC9]  }
0x92: {  	s5 =	simm.s32 $0xA;
	s6 =	simm.s32 $0x10;
	s4 =	sld [smem:$0x3FC4]  }
0x93: {  	[smem:s6], [sflag:s5] =	dma.local [hbm:s2], $0x1  }
0x94: {  	_ =	swait.eq [sflag:s5], $0x1  }
0x95: {  	[sflag:s5] =	ssyncset.done $0x0  }
0x96: {  	[sflag:s5] =	ssyncadd.s32 $0xFFFFFFFF  }
0x97: {  	s17 =	sld [smem:$0x11];
	(tm) =	ssettm $0x1  }
0x98: {  	s18 =	sld [smem:$0x3FFB];
	_ =	sdelay $0x3  }
0x99: {  	_ =	strace s18  }
0x9a: {  	s5 =	sld [smem:$0x3FFC];
	_ =	sdelay $0x3  }
0x9b: {  	_ =	strace s5  }
0x9c: {  	s5 =	sld [smem:$0x3FFD];
	_ =	sdelay $0x3  }
0x9d: {  	_ =	strace s5  }
0x9e: {  	_ =	strace $0x8FFFFFFF  }
0x9f: {  	s19 =	sld [smem:$0x3FDB];
	_ =	sdelay $0x1  }
0xa0: {  	s20 =	simm.s32 $_scs_section_size  }
0xa1: {  	s7 =	simm.s32 $_size__tile_overlayer_lowered;
	s8 =	simm.s32 $_tile_overlayer_lowered  }
0xa2: {  	s23 =	simm.s32 $0x1BFF;
	s22 =	sshll.u32 s8, $0x1;
	s5 =	sadd.s32 s20, s19  }
0xa3: {  	s9 =	simm.s32 $0x0;
	s21 =	sshll.u32 s7, $0x1;
	s7 =	sadd.s32 s22, s5  }
0xa4: {  	[timem:s9], [sflag:s23] =	dma.local [hbm:s7], s21  }
0xa5: {  	_ =	swait.ge [sflag:s23], s21  }
0xa6: {  	s6 =	ssub.s32 $0x0, s21;
	[sflag:s23] =	ssyncset.done $0x0  }
0xa7: {  	[sflag:s23] =	ssyncadd.s32 s6;
	_ =	sdelay $0x1  }
0xa8: {  	s24 =	simm.s32 $0x1B8B  }
0xa9: {  	_ =	swait.ge [sflag:s24], $0x1  }
0xaa: {  	[sflag:s24] =	ssyncset.done $0x0  }
0xab: {  	s25 =	simm.s32 $0x1B8E;
	[sflag:s24] =	ssyncadd.s32 $0xFFFFFFFF  }
0xac: {  	s26 =	simm.s32 $execute0_lowered;
	[smem:$0x3FD2] =	sst s25  }
0xad: {  	s6 =	sshll.u32 s26, $0x1;
	_ =	strace $0x80000046;
	[dreg:$0x1] =	wrdreg $0xFFFFFFFF  }
0xae: {  	s28 =	simm.s32 $_size_execute0_lowered;
	s5 =	sadd.s32 s5, s6;
	[dreg:$0x0] =	wrdreg $0x0  }
0xaf: {  	s6 =	sshll.u32 s28, $0x1;
	[dreg:$0x2] =	wrdreg s5  }
0xb0: {  	[dreg:$0x3] =	wrdreg s6  }
0xb1: {  	[dreg:$0x4] =	wrdreg $0xC0  }
0xb2: {  	_ =	task [dreg:s9], $0x5FFFF  }
0xb3: {  	[dreg:$0x1] =	wrdreg $0xFFFFFFFF  }
0xb4: {  	[dreg:$0x0] =	wrdreg $0x60  }
0xb5: {  	[dreg:$0x2] =	wrdreg s16  }
0xb6: {  	[dreg:$0x3] =	wrdreg s4  }
0xb7: {  	[dreg:$0x4] =	wrdreg s17  }
0xb8: {  	[dreg:$0x5] =	wrdreg $0x9  }
0xb9: {  	_ =	task.clear_ibuf [dreg:s9], $0x6FFFF;
	_ =	strace $0x90000046  }
0xba: {  	s29 =	simm.s32 $0x9;
	_ =	strace $0x80000048  }
0xbb: {  	_ =	swait.ge [sflag:s29], $0x1  }
0xbc: {  	[sflag:s29] =	ssyncadd.s32 $0xFFFFFFFF  }
0xbd: {  	_ =	strace $0x90000048  }
0xbe: {  	_ =	sfence  }
0xbf: {  	s30 =	sld [smem:$0x0];
	_ =	sdelay $0x2  }
0xc0: {  	s31 =	sshll.u32 s1, $0xD;
	s1 =	sshrl.u32 s1, $0x2  }
0xc1: {  	s3 =	sand.u32 $0x4000, s31;
	s1 =	sadd.s32 s1, s30  }
0xc2: {  	s0 =	sor.u32 s3, s0;
	s1 =	sshll.u32 s1, $0x11  }
0xc3: {  	s0 =	sor.u32 s1, s0  }
0xc4: {  	s0 =	sadd.s32 $0x8F2B, s0  }
0xc5: {  	[sflag:s0] =	ssyncadd.remote.s32 $0x1  }
0xc6: {  	_ =	sfence.sel $0xFFFF  }
0xc7: {  	[dreg:$0x0] =	wrdreg $0xFFFFFFFF;
	(pc) =	sbr.abs _section_cstart, $3  }
0xc8: {  	[dreg:$0x1] =	wrdreg $0xFFFFFFFF  }
0xc9: {  	_ =	task.clear_ibuf [dreg:s9], $0x2FFFF;
	_ =	strace $0x9FFFFFFF  }
0xca: {  	(tm) =	ssettm $0x7FFFFFFF  }
0xcb: {  	_ =	shalt  }
tec
execute0_lowered:
.L_overlay_start_1:
0x0: {  	(tag) =	ssettag $0x1  }
0x1: {  	s1 =	rddreg [dreg:$0x0]  }
0x2: {  	s0 =	rddreg [dreg:$0x1]  }
0x3: {  	s5 =	rddreg [dreg:$0x2]  }
0x4: {  	s4 =	srdreg.scid;
	[dreg:$0x4] =	wrdreg s0  }
0x5: {  	s3 =	simm.s32 $0x0;
	s2 =	stileid.u32;
	s0 =	rddreg [dreg:$0x3]  }
0x6: {  	s4 =	sand.u32 $0x1, s4;
	[smem:$0x7FF] =	sst s3;
	s6 =	sshll.u32 s2, $0x3  }
0x7: {  	s8 =	sshll.u32 s2, $0xA;
	s7 =	sshll.u32 s4, $0x2;
	s9 =	sshll.u32 s4, $0x9  }
0x8: {  	_ =	strace $0x80000047;
	s4 =	ssub.s32 $0x2, s4;
	s7 =	sor.u32 s7, s6  }
0x9: {  	s9 =	sor.u32 s9, s8;
	s12 =	sshrl.u32 s4, $0x1;
	s10 =	sor.u32 $0x1, s7  }
0xa: {  	s9 =	sshrl.u32 s9, $0x3;
	s12 =	ssub.s32 s4, s12;
	s20 =	sor.u32 $0x2, s7  }
0xb: {  	s21 =	sor.u32 $0x3, s7;
	s25 =	sand.u32 $0xC, s7;
	s11 =	sshll.u32 s10, $0x7  }
0xc: {  	s7 =	simm.s32 $0x400;
	s9 =	sadd.s32 s5, s9;
	s11 =	sand.u32 $0x280, s11  }
0xd: {  	s13 =	sshll.u32 s20, $0x7;
	s14 =	sshll.u32 s21, $0x7;
	s19 =	sor.u32 s8, s11  }
0xe: {  	[dreg:$0x5] =	wrdreg s9;
	s22 =	sand.u32 $0x300, s13;
	s4 =	sshrl.u32 s19, $0x3  }
0xf: {  	s23 =	sand.u32 $0x380, s14;
	s24 =	sor.u32 s8, s22;
	s4 =	sadd.s32 s5, s4  }
0x10: {  	s8 =	sor.u32 s8, s23;
	[dreg:$0x6] =	wrdreg s4;
	s4 =	sand.u32 $0x70, s6  }
0x11: {  	v3 =	vlaneseq.u32;
	s28 =	sshrl.u32 s24, $0x3;
	s26 =	ssub.s32 s10, s4;
	s30 =	ssub.s32 s21, s4  }
0x12: {  	v1 =	vmov s25;
	s8 =	sshrl.u32 s8, $0x3;
	s29 =	sadd.s32 s5, s28;
	s31 =	ssub.s32 s20, s4;
	v2 =	vmov s26;
	v0 =	vmov s30  }
0x13: {  	s9 =	simm.s32 $0x80;
	s5 =	sadd.s32 s5, s8;
	[dreg:$0x7] =	wrdreg s29;
	v4 =	vmov s31;
	vm0 =	veq.s32 v0, v3;
	v0 =	vmul.u32 $0x80, v3  }
0x14: {  	vm3 =	veq.s32 v1, v3;
	s11 =	simm.s32 $0x1C80;
	s8 =	simm.s32 $0xC3800;
	[dreg:$0x8] =	wrdreg s5;
	vm1 =	veq.s32 v4, v3;
	vm2 =	veq.s32 v2, v3  }
0x15: {  	s5 =	smax.u32 s12, $0x1;
	s6 =	simm.s32 $0x1;
	s10 =	simm.s32 $0x1880;
	v1 =	vor.u32 $0x800, v0;
	v2 =	vor.u32 $0x1000, v0;
	v3 =	vadd.s32 $0x1100, v0  }
.LBB2_1:
0x16: {  	s12 =	rddreg [dreg:$0x4]  }
0x17: {  	[tilespmem:s3], [sflag:$0x1] =	stream.linear.gather [hbm4b:s12+s3], $0x80, $0x38;
	[tilespmem:$0x1D00] =	vst v63  }
0x18: {  	_ =	swait.ge [sflag:s6], $0x80  }
0x19: {  	[sflag:s6] =	ssyncset.done $0x0  }
0x1a: {  	[sflag:s6] =	ssyncadd.s32 $0xFFFFFF80  }
0x1b: {  	v4 =	vld [tilespmem:s4+$0x0];
	_ =	sdelay $0x4  }
0x1c: {  	v4 =	vnsel vm3, $0x0, v4  }
0x1d: {  	(xrf0) =	vadd.scan.msk.s32 $0xffff, v4;
	_ =	sdelay $0x5  }
0x1e: {  	v4, _, _ =	vpop (xrf0)  }
0x1f: {  	(v2sf) =	vpush v4, $0xF;
	_ =	sdelay $0xe  }
0x20: {  	s21 =	spop (v2sf)  }
0x21: {  	s13 =	sand.u32 $0x7F, s21  }
0x22: {  	s14 =	sshra.s32 s21, $0x1F;
	p0 =	slt.s32 s21, $0x1;
	p1 =	sne.s32 s13, $0x0  }
0x23: {  	s22 =	sshrl.u32 s14, $0x19;
	p0 =	por !p0, !p1  }
0x24: {  	s14 =	simm.s32 $0x1;
	s13 =	sadd.s32 s22, s21;
	p0 =	por !p0, !p0  }
0x25: {  	s13 =	sshrl.u32 s13, $0x7;
	s14 =	simm.s32 @!p0 $0x0  }
0x26: {  	s13 =	ssub.s32 s13, s14  }
0x27: {  	s13 =	sshll.u32 s13, $0x7  }
0x28: {  	s23 =	sand.u32 $0x1FFFFF80, s13  }
0x29: {  	s12 =	ssub.s32 s21, s13;
	s24 =	sadd.s32 s1, s23  }
0x2a: {  	[tilespmem:s9], [sflag:$0x1] =	stream.strided.gather [hbm4b:s24+s7], $0x1800, s8, s7, $0x38;
	[tilespmem:$0x1D00] =	vst v63  }
0x2b: {  	v4 =	vadd.s32 s12, v0;
	s13 =	sadd.s32 $0x92A00, s24  }
0x2c: {  	[tilespmem:s10], [sflag:$0x1] =	stream.linear.gather [hbm4b:s13+s3], $0x100, $0x38;
	[tilespmem:$0x1D00] =	vst v63  }
0x2d: {  	_ =	swait.ge [sflag:s6], $0x1900  }
0x2e: {  	[sflag:s6] =	ssyncset.done $0x0  }
0x2f: {  	[sflag:s6] =	ssyncadd.s32 $0xFFFFE700  }
0x30: {  	v4 =	vld.idx.msk [tilespmem:v4+s9+$0x0], $0xffff  }
0x31: {  	v5 =	vadd.s32 s12, v1;
	_ =	sdelay $0x3  }
0x32: {  	[tilespmem:$0x1C80] =	vst v4  }
0x33: {  	v4 =	vld.idx.msk [tilespmem:v5+s9+$0x0], $0xffff  }
0x34: {  	v5 =	vadd.s32 s12, v2;
	_ =	sdelay $0x3  }
0x35: {  	[tilespmem:$0x1C90] =	vst v4  }
0x36: {  	v4 =	vld.idx.msk [tilespmem:v5+s9+$0x0], $0xffff  }
0x37: {  	v5 =	vadd.s32 s12, v3;
	_ =	sdelay $0x3  }
0x38: {  	[tilespmem:$0x1CA0] =	vst v4  }
0x39: {  	v4 =	vld.idx.msk [tilespmem:v5+s9+$0x0], $0xffff;
	_ =	sdelay $0x4  }
0x3a: {  	s25 =	rddreg [dreg:$0x5];
	[tilespmem:$0x1CA2] =	vst v4  }
0x3b: {  	[hbm4b:s25+s3] =	stream.linear.scatter [tilespmem:s11], [sflag:$0x1], $0x80, $0x38;
	[tilespmem:$0x1D00] =	vst v63  }
0x3c: {  	_ =	swait.ge [sflag:s6], $0x80  }
0x3d: {  	[sflag:s6] =	ssyncset.done $0x0  }
0x3e: {  	[sflag:s6] =	ssyncadd.s32 $0xFFFFFF80  }
0x3f: {  	v4 =	vld [tilespmem:s4+$0x0];
	_ =	sdelay $0x4  }
0x40: {  	v4 =	vnsel vm2, $0x0, v4  }
0x41: {  	(xrf0) =	vadd.scan.msk.s32 $0xffff, v4;
	_ =	sdelay $0x5  }
0x42: {  	v4, _, _ =	vpop (xrf0)  }
0x43: {  	(v2sf) =	vpush v4, $0xF;
	_ =	sdelay $0xe  }
0x44: {  	s26 =	spop (v2sf)  }
0x45: {  	s28 =	sand.u32 $0x7F, s26  }
0x46: {  	s29 =	sshra.s32 s26, $0x1F;
	p1 =	slt.s32 s26, $0x1;
	p2 =	sne.s32 s28, $0x0  }
0x47: {  	s30 =	sshrl.u32 s29, $0x19;
	p0 =	por !p1, !p2  }
0x48: {  	s14 =	simm.s32 $0x1;
	s13 =	sadd.s32 s30, s26;
	p0 =	por !p0, !p0  }
0x49: {  	s13 =	sshrl.u32 s13, $0x7;
	s14 =	simm.s32 @!p0 $0x0  }
0x4a: {  	s13 =	ssub.s32 s13, s14  }
0x4b: {  	s13 =	sshll.u32 s13, $0x7  }
0x4c: {  	s31 =	sand.u32 $0x1FFFFF80, s13  }
0x4d: {  	s12 =	ssub.s32 s26, s13;
	s15 =	sadd.s32 s1, s31  }
0x4e: {  	[tilespmem:s9], [sflag:$0x1] =	stream.strided.gather [hbm4b:s15+s7], $0x1800, s8, s7, $0x38;
	[tilespmem:$0x1D00] =	vst v63  }
0x4f: {  	v4 =	vadd.s32 s12, v0;
	s13 =	sadd.s32 $0x92A00, s15  }
0x50: {  	[tilespmem:s10], [sflag:$0x1] =	stream.linear.gather [hbm4b:s13+s3], $0x100, $0x38;
	[tilespmem:$0x1D00] =	vst v63  }
0x51: {  	_ =	swait.ge [sflag:s6], $0x1900  }
0x52: {  	[sflag:s6] =	ssyncset.done $0x0  }
0x53: {  	[sflag:s6] =	ssyncadd.s32 $0xFFFFE700  }
0x54: {  	v4 =	vld.idx.msk [tilespmem:v4+s9+$0x0], $0xffff  }
0x55: {  	v5 =	vadd.s32 s12, v1;
	_ =	sdelay $0x3  }
0x56: {  	[tilespmem:$0x1C80] =	vst v4  }
0x57: {  	v4 =	vld.idx.msk [tilespmem:v5+s9+$0x0], $0xffff  }
0x58: {  	v5 =	vadd.s32 s12, v2;
	_ =	sdelay $0x3  }
0x59: {  	[tilespmem:$0x1C90] =	vst v4  }
0x5a: {  	v4 =	vld.idx.msk [tilespmem:v5+s9+$0x0], $0xffff  }
0x5b: {  	v5 =	vadd.s32 s12, v3;
	_ =	sdelay $0x3  }
0x5c: {  	[tilespmem:$0x1CA0] =	vst v4  }
0x5d: {  	v4 =	vld.idx.msk [tilespmem:v5+s9+$0x0], $0xffff;
	_ =	sdelay $0x4  }
0x5e: {  	s16 =	rddreg [dreg:$0x6];
	[tilespmem:$0x1CA2] =	vst v4  }
0x5f: {  	[hbm4b:s16+s3] =	stream.linear.scatter [tilespmem:s11], [sflag:$0x1], $0x80, $0x38;
	[tilespmem:$0x1D00] =	vst v63  }
0x60: {  	_ =	swait.ge [sflag:s6], $0x80  }
0x61: {  	[sflag:s6] =	ssyncset.done $0x0  }
0x62: {  	[sflag:s6] =	ssyncadd.s32 $0xFFFFFF80  }
0x63: {  	v4 =	vld [tilespmem:s4+$0x0];
	_ =	sdelay $0x4  }
0x64: {  	v4 =	vnsel vm1, $0x0, v4  }
0x65: {  	(xrf0) =	vadd.scan.msk.s32 $0xffff, v4;
	_ =	sdelay $0x5  }
0x66: {  	v4, _, _ =	vpop (xrf0)  }
0x67: {  	(v2sf) =	vpush v4, $0xF;
	_ =	sdelay $0xe  }
0x68: {  	s17 =	spop (v2sf)  }
0x69: {  	s18 =	sand.u32 $0x7F, s17  }
0x6a: {  	s19 =	sshra.s32 s17, $0x1F;
	p3 =	slt.s32 s17, $0x1;
	p4 =	sne.s32 s18, $0x0  }
0x6b: {  	s20 =	sshrl.u32 s19, $0x19;
	p0 =	por !p3, !p4  }
0x6c: {  	s14 =	simm.s32 $0x1;
	s13 =	sadd.s32 s20, s17;
	p0 =	por !p0, !p0  }
0x6d: {  	s13 =	sshrl.u32 s13, $0x7;
	s14 =	simm.s32 @!p0 $0x0  }
0x6e: {  	s13 =	ssub.s32 s13, s14  }
0x6f: {  	s13 =	sshll.u32 s13, $0x7  }
0x70: {  	s21 =	sand.u32 $0x1FFFFF80, s13  }
0x71: {  	s12 =	ssub.s32 s17, s13;
	s22 =	sadd.s32 s1, s21  }
0x72: {  	[tilespmem:s9], [sflag:$0x1] =	stream.strided.gather [hbm4b:s22+s7], $0x1800, s8, s7, $0x38;
	[tilespmem:$0x1D00] =	vst v63  }
0x73: {  	v4 =	vadd.s32 s12, v0;
	s13 =	sadd.s32 $0x92A00, s22  }
0x74: {  	[tilespmem:s10], [sflag:$0x1] =	stream.linear.gather [hbm4b:s13+s3], $0x100, $0x38;
	[tilespmem:$0x1D00] =	vst v63  }
0x75: {  	_ =	swait.ge [sflag:s6], $0x1900  }
0x76: {  	[sflag:s6] =	ssyncset.done $0x0  }
0x77: {  	[sflag:s6] =	ssyncadd.s32 $0xFFFFE700  }
0x78: {  	v4 =	vld.idx.msk [tilespmem:v4+s9+$0x0], $0xffff  }
0x79: {  	v5 =	vadd.s32 s12, v1;
	_ =	sdelay $0x3  }
0x7a: {  	[tilespmem:$0x1C80] =	vst v4  }
0x7b: {  	v4 =	vld.idx.msk [tilespmem:v5+s9+$0x0], $0xffff  }
0x7c: {  	v5 =	vadd.s32 s12, v2;
	_ =	sdelay $0x3  }
0x7d: {  	[tilespmem:$0x1C90] =	vst v4  }
0x7e: {  	v4 =	vld.idx.msk [tilespmem:v5+s9+$0x0], $0xffff  }
0x7f: {  	v5 =	vadd.s32 s12, v3;
	_ =	sdelay $0x3  }
0x80: {  	[tilespmem:$0x1CA0] =	vst v4  }
0x81: {  	v4 =	vld.idx.msk [tilespmem:v5+s9+$0x0], $0xffff;
	_ =	sdelay $0x4  }
0x82: {  	s23 =	rddreg [dreg:$0x7];
	[tilespmem:$0x1CA2] =	vst v4  }
0x83: {  	[hbm4b:s23+s3] =	stream.linear.scatter [tilespmem:s11], [sflag:$0x1], $0x80, $0x38;
	[tilespmem:$0x1D00] =	vst v63  }
0x84: {  	_ =	swait.ge [sflag:s6], $0x80  }
0x85: {  	[sflag:s6] =	ssyncset.done $0x0  }
0x86: {  	[sflag:s6] =	ssyncadd.s32 $0xFFFFFF80  }
0x87: {  	v4 =	vld [tilespmem:s4+$0x0];
	_ =	sdelay $0x4  }
0x88: {  	v4 =	vnsel vm0, $0x0, v4  }
0x89: {  	(xrf0) =	vadd.scan.msk.s32 $0xffff, v4;
	_ =	sdelay $0x5  }
0x8a: {  	v4, _, _ =	vpop (xrf0)  }
0x8b: {  	(v2sf) =	vpush v4, $0xF;
	_ =	sdelay $0xe  }
0x8c: {  	s24 =	spop (v2sf)  }
0x8d: {  	s25 =	sand.u32 $0x7F, s24  }
0x8e: {  	s26 =	sshra.s32 s24, $0x1F;
	p5 =	slt.s32 s24, $0x1;
	p6 =	sne.s32 s25, $0x0  }
0x8f: {  	s28 =	sshrl.u32 s26, $0x19;
	p0 =	por !p5, !p6  }
0x90: {  	s14 =	simm.s32 $0x1;
	s13 =	sadd.s32 s28, s24;
	p0 =	por !p0, !p0  }
0x91: {  	s13 =	sshrl.u32 s13, $0x7;
	s14 =	simm.s32 @!p0 $0x0  }
0x92: {  	s13 =	ssub.s32 s13, s14  }
0x93: {  	s13 =	sshll.u32 s13, $0x7  }
0x94: {  	s29 =	sand.u32 $0x1FFFFF80, s13  }
0x95: {  	s12 =	ssub.s32 s24, s13;
	s30 =	sadd.s32 s1, s29  }
0x96: {  	[tilespmem:s9], [sflag:$0x1] =	stream.strided.gather [hbm4b:s30+s7], $0x1800, s8, s7, $0x38;
	[tilespmem:$0x1D00] =	vst v63  }
0x97: {  	v4 =	vadd.s32 s12, v0;
	s13 =	sadd.s32 $0x92A00, s30  }
0x98: {  	[tilespmem:s10], [sflag:$0x1] =	stream.linear.gather [hbm4b:s13+s3], $0x100, $0x38;
	[tilespmem:$0x1D00] =	vst v63  }
0x99: {  	_ =	swait.ge [sflag:s6], $0x1900  }
0x9a: {  	[sflag:s6] =	ssyncset.done $0x0  }
0x9b: {  	[sflag:s6] =	ssyncadd.s32 $0xFFFFE700  }
0x9c: {  	v4 =	vld.idx.msk [tilespmem:v4+s9+$0x0], $0xffff  }
0x9d: {  	v5 =	vadd.s32 s12, v1;
	_ =	sdelay $0x3  }
0x9e: {  	[tilespmem:$0x1C80] =	vst v4  }
0x9f: {  	v4 =	vld.idx.msk [tilespmem:v5+s9+$0x0], $0xffff  }
0xa0: {  	v5 =	vadd.s32 s12, v2;
	_ =	sdelay $0x3  }
0xa1: {  	[tilespmem:$0x1C90] =	vst v4  }
0xa2: {  	v4 =	vld.idx.msk [tilespmem:v5+s9+$0x0], $0xffff  }
0xa3: {  	v5 =	vadd.s32 s12, v3;
	_ =	sdelay $0x3  }
0xa4: {  	[tilespmem:$0x1CA0] =	vst v4  }
0xa5: {  	v4 =	vld.idx.msk [tilespmem:v5+s9+$0x0], $0xffff;
	_ =	sdelay $0x3  }
0xa6: {  	p0 =	sne.s32 s5, $0x1  }
.Ltmp0:
0xa7: {  	s31 =	rddreg [dreg:$0x8];
	[tilespmem:$0x1CA2] =	vst v4;
	(pc) =	sbr.rel @p0 .LBB2_1-.Ltmp0, $4  }
0xa8: {  	[hbm4b:s31+s3] =	stream.linear.scatter [tilespmem:s11], [sflag:$0x1], $0x80, $0x38;
	[tilespmem:$0x1D00] =	vst v63  }
0xa9: {  	_ =	swait.ge [sflag:s6], $0x80  }
0xaa: {  	[sflag:s6] =	ssyncset.done $0x0  }
0xab: {  	s5 =	sadd.s32 $0xFFFFFFFF, s5;
	[sflag:s6] =	ssyncadd.s32 $0xFFFFFF80  }
0xac: {  	_ =	sfence.sel $0x180000  }
0xad: {  	[bflag:$0x0] =	sbarrier.arrive $0xFFFF  }
0xae: {  	p0 =	sne.s32 s2, $0x0;
	_ =	strace $0x90000047  }
0xaf: {  	s0 =	sadd.s32 @!p0 $0x100000, s0;
	[bflag:$0x2] =	sbarrier.arrive $0xFFFF  }
0xb0: {  	[sflag:s0] =	ssyncadd.tile.s32 @!p0 $0x1;
	_ =	shalt  }
.Lfunc_end2:
_tile_overlayer_lowered:
.L_overlay_start_2:
0xb1: {  	(tag) =	ssettag $0x2  }
0xb2: {  	s0 =	rddreg [dreg:$0x0];
	s2 =	stileid.u32  }
0xb3: {  	s1 =	rddreg [dreg:$0x1];
	p0 =	sne.s32 s2, $0x0  }
0xb4: {  	s3 =	rddreg [dreg:$0x2];
	[bflag:$0x3] =	sbarrier.arrive $0xFFFF;
	s2 =	simm.s32 @!p0 $0x1C01  }
0xb5: {  	[timem:s3], [sflag:s2] =	dma.local @!p0 [hbm:s0], s1  }
0xb6: {  	s0 =	simm.s32 @!p0 $0x1  }
0xb7: {  	_ =	swait.ge @!p0 [sflag:s0], s1  }
0xb8: {  	s1 =	ssub.s32 @!p0 $0x0, s1;
	[sflag:s0] =	ssyncset.done @!p0 $0x0  }
0xb9: {  	[sflag:s0] =	ssyncadd.s32 @!p0 s1  }
0xba: {  	[bflag:$0x3] =	sbarrier.arrive $0xFFFF  }
0xbb: {  	_ =	shalt  }

// kernel: kernel.9.cloned.1.call-start
scs
__scs_entry_jumppad:
0x0: {  	(pc) =	sbr.rel $0x88, $3  }
0x1: {  	(tag) =	ssettag $0x0;
	lr =	simm.s32 $0x1  }
0x2: {  	[smem:$0x3F9A] =	sst lr;
	_ =	strace $0xD0000000  }
0x3: {  	_ = 	snop  }
0x4: {  	_ = 	snop  }
0x5: {  	_ = 	snop  }
0x6: {  	_ = 	snop  }
0x7: {  	_ = 	snop  }
__scs_overlays_trampoline_lowered:
0x8: {  	[smem:$0x3FA9] =	sst s0  }
0x9: {  	[smem:$0x3FAA] =	sst s1  }
0xa: {  	[smem:$0x3FAB] =	sst s2  }
0xb: {  	[smem:$0x3FAC] =	sst s3  }
0xc: {  	[smem:$0x3FAD] =	sst s4  }
0xd: {  	[smem:$0x3FAE] =	sst s5  }
0xe: {  	[smem:$0x3FAF] =	sst s6  }
0xf: {  	[smem:$0x3FB0] =	sst s7  }
0x10: {  	[smem:$0x3FB1] =	sst s8  }
0x11: {  	[smem:$0x3FB2] =	sst s9;
	s0 =	simm.s32 @!p0 $0x0  }
0x12: {  	s1 =	sld [smem:$0x3F98];
	s0 =	simm.s32 @p0 $0x1  }
0x13: {  	[smem:$0x3FB3] =	sst s0;
	s0 =	simm.s32 @!p1 $0x0  }
0x14: {  	s2 =	sld [smem:$0x3F97];
	s0 =	simm.s32 @p1 $0x1  }
0x15: {  	[smem:$0x3FB4] =	sst s0;
	s0 =	simm.s32 @!p2 $0x0  }
0x16: {  	s3 =	sld [smem:$0x3FDB];
	s0 =	simm.s32 @p2 $0x1  }
0x17: {  	s4 =	simm.s32 $0x1BF5;
	[smem:$0x3FB6] =	sst s0  }
0x18: {  	s0 =	sld [smem:$0x3F99];
	_ =	swait.ge [sflag:s4], $0x0  }
0x19: {  	s7 =	sld [smem:$0x3F9A]  }
0x1a: {  	s8 =	sadd.s32 $0xFFFFE003, lr  }
0x1b: {  	s9 =	sadd.s32 $0xFFFFFEF7, lr;
	s5 =	simm.s32 $0xFFFFFFFF;
	p2 =	slt.u32 s8, $0xFFFFF086  }
0x1c: {  	p1 =	slt.u32 s9, $0xF7A;
	s5 =	simm.s32 @!p2 $0x0  }
0x1d: {  	s5 =	simm.s32 @p1 $0x1;
	p0 =	seq.s32 s7, s2  }
0x1e: {  	s7 =	smul.u32 @!p0 $0xF7A, s2;
	p2 =	seq.s32 @!p0 s5, $0x0  }
0x1f: {  	s9 =	smul.u32 $0xF7A, s1;
	s8 =	simm.s32 @!p0 $0x1BF5;
	p2 =	por !p2, p0  }
0x20: {  	[sflag:s8] =	ssyncset.s32 @!p0 $0xFFFFF086;
	s6 =	sadd.s32 @!p0 s3, s7;
	s7 =	simm.s32 @!p0 $0x108  }
0x21: {  	s3 =	sadd.s32 s3, s9;
	s6 =	sadd.s32 @!p0 $0x88, s6;
	s7 =	simm.s32 @p2 $0x1082  }
0x22: {  	[simem:s7], [sflag:s8] =	dma.local @!p0 [hbm:s6], $0xF7A  }
0x23: {  	s9 =	sor.u32 $0xD0000000, s2;
	s6 =	simm.s32 $0x108;
	_ =	swait.ge @!p0 [sflag:s8], $0x0  }
0x24: {  	s3 =	sadd.s32 $0x88, s3;
	s6 =	simm.s32 @!p1 $0x1082;
	[sflag:s4] =	ssyncset.s32 $0xFFFFF086  }
0x25: {  	[simem:s6], [sflag:s4] =	dma.local [hbm:s3], $0xF7A  }
0x26: {  	[smem:$0x3F9A] =	sst s1;
	(tag) =	ssettag s2;
	_ =	strace s9  }
0x27: {  	s1 =	sld [smem:$0x3FAA]  }
0x28: {  	s2 =	sld [smem:$0x3FAB]  }
0x29: {  	s4 =	sld [smem:$0x3FAD]  }
0x2a: {  	p0 =	seq.s32 s5, $0x0;
	s5 =	sld [smem:$0x3FAE]  }
0x2b: {  	s6 =	sld [smem:$0x3FAF]  }
0x2c: {  	s7 =	sld [smem:$0x3FB0]  }
0x2d: {  	s3 =	simm.s32 $0x108;
	s8 =	sld [smem:$0x3FB1]  }
0x2e: {  	s3 =	simm.s32 @!p0 $0x1082;
	s9 =	sld [smem:$0x3FB2]  }
0x2f: {  	lr =	sadd.s32 s0, s3;
	s0 =	sld [smem:$0x3FA9]  }
0x30: {  	s3 =	sld [smem:$0x3FAC]  }
0x31: {  	[smem:$0x3FB5] =	sst s10  }
0x32: {  	s10 =	sld [smem:$0x3FB3];
	_ =	sdelay $0x3  }
0x33: {  	p0 =	seq.s32 s10, $0x1;
	s10 =	sld [smem:$0x3FB5];
	_ =	sdelay $0x3  }
0x34: {  	[smem:$0x3FB5] =	sst s10  }
0x35: {  	s10 =	sld [smem:$0x3FB4];
	_ =	sdelay $0x3  }
0x36: {  	p1 =	seq.s32 s10, $0x1;
	s10 =	sld [smem:$0x3FB5];
	_ =	sdelay $0x3  }
0x37: {  	[smem:$0x3FB5] =	sst s10  }
0x38: {  	s10 =	sld [smem:$0x3FB6]  }
0x39: {  	_ = 	snop;
	(pc) =	sbr.ind lr, $3  }
0x3a: {  	_ = 	snop  }
0x3b: {  	_ = 	snop  }
0x3c: {  	p2 =	seq.s32 s10, $0x1;
	s10 =	sld [smem:$0x3FB5]  }
0x3d: {  	_ =	shalt  }
0x3e: {  	_ =	shalt  }
0x3f: {  	_ =	shalt  }
0x40: {  	_ =	shalt  }
0x41: {  	_ =	shalt  }
0x42: {  	_ =	shalt  }
0x43: {  	_ =	shalt  }
0x44: {  	_ =	shalt  }
0x45: {  	_ =	shalt  }
0x46: {  	_ =	shalt  }
0x47: {  	_ =	shalt  }
0x48: {  	_ =	shalt  }
0x49: {  	_ =	shalt  }
0x4a: {  	_ =	shalt  }
0x4b: {  	_ =	shalt  }
0x4c: {  	_ =	shalt  }
0x4d: {  	_ =	shalt  }
0x4e: {  	_ =	shalt  }
0x4f: {  	_ =	shalt  }
0x50: {  	_ =	shalt  }
0x51: {  	_ =	shalt  }
0x52: {  	_ =	shalt  }
0x53: {  	_ =	shalt  }
0x54: {  	_ =	shalt  }
0x55: {  	_ =	shalt  }
0x56: {  	_ =	shalt  }
0x57: {  	_ =	shalt  }
0x58: {  	_ =	shalt  }
0x59: {  	_ =	shalt  }
0x5a: {  	_ =	shalt  }
0x5b: {  	_ =	shalt  }
0x5c: {  	_ =	shalt  }
0x5d: {  	_ =	shalt  }
0x5e: {  	_ =	shalt  }
0x5f: {  	_ =	shalt  }
0x60: {  	_ =	shalt  }
0x61: {  	_ =	shalt  }
0x62: {  	_ =	shalt  }
0x63: {  	_ =	shalt  }
0x64: {  	_ =	shalt  }
0x65: {  	_ =	shalt  }
0x66: {  	_ =	shalt  }
0x67: {  	_ =	shalt  }
0x68: {  	_ =	shalt  }
0x69: {  	_ =	shalt  }
0x6a: {  	_ =	shalt  }
0x6b: {  	_ =	shalt  }
0x6c: {  	_ =	shalt  }
0x6d: {  	_ =	shalt  }
0x6e: {  	_ =	shalt  }
0x6f: {  	_ =	shalt  }
0x70: {  	_ =	shalt  }
0x71: {  	_ =	shalt  }
0x72: {  	_ =	shalt  }
0x73: {  	_ =	shalt  }
0x74: {  	_ =	shalt  }
0x75: {  	_ =	shalt  }
0x76: {  	_ =	shalt  }
0x77: {  	_ =	shalt  }
0x78: {  	_ =	shalt  }
0x79: {  	_ =	shalt  }
0x7a: {  	_ =	shalt  }
0x7b: {  	_ =	shalt  }
0x7c: {  	_ =	shalt  }
0x7d: {  	_ =	shalt  }
0x7e: {  	_ =	shalt  }
0x7f: {  	_ =	shalt  }
0x80: {  	_ =	shalt  }
0x81: {  	_ =	shalt  }
0x82: {  	_ =	shalt  }
0x83: {  	_ =	shalt  }
0x84: {  	_ =	shalt  }
0x85: {  	_ =	shalt  }
0x86: {  	_ =	shalt  }
0x87: {  	_ =	shalt  }
.Lfunc_end0:
.L_simem_size_0:
called_computation.1_lowered:
.L_overlay_start_0:
0x88: {  	s2 =	sld [smem:$0x3FD9]  }
0x89: {  	s3 =	sld [smem:$0x3FFE];
	_ =	sdelay $0x1  }
0x8a: {  	s1 =	srdreg.scid  }
0x8b: {  	s0 =	sand.u32 $0x1, s1  }
0x8c: {  	s14 =	sshll.u32 s0, $0xA;
	s2 =	sadd.s32 s3, s2  }
0x8d: {  	s2 =	sadd.s32 s2, s14  }
0x8e: {  	[smem:$0x3FC1] =	sst s2  }
0x8f: {  	_ = 	snop  }
0x90: {  	s2 =	sld [smem:$0x3FD0];
	_ =	sdelay $0x1  }
0x91: {  	s15 =	sld [smem:$0x3FC9]  }
0x92: {  	s5 =	simm.s32 $0xA;
	s6 =	simm.s32 $0x10;
	s4 =	sld [smem:$0x3FC4]  }
0x93: {  	[smem:s6], [sflag:s5] =	dma.local [hbm:s2], $0x1  }
0x94: {  	_ =	swait.eq [sflag:s5], $0x1  }
0x95: {  	[sflag:s5] =	ssyncset.done $0x0  }
0x96: {  	[sflag:s5] =	ssyncadd.s32 $0xFFFFFFFF  }
0x97: {  	s16 =	sld [smem:$0x10];
	(tm) =	ssettm $0x1  }
0x98: {  	s17 =	sld [smem:$0x3FFB];
	_ =	sdelay $0x3  }
0x99: {  	_ =	strace s17  }
0x9a: {  	s5 =	sld [smem:$0x3FFC];
	_ =	sdelay $0x3  }
0x9b: {  	_ =	strace s5  }
0x9c: {  	s5 =	sld [smem:$0x3FFD];
	_ =	sdelay $0x3  }
0x9d: {  	_ =	strace s5  }
0x9e: {  	_ =	strace $0x8FFFFFFF  }
0x9f: {  	s18 =	sld [smem:$0x3FDB];
	_ =	sdelay $0x1  }
0xa0: {  	s19 =	simm.s32 $_scs_section_size  }
0xa1: {  	s7 =	simm.s32 $_size__tile_overlayer_lowered;
	s8 =	simm.s32 $_tile_overlayer_lowered  }
0xa2: {  	s22 =	simm.s32 $0x1BFF;
	s21 =	sshll.u32 s8, $0x1;
	s5 =	sadd.s32 s19, s18  }
0xa3: {  	s9 =	simm.s32 $0x0;
	s20 =	sshll.u32 s7, $0x1;
	s7 =	sadd.s32 s21, s5  }
0xa4: {  	[timem:s9], [sflag:s22] =	dma.local [hbm:s7], s20  }
0xa5: {  	_ =	swait.ge [sflag:s22], s20  }
0xa6: {  	s6 =	ssub.s32 $0x0, s20;
	[sflag:s22] =	ssyncset.done $0x0  }
0xa7: {  	[sflag:s22] =	ssyncadd.s32 s6;
	_ =	sdelay $0x1  }
0xa8: {  	s23 =	simm.s32 $0x1B8B  }
0xa9: {  	_ =	swait.ge [sflag:s23], $0x1  }
0xaa: {  	[sflag:s23] =	ssyncset.done $0x0  }
0xab: {  	s25 =	simm.s32 $0x1B8E;
	s24 =	sld [smem:$0x3FFE];
	[sflag:s23] =	ssyncadd.s32 $0xFFFFFFFF  }
0xac: {  	s26 =	simm.s32 $execute0_lowered;
	[smem:$0x3FD2] =	sst s25  }
0xad: {  	s7 =	sshll.u32 s26, $0x1;
	_ =	strace $0x80000049;
	[dreg:$0x1] =	wrdreg $0xFFFFFFFF  }
0xae: {  	s28 =	simm.s32 $_size_execute0_lowered;
	s5 =	sadd.s32 s5, s7;
	[dreg:$0x0] =	wrdreg $0x0  }
0xaf: {  	s7 =	sshll.u32 s28, $0x1;
	[dreg:$0x2] =	wrdreg s5  }
0xb0: {  	[dreg:$0x3] =	wrdreg s7  }
0xb1: {  	[dreg:$0x4] =	wrdreg $0xC0  }
0xb2: {  	_ =	task [dreg:s9], $0x5FFFF  }
0xb3: {  	[dreg:$0x1] =	wrdreg $0xFFFFFFFF  }
0xb4: {  	[dreg:$0x0] =	wrdreg $0x60  }
0xb5: {  	[dreg:$0x2] =	wrdreg s15  }
0xb6: {  	[dreg:$0x3] =	wrdreg s4  }
0xb7: {  	[dreg:$0x4] =	wrdreg s24  }
0xb8: {  	[dreg:$0x5] =	wrdreg s16  }
0xb9: {  	[dreg:$0x6] =	wrdreg $0x9  }
0xba: {  	_ =	task.clear_ibuf [dreg:s9], $0x7FFFF;
	_ =	strace $0x90000049  }
0xbb: {  	s29 =	simm.s32 $0x9;
	_ =	strace $0x8000004B  }
0xbc: {  	_ =	swait.ge [sflag:s29], $0x1  }
0xbd: {  	[sflag:s29] =	ssyncadd.s32 $0xFFFFFFFF  }
0xbe: {  	_ =	strace $0x9000004B  }
0xbf: {  	_ =	sfence  }
0xc0: {  	s30 =	sld [smem:$0x0];
	_ =	sdelay $0x2  }
0xc1: {  	s31 =	sshll.u32 s1, $0xD;
	s1 =	sshrl.u32 s1, $0x2  }
0xc2: {  	s3 =	sand.u32 $0x4000, s31;
	s1 =	sadd.s32 s1, s30  }
0xc3: {  	s0 =	sor.u32 s3, s0;
	s1 =	sshll.u32 s1, $0x11  }
0xc4: {  	s0 =	sor.u32 s1, s0  }
0xc5: {  	s0 =	sadd.s32 $0x8F2B, s0  }
0xc6: {  	[sflag:s0] =	ssyncadd.remote.s32 $0x1  }
0xc7: {  	_ =	sfence.sel $0xFFFF  }
0xc8: {  	[dreg:$0x0] =	wrdreg $0xFFFFFFFF;
	(pc) =	sbr.abs _section_cstart, $3  }
0xc9: {  	[dreg:$0x1] =	wrdreg $0xFFFFFFFF  }
0xca: {  	_ =	task.clear_ibuf [dreg:s9], $0x2FFFF;
	_ =	strace $0x9FFFFFFF  }
0xcb: {  	(tm) =	ssettm $0x7FFFFFFF  }
tec
execute0_lowered:
.L_overlay_start_1:
0x0: {  	(tag) =	ssettag $0x1  }
0x1: {  	v0 =	vimm.s32 $0x3780;
	vm14 =	vcmask $0x300;
	vm13 =	vcmask $0x704  }
0x2: {  	vm12 =	vcmask $0xB08;
	vm11 =	vcmask $0xF0C;
	vm10 =	vcmask $0x1310  }
0x3: {  	vm9 =	vcmask $0x1714;
	vm8 =	vcmask $0x1B18;
	vm7 =	vcmask $0x1F1C  }
0x4: {  	vm6 =	vcmask $0x2320;
	vm5 =	vcmask $0x2724;
	vm4 =	vcmask $0x2B28  }
0x5: {  	vm3 =	vcmask $0x2F2C;
	vm1 =	vcmask $0x3330;
	vm2 =	vcmask $0x3734  }
0x6: {  	vm0 =	vcmask $0x3B38;
	v4 =	vlaneseq.u32;
	v6 =	vimm.s32 $0x9F80  }
0x7: {  	v7 =	vimm.s32 $0x10780;
	v8 =	vimm.s32 $0x13880;
	v0 =	vsel vm14, $0x0, v0  }
0x8: {  	v6 =	vsel vm14, $0x6800, v6;
	v7 =	vsel vm14, $0xD000, v7;
	v8 =	vsel vm14, $0xD100, v8  }
0x9: {  	v0 =	vsel vm13, $0x80, v0;
	v6 =	vsel vm13, $0x6880, v6;
	v7 =	vsel vm13, $0xD080, v7  }
0xa: {  	v8 =	vsel vm13, $0xD180, v8;
	v0 =	vsel vm12, $0x100, v0;
	v6 =	vsel vm12, $0x6900, v6  }
0xb: {  	v7 =	vsel vm12, $0xD100, v7;
	v8 =	vsel vm12, $0xD200, v8;
	v0 =	vsel vm11, $0x180, v0  }
0xc: {  	v6 =	vsel vm11, $0x6980, v6;
	v7 =	vsel vm11, $0xD180, v7;
	v8 =	vsel vm11, $0xD280, v8  }
0xd: {  	v0 =	vsel vm10, $0x200, v0;
	v6 =	vsel vm10, $0x6A00, v6;
	v7 =	vsel vm10, $0xD200, v7  }
0xe: {  	s1 =	srdreg.scid;
	s9 =	rddreg [dreg:$0x0];
	v8 =	vsel vm10, $0xD300, v8;
	v0 =	vsel vm9, $0x280, v0;
	v6 =	vsel vm9, $0x6A80, v6  }
0xf: {  	s0 =	stileid.u32;
	s5 =	rddreg [dreg:$0x2];
	v7 =	vsel vm9, $0xD280, v7;
	v8 =	vsel vm9, $0xD380, v8;
	v0 =	vsel vm8, $0x300, v0  }
0x10: {  	s11 =	rddreg [dreg:$0x3];
	s4 =	sand.u32 $0x1, s1;
	s30 =	sshll.u32 s0, $0x1;
	v6 =	vsel vm8, $0x6B00, v6;
	v7 =	vsel vm8, $0xD300, v7;
	v8 =	vsel vm8, $0x10400, v8  }
0x11: {  	s2 =	rddreg [dreg:$0x4];
	s12 =	sor.u32 s4, s30;
	v0 =	vsel vm7, $0x380, v0;
	v6 =	vsel vm7, $0x6B80, v6;
	v7 =	vsel vm7, $0xD380, v7  }
0x12: {  	s3 =	simm.s32 $0x0;
	s14 =	simm.s32 $0x3400;
	s1 =	smul.u32 $0x600, s12;
	v8 =	vsel vm7, $0x10480, v8;
	v0 =	vsel vm6, $0x3400, v0;
	v6 =	vsel vm6, $0x9C00, v6  }
0x13: {  	s15 =	simm.s32 $0xC3800;
	s16 =	simm.s32 $0x4080;
	s17 =	simm.s32 $0x7480;
	v7 =	vsel vm6, $0x10400, v7;
	v8 =	vsel vm6, $0x10500, v8;
	v0 =	vsel vm5, $0x3480, v0  }
0x14: {  	s18 =	simm.s32 $0xA880;
	s19 =	simm.s32 $0xDC80;
	s6 =	sadd.s32 $0x680, s1;
	v6 =	vsel vm5, $0x9C80, v6;
	v7 =	vsel vm5, $0x10480, v7;
	v8 =	vsel vm5, $0x10580, v8  }
0x15: {  	s20 =	simm.s32 $0x11080;
	s21 =	simm.s32 $0x14480;
	s8 =	smul.u32 $0x680, s12;
	v1 =	vsel vm4, $0x3500, v0;
	v0 =	vmov s6;
	v6 =	vsel vm4, $0x9D00, v6  }
0x16: {  	s22 =	simm.s32 $0x17880;
	s23 =	simm.s32 $0x0;
	[smem:$0x7FF] =	sst s3;
	v7 =	vsel vm4, $0x10500, v7;
	v8 =	vsel vm4, $0x10600, v8;
	v2 =	vsel vm3, $0x3580, v1  }
0x17: {  	s7 =	ssub.s32 $0x2, s4;
	s4 =	sadd.s32 $0x3400, s5;
	s10 =	sadd.s32 $0xC680, s1;
	v1 =	vmov s8;
	v6 =	vsel vm3, $0x9D80, v6;
	v7 =	vsel vm3, $0x10580, v7  }
.Ltmp0:
0x18: {  	s31 =	sshrl.u32 s7, $0x1;
	p0 =	sgt.u32 s12, $0xC;
	v8 =	vsel vm3, $0x10680, v8;
	v3 =	vsel vm1, $0x3600, v2;
	v2 =	vmov s10;
	(pc) =	sbr.rel .LBB2_1-.Ltmp0, $4  }
0x19: {  	s12 =	simm.s32 $0x1;
	s13 =	ssub.s32 s7, s31;
	s1 =	rddreg [dreg:$0x1];
	v6 =	vsel vm1, $0x9E00, v6;
	v7 =	vsel vm1, $0x10600, v7;
	v8 =	vsel vm1, $0x10700, v8  }
0x1a: {  	_ =	strace $0x8000004A;
	s7 =	sadd.s32 s9, s8;
	s5 =	sadd.s32 s9, s6;
	v5 =	vsel vm2, $0x3680, v3;
	v3 =	vimm.s32 $0x0;
	v6 =	vsel vm2, $0x9E80, v6  }
0x1b: {  	s9 =	sadd.s32 s9, s10;
	s6 =	sadd.s32 s11, s6;
	s8 =	sadd.s32 s11, s8;
	v7 =	vsel vm2, $0x10680, v7;
	v8 =	vsel vm2, $0x10780, v8;
	v5 =	vsel vm0, $0x3700, v5  }
0x1c: {  	s10 =	sadd.s32 s11, s10;
	s11 =	smax.u32 s13, $0x1;
	s13 =	simm.s32 $0x80;
	v6 =	vsel vm0, $0x9F00, v6;
	v7 =	vsel vm0, $0x10700, v7;
	v8 =	vsel vm0, $0x13800, v8  }
.LBB2_74:
0x1d: {  	[hbm4b:s10+s3] =	stream.linear.scatter [tilespmem:s16], [sflag:$0x1], $0x3000, $0x38;
	[tilespmem:$0x1AC80] =	vst v63  }
0x1e: {  	s24 =	sadd.s32 $0x18700, s10  }
0x1f: {  	[hbm4b:s24+s3] =	stream.linear.scatter [tilespmem:s17], [sflag:$0x1], $0x3000, $0x38;
	[tilespmem:$0x1AC80] =	vst v63  }
0x20: {  	s26 =	sadd.s32 $0x30E00, s10  }
0x21: {  	[hbm4b:s26+s3] =	stream.linear.scatter [tilespmem:s18], [sflag:$0x1], $0x3000, $0x38;
	[tilespmem:$0x1AC80] =	vst v63  }
0x22: {  	s28 =	sadd.s32 $0x49500, s10  }
0x23: {  	[hbm4b:s28+s3] =	stream.linear.scatter [tilespmem:s19], [sflag:$0x1], $0x3000, $0x38;
	[tilespmem:$0x1AC80] =	vst v63  }
0x24: {  	s29 =	sadd.s32 $0x61C00, s10;
	s23 =	sadd.s32 $0x1, s23  }
0x25: {  	[hbm4b:s29+s3] =	stream.linear.scatter [tilespmem:s20], [sflag:$0x1], $0x3000, $0x38;
	[tilespmem:$0x1AC80] =	vst v63  }
0x26: {  	s30 =	sadd.s32 $0x7A300, s10;
	p1 =	sne.s32 s23, s11  }
0x27: {  	[hbm4b:s30+s3] =	stream.linear.scatter [tilespmem:s21], [sflag:$0x1], $0x3000, $0x38;
	[tilespmem:$0x1AC80] =	vst v63  }
.Ltmp1:
0x28: {  	s31 =	sadd.s32 $0x92A00, s10;
	(pc) =	sbr.rel @!p1 .LBB2_75-.Ltmp1, $4  }
0x29: {  	[hbm4b:s31+s3] =	stream.linear.scatter [tilespmem:s22], [sflag:$0x1], $0x3000, $0x38;
	[tilespmem:$0x1AC80] =	vst v63  }
0x2a: {  	_ =	swait.ge [sflag:s12], $0x15000  }
0x2b: {  	[sflag:s12] =	ssyncset.done $0x0  }
0x2c: {  	[sflag:s12] =	ssyncadd.s32 $0xFFFEB000  }
.LBB2_1:
0x2d: {  	[tilespmem:s3], [sflag:$0x1] =	stream.linear.gather [hbm4b:s1+s3], $0x80, $0x38;
	[tilespmem:$0x1AC80] =	vst v63  }
0x2e: {  	_ =	swait.ge [sflag:s12], $0x80  }
0x2f: {  	[sflag:s12] =	ssyncset.done $0x0  }
.Ltmp2:
0x30: {  	[sflag:s12] =	ssyncadd.s32 $0xFFFFFF80;
	(pc) =	sbr.rel @p0 .LBB2_27-.Ltmp2, $4  }
0x31: {  	[tilespmem:s13], [sflag:$0x1] =	stream.linear.gather [hbm4b:s4+s3], $0x4000, $0x38;
	[tilespmem:$0x1AC80] =	vst v63  }
0x32: {  	_ =	swait.ge [sflag:s12], $0x4000  }
0x33: {  	[sflag:s12] =	ssyncset.done $0x0  }
0x34: {  	[sflag:s12] =	ssyncadd.s32 $0xFFFFC000  }
0x35: {  	[tilespmem:s16], [sflag:$0x1] =	stream.strided.gather [hbm4b:s7+s14], $0x16C00, s15, s14, $0x38;
	[tilespmem:$0x1AC80] =	vst v63  }
0x36: {  	_ =	swait.ge [sflag:s12], $0x16C00  }
0x37: {  	[sflag:s12] =	ssyncset.done $0x0  }
0x38: {  	[sflag:s12] =	ssyncadd.s32 $0xFFFE9400  }
0x39: {  	v9 =	vld [tilespmem:$0x0];
	_ =	sdelay $0x4  }
0x3a: {  	v9 =	vsub.s32 v9, v1  }
0x3b: {  	vm0 =	vlt.u32 v9, $0x680  }
0x3c: {  	v10 =	vsel vm0, $0x1, v3  }
0x3d: {  	v10 =	vor.u32 $0x80000000, v10  }
0x3e: {  	(xrf0) =	vmax.scan.msk.u32 $0xffff, v10;
	_ =	sdelay $0x5  }
0x3f: {  	v10, _, _ =	vpop (xrf0)  }
0x40: {  	(v2sf) =	vpush v10, $0xF;
	_ =	sdelay $0xe  }
0x41: {  	s24 =	spop (v2sf)  }
0x42: {  	p1 =	slt.u32 s24, $0x80000001  }
.Ltmp3:
0x43: {  	_ = 	snop;
	(pc) =	sbr.rel @p1 .LBB2_5-.Ltmp3, $1  }
0x44: {  	_ =	sdelay $0x3  }
0x45: {  	s24 =	simm.s32 $0x0;
	s25 =	simm.s32 $0xA0  }
.LBB2_4:
0x46: {  	v10 =	vmov s24  }
0x47: {  	vm0 =	veq.s32 v10, v4  }
0x48: {  	v10 =	vnsel vm0, $0x0, v9  }
0x49: {  	(xrf0) =	vadd.scan.msk.s32 $0xffff, v10;
	_ =	sdelay $0x5  }
0x4a: {  	v10, _, _ =	vpop (xrf0)  }
0x4b: {  	(v2sf) =	vpush v10, $0xF;
	_ =	sdelay $0xe  }
0x4c: {  	s26 =	spop (v2sf)  }
0x4d: {  	p1 =	sgt.u32 s26, $0x67F  }
0x4e: {  	v10 =	vbroadcast @!p1 v10, $0xF;
	_ =	sdelay $0x1  }
0x4f: {  	v11 =	vshll.u32 @!p1 v10, $0x3  }
0x50: {  	v10 =	vand.u32 @!p1 $0x7F, v10;
	v11 =	vand.u32 @!p1 $0xFFFFFC00, v11  }
0x51: {  	v10 =	vor.u32 @!p1 v10, v11  }
0x52: {  	v11 =	vld @!p1 [tilespmem:s25+$0xFFFFFFE0];
	v12 =	vadd.s32 @!p1 v5, v10;
	_ =	sdelay $0x4  }
0x53: {  	[tilespmem:v12+s16+$0x0] =	vst.idx.msk @!p1 $0xffff, v11  }
0x54: {  	v12 =	vadd.s32 @!p1 v6, v10;
	v11 =	vld @!p1 [tilespmem:s25+$0xFFFFFFF0];
	_ =	sdelay $0x4  }
0x55: {  	[tilespmem:v12+s16+$0x0] =	vst.idx.msk @!p1 $0xffff, v11  }
0x56: {  	v12 =	vadd.s32 @!p1 v7, v10;
	v11 =	vld @!p1 [tilespmem:s25+$0x0];
	_ =	sdelay $0x4  }
0x57: {  	[tilespmem:v12+s16+$0x0] =	vst.idx.msk @!p1 $0xffff, v11  }
0x58: {  	v10 =	vadd.s32 @!p1 v8, v10;
	v11 =	vld @!p1 [tilespmem:s25+$0x2];
	_ =	sdelay $0x3  }
0x59: {  	s24 =	sadd.s32 $0x1, s24  }
0x5a: {  	[tilespmem:v10+s16+$0x0] =	vst.idx.msk @!p1 $0xffff, v11;
	p1 =	sne.s32 s24, $0x10  }
.Ltmp4:
0x5b: {  	_ = 	snop;
	(pc) =	sbr.rel @p1 .LBB2_4-.Ltmp4, $2  }
0x5c: {  	_ =	sdelay $0x2  }
0x5d: {  	s25 =	sadd.s32 $0x80, s25  }
.LBB2_5:
0x5e: {  	v9 =	vld [tilespmem:$0x10];
	_ =	sdelay $0x4  }
0x5f: {  	v9 =	vsub.s32 v9, v1  }
0x60: {  	vm0 =	vlt.u32 v9, $0x680  }
0x61: {  	v10 =	vsel vm0, $0x1, v3  }
0x62: {  	v10 =	vor.u32 $0x80000000, v10  }
0x63: {  	(xrf0) =	vmax.scan.msk.u32 $0xffff, v10;
	_ =	sdelay $0x5  }
0x64: {  	v10, _, _ =	vpop (xrf0)  }
0x65: {  	(v2sf) =	vpush v10, $0xF;
	_ =	sdelay $0xe  }
0x66: {  	s24 =	spop (v2sf)  }
0x67: {  	p1 =	slt.u32 s24, $0x80000001  }
.Ltmp5:
0x68: {  	_ = 	snop;
	(pc) =	sbr.rel @p1 .LBB2_8-.Ltmp5, $1  }
0x69: {  	_ =	sdelay $0x3  }
0x6a: {  	s24 =	simm.s32 $0x0;
	s25 =	simm.s32 $0x8A2  }
.LBB2_7:
0x6b: {  	v10 =	vmov s24  }
0x6c: {  	vm0 =	veq.s32 v10, v4  }
0x6d: {  	v10 =	vnsel vm0, $0x0, v9  }
0x6e: {  	(xrf0) =	vadd.scan.msk.s32 $0xffff, v10;
	_ =	sdelay $0x5  }
0x6f: {  	v10, _, _ =	vpop (xrf0)  }
0x70: {  	(v2sf) =	vpush v10, $0xF;
	_ =	sdelay $0xe  }
0x71: {  	s26 =	spop (v2sf)  }
0x72: {  	p1 =	sgt.u32 s26, $0x67F  }
0x73: {  	v10 =	vbroadcast @!p1 v10, $0xF;
	_ =	sdelay $0x1  }
0x74: {  	v11 =	vshll.u32 @!p1 v10, $0x3  }
0x75: {  	v10 =	vand.u32 @!p1 $0x7F, v10;
	v11 =	vand.u32 @!p1 $0xFFFFFC00, v11  }
0x76: {  	v10 =	vor.u32 @!p1 v10, v11  }
0x77: {  	v11 =	vld @!p1 [tilespmem:s25+$0xFFFFFFDE];
	v12 =	vadd.s32 @!p1 v5, v10;
	_ =	sdelay $0x4  }
0x78: {  	[tilespmem:v12+s16+$0x0] =	vst.idx.msk @!p1 $0xffff, v11  }
0x79: {  	v12 =	vadd.s32 @!p1 v6, v10;
	v11 =	vld @!p1 [tilespmem:s25+$0xFFFFFFEE];
	_ =	sdelay $0x4  }
0x7a: {  	[tilespmem:v12+s16+$0x0] =	vst.idx.msk @!p1 $0xffff, v11  }
0x7b: {  	v12 =	vadd.s32 @!p1 v7, v10;
	v11 =	vld @!p1 [tilespmem:s25+$0xFFFFFFFE];
	_ =	sdelay $0x4  }
0x7c: {  	[tilespmem:v12+s16+$0x0] =	vst.idx.msk @!p1 $0xffff, v11  }
0x7d: {  	v10 =	vadd.s32 @!p1 v8, v10;
	v11 =	vld @!p1 [tilespmem:s25+$0x0];
	_ =	sdelay $0x3  }
0x7e: {  	s24 =	sadd.s32 $0x1, s24  }
0x7f: {  	[tilespmem:v10+s16+$0x0] =	vst.idx.msk @!p1 $0xffff, v11;
	p1 =	sne.s32 s24, $0x10  }
.Ltmp6:
0x80: {  	_ = 	snop;
	(pc) =	sbr.rel @p1 .LBB2_7-.Ltmp6, $2  }
0x81: {  	_ =	sdelay $0x2  }
0x82: {  	s25 =	sadd.s32 $0x80, s25  }
.LBB2_8:
0x83: {  	v9 =	vld [tilespmem:$0x20];
	_ =	sdelay $0x4  }
0x84: {  	v9 =	vsub.s32 v9, v1  }
0x85: {  	vm0 =	vlt.u32 v9, $0x680  }
0x86: {  	v10 =	vsel vm0, $0x1, v3  }
0x87: {  	v10 =	vor.u32 $0x80000000, v10  }
0x88: {  	(xrf0) =	vmax.scan.msk.u32 $0xffff, v10;
	_ =	sdelay $0x5  }
0x89: {  	v10, _, _ =	vpop (xrf0)  }
0x8a: {  	(v2sf) =	vpush v10, $0xF;
	_ =	sdelay $0xe  }
0x8b: {  	s24 =	spop (v2sf)  }
0x8c: {  	p1 =	slt.u32 s24, $0x80000001  }
.Ltmp7:
0x8d: {  	_ = 	snop;
	(pc) =	sbr.rel @p1 .LBB2_11-.Ltmp7, $1  }
0x8e: {  	_ =	sdelay $0x3  }
0x8f: {  	s24 =	simm.s32 $0x0;
	s25 =	simm.s32 $0x10A2  }
.LBB2_10:
0x90: {  	v10 =	vmov s24  }
0x91: {  	vm0 =	veq.s32 v10, v4  }
0x92: {  	v10 =	vnsel vm0, $0x0, v9  }
0x93: {  	(xrf0) =	vadd.scan.msk.s32 $0xffff, v10;
	_ =	sdelay $0x5  }
0x94: {  	v10, _, _ =	vpop (xrf0)  }
0x95: {  	(v2sf) =	vpush v10, $0xF;
	_ =	sdelay $0xe  }
0x96: {  	s26 =	spop (v2sf)  }
0x97: {  	p1 =	sgt.u32 s26, $0x67F  }
0x98: {  	v10 =	vbroadcast @!p1 v10, $0xF;
	_ =	sdelay $0x1  }
0x99: {  	v11 =	vshll.u32 @!p1 v10, $0x3  }
0x9a: {  	v10 =	vand.u32 @!p1 $0x7F, v10;
	v11 =	vand.u32 @!p1 $0xFFFFFC00, v11  }
0x9b: {  	v10 =	vor.u32 @!p1 v10, v11  }
0x9c: {  	v11 =	vld @!p1 [tilespmem:s25+$0xFFFFFFDE];
	v12 =	vadd.s32 @!p1 v5, v10;
	_ =	sdelay $0x4  }
0x9d: {  	[tilespmem:v12+s16+$0x0] =	vst.idx.msk @!p1 $0xffff, v11  }
0x9e: {  	v12 =	vadd.s32 @!p1 v6, v10;
	v11 =	vld @!p1 [tilespmem:s25+$0xFFFFFFEE];
	_ =	sdelay $0x4  }
0x9f: {  	[tilespmem:v12+s16+$0x0] =	vst.idx.msk @!p1 $0xffff, v11  }
0xa0: {  	v12 =	vadd.s32 @!p1 v7, v10;
	v11 =	vld @!p1 [tilespmem:s25+$0xFFFFFFFE];
	_ =	sdelay $0x4  }
0xa1: {  	[tilespmem:v12+s16+$0x0] =	vst.idx.msk @!p1 $0xffff, v11  }
0xa2: {  	v10 =	vadd.s32 @!p1 v8, v10;
	v11 =	vld @!p1 [tilespmem:s25+$0x0];
	_ =	sdelay $0x3  }
0xa3: {  	s24 =	sadd.s32 $0x1, s24  }
0xa4: {  	[tilespmem:v10+s16+$0x0] =	vst.idx.msk @!p1 $0xffff, v11;
	p1 =	sne.s32 s24, $0x10  }
.Ltmp8:
0xa5: {  	_ = 	snop;
	(pc) =	sbr.rel @p1 .LBB2_10-.Ltmp8, $2  }
0xa6: {  	_ =	sdelay $0x2  }
0xa7: {  	s25 =	sadd.s32 $0x80, s25  }
.LBB2_11:
0xa8: {  	v9 =	vld [tilespmem:$0x30];
	_ =	sdelay $0x4  }
0xa9: {  	v9 =	vsub.s32 v9, v1  }
0xaa: {  	vm0 =	vlt.u32 v9, $0x680  }
0xab: {  	v10 =	vsel vm0, $0x1, v3  }
0xac: {  	v10 =	vor.u32 $0x80000000, v10  }
0xad: {  	(xrf0) =	vmax.scan.msk.u32 $0xffff, v10;
	_ =	sdelay $0x5  }
0xae: {  	v10, _, _ =	vpop (xrf0)  }
0xaf: {  	(v2sf) =	vpush v10, $0xF;
	_ =	sdelay $0xe  }
0xb0: {  	s24 =	spop (v2sf)  }
0xb1: {  	p1 =	slt.u32 s24, $0x80000001  }
.Ltmp9:
0xb2: {  	_ = 	snop;
	(pc) =	sbr.rel @p1 .LBB2_14-.Ltmp9, $1  }
0xb3: {  	_ =	sdelay $0x3  }
0xb4: {  	s24 =	simm.s32 $0x0;
	s25 =	simm.s32 $0x18A2  }
.LBB2_13:
0xb5: {  	v10 =	vmov s24  }
0xb6: {  	vm0 =	veq.s32 v10, v4  }
0xb7: {  	v10 =	vnsel vm0, $0x0, v9  }
0xb8: {  	(xrf0) =	vadd.scan.msk.s32 $0xffff, v10;
	_ =	sdelay $0x5  }
0xb9: {  	v10, _, _ =	vpop (xrf0)  }
0xba: {  	(v2sf) =	vpush v10, $0xF;
	_ =	sdelay $0xe  }
0xbb: {  	s26 =	spop (v2sf)  }
0xbc: {  	p1 =	sgt.u32 s26, $0x67F  }
0xbd: {  	v10 =	vbroadcast @!p1 v10, $0xF;
	_ =	sdelay $0x1  }
0xbe: {  	v11 =	vshll.u32 @!p1 v10, $0x3  }
0xbf: {  	v10 =	vand.u32 @!p1 $0x7F, v10;
	v11 =	vand.u32 @!p1 $0xFFFFFC00, v11  }
0xc0: {  	v10 =	vor.u32 @!p1 v10, v11  }
0xc1: {  	v11 =	vld @!p1 [tilespmem:s25+$0xFFFFFFDE];
	v12 =	vadd.s32 @!p1 v5, v10;
	_ =	sdelay $0x4  }
0xc2: {  	[tilespmem:v12+s16+$0x0] =	vst.idx.msk @!p1 $0xffff, v11  }
0xc3: {  	v12 =	vadd.s32 @!p1 v6, v10;
	v11 =	vld @!p1 [tilespmem:s25+$0xFFFFFFEE];
	_ =	sdelay $0x4  }
0xc4: {  	[tilespmem:v12+s16+$0x0] =	vst.idx.msk @!p1 $0xffff, v11  }
0xc5: {  	v12 =	vadd.s32 @!p1 v7, v10;
	v11 =	vld @!p1 [tilespmem:s25+$0xFFFFFFFE];
	_ =	sdelay $0x4  }
0xc6: {  	[tilespmem:v12+s16+$0x0] =	vst.idx.msk @!p1 $0xffff, v11  }
0xc7: {  	v10 =	vadd.s32 @!p1 v8, v10;
	v11 =	vld @!p1 [tilespmem:s25+$0x0];
	_ =	sdelay $0x3  }
0xc8: {  	s24 =	sadd.s32 $0x1, s24  }
0xc9: {  	[tilespmem:v10+s16+$0x0] =	vst.idx.msk @!p1 $0xffff, v11;
	p1 =	sne.s32 s24, $0x10  }
.Ltmp10:
0xca: {  	_ = 	snop;
	(pc) =	sbr.rel @p1 .LBB2_13-.Ltmp10, $2  }
0xcb: {  	_ =	sdelay $0x2  }
0xcc: {  	s25 =	sadd.s32 $0x80, s25  }
.LBB2_14:
0xcd: {  	v9 =	vld [tilespmem:$0x40];
	_ =	sdelay $0x4  }
0xce: {  	v9 =	vsub.s32 v9, v1  }
0xcf: {  	vm0 =	vlt.u32 v9, $0x680  }
0xd0: {  	v10 =	vsel vm0, $0x1, v3  }
0xd1: {  	v10 =	vor.u32 $0x80000000, v10  }
0xd2: {  	(xrf0) =	vmax.scan.msk.u32 $0xffff, v10;
	_ =	sdelay $0x5  }
0xd3: {  	v10, _, _ =	vpop (xrf0)  }
0xd4: {  	(v2sf) =	vpush v10, $0xF;
	_ =	sdelay $0xe  }
0xd5: {  	s24 =	spop (v2sf)  }
0xd6: {  	p1 =	slt.u32 s24, $0x80000001  }
.Ltmp11:
0xd7: {  	_ = 	snop;
	(pc) =	sbr.rel @p1 .LBB2_17-.Ltmp11, $1  }
0xd8: {  	_ =	sdelay $0x3  }
0xd9: {  	s24 =	simm.s32 $0x0;
	s25 =	simm.s32 $0x20A2  }
.LBB2_16:
0xda: {  	v10 =	vmov s24  }
0xdb: {  	vm0 =	veq.s32 v10, v4  }
0xdc: {  	v10 =	vnsel vm0, $0x0, v9  }
0xdd: {  	(xrf0) =	vadd.scan.msk.s32 $0xffff, v10;
	_ =	sdelay $0x5  }
0xde: {  	v10, _, _ =	vpop (xrf0)  }
0xdf: {  	(v2sf) =	vpush v10, $0xF;
	_ =	sdelay $0xe  }
0xe0: {  	s26 =	spop (v2sf)  }
0xe1: {  	p1 =	sgt.u32 s26, $0x67F  }
0xe2: {  	v10 =	vbroadcast @!p1 v10, $0xF;
	_ =	sdelay $0x1  }
0xe3: {  	v11 =	vshll.u32 @!p1 v10, $0x3  }
0xe4: {  	v10 =	vand.u32 @!p1 $0x7F, v10;
	v11 =	vand.u32 @!p1 $0xFFFFFC00, v11  }
0xe5: {  	v10 =	vor.u32 @!p1 v10, v11  }
0xe6: {  	v11 =	vld @!p1 [tilespmem:s25+$0xFFFFFFDE];
	v12 =	vadd.s32 @!p1 v5, v10;
	_ =	sdelay $0x4  }
0xe7: {  	[tilespmem:v12+s16+$0x0] =	vst.idx.msk @!p1 $0xffff, v11  }
0xe8: {  	v12 =	vadd.s32 @!p1 v6, v10;
	v11 =	vld @!p1 [tilespmem:s25+$0xFFFFFFEE];
	_ =	sdelay $0x4  }
0xe9: {  	[tilespmem:v12+s16+$0x0] =	vst.idx.msk @!p1 $0xffff, v11  }
0xea: {  	v12 =	vadd.s32 @!p1 v7, v10;
	v11 =	vld @!p1 [tilespmem:s25+$0xFFFFFFFE];
	_ =	sdelay $0x4  }
0xeb: {  	[tilespmem:v12+s16+$0x0] =	vst.idx.msk @!p1 $0xffff, v11  }
0xec: {  	v10 =	vadd.s32 @!p1 v8, v10;
	v11 =	vld @!p1 [tilespmem:s25+$0x0];
	_ =	sdelay $0x3  }
0xed: {  	s24 =	sadd.s32 $0x1, s24  }
0xee: {  	[tilespmem:v10+s16+$0x0] =	vst.idx.msk @!p1 $0xffff, v11;
	p1 =	sne.s32 s24, $0x10  }
.Ltmp12:
0xef: {  	_ = 	snop;
	(pc) =	sbr.rel @p1 .LBB2_16-.Ltmp12, $2  }
0xf0: {  	_ =	sdelay $0x2  }
0xf1: {  	s25 =	sadd.s32 $0x80, s25  }
.LBB2_17:
0xf2: {  	v9 =	vld [tilespmem:$0x50];
	_ =	sdelay $0x4  }
0xf3: {  	v9 =	vsub.s32 v9, v1  }
0xf4: {  	vm0 =	vlt.u32 v9, $0x680  }
0xf5: {  	v10 =	vsel vm0, $0x1, v3  }
0xf6: {  	v10 =	vor.u32 $0x80000000, v10  }
0xf7: {  	(xrf0) =	vmax.scan.msk.u32 $0xffff, v10;
	_ =	sdelay $0x5  }
0xf8: {  	v10, _, _ =	vpop (xrf0)  }
0xf9: {  	(v2sf) =	vpush v10, $0xF;
	_ =	sdelay $0xe  }
0xfa: {  	s24 =	spop (v2sf)  }
0xfb: {  	p1 =	slt.u32 s24, $0x80000001  }
.Ltmp13:
0xfc: {  	_ = 	snop;
	(pc) =	sbr.rel @p1 .LBB2_20-.Ltmp13, $1  }
0xfd: {  	_ =	sdelay $0x3  }
0xfe: {  	s24 =	simm.s32 $0x0;
	s25 =	simm.s32 $0x28A2  }
.LBB2_19:
0xff: {  	v10 =	vmov s24  }
0x100: {  	vm0 =	veq.s32 v10, v4  }
0x101: {  	v10 =	vnsel vm0, $0x0, v9  }
0x102: {  	(xrf0) =	vadd.scan.msk.s32 $0xffff, v10;
	_ =	sdelay $0x5  }
0x103: {  	v10, _, _ =	vpop (xrf0)  }
0x104: {  	(v2sf) =	vpush v10, $0xF;
	_ =	sdelay $0xe  }
0x105: {  	s26 =	spop (v2sf)  }
0x106: {  	p1 =	sgt.u32 s26, $0x67F  }
0x107: {  	v10 =	vbroadcast @!p1 v10, $0xF;
	_ =	sdelay $0x1  }
0x108: {  	v11 =	vshll.u32 @!p1 v10, $0x3  }
0x109: {  	v10 =	vand.u32 @!p1 $0x7F, v10;
	v11 =	vand.u32 @!p1 $0xFFFFFC00, v11  }
0x10a: {  	v10 =	vor.u32 @!p1 v10, v11  }
0x10b: {  	v11 =	vld @!p1 [tilespmem:s25+$0xFFFFFFDE];
	v12 =	vadd.s32 @!p1 v5, v10;
	_ =	sdelay $0x4  }
0x10c: {  	[tilespmem:v12+s16+$0x0] =	vst.idx.msk @!p1 $0xffff, v11  }
0x10d: {  	v12 =	vadd.s32 @!p1 v6, v10;
	v11 =	vld @!p1 [tilespmem:s25+$0xFFFFFFEE];
	_ =	sdelay $0x4  }
0x10e: {  	[tilespmem:v12+s16+$0x0] =	vst.idx.msk @!p1 $0xffff, v11  }
0x10f: {  	v12 =	vadd.s32 @!p1 v7, v10;
	v11 =	vld @!p1 [tilespmem:s25+$0xFFFFFFFE];
	_ =	sdelay $0x4  }
0x110: {  	[tilespmem:v12+s16+$0x0] =	vst.idx.msk @!p1 $0xffff, v11  }
0x111: {  	v10 =	vadd.s32 @!p1 v8, v10;
	v11 =	vld @!p1 [tilespmem:s25+$0x0];
	_ =	sdelay $0x3  }
0x112: {  	s24 =	sadd.s32 $0x1, s24  }
0x113: {  	[tilespmem:v10+s16+$0x0] =	vst.idx.msk @!p1 $0xffff, v11;
	p1 =	sne.s32 s24, $0x10  }
.Ltmp14:
0x114: {  	_ = 	snop;
	(pc) =	sbr.rel @p1 .LBB2_19-.Ltmp14, $2  }
0x115: {  	_ =	sdelay $0x2  }
0x116: {  	s25 =	sadd.s32 $0x80, s25  }
.LBB2_20:
0x117: {  	v9 =	vld [tilespmem:$0x60];
	_ =	sdelay $0x4  }
0x118: {  	v9 =	vsub.s32 v9, v1  }
0x119: {  	vm0 =	vlt.u32 v9, $0x680  }
0x11a: {  	v10 =	vsel vm0, $0x1, v3  }
0x11b: {  	v10 =	vor.u32 $0x80000000, v10  }
0x11c: {  	(xrf0) =	vmax.scan.msk.u32 $0xffff, v10;
	_ =	sdelay $0x5  }
0x11d: {  	v10, _, _ =	vpop (xrf0)  }
0x11e: {  	(v2sf) =	vpush v10, $0xF;
	_ =	sdelay $0xe  }
0x11f: {  	s24 =	spop (v2sf)  }
0x120: {  	p1 =	slt.u32 s24, $0x80000001  }
.Ltmp15:
0x121: {  	_ = 	snop;
	(pc) =	sbr.rel @p1 .LBB2_23-.Ltmp15, $1  }
0x122: {  	_ =	sdelay $0x3  }
0x123: {  	s24 =	simm.s32 $0x0;
	s25 =	simm.s32 $0x30A2  }
.LBB2_22:
0x124: {  	v10 =	vmov s24  }
0x125: {  	vm0 =	veq.s32 v10, v4  }
0x126: {  	v10 =	vnsel vm0, $0x0, v9  }
0x127: {  	(xrf0) =	vadd.scan.msk.s32 $0xffff, v10;
	_ =	sdelay $0x5  }
0x128: {  	v10, _, _ =	vpop (xrf0)  }
0x129: {  	(v2sf) =	vpush v10, $0xF;
	_ =	sdelay $0xe  }
0x12a: {  	s26 =	spop (v2sf)  }
0x12b: {  	p1 =	sgt.u32 s26, $0x67F  }
0x12c: {  	v10 =	vbroadcast @!p1 v10, $0xF;
	_ =	sdelay $0x1  }
0x12d: {  	v11 =	vshll.u32 @!p1 v10, $0x3  }
0x12e: {  	v10 =	vand.u32 @!p1 $0x7F, v10;
	v11 =	vand.u32 @!p1 $0xFFFFFC00, v11  }
0x12f: {  	v10 =	vor.u32 @!p1 v10, v11  }
0x130: {  	v11 =	vld @!p1 [tilespmem:s25+$0xFFFFFFDE];
	v12 =	vadd.s32 @!p1 v5, v10;
	_ =	sdelay $0x4  }
0x131: {  	[tilespmem:v12+s16+$0x0] =	vst.idx.msk @!p1 $0xffff, v11  }
0x132: {  	v12 =	vadd.s32 @!p1 v6, v10;
	v11 =	vld @!p1 [tilespmem:s25+$0xFFFFFFEE];
	_ =	sdelay $0x4  }
0x133: {  	[tilespmem:v12+s16+$0x0] =	vst.idx.msk @!p1 $0xffff, v11  }
0x134: {  	v12 =	vadd.s32 @!p1 v7, v10;
	v11 =	vld @!p1 [tilespmem:s25+$0xFFFFFFFE];
	_ =	sdelay $0x4  }
0x135: {  	[tilespmem:v12+s16+$0x0] =	vst.idx.msk @!p1 $0xffff, v11  }
0x136: {  	v10 =	vadd.s32 @!p1 v8, v10;
	v11 =	vld @!p1 [tilespmem:s25+$0x0];
	_ =	sdelay $0x3  }
0x137: {  	s24 =	sadd.s32 $0x1, s24  }
0x138: {  	[tilespmem:v10+s16+$0x0] =	vst.idx.msk @!p1 $0xffff, v11;
	p1 =	sne.s32 s24, $0x10  }
.Ltmp16:
0x139: {  	_ = 	snop;
	(pc) =	sbr.rel @p1 .LBB2_22-.Ltmp16, $2  }
0x13a: {  	_ =	sdelay $0x2  }
0x13b: {  	s25 =	sadd.s32 $0x80, s25  }
.LBB2_23:
0x13c: {  	v9 =	vld [tilespmem:$0x70];
	_ =	sdelay $0x4  }
0x13d: {  	v9 =	vsub.s32 v9, v1  }
0x13e: {  	vm0 =	vlt.u32 v9, $0x680  }
0x13f: {  	v10 =	vsel vm0, $0x1, v3  }
0x140: {  	v10 =	vor.u32 $0x80000000, v10  }
0x141: {  	(xrf0) =	vmax.scan.msk.u32 $0xffff, v10;
	_ =	sdelay $0x5  }
0x142: {  	v10, _, _ =	vpop (xrf0)  }
0x143: {  	(v2sf) =	vpush v10, $0xF;
	_ =	sdelay $0xe  }
0x144: {  	s24 =	spop (v2sf)  }
0x145: {  	p1 =	slt.u32 s24, $0x80000001  }
.Ltmp17:
0x146: {  	_ = 	snop;
	(pc) =	sbr.rel @p1 .LBB2_26-.Ltmp17, $1  }
0x147: {  	_ =	sdelay $0x3  }
0x148: {  	s24 =	simm.s32 $0x0;
	s25 =	simm.s32 $0x38A2  }
.LBB2_25:
0x149: {  	v10 =	vmov s24  }
0x14a: {  	vm0 =	veq.s32 v10, v4  }
0x14b: {  	v10 =	vnsel vm0, $0x0, v9  }
0x14c: {  	(xrf0) =	vadd.scan.msk.s32 $0xffff, v10;
	_ =	sdelay $0x5  }
0x14d: {  	v10, _, _ =	vpop (xrf0)  }
0x14e: {  	(v2sf) =	vpush v10, $0xF;
	_ =	sdelay $0xe  }
0x14f: {  	s26 =	spop (v2sf)  }
0x150: {  	p1 =	sgt.u32 s26, $0x67F  }
0x151: {  	v10 =	vbroadcast @!p1 v10, $0xF;
	_ =	sdelay $0x1  }
0x152: {  	v11 =	vshll.u32 @!p1 v10, $0x3  }
0x153: {  	v10 =	vand.u32 @!p1 $0x7F, v10;
	v11 =	vand.u32 @!p1 $0xFFFFFC00, v11  }
0x154: {  	v10 =	vor.u32 @!p1 v10, v11  }
0x155: {  	v11 =	vld @!p1 [tilespmem:s25+$0xFFFFFFDE];
	v12 =	vadd.s32 @!p1 v5, v10;
	_ =	sdelay $0x4  }
0x156: {  	[tilespmem:v12+s16+$0x0] =	vst.idx.msk @!p1 $0xffff, v11  }
0x157: {  	v12 =	vadd.s32 @!p1 v6, v10;
	v11 =	vld @!p1 [tilespmem:s25+$0xFFFFFFEE];
	_ =	sdelay $0x4  }
0x158: {  	[tilespmem:v12+s16+$0x0] =	vst.idx.msk @!p1 $0xffff, v11  }
0x159: {  	v12 =	vadd.s32 @!p1 v7, v10;
	v11 =	vld @!p1 [tilespmem:s25+$0xFFFFFFFE];
	_ =	sdelay $0x4  }
0x15a: {  	[tilespmem:v12+s16+$0x0] =	vst.idx.msk @!p1 $0xffff, v11  }
0x15b: {  	v10 =	vadd.s32 @!p1 v8, v10;
	v11 =	vld @!p1 [tilespmem:s25+$0x0];
	_ =	sdelay $0x3  }
0x15c: {  	s24 =	sadd.s32 $0x1, s24  }
0x15d: {  	[tilespmem:v10+s16+$0x0] =	vst.idx.msk @!p1 $0xffff, v11;
	p1 =	sne.s32 s24, $0x10  }
.Ltmp18:
0x15e: {  	_ = 	snop;
	(pc) =	sbr.rel @p1 .LBB2_25-.Ltmp18, $2  }
0x15f: {  	_ =	sdelay $0x2  }
0x160: {  	s25 =	sadd.s32 $0x80, s25  }
.LBB2_26:
.Ltmp19:
0x161: {  	(pc) =	sbr.rel .LBB2_51-.Ltmp19, $4  }
0x162: {  	[hbm4b:s8+s14] =	stream.strided.scatter [tilespmem:s16], [sflag:$0x1], $0x16C00, s15, s14, $0x38;
	[tilespmem:$0x1AC80] =	vst v63  }
0x163: {  	_ =	swait.ge [sflag:s12], $0x16C00  }
0x164: {  	[sflag:s12] =	ssyncset.done $0x0  }
0x165: {  	[sflag:s12] =	ssyncadd.s32 $0xFFFE9400  }
.LBB2_27:
0x166: {  	s24 =	simm.s32 $0x0  }
0x167: {  	[tilespmem:s16], [sflag:$0x1] =	stream.linear.gather [hbm4b:s5+s24], $0x3000, $0x38;
	[tilespmem:$0x1AC80] =	vst v63  }
0x168: {  	s25 =	sadd.s32 $0x18700, s5  }
0x169: {  	[tilespmem:s17], [sflag:$0x1] =	stream.linear.gather [hbm4b:s25+s24], $0x3000, $0x38;
	[tilespmem:$0x1AC80] =	vst v63  }
0x16a: {  	s31 =	sadd.s32 $0x30E00, s5  }
0x16b: {  	[tilespmem:s18], [sflag:$0x1] =	stream.linear.gather [hbm4b:s31+s24], $0x3000, $0x38;
	[tilespmem:$0x1AC80] =	vst v63  }
0x16c: {  	s26 =	sadd.s32 $0x49500, s5  }
0x16d: {  	[tilespmem:s19], [sflag:$0x1] =	stream.linear.gather [hbm4b:s26+s24], $0x3000, $0x38;
	[tilespmem:$0x1AC80] =	vst v63  }
0x16e: {  	s28 =	sadd.s32 $0x61C00, s5  }
0x16f: {  	[tilespmem:s20], [sflag:$0x1] =	stream.linear.gather [hbm4b:s28+s24], $0x3000, $0x38;
	[tilespmem:$0x1AC80] =	vst v63  }
0x170: {  	s29 =	sadd.s32 $0x7A300, s5  }
0x171: {  	[tilespmem:s21], [sflag:$0x1] =	stream.linear.gather [hbm4b:s29+s24], $0x3000, $0x38;
	[tilespmem:$0x1AC80] =	vst v63  }
0x172: {  	s30 =	sadd.s32 $0x92A00, s5  }
0x173: {  	[tilespmem:s22], [sflag:$0x1] =	stream.linear.gather [hbm4b:s30+s24], $0x3000, $0x38;
	[tilespmem:$0x1AC80] =	vst v63  }
0x174: {  	_ =	swait.ge [sflag:s12], $0x15000  }
0x175: {  	[sflag:s12] =	ssyncset.done $0x0  }
0x176: {  	[sflag:s12] =	ssyncadd.s32 $0xFFFEB000  }
0x177: {  	v9 =	vld [tilespmem:$0x0];
	_ =	sdelay $0x4  }
0x178: {  	v9 =	vsub.s32 v9, v0  }
0x179: {  	vm0 =	vlt.u32 v9, $0x600  }
0x17a: {  	v10 =	vsel vm0, $0x1, v3  }
0x17b: {  	v10 =	vor.u32 $0x80000000, v10  }
0x17c: {  	(xrf0) =	vmax.scan.msk.u32 $0xffff, v10;
	_ =	sdelay $0x5  }
0x17d: {  	v10, _, _ =	vpop (xrf0)  }
0x17e: {  	(v2sf) =	vpush v10, $0xF;
	_ =	sdelay $0xe  }
0x17f: {  	s31 =	spop (v2sf)  }
0x180: {  	p1 =	slt.u32 s31, $0x80000001  }
.Ltmp20:
0x181: {  	_ = 	snop;
	(pc) =	sbr.rel @p1 .LBB2_29-.Ltmp20, $2  }
0x182: {  	_ =	sdelay $0x2  }
0x183: {  	s25 =	simm.s32 $0xA0  }
.LBB2_28:
0x184: {  	v10 =	vmov s24  }
0x185: {  	vm0 =	veq.s32 v10, v4  }
0x186: {  	v10 =	vnsel vm0, $0x0, v9  }
0x187: {  	(xrf0) =	vadd.scan.msk.s32 $0xffff, v10;
	_ =	sdelay $0x5  }
0x188: {  	v10, _, _ =	vpop (xrf0)  }
0x189: {  	(v2sf) =	vpush v10, $0xF;
	_ =	sdelay $0xe  }
0x18a: {  	s26 =	spop (v2sf)  }
0x18b: {  	p1 =	sgt.u32 s26, $0x5FF  }
0x18c: {  	v10 =	vbroadcast @!p1 v10, $0xF;
	_ =	sdelay $0x1  }
0x18d: {  	v11 =	vshll.u32 @!p1 v10, $0x3  }
0x18e: {  	v10 =	vand.u32 @!p1 $0x7F, v10;
	v11 =	vand.u32 @!p1 $0xFFFFFC00, v11  }
0x18f: {  	v10 =	vor.u32 @!p1 v10, v11  }
0x190: {  	v11 =	vld @!p1 [tilespmem:s25+$0xFFFFFFE0];
	v12 =	vadd.s32 @!p1 v5, v10;
	_ =	sdelay $0x4  }
0x191: {  	[tilespmem:v12+s16+$0x0] =	vst.idx.msk @!p1 $0xffff, v11  }
0x192: {  	v12 =	vadd.s32 @!p1 v6, v10;
	v11 =	vld @!p1 [tilespmem:s25+$0xFFFFFFF0];
	_ =	sdelay $0x4  }
0x193: {  	[tilespmem:v12+s16+$0x0] =	vst.idx.msk @!p1 $0xffff, v11  }
0x194: {  	v12 =	vadd.s32 @!p1 v7, v10;
	v11 =	vld @!p1 [tilespmem:s25+$0x0];
	_ =	sdelay $0x4  }
0x195: {  	[tilespmem:v12+s16+$0x0] =	vst.idx.msk @!p1 $0xffff, v11  }
0x196: {  	v10 =	vadd.s32 @!p1 v8, v10;
	v11 =	vld @!p1 [tilespmem:s25+$0x2];
	_ =	sdelay $0x3  }
0x197: {  	s24 =	sadd.s32 $0x1, s24  }
0x198: {  	[tilespmem:v10+s16+$0x0] =	vst.idx.msk @!p1 $0xffff, v11;
	p1 =	sne.s32 s24, $0x10  }
.Ltmp21:
0x199: {  	_ = 	snop;
	(pc) =	sbr.rel @p1 .LBB2_28-.Ltmp21, $2  }
0x19a: {  	_ =	sdelay $0x2  }
0x19b: {  	s25 =	sadd.s32 $0x80, s25  }
.LBB2_29:
0x19c: {  	v9 =	vld [tilespmem:$0x10];
	_ =	sdelay $0x4  }
0x19d: {  	v9 =	vsub.s32 v9, v0  }
0x19e: {  	vm0 =	vlt.u32 v9, $0x600  }
0x19f: {  	v10 =	vsel vm0, $0x1, v3  }
0x1a0: {  	v10 =	vor.u32 $0x80000000, v10  }
0x1a1: {  	(xrf0) =	vmax.scan.msk.u32 $0xffff, v10;
	_ =	sdelay $0x5  }
0x1a2: {  	v10, _, _ =	vpop (xrf0)  }
0x1a3: {  	(v2sf) =	vpush v10, $0xF;
	_ =	sdelay $0xe  }
0x1a4: {  	s24 =	spop (v2sf)  }
0x1a5: {  	p1 =	slt.u32 s24, $0x80000001  }
.Ltmp22:
0x1a6: {  	_ = 	snop;
	(pc) =	sbr.rel @p1 .LBB2_32-.Ltmp22, $1  }
0x1a7: {  	_ =	sdelay $0x3  }
0x1a8: {  	s24 =	simm.s32 $0x0;
	s25 =	simm.s32 $0x8A2  }
.LBB2_31:
0x1a9: {  	v10 =	vmov s24  }
0x1aa: {  	vm0 =	veq.s32 v10, v4  }
0x1ab: {  	v10 =	vnsel vm0, $0x0, v9  }
0x1ac: {  	(xrf0) =	vadd.scan.msk.s32 $0xffff, v10;
	_ =	sdelay $0x5  }
0x1ad: {  	v10, _, _ =	vpop (xrf0)  }
0x1ae: {  	(v2sf) =	vpush v10, $0xF;
	_ =	sdelay $0xe  }
0x1af: {  	s26 =	spop (v2sf)  }
0x1b0: {  	p1 =	sgt.u32 s26, $0x5FF  }
0x1b1: {  	v10 =	vbroadcast @!p1 v10, $0xF;
	_ =	sdelay $0x1  }
0x1b2: {  	v11 =	vshll.u32 @!p1 v10, $0x3  }
0x1b3: {  	v10 =	vand.u32 @!p1 $0x7F, v10;
	v11 =	vand.u32 @!p1 $0xFFFFFC00, v11  }
0x1b4: {  	v10 =	vor.u32 @!p1 v10, v11  }
0x1b5: {  	v11 =	vld @!p1 [tilespmem:s25+$0xFFFFFFDE];
	v12 =	vadd.s32 @!p1 v5, v10;
	_ =	sdelay $0x4  }
0x1b6: {  	[tilespmem:v12+s16+$0x0] =	vst.idx.msk @!p1 $0xffff, v11  }
0x1b7: {  	v12 =	vadd.s32 @!p1 v6, v10;
	v11 =	vld @!p1 [tilespmem:s25+$0xFFFFFFEE];
	_ =	sdelay $0x4  }
0x1b8: {  	[tilespmem:v12+s16+$0x0] =	vst.idx.msk @!p1 $0xffff, v11  }
0x1b9: {  	v12 =	vadd.s32 @!p1 v7, v10;
	v11 =	vld @!p1 [tilespmem:s25+$0xFFFFFFFE];
	_ =	sdelay $0x4  }
0x1ba: {  	[tilespmem:v12+s16+$0x0] =	vst.idx.msk @!p1 $0xffff, v11  }
0x1bb: {  	v10 =	vadd.s32 @!p1 v8, v10;
	v11 =	vld @!p1 [tilespmem:s25+$0x0];
	_ =	sdelay $0x3  }
0x1bc: {  	s24 =	sadd.s32 $0x1, s24  }
0x1bd: {  	[tilespmem:v10+s16+$0x0] =	vst.idx.msk @!p1 $0xffff, v11;
	p1 =	sne.s32 s24, $0x10  }
.Ltmp23:
0x1be: {  	_ = 	snop;
	(pc) =	sbr.rel @p1 .LBB2_31-.Ltmp23, $2  }
0x1bf: {  	_ =	sdelay $0x2  }
0x1c0: {  	s25 =	sadd.s32 $0x80, s25  }
.LBB2_32:
0x1c1: {  	v9 =	vld [tilespmem:$0x20];
	_ =	sdelay $0x4  }
0x1c2: {  	v9 =	vsub.s32 v9, v0  }
0x1c3: {  	vm0 =	vlt.u32 v9, $0x600  }
0x1c4: {  	v10 =	vsel vm0, $0x1, v3  }
0x1c5: {  	v10 =	vor.u32 $0x80000000, v10  }
0x1c6: {  	(xrf0) =	vmax.scan.msk.u32 $0xffff, v10;
	_ =	sdelay $0x5  }
0x1c7: {  	v10, _, _ =	vpop (xrf0)  }
0x1c8: {  	(v2sf) =	vpush v10, $0xF;
	_ =	sdelay $0xe  }
0x1c9: {  	s24 =	spop (v2sf)  }
0x1ca: {  	p1 =	slt.u32 s24, $0x80000001  }
.Ltmp24:
0x1cb: {  	_ = 	snop;
	(pc) =	sbr.rel @p1 .LBB2_35-.Ltmp24, $1  }
0x1cc: {  	_ =	sdelay $0x3  }
0x1cd: {  	s24 =	simm.s32 $0x0;
	s25 =	simm.s32 $0x10A2  }
.LBB2_34:
0x1ce: {  	v10 =	vmov s24  }
0x1cf: {  	vm0 =	veq.s32 v10, v4  }
0x1d0: {  	v10 =	vnsel vm0, $0x0, v9  }
0x1d1: {  	(xrf0) =	vadd.scan.msk.s32 $0xffff, v10;
	_ =	sdelay $0x5  }
0x1d2: {  	v10, _, _ =	vpop (xrf0)  }
0x1d3: {  	(v2sf) =	vpush v10, $0xF;
	_ =	sdelay $0xe  }
0x1d4: {  	s26 =	spop (v2sf)  }
0x1d5: {  	p1 =	sgt.u32 s26, $0x5FF  }
0x1d6: {  	v10 =	vbroadcast @!p1 v10, $0xF;
	_ =	sdelay $0x1  }
0x1d7: {  	v11 =	vshll.u32 @!p1 v10, $0x3  }
0x1d8: {  	v10 =	vand.u32 @!p1 $0x7F, v10;
	v11 =	vand.u32 @!p1 $0xFFFFFC00, v11  }
0x1d9: {  	v10 =	vor.u32 @!p1 v10, v11  }
0x1da: {  	v11 =	vld @!p1 [tilespmem:s25+$0xFFFFFFDE];
	v12 =	vadd.s32 @!p1 v5, v10;
	_ =	sdelay $0x4  }
0x1db: {  	[tilespmem:v12+s16+$0x0] =	vst.idx.msk @!p1 $0xffff, v11  }
0x1dc: {  	v12 =	vadd.s32 @!p1 v6, v10;
	v11 =	vld @!p1 [tilespmem:s25+$0xFFFFFFEE];
	_ =	sdelay $0x4  }
0x1dd: {  	[tilespmem:v12+s16+$0x0] =	vst.idx.msk @!p1 $0xffff, v11  }
0x1de: {  	v12 =	vadd.s32 @!p1 v7, v10;
	v11 =	vld @!p1 [tilespmem:s25+$0xFFFFFFFE];
	_ =	sdelay $0x4  }
0x1df: {  	[tilespmem:v12+s16+$0x0] =	vst.idx.msk @!p1 $0xffff, v11  }
0x1e0: {  	v10 =	vadd.s32 @!p1 v8, v10;
	v11 =	vld @!p1 [tilespmem:s25+$0x0];
	_ =	sdelay $0x3  }
0x1e1: {  	s24 =	sadd.s32 $0x1, s24  }
0x1e2: {  	[tilespmem:v10+s16+$0x0] =	vst.idx.msk @!p1 $0xffff, v11;
	p1 =	sne.s32 s24, $0x10  }
.Ltmp25:
0x1e3: {  	_ = 	snop;
	(pc) =	sbr.rel @p1 .LBB2_34-.Ltmp25, $2  }
0x1e4: {  	_ =	sdelay $0x2  }
0x1e5: {  	s25 =	sadd.s32 $0x80, s25  }
.LBB2_35:
0x1e6: {  	v9 =	vld [tilespmem:$0x30];
	_ =	sdelay $0x4  }
0x1e7: {  	v9 =	vsub.s32 v9, v0  }
0x1e8: {  	vm0 =	vlt.u32 v9, $0x600  }
0x1e9: {  	v10 =	vsel vm0, $0x1, v3  }
0x1ea: {  	v10 =	vor.u32 $0x80000000, v10  }
0x1eb: {  	(xrf0) =	vmax.scan.msk.u32 $0xffff, v10;
	_ =	sdelay $0x5  }
0x1ec: {  	v10, _, _ =	vpop (xrf0)  }
0x1ed: {  	(v2sf) =	vpush v10, $0xF;
	_ =	sdelay $0xe  }
0x1ee: {  	s24 =	spop (v2sf)  }
0x1ef: {  	p1 =	slt.u32 s24, $0x80000001  }
.Ltmp26:
0x1f0: {  	_ = 	snop;
	(pc) =	sbr.rel @p1 .LBB2_38-.Ltmp26, $1  }
0x1f1: {  	_ =	sdelay $0x3  }
0x1f2: {  	s24 =	simm.s32 $0x0;
	s25 =	simm.s32 $0x18A2  }
.LBB2_37:
0x1f3: {  	v10 =	vmov s24  }
0x1f4: {  	vm0 =	veq.s32 v10, v4  }
0x1f5: {  	v10 =	vnsel vm0, $0x0, v9  }
0x1f6: {  	(xrf0) =	vadd.scan.msk.s32 $0xffff, v10;
	_ =	sdelay $0x5  }
0x1f7: {  	v10, _, _ =	vpop (xrf0)  }
0x1f8: {  	(v2sf) =	vpush v10, $0xF;
	_ =	sdelay $0xe  }
0x1f9: {  	s26 =	spop (v2sf)  }
0x1fa: {  	p1 =	sgt.u32 s26, $0x5FF  }
0x1fb: {  	v10 =	vbroadcast @!p1 v10, $0xF;
	_ =	sdelay $0x1  }
0x1fc: {  	v11 =	vshll.u32 @!p1 v10, $0x3  }
0x1fd: {  	v10 =	vand.u32 @!p1 $0x7F, v10;
	v11 =	vand.u32 @!p1 $0xFFFFFC00, v11  }
0x1fe: {  	v10 =	vor.u32 @!p1 v10, v11  }
0x1ff: {  	v11 =	vld @!p1 [tilespmem:s25+$0xFFFFFFDE];
	v12 =	vadd.s32 @!p1 v5, v10;
	_ =	sdelay $0x4  }
0x200: {  	[tilespmem:v12+s16+$0x0] =	vst.idx.msk @!p1 $0xffff, v11  }
0x201: {  	v12 =	vadd.s32 @!p1 v6, v10;
	v11 =	vld @!p1 [tilespmem:s25+$0xFFFFFFEE];
	_ =	sdelay $0x4  }
0x202: {  	[tilespmem:v12+s16+$0x0] =	vst.idx.msk @!p1 $0xffff, v11  }
0x203: {  	v12 =	vadd.s32 @!p1 v7, v10;
	v11 =	vld @!p1 [tilespmem:s25+$0xFFFFFFFE];
	_ =	sdelay $0x4  }
0x204: {  	[tilespmem:v12+s16+$0x0] =	vst.idx.msk @!p1 $0xffff, v11  }
0x205: {  	v10 =	vadd.s32 @!p1 v8, v10;
	v11 =	vld @!p1 [tilespmem:s25+$0x0];
	_ =	sdelay $0x3  }
0x206: {  	s24 =	sadd.s32 $0x1, s24  }
0x207: {  	[tilespmem:v10+s16+$0x0] =	vst.idx.msk @!p1 $0xffff, v11;
	p1 =	sne.s32 s24, $0x10  }
.Ltmp27:
0x208: {  	_ = 	snop;
	(pc) =	sbr.rel @p1 .LBB2_37-.Ltmp27, $2  }
0x209: {  	_ =	sdelay $0x2  }
0x20a: {  	s25 =	sadd.s32 $0x80, s25  }
.LBB2_38:
0x20b: {  	v9 =	vld [tilespmem:$0x40];
	_ =	sdelay $0x4  }
0x20c: {  	v9 =	vsub.s32 v9, v0  }
0x20d: {  	vm0 =	vlt.u32 v9, $0x600  }
0x20e: {  	v10 =	vsel vm0, $0x1, v3  }
0x20f: {  	v10 =	vor.u32 $0x80000000, v10  }
0x210: {  	(xrf0) =	vmax.scan.msk.u32 $0xffff, v10;
	_ =	sdelay $0x5  }
0x211: {  	v10, _, _ =	vpop (xrf0)  }
0x212: {  	(v2sf) =	vpush v10, $0xF;
	_ =	sdelay $0xe  }
0x213: {  	s24 =	spop (v2sf)  }
0x214: {  	p1 =	slt.u32 s24, $0x80000001  }
.Ltmp28:
0x215: {  	_ = 	snop;
	(pc) =	sbr.rel @p1 .LBB2_41-.Ltmp28, $1  }
0x216: {  	_ =	sdelay $0x3  }
0x217: {  	s24 =	simm.s32 $0x0;
	s25 =	simm.s32 $0x20A2  }
.LBB2_40:
0x218: {  	v10 =	vmov s24  }
0x219: {  	vm0 =	veq.s32 v10, v4  }
0x21a: {  	v10 =	vnsel vm0, $0x0, v9  }
0x21b: {  	(xrf0) =	vadd.scan.msk.s32 $0xffff, v10;
	_ =	sdelay $0x5  }
0x21c: {  	v10, _, _ =	vpop (xrf0)  }
0x21d: {  	(v2sf) =	vpush v10, $0xF;
	_ =	sdelay $0xe  }
0x21e: {  	s26 =	spop (v2sf)  }
0x21f: {  	p1 =	sgt.u32 s26, $0x5FF  }
0x220: {  	v10 =	vbroadcast @!p1 v10, $0xF;
	_ =	sdelay $0x1  }
0x221: {  	v11 =	vshll.u32 @!p1 v10, $0x3  }
0x222: {  	v10 =	vand.u32 @!p1 $0x7F, v10;
	v11 =	vand.u32 @!p1 $0xFFFFFC00, v11  }
0x223: {  	v10 =	vor.u32 @!p1 v10, v11  }
0x224: {  	v11 =	vld @!p1 [tilespmem:s25+$0xFFFFFFDE];
	v12 =	vadd.s32 @!p1 v5, v10;
	_ =	sdelay $0x4  }
0x225: {  	[tilespmem:v12+s16+$0x0] =	vst.idx.msk @!p1 $0xffff, v11  }
0x226: {  	v12 =	vadd.s32 @!p1 v6, v10;
	v11 =	vld @!p1 [tilespmem:s25+$0xFFFFFFEE];
	_ =	sdelay $0x4  }
0x227: {  	[tilespmem:v12+s16+$0x0] =	vst.idx.msk @!p1 $0xffff, v11  }
0x228: {  	v12 =	vadd.s32 @!p1 v7, v10;
	v11 =	vld @!p1 [tilespmem:s25+$0xFFFFFFFE];
	_ =	sdelay $0x4  }
0x229: {  	[tilespmem:v12+s16+$0x0] =	vst.idx.msk @!p1 $0xffff, v11  }
0x22a: {  	v10 =	vadd.s32 @!p1 v8, v10;
	v11 =	vld @!p1 [tilespmem:s25+$0x0];
	_ =	sdelay $0x3  }
0x22b: {  	s24 =	sadd.s32 $0x1, s24  }
0x22c: {  	[tilespmem:v10+s16+$0x0] =	vst.idx.msk @!p1 $0xffff, v11;
	p1 =	sne.s32 s24, $0x10  }
.Ltmp29:
0x22d: {  	_ = 	snop;
	(pc) =	sbr.rel @p1 .LBB2_40-.Ltmp29, $2  }
0x22e: {  	_ =	sdelay $0x2  }
0x22f: {  	s25 =	sadd.s32 $0x80, s25  }
.LBB2_41:
0x230: {  	v9 =	vld [tilespmem:$0x50];
	_ =	sdelay $0x4  }
0x231: {  	v9 =	vsub.s32 v9, v0  }
0x232: {  	vm0 =	vlt.u32 v9, $0x600  }
0x233: {  	v10 =	vsel vm0, $0x1, v3  }
0x234: {  	v10 =	vor.u32 $0x80000000, v10  }
0x235: {  	(xrf0) =	vmax.scan.msk.u32 $0xffff, v10;
	_ =	sdelay $0x5  }
0x236: {  	v10, _, _ =	vpop (xrf0)  }
0x237: {  	(v2sf) =	vpush v10, $0xF;
	_ =	sdelay $0xe  }
0x238: {  	s24 =	spop (v2sf)  }
0x239: {  	p1 =	slt.u32 s24, $0x80000001  }
.Ltmp30:
0x23a: {  	_ = 	snop;
	(pc) =	sbr.rel @p1 .LBB2_44-.Ltmp30, $1  }
0x23b: {  	_ =	sdelay $0x3  }
0x23c: {  	s24 =	simm.s32 $0x0;
	s25 =	simm.s32 $0x28A2  }
.LBB2_43:
0x23d: {  	v10 =	vmov s24  }
0x23e: {  	vm0 =	veq.s32 v10, v4  }
0x23f: {  	v10 =	vnsel vm0, $0x0, v9  }
0x240: {  	(xrf0) =	vadd.scan.msk.s32 $0xffff, v10;
	_ =	sdelay $0x5  }
0x241: {  	v10, _, _ =	vpop (xrf0)  }
0x242: {  	(v2sf) =	vpush v10, $0xF;
	_ =	sdelay $0xe  }
0x243: {  	s26 =	spop (v2sf)  }
0x244: {  	p1 =	sgt.u32 s26, $0x5FF  }
0x245: {  	v10 =	vbroadcast @!p1 v10, $0xF;
	_ =	sdelay $0x1  }
0x246: {  	v11 =	vshll.u32 @!p1 v10, $0x3  }
0x247: {  	v10 =	vand.u32 @!p1 $0x7F, v10;
	v11 =	vand.u32 @!p1 $0xFFFFFC00, v11  }
0x248: {  	v10 =	vor.u32 @!p1 v10, v11  }
0x249: {  	v11 =	vld @!p1 [tilespmem:s25+$0xFFFFFFDE];
	v12 =	vadd.s32 @!p1 v5, v10;
	_ =	sdelay $0x4  }
0x24a: {  	[tilespmem:v12+s16+$0x0] =	vst.idx.msk @!p1 $0xffff, v11  }
0x24b: {  	v12 =	vadd.s32 @!p1 v6, v10;
	v11 =	vld @!p1 [tilespmem:s25+$0xFFFFFFEE];
	_ =	sdelay $0x4  }
0x24c: {  	[tilespmem:v12+s16+$0x0] =	vst.idx.msk @!p1 $0xffff, v11  }
0x24d: {  	v12 =	vadd.s32 @!p1 v7, v10;
	v11 =	vld @!p1 [tilespmem:s25+$0xFFFFFFFE];
	_ =	sdelay $0x4  }
0x24e: {  	[tilespmem:v12+s16+$0x0] =	vst.idx.msk @!p1 $0xffff, v11  }
0x24f: {  	v10 =	vadd.s32 @!p1 v8, v10;
	v11 =	vld @!p1 [tilespmem:s25+$0x0];
	_ =	sdelay $0x3  }
0x250: {  	s24 =	sadd.s32 $0x1, s24  }
0x251: {  	[tilespmem:v10+s16+$0x0] =	vst.idx.msk @!p1 $0xffff, v11;
	p1 =	sne.s32 s24, $0x10  }
.Ltmp31:
0x252: {  	_ = 	snop;
	(pc) =	sbr.rel @p1 .LBB2_43-.Ltmp31, $2  }
0x253: {  	_ =	sdelay $0x2  }
0x254: {  	s25 =	sadd.s32 $0x80, s25  }
.LBB2_44:
0x255: {  	v9 =	vld [tilespmem:$0x60];
	_ =	sdelay $0x4  }
0x256: {  	v9 =	vsub.s32 v9, v0  }
0x257: {  	vm0 =	vlt.u32 v9, $0x600  }
0x258: {  	v10 =	vsel vm0, $0x1, v3  }
0x259: {  	v10 =	vor.u32 $0x80000000, v10  }
0x25a: {  	(xrf0) =	vmax.scan.msk.u32 $0xffff, v10;
	_ =	sdelay $0x5  }
0x25b: {  	v10, _, _ =	vpop (xrf0)  }
0x25c: {  	(v2sf) =	vpush v10, $0xF;
	_ =	sdelay $0xe  }
0x25d: {  	s24 =	spop (v2sf)  }
0x25e: {  	p1 =	slt.u32 s24, $0x80000001  }
.Ltmp32:
0x25f: {  	_ = 	snop;
	(pc) =	sbr.rel @p1 .LBB2_47-.Ltmp32, $1  }
0x260: {  	_ =	sdelay $0x3  }
0x261: {  	s24 =	simm.s32 $0x0;
	s25 =	simm.s32 $0x30A2  }
.LBB2_46:
0x262: {  	v10 =	vmov s24  }
0x263: {  	vm0 =	veq.s32 v10, v4  }
0x264: {  	v10 =	vnsel vm0, $0x0, v9  }
0x265: {  	(xrf0) =	vadd.scan.msk.s32 $0xffff, v10;
	_ =	sdelay $0x5  }
0x266: {  	v10, _, _ =	vpop (xrf0)  }
0x267: {  	(v2sf) =	vpush v10, $0xF;
	_ =	sdelay $0xe  }
0x268: {  	s26 =	spop (v2sf)  }
0x269: {  	p1 =	sgt.u32 s26, $0x5FF  }
0x26a: {  	v10 =	vbroadcast @!p1 v10, $0xF;
	_ =	sdelay $0x1  }
0x26b: {  	v11 =	vshll.u32 @!p1 v10, $0x3  }
0x26c: {  	v10 =	vand.u32 @!p1 $0x7F, v10;
	v11 =	vand.u32 @!p1 $0xFFFFFC00, v11  }
0x26d: {  	v10 =	vor.u32 @!p1 v10, v11  }
0x26e: {  	v11 =	vld @!p1 [tilespmem:s25+$0xFFFFFFDE];
	v12 =	vadd.s32 @!p1 v5, v10;
	_ =	sdelay $0x4  }
0x26f: {  	[tilespmem:v12+s16+$0x0] =	vst.idx.msk @!p1 $0xffff, v11  }
0x270: {  	v12 =	vadd.s32 @!p1 v6, v10;
	v11 =	vld @!p1 [tilespmem:s25+$0xFFFFFFEE];
	_ =	sdelay $0x4  }
0x271: {  	[tilespmem:v12+s16+$0x0] =	vst.idx.msk @!p1 $0xffff, v11  }
0x272: {  	v12 =	vadd.s32 @!p1 v7, v10;
	v11 =	vld @!p1 [tilespmem:s25+$0xFFFFFFFE];
	_ =	sdelay $0x4  }
0x273: {  	[tilespmem:v12+s16+$0x0] =	vst.idx.msk @!p1 $0xffff, v11  }
0x274: {  	v10 =	vadd.s32 @!p1 v8, v10;
	v11 =	vld @!p1 [tilespmem:s25+$0x0];
	_ =	sdelay $0x3  }
0x275: {  	s24 =	sadd.s32 $0x1, s24  }
0x276: {  	[tilespmem:v10+s16+$0x0] =	vst.idx.msk @!p1 $0xffff, v11;
	p1 =	sne.s32 s24, $0x10  }
.Ltmp33:
0x277: {  	_ = 	snop;
	(pc) =	sbr.rel @p1 .LBB2_46-.Ltmp33, $2  }
0x278: {  	_ =	sdelay $0x2  }
0x279: {  	s25 =	sadd.s32 $0x80, s25  }
.LBB2_47:
0x27a: {  	v9 =	vld [tilespmem:$0x70];
	_ =	sdelay $0x4  }
0x27b: {  	v9 =	vsub.s32 v9, v0  }
0x27c: {  	vm0 =	vlt.u32 v9, $0x600  }
0x27d: {  	v10 =	vsel vm0, $0x1, v3  }
0x27e: {  	v10 =	vor.u32 $0x80000000, v10  }
0x27f: {  	(xrf0) =	vmax.scan.msk.u32 $0xffff, v10;
	_ =	sdelay $0x5  }
0x280: {  	v10, _, _ =	vpop (xrf0)  }
0x281: {  	(v2sf) =	vpush v10, $0xF;
	_ =	sdelay $0xe  }
0x282: {  	s24 =	spop (v2sf)  }
0x283: {  	p1 =	slt.u32 s24, $0x80000001  }
.Ltmp34:
0x284: {  	_ = 	snop;
	(pc) =	sbr.rel @p1 .LBB2_50-.Ltmp34, $1  }
0x285: {  	_ =	sdelay $0x3  }
0x286: {  	s24 =	simm.s32 $0x0;
	s25 =	simm.s32 $0x38A2  }
.LBB2_49:
0x287: {  	v10 =	vmov s24  }
0x288: {  	vm0 =	veq.s32 v10, v4  }
0x289: {  	v10 =	vnsel vm0, $0x0, v9  }
0x28a: {  	(xrf0) =	vadd.scan.msk.s32 $0xffff, v10;
	_ =	sdelay $0x5  }
0x28b: {  	v10, _, _ =	vpop (xrf0)  }
0x28c: {  	(v2sf) =	vpush v10, $0xF;
	_ =	sdelay $0xe  }
0x28d: {  	s26 =	spop (v2sf)  }
0x28e: {  	p1 =	sgt.u32 s26, $0x5FF  }
0x28f: {  	v10 =	vbroadcast @!p1 v10, $0xF;
	_ =	sdelay $0x1  }
0x290: {  	v11 =	vshll.u32 @!p1 v10, $0x3  }
0x291: {  	v10 =	vand.u32 @!p1 $0x7F, v10;
	v11 =	vand.u32 @!p1 $0xFFFFFC00, v11  }
0x292: {  	v10 =	vor.u32 @!p1 v10, v11  }
0x293: {  	v11 =	vld @!p1 [tilespmem:s25+$0xFFFFFFDE];
	v12 =	vadd.s32 @!p1 v5, v10;
	_ =	sdelay $0x4  }
0x294: {  	[tilespmem:v12+s16+$0x0] =	vst.idx.msk @!p1 $0xffff, v11  }
0x295: {  	v12 =	vadd.s32 @!p1 v6, v10;
	v11 =	vld @!p1 [tilespmem:s25+$0xFFFFFFEE];
	_ =	sdelay $0x4  }
0x296: {  	[tilespmem:v12+s16+$0x0] =	vst.idx.msk @!p1 $0xffff, v11  }
0x297: {  	v12 =	vadd.s32 @!p1 v7, v10;
	v11 =	vld @!p1 [tilespmem:s25+$0xFFFFFFFE];
	_ =	sdelay $0x4  }
0x298: {  	[tilespmem:v12+s16+$0x0] =	vst.idx.msk @!p1 $0xffff, v11  }
0x299: {  	v10 =	vadd.s32 @!p1 v8, v10;
	v11 =	vld @!p1 [tilespmem:s25+$0x0];
	_ =	sdelay $0x3  }
0x29a: {  	s24 =	sadd.s32 $0x1, s24  }
0x29b: {  	[tilespmem:v10+s16+$0x0] =	vst.idx.msk @!p1 $0xffff, v11;
	p1 =	sne.s32 s24, $0x10  }
.Ltmp35:
0x29c: {  	_ = 	snop;
	(pc) =	sbr.rel @p1 .LBB2_49-.Ltmp35, $2  }
0x29d: {  	_ =	sdelay $0x2  }
0x29e: {  	s25 =	sadd.s32 $0x80, s25  }
.LBB2_50:
0x29f: {  	[hbm4b:s6+s3] =	stream.linear.scatter [tilespmem:s16], [sflag:$0x1], $0x3000, $0x38;
	[tilespmem:$0x1AC80] =	vst v63  }
0x2a0: {  	s24 =	sadd.s32 $0x18700, s6  }
0x2a1: {  	[hbm4b:s24+s3] =	stream.linear.scatter [tilespmem:s17], [sflag:$0x1], $0x3000, $0x38;
	[tilespmem:$0x1AC80] =	vst v63  }
0x2a2: {  	s26 =	sadd.s32 $0x30E00, s6  }
0x2a3: {  	[hbm4b:s26+s3] =	stream.linear.scatter [tilespmem:s18], [sflag:$0x1], $0x3000, $0x38;
	[tilespmem:$0x1AC80] =	vst v63  }
0x2a4: {  	s28 =	sadd.s32 $0x49500, s6  }
0x2a5: {  	[hbm4b:s28+s3] =	stream.linear.scatter [tilespmem:s19], [sflag:$0x1], $0x3000, $0x38;
	[tilespmem:$0x1AC80] =	vst v63  }
0x2a6: {  	s29 =	sadd.s32 $0x61C00, s6  }
0x2a7: {  	[hbm4b:s29+s3] =	stream.linear.scatter [tilespmem:s20], [sflag:$0x1], $0x3000, $0x38;
	[tilespmem:$0x1AC80] =	vst v63  }
0x2a8: {  	s30 =	sadd.s32 $0x7A300, s6  }
0x2a9: {  	[hbm4b:s30+s3] =	stream.linear.scatter [tilespmem:s21], [sflag:$0x1], $0x3000, $0x38;
	[tilespmem:$0x1AC80] =	vst v63  }
0x2aa: {  	s31 =	sadd.s32 $0x92A00, s6  }
0x2ab: {  	[hbm4b:s31+s3] =	stream.linear.scatter [tilespmem:s22], [sflag:$0x1], $0x3000, $0x38;
	[tilespmem:$0x1AC80] =	vst v63  }
0x2ac: {  	_ =	swait.ge [sflag:s12], $0x15000  }
0x2ad: {  	[sflag:s12] =	ssyncset.done $0x0  }
0x2ae: {  	[sflag:s12] =	ssyncadd.s32 $0xFFFEB000  }
.LBB2_51:
0x2af: {  	s24 =	simm.s32 $0x0  }
0x2b0: {  	[tilespmem:s16], [sflag:$0x1] =	stream.linear.gather [hbm4b:s9+s24], $0x3000, $0x38;
	[tilespmem:$0x1AC80] =	vst v63  }
0x2b1: {  	s25 =	sadd.s32 $0x18700, s9  }
0x2b2: {  	[tilespmem:s17], [sflag:$0x1] =	stream.linear.gather [hbm4b:s25+s24], $0x3000, $0x38;
	[tilespmem:$0x1AC80] =	vst v63  }
0x2b3: {  	s31 =	sadd.s32 $0x30E00, s9  }
0x2b4: {  	[tilespmem:s18], [sflag:$0x1] =	stream.linear.gather [hbm4b:s31+s24], $0x3000, $0x38;
	[tilespmem:$0x1AC80] =	vst v63  }
0x2b5: {  	s26 =	sadd.s32 $0x49500, s9  }
0x2b6: {  	[tilespmem:s19], [sflag:$0x1] =	stream.linear.gather [hbm4b:s26+s24], $0x3000, $0x38;
	[tilespmem:$0x1AC80] =	vst v63  }
0x2b7: {  	s28 =	sadd.s32 $0x61C00, s9  }
0x2b8: {  	[tilespmem:s20], [sflag:$0x1] =	stream.linear.gather [hbm4b:s28+s24], $0x3000, $0x38;
	[tilespmem:$0x1AC80] =	vst v63  }
0x2b9: {  	s29 =	sadd.s32 $0x7A300, s9  }
0x2ba: {  	[tilespmem:s21], [sflag:$0x1] =	stream.linear.gather [hbm4b:s29+s24], $0x3000, $0x38;
	[tilespmem:$0x1AC80] =	vst v63  }
0x2bb: {  	s30 =	sadd.s32 $0x92A00, s9  }
0x2bc: {  	[tilespmem:s22], [sflag:$0x1] =	stream.linear.gather [hbm4b:s30+s24], $0x3000, $0x38;
	[tilespmem:$0x1AC80] =	vst v63  }
0x2bd: {  	_ =	swait.ge [sflag:s12], $0x15000  }
0x2be: {  	[sflag:s12] =	ssyncset.done $0x0  }
0x2bf: {  	[sflag:s12] =	ssyncadd.s32 $0xFFFEB000  }
0x2c0: {  	v9 =	vld [tilespmem:$0x0];
	_ =	sdelay $0x4  }
0x2c1: {  	v9 =	vsub.s32 v9, v2  }
0x2c2: {  	vm0 =	vlt.u32 v9, $0x600  }
0x2c3: {  	v10 =	vsel vm0, $0x1, v3  }
0x2c4: {  	v10 =	vor.u32 $0x80000000, v10  }
0x2c5: {  	(xrf0) =	vmax.scan.msk.u32 $0xffff, v10;
	_ =	sdelay $0x5  }
0x2c6: {  	v10, _, _ =	vpop (xrf0)  }
0x2c7: {  	(v2sf) =	vpush v10, $0xF;
	_ =	sdelay $0xe  }
0x2c8: {  	s31 =	spop (v2sf)  }
0x2c9: {  	p1 =	slt.u32 s31, $0x80000001  }
.Ltmp36:
0x2ca: {  	_ = 	snop;
	(pc) =	sbr.rel @p1 .LBB2_53-.Ltmp36, $2  }
0x2cb: {  	_ =	sdelay $0x2  }
0x2cc: {  	s25 =	simm.s32 $0xA0  }
.LBB2_52:
0x2cd: {  	v10 =	vmov s24  }
0x2ce: {  	vm0 =	veq.s32 v10, v4  }
0x2cf: {  	v10 =	vnsel vm0, $0x0, v9  }
0x2d0: {  	(xrf0) =	vadd.scan.msk.s32 $0xffff, v10;
	_ =	sdelay $0x5  }
0x2d1: {  	v10, _, _ =	vpop (xrf0)  }
0x2d2: {  	(v2sf) =	vpush v10, $0xF;
	_ =	sdelay $0xe  }
0x2d3: {  	s26 =	spop (v2sf)  }
0x2d4: {  	p1 =	sgt.u32 s26, $0x5FF  }
0x2d5: {  	v10 =	vbroadcast @!p1 v10, $0xF;
	_ =	sdelay $0x1  }
0x2d6: {  	v11 =	vshll.u32 @!p1 v10, $0x3  }
0x2d7: {  	v10 =	vand.u32 @!p1 $0x7F, v10;
	v11 =	vand.u32 @!p1 $0xFFFFFC00, v11  }
0x2d8: {  	v10 =	vor.u32 @!p1 v10, v11  }
0x2d9: {  	v11 =	vld @!p1 [tilespmem:s25+$0xFFFFFFE0];
	v12 =	vadd.s32 @!p1 v5, v10;
	_ =	sdelay $0x4  }
0x2da: {  	[tilespmem:v12+s16+$0x0] =	vst.idx.msk @!p1 $0xffff, v11  }
0x2db: {  	v12 =	vadd.s32 @!p1 v6, v10;
	v11 =	vld @!p1 [tilespmem:s25+$0xFFFFFFF0];
	_ =	sdelay $0x4  }
0x2dc: {  	[tilespmem:v12+s16+$0x0] =	vst.idx.msk @!p1 $0xffff, v11  }
0x2dd: {  	v12 =	vadd.s32 @!p1 v7, v10;
	v11 =	vld @!p1 [tilespmem:s25+$0x0];
	_ =	sdelay $0x4  }
0x2de: {  	[tilespmem:v12+s16+$0x0] =	vst.idx.msk @!p1 $0xffff, v11  }
0x2df: {  	v10 =	vadd.s32 @!p1 v8, v10;
	v11 =	vld @!p1 [tilespmem:s25+$0x2];
	_ =	sdelay $0x3  }
0x2e0: {  	s24 =	sadd.s32 $0x1, s24  }
0x2e1: {  	[tilespmem:v10+s16+$0x0] =	vst.idx.msk @!p1 $0xffff, v11;
	p1 =	sne.s32 s24, $0x10  }
.Ltmp37:
0x2e2: {  	_ = 	snop;
	(pc) =	sbr.rel @p1 .LBB2_52-.Ltmp37, $2  }
0x2e3: {  	_ =	sdelay $0x2  }
0x2e4: {  	s25 =	sadd.s32 $0x80, s25  }
.LBB2_53:
0x2e5: {  	v9 =	vld [tilespmem:$0x10];
	_ =	sdelay $0x4  }
0x2e6: {  	v9 =	vsub.s32 v9, v2  }
0x2e7: {  	vm0 =	vlt.u32 v9, $0x600  }
0x2e8: {  	v10 =	vsel vm0, $0x1, v3  }
0x2e9: {  	v10 =	vor.u32 $0x80000000, v10  }
0x2ea: {  	(xrf0) =	vmax.scan.msk.u32 $0xffff, v10;
	_ =	sdelay $0x5  }
0x2eb: {  	v10, _, _ =	vpop (xrf0)  }
0x2ec: {  	(v2sf) =	vpush v10, $0xF;
	_ =	sdelay $0xe  }
0x2ed: {  	s24 =	spop (v2sf)  }
0x2ee: {  	p1 =	slt.u32 s24, $0x80000001  }
.Ltmp38:
0x2ef: {  	_ = 	snop;
	(pc) =	sbr.rel @p1 .LBB2_56-.Ltmp38, $1  }
0x2f0: {  	_ =	sdelay $0x3  }
0x2f1: {  	s24 =	simm.s32 $0x0;
	s25 =	simm.s32 $0x8A2  }
.LBB2_55:
0x2f2: {  	v10 =	vmov s24  }
0x2f3: {  	vm0 =	veq.s32 v10, v4  }
0x2f4: {  	v10 =	vnsel vm0, $0x0, v9  }
0x2f5: {  	(xrf0) =	vadd.scan.msk.s32 $0xffff, v10;
	_ =	sdelay $0x5  }
0x2f6: {  	v10, _, _ =	vpop (xrf0)  }
0x2f7: {  	(v2sf) =	vpush v10, $0xF;
	_ =	sdelay $0xe  }
0x2f8: {  	s26 =	spop (v2sf)  }
0x2f9: {  	p1 =	sgt.u32 s26, $0x5FF  }
0x2fa: {  	v10 =	vbroadcast @!p1 v10, $0xF;
	_ =	sdelay $0x1  }
0x2fb: {  	v11 =	vshll.u32 @!p1 v10, $0x3  }
0x2fc: {  	v10 =	vand.u32 @!p1 $0x7F, v10;
	v11 =	vand.u32 @!p1 $0xFFFFFC00, v11  }
0x2fd: {  	v10 =	vor.u32 @!p1 v10, v11  }
0x2fe: {  	v11 =	vld @!p1 [tilespmem:s25+$0xFFFFFFDE];
	v12 =	vadd.s32 @!p1 v5, v10;
	_ =	sdelay $0x4  }
0x2ff: {  	[tilespmem:v12+s16+$0x0] =	vst.idx.msk @!p1 $0xffff, v11  }
0x300: {  	v12 =	vadd.s32 @!p1 v6, v10;
	v11 =	vld @!p1 [tilespmem:s25+$0xFFFFFFEE];
	_ =	sdelay $0x4  }
0x301: {  	[tilespmem:v12+s16+$0x0] =	vst.idx.msk @!p1 $0xffff, v11  }
0x302: {  	v12 =	vadd.s32 @!p1 v7, v10;
	v11 =	vld @!p1 [tilespmem:s25+$0xFFFFFFFE];
	_ =	sdelay $0x4  }
0x303: {  	[tilespmem:v12+s16+$0x0] =	vst.idx.msk @!p1 $0xffff, v11  }
0x304: {  	v10 =	vadd.s32 @!p1 v8, v10;
	v11 =	vld @!p1 [tilespmem:s25+$0x0];
	_ =	sdelay $0x3  }
0x305: {  	s24 =	sadd.s32 $0x1, s24  }
0x306: {  	[tilespmem:v10+s16+$0x0] =	vst.idx.msk @!p1 $0xffff, v11;
	p1 =	sne.s32 s24, $0x10  }
.Ltmp39:
0x307: {  	_ = 	snop;
	(pc) =	sbr.rel @p1 .LBB2_55-.Ltmp39, $2  }
0x308: {  	_ =	sdelay $0x2  }
0x309: {  	s25 =	sadd.s32 $0x80, s25  }
.LBB2_56:
0x30a: {  	v9 =	vld [tilespmem:$0x20];
	_ =	sdelay $0x4  }
0x30b: {  	v9 =	vsub.s32 v9, v2  }
0x30c: {  	vm0 =	vlt.u32 v9, $0x600  }
0x30d: {  	v10 =	vsel vm0, $0x1, v3  }
0x30e: {  	v10 =	vor.u32 $0x80000000, v10  }
0x30f: {  	(xrf0) =	vmax.scan.msk.u32 $0xffff, v10;
	_ =	sdelay $0x5  }
0x310: {  	v10, _, _ =	vpop (xrf0)  }
0x311: {  	(v2sf) =	vpush v10, $0xF;
	_ =	sdelay $0xe  }
0x312: {  	s24 =	spop (v2sf)  }
0x313: {  	p1 =	slt.u32 s24, $0x80000001  }
.Ltmp40:
0x314: {  	_ = 	snop;
	(pc) =	sbr.rel @p1 .LBB2_59-.Ltmp40, $1  }
0x315: {  	_ =	sdelay $0x3  }
0x316: {  	s24 =	simm.s32 $0x0;
	s25 =	simm.s32 $0x10A2  }
.LBB2_58:
0x317: {  	v10 =	vmov s24  }
0x318: {  	vm0 =	veq.s32 v10, v4  }
0x319: {  	v10 =	vnsel vm0, $0x0, v9  }
0x31a: {  	(xrf0) =	vadd.scan.msk.s32 $0xffff, v10;
	_ =	sdelay $0x5  }
0x31b: {  	v10, _, _ =	vpop (xrf0)  }
0x31c: {  	(v2sf) =	vpush v10, $0xF;
	_ =	sdelay $0xe  }
0x31d: {  	s26 =	spop (v2sf)  }
0x31e: {  	p1 =	sgt.u32 s26, $0x5FF  }
0x31f: {  	v10 =	vbroadcast @!p1 v10, $0xF;
	_ =	sdelay $0x1  }
0x320: {  	v11 =	vshll.u32 @!p1 v10, $0x3  }
0x321: {  	v10 =	vand.u32 @!p1 $0x7F, v10;
	v11 =	vand.u32 @!p1 $0xFFFFFC00, v11  }
0x322: {  	v10 =	vor.u32 @!p1 v10, v11  }
0x323: {  	v11 =	vld @!p1 [tilespmem:s25+$0xFFFFFFDE];
	v12 =	vadd.s32 @!p1 v5, v10;
	_ =	sdelay $0x4  }
0x324: {  	[tilespmem:v12+s16+$0x0] =	vst.idx.msk @!p1 $0xffff, v11  }
0x325: {  	v12 =	vadd.s32 @!p1 v6, v10;
	v11 =	vld @!p1 [tilespmem:s25+$0xFFFFFFEE];
	_ =	sdelay $0x4  }
0x326: {  	[tilespmem:v12+s16+$0x0] =	vst.idx.msk @!p1 $0xffff, v11  }
0x327: {  	v12 =	vadd.s32 @!p1 v7, v10;
	v11 =	vld @!p1 [tilespmem:s25+$0xFFFFFFFE];
	_ =	sdelay $0x4  }
0x328: {  	[tilespmem:v12+s16+$0x0] =	vst.idx.msk @!p1 $0xffff, v11  }
0x329: {  	v10 =	vadd.s32 @!p1 v8, v10;
	v11 =	vld @!p1 [tilespmem:s25+$0x0];
	_ =	sdelay $0x3  }
0x32a: {  	s24 =	sadd.s32 $0x1, s24  }
0x32b: {  	[tilespmem:v10+s16+$0x0] =	vst.idx.msk @!p1 $0xffff, v11;
	p1 =	sne.s32 s24, $0x10  }
.Ltmp41:
0x32c: {  	_ = 	snop;
	(pc) =	sbr.rel @p1 .LBB2_58-.Ltmp41, $2  }
0x32d: {  	_ =	sdelay $0x2  }
0x32e: {  	s25 =	sadd.s32 $0x80, s25  }
.LBB2_59:
0x32f: {  	v9 =	vld [tilespmem:$0x30];
	_ =	sdelay $0x4  }
0x330: {  	v9 =	vsub.s32 v9, v2  }
0x331: {  	vm0 =	vlt.u32 v9, $0x600  }
0x332: {  	v10 =	vsel vm0, $0x1, v3  }
0x333: {  	v10 =	vor.u32 $0x80000000, v10  }
0x334: {  	(xrf0) =	vmax.scan.msk.u32 $0xffff, v10;
	_ =	sdelay $0x5  }
0x335: {  	v10, _, _ =	vpop (xrf0)  }
0x336: {  	(v2sf) =	vpush v10, $0xF;
	_ =	sdelay $0xe  }
0x337: {  	s24 =	spop (v2sf)  }
0x338: {  	p1 =	slt.u32 s24, $0x80000001  }
.Ltmp42:
0x339: {  	_ = 	snop;
	(pc) =	sbr.rel @p1 .LBB2_62-.Ltmp42, $1  }
0x33a: {  	_ =	sdelay $0x3  }
0x33b: {  	s24 =	simm.s32 $0x0;
	s25 =	simm.s32 $0x18A2  }
.LBB2_61:
0x33c: {  	v10 =	vmov s24  }
0x33d: {  	vm0 =	veq.s32 v10, v4  }
0x33e: {  	v10 =	vnsel vm0, $0x0, v9  }
0x33f: {  	(xrf0) =	vadd.scan.msk.s32 $0xffff, v10;
	_ =	sdelay $0x5  }
0x340: {  	v10, _, _ =	vpop (xrf0)  }
0x341: {  	(v2sf) =	vpush v10, $0xF;
	_ =	sdelay $0xe  }
0x342: {  	s26 =	spop (v2sf)  }
0x343: {  	p1 =	sgt.u32 s26, $0x5FF  }
0x344: {  	v10 =	vbroadcast @!p1 v10, $0xF;
	_ =	sdelay $0x1  }
0x345: {  	v11 =	vshll.u32 @!p1 v10, $0x3  }
0x346: {  	v10 =	vand.u32 @!p1 $0x7F, v10;
	v11 =	vand.u32 @!p1 $0xFFFFFC00, v11  }
0x347: {  	v10 =	vor.u32 @!p1 v10, v11  }
0x348: {  	v11 =	vld @!p1 [tilespmem:s25+$0xFFFFFFDE];
	v12 =	vadd.s32 @!p1 v5, v10;
	_ =	sdelay $0x4  }
0x349: {  	[tilespmem:v12+s16+$0x0] =	vst.idx.msk @!p1 $0xffff, v11  }
0x34a: {  	v12 =	vadd.s32 @!p1 v6, v10;
	v11 =	vld @!p1 [tilespmem:s25+$0xFFFFFFEE];
	_ =	sdelay $0x4  }
0x34b: {  	[tilespmem:v12+s16+$0x0] =	vst.idx.msk @!p1 $0xffff, v11  }
0x34c: {  	v12 =	vadd.s32 @!p1 v7, v10;
	v11 =	vld @!p1 [tilespmem:s25+$0xFFFFFFFE];
	_ =	sdelay $0x4  }
0x34d: {  	[tilespmem:v12+s16+$0x0] =	vst.idx.msk @!p1 $0xffff, v11  }
0x34e: {  	v10 =	vadd.s32 @!p1 v8, v10;
	v11 =	vld @!p1 [tilespmem:s25+$0x0];
	_ =	sdelay $0x3  }
0x34f: {  	s24 =	sadd.s32 $0x1, s24  }
0x350: {  	[tilespmem:v10+s16+$0x0] =	vst.idx.msk @!p1 $0xffff, v11;
	p1 =	sne.s32 s24, $0x10  }
.Ltmp43:
0x351: {  	_ = 	snop;
	(pc) =	sbr.rel @p1 .LBB2_61-.Ltmp43, $2  }
0x352: {  	_ =	sdelay $0x2  }
0x353: {  	s25 =	sadd.s32 $0x80, s25  }
.LBB2_62:
0x354: {  	v9 =	vld [tilespmem:$0x40];
	_ =	sdelay $0x4  }
0x355: {  	v9 =	vsub.s32 v9, v2  }
0x356: {  	vm0 =	vlt.u32 v9, $0x600  }
0x357: {  	v10 =	vsel vm0, $0x1, v3  }
0x358: {  	v10 =	vor.u32 $0x80000000, v10  }
0x359: {  	(xrf0) =	vmax.scan.msk.u32 $0xffff, v10;
	_ =	sdelay $0x5  }
0x35a: {  	v10, _, _ =	vpop (xrf0)  }
0x35b: {  	(v2sf) =	vpush v10, $0xF;
	_ =	sdelay $0xe  }
0x35c: {  	s24 =	spop (v2sf)  }
0x35d: {  	p1 =	slt.u32 s24, $0x80000001  }
.Ltmp44:
0x35e: {  	_ = 	snop;
	(pc) =	sbr.rel @p1 .LBB2_65-.Ltmp44, $1  }
0x35f: {  	_ =	sdelay $0x3  }
0x360: {  	s24 =	simm.s32 $0x0;
	s25 =	simm.s32 $0x20A2  }
.LBB2_64:
0x361: {  	v10 =	vmov s24  }
0x362: {  	vm0 =	veq.s32 v10, v4  }
0x363: {  	v10 =	vnsel vm0, $0x0, v9  }
0x364: {  	(xrf0) =	vadd.scan.msk.s32 $0xffff, v10;
	_ =	sdelay $0x5  }
0x365: {  	v10, _, _ =	vpop (xrf0)  }
0x366: {  	(v2sf) =	vpush v10, $0xF;
	_ =	sdelay $0xe  }
0x367: {  	s26 =	spop (v2sf)  }
0x368: {  	p1 =	sgt.u32 s26, $0x5FF  }
0x369: {  	v10 =	vbroadcast @!p1 v10, $0xF;
	_ =	sdelay $0x1  }
0x36a: {  	v11 =	vshll.u32 @!p1 v10, $0x3  }
0x36b: {  	v10 =	vand.u32 @!p1 $0x7F, v10;
	v11 =	vand.u32 @!p1 $0xFFFFFC00, v11  }
0x36c: {  	v10 =	vor.u32 @!p1 v10, v11  }
0x36d: {  	v11 =	vld @!p1 [tilespmem:s25+$0xFFFFFFDE];
	v12 =	vadd.s32 @!p1 v5, v10;
	_ =	sdelay $0x4  }
0x36e: {  	[tilespmem:v12+s16+$0x0] =	vst.idx.msk @!p1 $0xffff, v11  }
0x36f: {  	v12 =	vadd.s32 @!p1 v6, v10;
	v11 =	vld @!p1 [tilespmem:s25+$0xFFFFFFEE];
	_ =	sdelay $0x4  }
0x370: {  	[tilespmem:v12+s16+$0x0] =	vst.idx.msk @!p1 $0xffff, v11  }
0x371: {  	v12 =	vadd.s32 @!p1 v7, v10;
	v11 =	vld @!p1 [tilespmem:s25+$0xFFFFFFFE];
	_ =	sdelay $0x4  }
0x372: {  	[tilespmem:v12+s16+$0x0] =	vst.idx.msk @!p1 $0xffff, v11  }
0x373: {  	v10 =	vadd.s32 @!p1 v8, v10;
	v11 =	vld @!p1 [tilespmem:s25+$0x0];
	_ =	sdelay $0x3  }
0x374: {  	s24 =	sadd.s32 $0x1, s24  }
0x375: {  	[tilespmem:v10+s16+$0x0] =	vst.idx.msk @!p1 $0xffff, v11;
	p1 =	sne.s32 s24, $0x10  }
.Ltmp45:
0x376: {  	_ = 	snop;
	(pc) =	sbr.rel @p1 .LBB2_64-.Ltmp45, $2  }
0x377: {  	_ =	sdelay $0x2  }
0x378: {  	s25 =	sadd.s32 $0x80, s25  }
.LBB2_65:
0x379: {  	v9 =	vld [tilespmem:$0x50];
	_ =	sdelay $0x4  }
0x37a: {  	v9 =	vsub.s32 v9, v2  }
0x37b: {  	vm0 =	vlt.u32 v9, $0x600  }
0x37c: {  	v10 =	vsel vm0, $0x1, v3  }
0x37d: {  	v10 =	vor.u32 $0x80000000, v10  }
0x37e: {  	(xrf0) =	vmax.scan.msk.u32 $0xffff, v10;
	_ =	sdelay $0x5  }
0x37f: {  	v10, _, _ =	vpop (xrf0)  }
0x380: {  	(v2sf) =	vpush v10, $0xF;
	_ =	sdelay $0xe  }
0x381: {  	s24 =	spop (v2sf)  }
0x382: {  	p1 =	slt.u32 s24, $0x80000001  }
.Ltmp46:
0x383: {  	_ = 	snop;
	(pc) =	sbr.rel @p1 .LBB2_68-.Ltmp46, $1  }
0x384: {  	_ =	sdelay $0x3  }
0x385: {  	s24 =	simm.s32 $0x0;
	s25 =	simm.s32 $0x28A2  }
.LBB2_67:
0x386: {  	v10 =	vmov s24  }
0x387: {  	vm0 =	veq.s32 v10, v4  }
0x388: {  	v10 =	vnsel vm0, $0x0, v9  }
0x389: {  	(xrf0) =	vadd.scan.msk.s32 $0xffff, v10;
	_ =	sdelay $0x5  }
0x38a: {  	v10, _, _ =	vpop (xrf0)  }
0x38b: {  	(v2sf) =	vpush v10, $0xF;
	_ =	sdelay $0xe  }
0x38c: {  	s26 =	spop (v2sf)  }
0x38d: {  	p1 =	sgt.u32 s26, $0x5FF  }
0x38e: {  	v10 =	vbroadcast @!p1 v10, $0xF;
	_ =	sdelay $0x1  }
0x38f: {  	v11 =	vshll.u32 @!p1 v10, $0x3  }
0x390: {  	v10 =	vand.u32 @!p1 $0x7F, v10;
	v11 =	vand.u32 @!p1 $0xFFFFFC00, v11  }
0x391: {  	v10 =	vor.u32 @!p1 v10, v11  }
0x392: {  	v11 =	vld @!p1 [tilespmem:s25+$0xFFFFFFDE];
	v12 =	vadd.s32 @!p1 v5, v10;
	_ =	sdelay $0x4  }
0x393: {  	[tilespmem:v12+s16+$0x0] =	vst.idx.msk @!p1 $0xffff, v11  }
0x394: {  	v12 =	vadd.s32 @!p1 v6, v10;
	v11 =	vld @!p1 [tilespmem:s25+$0xFFFFFFEE];
	_ =	sdelay $0x4  }
0x395: {  	[tilespmem:v12+s16+$0x0] =	vst.idx.msk @!p1 $0xffff, v11  }
0x396: {  	v12 =	vadd.s32 @!p1 v7, v10;
	v11 =	vld @!p1 [tilespmem:s25+$0xFFFFFFFE];
	_ =	sdelay $0x4  }
0x397: {  	[tilespmem:v12+s16+$0x0] =	vst.idx.msk @!p1 $0xffff, v11  }
0x398: {  	v10 =	vadd.s32 @!p1 v8, v10;
	v11 =	vld @!p1 [tilespmem:s25+$0x0];
	_ =	sdelay $0x3  }
0x399: {  	s24 =	sadd.s32 $0x1, s24  }
0x39a: {  	[tilespmem:v10+s16+$0x0] =	vst.idx.msk @!p1 $0xffff, v11;
	p1 =	sne.s32 s24, $0x10  }
.Ltmp47:
0x39b: {  	_ = 	snop;
	(pc) =	sbr.rel @p1 .LBB2_67-.Ltmp47, $2  }
0x39c: {  	_ =	sdelay $0x2  }
0x39d: {  	s25 =	sadd.s32 $0x80, s25  }
.LBB2_68:
0x39e: {  	v9 =	vld [tilespmem:$0x60];
	_ =	sdelay $0x4  }
0x39f: {  	v9 =	vsub.s32 v9, v2  }
0x3a0: {  	vm0 =	vlt.u32 v9, $0x600  }
0x3a1: {  	v10 =	vsel vm0, $0x1, v3  }
0x3a2: {  	v10 =	vor.u32 $0x80000000, v10  }
0x3a3: {  	(xrf0) =	vmax.scan.msk.u32 $0xffff, v10;
	_ =	sdelay $0x5  }
0x3a4: {  	v10, _, _ =	vpop (xrf0)  }
0x3a5: {  	(v2sf) =	vpush v10, $0xF;
	_ =	sdelay $0xe  }
0x3a6: {  	s24 =	spop (v2sf)  }
0x3a7: {  	p1 =	slt.u32 s24, $0x80000001  }
.Ltmp48:
0x3a8: {  	_ = 	snop;
	(pc) =	sbr.rel @p1 .LBB2_71-.Ltmp48, $1  }
0x3a9: {  	_ =	sdelay $0x3  }
0x3aa: {  	s24 =	simm.s32 $0x0;
	s25 =	simm.s32 $0x30A2  }
.LBB2_70:
0x3ab: {  	v10 =	vmov s24  }
0x3ac: {  	vm0 =	veq.s32 v10, v4  }
0x3ad: {  	v10 =	vnsel vm0, $0x0, v9  }
0x3ae: {  	(xrf0) =	vadd.scan.msk.s32 $0xffff, v10;
	_ =	sdelay $0x5  }
0x3af: {  	v10, _, _ =	vpop (xrf0)  }
0x3b0: {  	(v2sf) =	vpush v10, $0xF;
	_ =	sdelay $0xe  }
0x3b1: {  	s26 =	spop (v2sf)  }
0x3b2: {  	p1 =	sgt.u32 s26, $0x5FF  }
0x3b3: {  	v10 =	vbroadcast @!p1 v10, $0xF;
	_ =	sdelay $0x1  }
0x3b4: {  	v11 =	vshll.u32 @!p1 v10, $0x3  }
0x3b5: {  	v10 =	vand.u32 @!p1 $0x7F, v10;
	v11 =	vand.u32 @!p1 $0xFFFFFC00, v11  }
0x3b6: {  	v10 =	vor.u32 @!p1 v10, v11  }
0x3b7: {  	v11 =	vld @!p1 [tilespmem:s25+$0xFFFFFFDE];
	v12 =	vadd.s32 @!p1 v5, v10;
	_ =	sdelay $0x4  }
0x3b8: {  	[tilespmem:v12+s16+$0x0] =	vst.idx.msk @!p1 $0xffff, v11  }
0x3b9: {  	v12 =	vadd.s32 @!p1 v6, v10;
	v11 =	vld @!p1 [tilespmem:s25+$0xFFFFFFEE];
	_ =	sdelay $0x4  }
0x3ba: {  	[tilespmem:v12+s16+$0x0] =	vst.idx.msk @!p1 $0xffff, v11  }
0x3bb: {  	v12 =	vadd.s32 @!p1 v7, v10;
	v11 =	vld @!p1 [tilespmem:s25+$0xFFFFFFFE];
	_ =	sdelay $0x4  }
0x3bc: {  	[tilespmem:v12+s16+$0x0] =	vst.idx.msk @!p1 $0xffff, v11  }
0x3bd: {  	v10 =	vadd.s32 @!p1 v8, v10;
	v11 =	vld @!p1 [tilespmem:s25+$0x0];
	_ =	sdelay $0x3  }
0x3be: {  	s24 =	sadd.s32 $0x1, s24  }
0x3bf: {  	[tilespmem:v10+s16+$0x0] =	vst.idx.msk @!p1 $0xffff, v11;
	p1 =	sne.s32 s24, $0x10  }
.Ltmp49:
0x3c0: {  	_ = 	snop;
	(pc) =	sbr.rel @p1 .LBB2_70-.Ltmp49, $2  }
0x3c1: {  	_ =	sdelay $0x2  }
0x3c2: {  	s25 =	sadd.s32 $0x80, s25  }
.LBB2_71:
0x3c3: {  	v9 =	vld [tilespmem:$0x70];
	_ =	sdelay $0x4  }
0x3c4: {  	v9 =	vsub.s32 v9, v2  }
0x3c5: {  	vm0 =	vlt.u32 v9, $0x600  }
0x3c6: {  	v10 =	vsel vm0, $0x1, v3  }
0x3c7: {  	v10 =	vor.u32 $0x80000000, v10  }
0x3c8: {  	(xrf0) =	vmax.scan.msk.u32 $0xffff, v10;
	_ =	sdelay $0x5  }
0x3c9: {  	v10, _, _ =	vpop (xrf0)  }
0x3ca: {  	(v2sf) =	vpush v10, $0xF;
	_ =	sdelay $0xe  }
0x3cb: {  	s24 =	spop (v2sf)  }
0x3cc: {  	p1 =	slt.u32 s24, $0x80000001  }
.Ltmp50:
0x3cd: {  	_ = 	snop;
	(pc) =	sbr.rel @p1 .LBB2_74-.Ltmp50, $1  }
0x3ce: {  	_ =	sdelay $0x3  }
0x3cf: {  	s24 =	simm.s32 $0x0;
	s25 =	simm.s32 $0x38A2  }
.LBB2_73:
0x3d0: {  	v10 =	vmov s24  }
0x3d1: {  	vm0 =	veq.s32 v10, v4  }
0x3d2: {  	v10 =	vnsel vm0, $0x0, v9  }
0x3d3: {  	(xrf0) =	vadd.scan.msk.s32 $0xffff, v10;
	_ =	sdelay $0x5  }
0x3d4: {  	v10, _, _ =	vpop (xrf0)  }
0x3d5: {  	(v2sf) =	vpush v10, $0xF;
	_ =	sdelay $0xe  }
0x3d6: {  	s26 =	spop (v2sf)  }
0x3d7: {  	p1 =	sgt.u32 s26, $0x5FF  }
0x3d8: {  	v10 =	vbroadcast @!p1 v10, $0xF;
	_ =	sdelay $0x1  }
0x3d9: {  	v11 =	vshll.u32 @!p1 v10, $0x3  }
0x3da: {  	v10 =	vand.u32 @!p1 $0x7F, v10;
	v11 =	vand.u32 @!p1 $0xFFFFFC00, v11  }
0x3db: {  	v10 =	vor.u32 @!p1 v10, v11  }
0x3dc: {  	v11 =	vld @!p1 [tilespmem:s25+$0xFFFFFFDE];
	v12 =	vadd.s32 @!p1 v5, v10;
	_ =	sdelay $0x4  }
0x3dd: {  	[tilespmem:v12+s16+$0x0] =	vst.idx.msk @!p1 $0xffff, v11  }
0x3de: {  	v12 =	vadd.s32 @!p1 v6, v10;
	v11 =	vld @!p1 [tilespmem:s25+$0xFFFFFFEE];
	_ =	sdelay $0x4  }
0x3df: {  	[tilespmem:v12+s16+$0x0] =	vst.idx.msk @!p1 $0xffff, v11  }
0x3e0: {  	v12 =	vadd.s32 @!p1 v7, v10;
	v11 =	vld @!p1 [tilespmem:s25+$0xFFFFFFFE];
	_ =	sdelay $0x4  }
0x3e1: {  	[tilespmem:v12+s16+$0x0] =	vst.idx.msk @!p1 $0xffff, v11  }
0x3e2: {  	v10 =	vadd.s32 @!p1 v8, v10;
	v11 =	vld @!p1 [tilespmem:s25+$0x0];
	_ =	sdelay $0x3  }
0x3e3: {  	s24 =	sadd.s32 $0x1, s24  }
0x3e4: {  	[tilespmem:v10+s16+$0x0] =	vst.idx.msk @!p1 $0xffff, v11;
	p1 =	sne.s32 s24, $0x10  }
.Ltmp51:
0x3e5: {  	_ = 	snop;
	(pc) =	sbr.rel @p1 .LBB2_73-.Ltmp51, $2  }
0x3e6: {  	_ =	sdelay $0x2  }
0x3e7: {  	s25 =	sadd.s32 $0x80, s25  }
.Ltmp52:
0x3e8: {  	_ = 	snop;
	(pc) =	sbr.rel .LBB2_74-.Ltmp52, $1  }
0x3e9: {  	_ =	sdelay $0x3  }
.LBB2_75:
0x3ea: {  	_ =	sfence.sel $0x180000  }
0x3eb: {  	[bflag:$0x0] =	sbarrier.arrive $0xFFFF  }
0x3ec: {  	p0 =	sne.s32 s0, $0x0;
	_ =	strace $0x9000004A  }
0x3ed: {  	s0 =	sadd.s32 @!p0 $0x100000, s2;
	[bflag:$0x2] =	sbarrier.arrive $0xFFFF  }
0x3ee: {  	[sflag:s0] =	ssyncadd.tile.s32 @!p0 $0x1;
	_ =	shalt  }
.Lfunc_end2:
_tile_overlayer_lowered:
.L_overlay_start_2:
0x3ef: {  	(tag) =	ssettag $0x2  }
0x3f0: {  	s0 =	rddreg [dreg:$0x0];
	s2 =	stileid.u32  }
0x3f1: {  	s1 =	rddreg [dreg:$0x1];
	p0 =	sne.s32 s2, $0x0  }
0x3f2: {  	s3 =	rddreg [dreg:$0x2];
	[bflag:$0x3] =	sbarrier.arrive $0xFFFF;
	s2 =	simm.s32 @!p0 $0x1C01  }
0x3f3: {  	[timem:s3], [sflag:s2] =	dma.local @!p0 [hbm:s0], s1  }
0x3f4: {  	s0 =	simm.s32 @!p0 $0x1  }
0x3f5: {  	_ =	swait.ge @!p0 [sflag:s0], s1  }
0x3f6: {  	s1 =	ssub.s32 @!p0 $0x0, s1;
	[sflag:s0] =	ssyncset.done @!p0 $0x0  }
0x3f7: {  	[sflag:s0] =	ssyncadd.s32 @!p0 s1  }
0x3f8: {  	[bflag:$0x3] =	sbarrier.arrive $0xFFFF  }
0x3f9: {  	_ =	shalt  }

</sc_bundles>
